<compile_context>
chip_gen: v7x
topology: tpu7x:2x2x1
jax: 0.10.2.dev20260603
libtpu: 0.0.44.dev20260713+nightly
codegen_flags: <defaults>
</compile_context>

<pallas_src>
import functools

import jax
import jax.numpy as jnp
from jax import lax
from jax.experimental import pallas as pl
from jax.experimental.pallas import tpu as pltpu
from jax.experimental.pallas import tpu_sc as plsc

N = 10000
NP = 10240
E = 160000
NSUB = 16
NCORE = 2
NW = NCORE * NSUB
CH = 128
EP = 163840
NCH = EP // (NW * CH)
STRIPE = NP // NSUB
MBLK = 256
MT = NP // MBLK
NBUF = 4
F_PAD = 1536
H = 60
HP = 64
W3H = 3 * HP


def _fill_rows(ref, nrows, width, value):
    vec = jnp.full((16,), value, jnp.float32)

    def body(i, carry):
        for j in range(width // 16):
            ref[i, pl.ds(j * 16, 16)] = vec
        return carry

    lax.fori_loop(0, nrows, body, 0)


def _make_prop(width, nbuf):
    mesh = plsc.VectorSubcoreMesh(core_axis_name="c", subcore_axis_name="s")

    @functools.partial(
        pl.kernel,
        out_type=jax.ShapeDtypeStruct((NCORE, NP, width), jnp.float32),
        mesh=mesh,
        scratch_types=(
            [pltpu.VMEM((NCH, CH), jnp.int32)] * 2
            + [pltpu.VMEM((CH, width), jnp.float32)] * nbuf
            + [pltpu.VMEM_SHARED((NP, width), jnp.float32)]
            + [pltpu.SemaphoreType.DMA] * (nbuf + 1)
        ),
        compiler_params=pltpu.CompilerParams(use_tc_tiling_on_sc=False),
    )
    def k(table, rowi, coli, out, rowv, colv, *rest):
        gbufs = rest[:nbuf]
        acc = rest[nbuf]
        gsems = rest[nbuf + 1:2 * nbuf + 1]
        ssem = rest[2 * nbuf + 1]
        c = lax.axis_index("c")
        s = lax.axis_index("s")
        wid = c * NSUB + s
        _fill_rows(gbufs[0], CH, width, 0.0)
        for r in range(STRIPE // CH):
            pltpu.sync_copy(gbufs[0], acc.at[pl.ds(s * STRIPE + r * CH, CH)])
        pltpu.sync_copy(rowi.at[wid], rowv)
        pltpu.sync_copy(coli.at[wid], colv)
        plsc.subcore_barrier()

        for b in range(nbuf):
            pltpu.async_copy(table.at[rowv.at[b]], gbufs[b], gsems[b])

        def body(i, carry):
            for b in range(nbuf):
                j = nbuf * i + b
                pltpu.make_async_copy(
                    table.at[rowv.at[j]], gbufs[b], gsems[b]).wait()
                pltpu.async_copy(gbufs[b], acc.at[colv.at[j]], ssem, add=True)
                pltpu.make_async_copy(
                    gbufs[b], acc.at[colv.at[j]], ssem).wait()

                @pl.when(j + nbuf < NCH)
                def _():
                    pltpu.async_copy(table.at[rowv.at[j + nbuf]], gbufs[b],
                                     gsems[b])
            return carry

        lax.fori_loop(0, NCH // nbuf, body, 0)
        plsc.subcore_barrier()
        pltpu.sync_copy(acc.at[pl.ds(s * STRIPE, STRIPE)],
                        out.at[c, pl.ds(s * STRIPE, STRIPE)])

    return k


def _make_deg():
    width = 16
    mesh = plsc.VectorSubcoreMesh(core_axis_name="c", subcore_axis_name="s")

    @functools.partial(
        pl.kernel,
        out_type=jax.ShapeDtypeStruct((NCORE, NP, width), jnp.float32),
        mesh=mesh,
        scratch_types=[
            pltpu.VMEM((NCH, CH), jnp.int32),
            pltpu.VMEM((CH, width), jnp.float32),
            pltpu.VMEM((CH, width), jnp.float32),
            pltpu.VMEM_SHARED((NP, width), jnp.float32),
            pltpu.SemaphoreType.DMA,
        ],
        compiler_params=pltpu.CompilerParams(use_tc_tiling_on_sc=False),
    )
    def k(coli, out, colv, obuf, zbuf, acc, sem):
        c = lax.axis_index("c")
        s = lax.axis_index("s")
        wid = c * NSUB + s
        _fill_rows(zbuf, CH, width, 0.0)
        _fill_rows(obuf, CH, width, 1.0)
        for r in range(STRIPE // CH):
            pltpu.sync_copy(zbuf, acc.at[pl.ds(s * STRIPE + r * CH, CH)])
        pltpu.sync_copy(coli.at[wid], colv)
        plsc.subcore_barrier()

        for b in range(NBUF):
            pltpu.async_copy(obuf, acc.at[colv.at[b]], sem, add=True)

        def body(j, carry):
            pltpu.make_async_copy(obuf, acc.at[colv.at[j]], sem).wait()

            @pl.when(j + NBUF < NCH)
            def _():
                pltpu.async_copy(obuf, acc.at[colv.at[j + NBUF]], sem,
                                 add=True)
            return carry

        lax.fori_loop(0, NCH, body, 0)
        plsc.subcore_barrier()
        pltpu.sync_copy(acc.at[pl.ds(s * STRIPE, STRIPE)],
                        out.at[c, pl.ds(s * STRIPE, STRIPE)])

    return k


_prop_u = _make_prop(128, 2)
_prop_m = _make_prop(HP, 4)
_deg_kernel = _make_deg()



def _mm1_body(x_ref, w_ref, d0_ref, d1_ref, y0_ref, u_ref, sb_ref):
    y = jnp.dot(x_ref[...], w_ref[...], preferred_element_type=jnp.float32)
    deg = d0_ref[...][:, 0:1] + d1_ref[...][:, 0:1] + 1.0
    sb = jnp.broadcast_to(lax.rsqrt(deg), (MBLK, 128))
    sb_ref[...] = sb
    y0_ref[...] = y[:, 0:HP]
    u_ref[...] = y[:, HP:W3H] * sb


def _mm1(x, wt, d0, d1):
    fin = x.shape[1]
    return pl.pallas_call(
        _mm1_body,
        grid=(MT,),
        in_specs=[
            pl.BlockSpec((MBLK, fin), lambda i: (i, 0)),
            pl.BlockSpec((fin, W3H), lambda i: (0, 0)),
            pl.BlockSpec((MBLK, 16), lambda i: (i, 0)),
            pl.BlockSpec((MBLK, 16), lambda i: (i, 0)),
        ],
        out_specs=[
            pl.BlockSpec((MBLK, HP), lambda i: (i, 0)),
            pl.BlockSpec((MBLK, 128), lambda i: (i, 0)),
            pl.BlockSpec((MBLK, 128), lambda i: (i, 0)),
        ],
        out_shape=[
            jax.ShapeDtypeStruct((NP, HP), jnp.float32),
            jax.ShapeDtypeStruct((NP, 128), jnp.float32),
            jax.ShapeDtypeStruct((NP, 128), jnp.float32),
        ],
    )(x, wt, d0, d1)


def _mid_body(p_ref, u_ref, sb_ref, z1_ref, m_ref):
    u = u_ref[...]
    sb = sb_ref[...]
    ps = p_ref[0] + p_ref[1]
    z1_ref[...] = (ps[:, 0:HP] + u[:, 0:HP]) * sb[:, 0:HP]
    m_ref[...] = (ps[:, HP:128] + u[:, HP:128]) * (sb * sb)[:, HP:128]


def _mid(p, u, sb):
    return pl.pallas_call(
        _mid_body,
        grid=(MT,),
        in_specs=[
            pl.BlockSpec((NCORE, MBLK, 128), lambda i: (0, i, 0)),
            pl.BlockSpec((MBLK, 128), lambda i: (i, 0)),
            pl.BlockSpec((MBLK, 128), lambda i: (i, 0)),
        ],
        out_specs=[
            pl.BlockSpec((MBLK, HP), lambda i: (i, 0)),
            pl.BlockSpec((MBLK, HP), lambda i: (i, 0)),
        ],
        out_shape=[
            jax.ShapeDtypeStruct((NP, HP), jnp.float32),
            jax.ShapeDtypeStruct((NP, HP), jnp.float32),
        ],
    )(p, u, sb)


def _postmm_body(q0_ref, q1_ref, m_ref, y0_ref, z1_ref, sb_ref, gam_ref,
                 dlt_ref, w_ref, y0o_ref, u_ref):
    z2 = (q0_ref[...] + q1_ref[...] + m_ref[...]) * sb_ref[...][:, 0:HP]
    z = jnp.concatenate([y0_ref[...], z1_ref[...], z2], axis=1)
    g = z * gam_ref[...][0:1, :] + dlt_ref[...][0:1, :]
    y = jnp.dot(g, w_ref[...], preferred_element_type=jnp.float32)
    y0o_ref[...] = y[:, 0:HP]
    u_ref[...] = y[:, HP:W3H] * sb_ref[...]


def _postmm(q0, q1, m, y0, z1, sb, gam, dlt, wt):
    return pl.pallas_call(
        _postmm_body,
        grid=(MT,),
        in_specs=[
            pl.BlockSpec((MBLK, HP), lambda i: (i, 0)),
            pl.BlockSpec((MBLK, HP), lambda i: (i, 0)),
            pl.BlockSpec((MBLK, HP), lambda i: (i, 0)),
            pl.BlockSpec((MBLK, HP), lambda i: (i, 0)),
            pl.BlockSpec((MBLK, HP), lambda i: (i, 0)),
            pl.BlockSpec((MBLK, 128), lambda i: (i, 0)),
            pl.BlockSpec((8, W3H), lambda i: (0, 0)),
            pl.BlockSpec((8, W3H), lambda i: (0, 0)),
            pl.BlockSpec((W3H, W3H), lambda i: (0, 0)),
        ],
        out_specs=[
            pl.BlockSpec((MBLK, HP), lambda i: (i, 0)),
            pl.BlockSpec((MBLK, 128), lambda i: (i, 0)),
        ],
        out_shape=[
            jax.ShapeDtypeStruct((NP, HP), jnp.float32),
            jax.ShapeDtypeStruct((NP, 128), jnp.float32),
        ],
    )(q0, q1, m, y0, z1, sb, gam, dlt, wt)


def _postfinal_body(q0_ref, q1_ref, m_ref, y0_ref, z1_ref, sb_ref, gam_ref,
                    dlt_ref, w_ref, b_ref, o_ref):
    z2 = (q0_ref[...] + q1_ref[...] + m_ref[...]) * sb_ref[...][:, 0:HP]
    z = jnp.concatenate([y0_ref[...], z1_ref[...], z2], axis=1)
    g = z * gam_ref[...][0:1, :] + dlt_ref[...][0:1, :]
    o_ref[...] = (jnp.dot(g, w_ref[...], preferred_element_type=jnp.float32)
                  + b_ref[...][0:1, :])


def _postfinal(q0, q1, m, y0, z1, sb, gam, dlt, lwt, lb):
    return pl.pallas_call(
        _postfinal_body,
        grid=(MT,),
        in_specs=[
            pl.BlockSpec((MBLK, HP), lambda i: (i, 0)),
            pl.BlockSpec((MBLK, HP), lambda i: (i, 0)),
            pl.BlockSpec((MBLK, HP), lambda i: (i, 0)),
            pl.BlockSpec((MBLK, HP), lambda i: (i, 0)),
            pl.BlockSpec((MBLK, HP), lambda i: (i, 0)),
            pl.BlockSpec((MBLK, 128), lambda i: (i, 0)),
            pl.BlockSpec((8, W3H), lambda i: (0, 0)),
            pl.BlockSpec((8, W3H), lambda i: (0, 0)),
            pl.BlockSpec((W3H, 128), lambda i: (0, 0)),
            pl.BlockSpec((8, 128), lambda i: (0, 0)),
        ],
        out_specs=pl.BlockSpec((MBLK, 128), lambda i: (i, 0)),
        out_shape=jax.ShapeDtypeStruct((NP, 128), jnp.float32),
    )(q0, q1, m, y0, z1, sb, gam, dlt, lwt, lb)



def _pack_w1(W1):
    w = jnp.pad(W1, ((0, 0), (0, HP - H), (0, 0)))
    return w.transpose(2, 0, 1).reshape(1433, W3H)


def _pack_w2(W2):
    w = W2.reshape(3, H, 3, H)
    w = jnp.pad(w, ((0, 0), (0, HP - H), (0, 0), (0, HP - H)))
    return w.transpose(2, 3, 0, 1).reshape(W3H, W3H)


def _pack_affine(b, bn_w, bn_b):
    g180 = bn_w / jnp.sqrt(1.0 + 1e-5)
    g3 = g180.reshape(3, H)
    d3 = b * g3 + bn_b.reshape(3, H)
    gam = jnp.pad(g3, ((0, 0), (0, HP - H))).reshape(W3H)
    dlt = jnp.pad(d3, ((0, 0), (0, HP - H))).reshape(W3H)
    return (jnp.broadcast_to(gam[None, :], (8, W3H)),
            jnp.broadcast_to(dlt[None, :], (8, W3H)))


def _hops(u_table, sb, rowi, coli):
    p = _prop_u(u_table, rowi, coli)
    z1, m = _mid(p, u_table, sb)
    q = _prop_m(m, rowi, coli)
    return z1, m, q


def kernel(x, edge_index, W1, b1, bn1_w, bn1_b, W2, b2, bn2_w, bn2_b,
           W3, b3, bn3_w, bn3_b, lin_w, lin_b):
    pad = jnp.arange(EP - E, dtype=jnp.int32)
    rowp = jnp.concatenate(
        [edge_index[0], pad % N]).reshape(NW, NCH, CH)
    colp = jnp.concatenate(
        [edge_index[1], N + pad % (NP - N)]).reshape(NW, NCH, CH)

    w1t = _pack_w1(W1)
    w2t = _pack_w2(W2)
    w3t = _pack_w2(W3)
    lr = jnp.pad(lin_w.reshape(7, 3, H), ((0, 0), (0, 0), (0, HP - H)))
    lwt = jnp.pad(lr.transpose(1, 2, 0).reshape(W3H, 7), ((0, 0), (0, 121)))
    lb = jnp.broadcast_to(jnp.pad(lin_b, (0, 121))[None, :], (8, 128))
    gam1, dlt1 = _pack_affine(b1, bn1_w, bn1_b)
    gam2, dlt2 = _pack_affine(b2, bn2_w, bn2_b)
    gam3, dlt3 = _pack_affine(b3, bn3_w, bn3_b)

    degp = _deg_kernel(colp)
    y0, u, sb = _mm1(x, w1t, degp[0], degp[1])
    z1, m, q = _hops(u, sb, rowp, colp)
    y0, u = _postmm(q[0], q[1], m, y0, z1, sb, gam1, dlt1, w2t)
    z1, m, q = _hops(u, sb, rowp, colp)
    y0, u = _postmm(q[0], q[1], m, y0, z1, sb, gam2, dlt2, w3t)
    z1, m, q = _hops(u, sb, rowp, colp)
    out = _postfinal(q[0], q[1], m, y0, z1, sb, gam3, dlt3, lwt, lb)
    return out[:N, :7]

# --- scband reference (transcript-rebuilt; emitter-appended) ---
"""Pipeline reference for scband-mix-hop-7473243095280 (READ-ONLY COPY).

The authoritative reference and input builder live on the scoring server;
editing this copy changes nothing except your own understanding.
"""

import jax, jax.numpy as jnp
import numpy as np

N = 10000
E = 160000
F_IN = 1433   # Cora num_features (hardcoded by the module)
H = 60
C = 7         # Cora num_classes
BN_EPS = 1e-5


def setup_inputs(seed: int = 0) -> dict:
    key = jax.random.key(seed)
    ks = jax.random.split(key, 18)
    inp = {}
    inp['x'] = jax.random.normal(ks[0], (N, F_IN), dtype=jnp.float32)
    inp['edge_index'] = jax.random.randint(ks[1], (2, E), 0, N, dtype=jnp.int32)
    # conv1: 3 Linear(F_IN, H) for powers [0,1,2]
    inp['W1'] = jax.random.normal(ks[2], (3, H, F_IN), dtype=jnp.float32) * 0.02
    inp['b1'] = jax.random.normal(ks[3], (3, H), dtype=jnp.float32) * 0.02
    inp['bn1_w'] = 1.0 + 0.05 * jax.random.normal(ks[4], (3 * H,), dtype=jnp.float32)
    inp['bn1_b'] = 0.05 * jax.random.normal(ks[5], (3 * H,), dtype=jnp.float32)
    # conv2: 3 Linear(3H, H)
    inp['W2'] = jax.random.normal(ks[6], (3, H, 3 * H), dtype=jnp.float32) * 0.05
    inp['b2'] = jax.random.normal(ks[7], (3, H), dtype=jnp.float32) * 0.05
    inp['bn2_w'] = 1.0 + 0.05 * jax.random.normal(ks[8], (3 * H,), dtype=jnp.float32)
    inp['bn2_b'] = 0.05 * jax.random.normal(ks[9], (3 * H,), dtype=jnp.float32)
    # conv3: 3 Linear(3H, H)
    inp['W3'] = jax.random.normal(ks[10], (3, H, 3 * H), dtype=jnp.float32) * 0.05
    inp['b3'] = jax.random.normal(ks[11], (3, H), dtype=jnp.float32) * 0.05
    inp['bn3_w'] = 1.0 + 0.05 * jax.random.normal(ks[12], (3 * H,), dtype=jnp.float32)
    inp['bn3_b'] = 0.05 * jax.random.normal(ks[13], (3 * H,), dtype=jnp.float32)
    # final classifier Linear(3H, C)
    inp['lin_w'] = jax.random.normal(ks[14], (C, 3 * H), dtype=jnp.float32) * 0.05
    inp['lin_b'] = jax.random.normal(ks[15], (C,), dtype=jnp.float32) * 0.05
    return inp


def _gcn_norm(edge_index, n, dtype):
    # add self loops (fill value 1.0), symmetric normalization (improved=False)
    loop = jnp.arange(n, dtype=edge_index.dtype)
    row = jnp.concatenate([edge_index[0], loop])
    col = jnp.concatenate([edge_index[1], loop])
    ew = jnp.ones(row.shape[0], dtype=dtype)
    deg = jax.ops.segment_sum(ew, col, num_segments=n)
    dinv = jnp.where(deg > 0, jax.lax.rsqrt(deg), 0.0)
    norm = dinv[row] * ew * dinv[col]
    return row, col, norm


def _mixhop_conv(x, row, col, norm, W, b, n):
    # powers [0, 1, 2]: out = concat(lin0(x), lin1(A_hat x), lin2(A_hat^2 x))
    outs = [x @ W[0].T + b[0]]
    h = x
    for p in (1, 2):
        msg = norm[:, None] * h[row]                      # gather (edge-wise)
        h = jax.ops.segment_sum(msg, col, num_segments=n)  # scatter-add to dst
        outs.append(h @ W[p].T + b[p])
    return jnp.concatenate(outs, axis=-1)


def _bn_eval(x, w, b):
    # eval-mode BatchNorm1d with default running stats (mean=0, var=1)
    return x * (w / jnp.sqrt(1.0 + BN_EPS)) + b


def reference(x, edge_index, W1, b1, bn1_w, bn1_b, W2, b2, bn2_w, bn2_b,
              W3, b3, bn3_w, bn3_b, lin_w, lin_b):
    n = x.shape[0]
    row, col, norm = _gcn_norm(edge_index, n, x.dtype)
    # eval mode: dropout layers are identity
    h = _mixhop_conv(x, row, col, norm, W1, b1, n)
    h = _bn_eval(h, bn1_w, bn1_b)
    h = _mixhop_conv(h, row, col, norm, W2, b2, n)
    h = _bn_eval(h, bn2_w, bn2_b)
    h = _mixhop_conv(h, row, col, norm, W3, b3, n)
    h = _bn_eval(h, bn3_w, bn3_b)
    return h @ lin_w.T + lin_b


if False:  # reference __main__ guard neutralized (emitter)
    out = reference(**setup_inputs())
    print(out.shape, out.dtype)

if __name__ == "__main__":
    import jax
    _d = setup_inputs()
    print(jax.jit(kernel)(*tuple(_d.values())))

</pallas_src>

<mosaic_0001>
#map = affine_map<(d0, d1) -> (0, 0)>
#map1 = affine_map<(d0, d1) -> (0, 0, 0)>
module attributes {stable_mosaic.version = 14 : i64} {
  func.func @k(%arg0: i32, %arg1: i32, %arg2: memref<10240x64xf32, #tpu.memory_space<hbm>>, %arg3: memref<32x40x128xi32, #tpu.memory_space<hbm>>, %arg4: memref<32x40x128xi32, #tpu.memory_space<hbm>>, %arg5: memref<2x10240x64xf32, #tpu.memory_space<hbm>>, %arg6: memref<40x128xi32, #tpu.memory_space<vmem>>, %arg7: memref<40x128xi32, #tpu.memory_space<vmem>>, %arg8: memref<128x64xf32, #tpu.memory_space<vmem>>, %arg9: memref<128x64xf32, #tpu.memory_space<vmem>>, %arg10: memref<128x64xf32, #tpu.memory_space<vmem>>, %arg11: memref<128x64xf32, #tpu.memory_space<vmem>>, %arg12: memref<10240x64xf32, #tpu.memory_space<vmem_shared>>, %arg13: memref<!tpu.dma_semaphore, #tpu.memory_space<semaphore_mem>>, %arg14: memref<!tpu.dma_semaphore, #tpu.memory_space<semaphore_mem>>, %arg15: memref<!tpu.dma_semaphore, #tpu.memory_space<semaphore_mem>>, %arg16: memref<!tpu.dma_semaphore, #tpu.memory_space<semaphore_mem>>, %arg17: memref<!tpu.dma_semaphore, #tpu.memory_space<semaphore_mem>>) attributes {dimension_semantics = [#tpu.dimension_semantics<core_parallel>, #tpu.dimension_semantics<subcore_parallel>], iteration_bounds = array<i64: 2, 16>, scalar_prefetch = 0 : i64, scratch_operands = 12 : i64, tpu.core_type = #tpu.core_type<sc_vector_subcore>, window_params = [{transform_indices = #map}, {transform_indices = #map1}, {transform_indices = #map1}, {transform_indices = #map1}]} {
    %mul3A = arith.constant 16 : i32
    %mul3A_0 = arith.muli %arg0, %mul3A : i32
    %add3A = arith.addi %mul3A_0, %arg1 : i32
    %broadcast_in_dim3A = arith.constant 0.000000e+00 : f32
    %broadcast_in_dim3A_1 = vector.broadcast %broadcast_in_dim3A : f32 to vector<16xf32>
    %scan3A = arith.constant 0 : i32
    %scan3A_2 = arith.constant 0 : i32
    %scan3A_3 = arith.constant 128 : i32
    %scan3A_4 = arith.addi %scan3A_2, %scan3A_3 : i32
    %scan3A_5 = arith.constant 1 : i32
    scf.for %scan3A_65 = %scan3A_2 to %scan3A_4 step %scan3A_5  : i32 {
      %swap3A = arith.index_cast %scan3A_65 : i32 to index
      %swap3A_66 = arith.constant 0 : index
      %swap3A_67 = tpu.vector_load %arg8[%swap3A, %swap3A_66] {strides = array<i32>} : memref<128x64xf32, #tpu.memory_space<vmem>>, vector<1x16xf32>,
      %swap3A_68 = vector.shape_cast %swap3A_67 : vector<1x16xf32> to vector<16xf32>
      %swap3A_69 = vector.shape_cast %broadcast_in_dim3A_1 : vector<16xf32> to vector<1x16xf32>
      tpu.vector_store %arg8[%swap3A, %swap3A_66], %swap3A_69 {strides = array<i32>} : memref<128x64xf32, #tpu.memory_space<vmem>>, vector<1x16xf32>,
      %swap3A_70 = arith.index_cast %scan3A_65 : i32 to index
      %swap3A_71 = arith.constant 16 : index
      %swap3A_72 = tpu.vector_load %arg8[%swap3A_70, %swap3A_71] {strides = array<i32>} : memref<128x64xf32, #tpu.memory_space<vmem>>, vector<1x16xf32>,
      %swap3A_73 = vector.shape_cast %swap3A_72 : vector<1x16xf32> to vector<16xf32>
      %swap3A_74 = vector.shape_cast %broadcast_in_dim3A_1 : vector<16xf32> to vector<1x16xf32>
      tpu.vector_store %arg8[%swap3A_70, %swap3A_71], %swap3A_74 {strides = array<i32>} : memref<128x64xf32, #tpu.memory_space<vmem>>, vector<1x16xf32>,
      %swap3A_75 = arith.index_cast %scan3A_65 : i32 to index
      %swap3A_76 = arith.constant 32 : index
      %swap3A_77 = tpu.vector_load %arg8[%swap3A_75, %swap3A_76] {strides = array<i32>} : memref<128x64xf32, #tpu.memory_space<vmem>>, vector<1x16xf32>,
      %swap3A_78 = vector.shape_cast %swap3A_77 : vector<1x16xf32> to vector<16xf32>
      %swap3A_79 = vector.shape_cast %broadcast_in_dim3A_1 : vector<16xf32> to vector<1x16xf32>
      tpu.vector_store %arg8[%swap3A_75, %swap3A_76], %swap3A_79 {strides = array<i32>} : memref<128x64xf32, #tpu.memory_space<vmem>>, vector<1x16xf32>,
      %swap3A_80 = arith.index_cast %scan3A_65 : i32 to index
      %swap3A_81 = arith.constant 48 : index
      %swap3A_82 = tpu.vector_load %arg8[%swap3A_80, %swap3A_81] {strides = array<i32>} : memref<128x64xf32, #tpu.memory_space<vmem>>, vector<1x16xf32>,
      %swap3A_83 = vector.shape_cast %swap3A_82 : vector<1x16xf32> to vector<16xf32>
      %swap3A_84 = vector.shape_cast %broadcast_in_dim3A_1 : vector<16xf32> to vector<1x16xf32>
      tpu.vector_store %arg8[%swap3A_80, %swap3A_81], %swap3A_84 {strides = array<i32>} : memref<128x64xf32, #tpu.memory_space<vmem>>, vector<1x16xf32>,
    }
    %scan3A_6 = arith.constant 128 : i32
    %mul3A_7 = arith.constant 640 : i32
    %mul3A_8 = arith.muli %arg1, %mul3A_7 : i32
    %add3A_9 = arith.constant 0 : i32
    %add3A_10 = arith.addi %mul3A_8, %add3A_9 : i32
    "tpu.region"() ({
      %run_scoped3A = tpu.sem_alloc : memref<!tpu.dma_semaphore, #tpu.memory_space<semaphore_mem>>
      %dma_start3A_65 = arith.constant 0 : i32
      %dma_start3A_66 = tpu.memref_slice %arg12[%add3A_10, %dma_start3A_65] : memref<10240x64xf32, #tpu.memory_space<vmem_shared>> -> memref<128x64xf32, #tpu.memory_space<vmem_shared>>
      %dma_start3A_67 = arith.constant 0 : i32
      %dma_start3A_68 = tpu.memref_slice %arg12[%add3A_10, %dma_start3A_67] : memref<10240x64xf32, #tpu.memory_space<vmem_shared>> -> memref<128x64xf32, #tpu.memory_space<vmem_shared>>
      tpu.enqueue_dma source(%arg8 : memref<128x64xf32, #tpu.memory_space<vmem>>) target(%dma_start3A_68 : memref<128x64xf32, #tpu.memory_space<vmem_shared>>) target_semaphore(%run_scoped3A : memref<!tpu.dma_semaphore, #tpu.memory_space<semaphore_mem>>)
      %dma_wait3A = arith.constant 0 : i32
      %dma_wait3A_69 = tpu.memref_slice %arg12[%add3A_10, %dma_wait3A] : memref<10240x64xf32, #tpu.memory_space<vmem_shared>> -> memref<128x64xf32, #tpu.memory_space<vmem_shared>>
      %dma_wait3A_70 = arith.constant 0 : i32
      %dma_wait3A_71 = tpu.memref_slice %arg12[%add3A_10, %dma_wait3A_70] : memref<10240x64xf32, #tpu.memory_space<vmem_shared>> -> memref<128x64xf32, #tpu.memory_space<vmem_shared>>
      tpu.wait_dma2 semaphore(%run_scoped3A : memref<!tpu.dma_semaphore, #tpu.memory_space<semaphore_mem>>) src(%arg8 : memref<128x64xf32, #tpu.memory_space<vmem>>) dst(%dma_wait3A_71 : memref<128x64xf32, #tpu.memory_space<vmem_shared>>)
      tpu.yield
    }) : () -> ()
    %mul3A_11 = arith.constant 640 : i32
    %mul3A_12 = arith.muli %arg1, %mul3A_11 : i32
    %add3A_13 = arith.constant 128 : i32
    %add3A_14 = arith.addi %mul3A_12, %add3A_13 : i32
    "tpu.region"() ({
      %run_scoped3A = tpu.sem_alloc : memref<!tpu.dma_semaphore, #tpu.memory_space<semaphore_mem>>
      %dma_start3A_65 = arith.constant 0 : i32
      %dma_start3A_66 = tpu.memref_slice %arg12[%add3A_14, %dma_start3A_65] : memref<10240x64xf32, #tpu.memory_space<vmem_shared>> -> memref<128x64xf32, #tpu.memory_space<vmem_shared>>
      %dma_start3A_67 = arith.constant 0 : i32
      %dma_start3A_68 = tpu.memref_slice %arg12[%add3A_14, %dma_start3A_67] : memref<10240x64xf32, #tpu.memory_space<vmem_shared>> -> memref<128x64xf32, #tpu.memory_space<vmem_shared>>
      tpu.enqueue_dma source(%arg8 : memref<128x64xf32, #tpu.memory_space<vmem>>) target(%dma_start3A_68 : memref<128x64xf32, #tpu.memory_space<vmem_shared>>) target_semaphore(%run_scoped3A : memref<!tpu.dma_semaphore, #tpu.memory_space<semaphore_mem>>)
      %dma_wait3A = arith.constant 0 : i32
      %dma_wait3A_69 = tpu.memref_slice %arg12[%add3A_14, %dma_wait3A] : memref<10240x64xf32, #tpu.memory_space<vmem_shared>> -> memref<128x64xf32, #tpu.memory_space<vmem_shared>>
      %dma_wait3A_70 = arith.constant 0 : i32
      %dma_wait3A_71 = tpu.memref_slice %arg12[%add3A_14, %dma_wait3A_70] : memref<10240x64xf32, #tpu.memory_space<vmem_shared>> -> memref<128x64xf32, #tpu.memory_space<vmem_shared>>
      tpu.wait_dma2 semaphore(%run_scoped3A : memref<!tpu.dma_semaphore, #tpu.memory_space<semaphore_mem>>) src(%arg8 : memref<128x64xf32, #tpu.memory_space<vmem>>) dst(%dma_wait3A_71 : memref<128x64xf32, #tpu.memory_space<vmem_shared>>)
      tpu.yield
    }) : () -> ()
    %mul3A_15 = arith.constant 640 : i32
    %mul3A_16 = arith.muli %arg1, %mul3A_15 : i32
    %add3A_17 = arith.constant 256 : i32
    %add3A_18 = arith.addi %mul3A_16, %add3A_17 : i32
    "tpu.region"() ({
      %run_scoped3A = tpu.sem_alloc : memref<!tpu.dma_semaphore, #tpu.memory_space<semaphore_mem>>
      %dma_start3A_65 = arith.constant 0 : i32
      %dma_start3A_66 = tpu.memref_slice %arg12[%add3A_18, %dma_start3A_65] : memref<10240x64xf32, #tpu.memory_space<vmem_shared>> -> memref<128x64xf32, #tpu.memory_space<vmem_shared>>
      %dma_start3A_67 = arith.constant 0 : i32
      %dma_start3A_68 = tpu.memref_slice %arg12[%add3A_18, %dma_start3A_67] : memref<10240x64xf32, #tpu.memory_space<vmem_shared>> -> memref<128x64xf32, #tpu.memory_space<vmem_shared>>
      tpu.enqueue_dma source(%arg8 : memref<128x64xf32, #tpu.memory_space<vmem>>) target(%dma_start3A_68 : memref<128x64xf32, #tpu.memory_space<vmem_shared>>) target_semaphore(%run_scoped3A : memref<!tpu.dma_semaphore, #tpu.memory_space<semaphore_mem>>)
      %dma_wait3A = arith.constant 0 : i32
      %dma_wait3A_69 = tpu.memref_slice %arg12[%add3A_18, %dma_wait3A] : memref<10240x64xf32, #tpu.memory_space<vmem_shared>> -> memref<128x64xf32, #tpu.memory_space<vmem_shared>>
      %dma_wait3A_70 = arith.constant 0 : i32
      %dma_wait3A_71 = tpu.memref_slice %arg12[%add3A_18, %dma_wait3A_70] : memref<10240x64xf32, #tpu.memory_space<vmem_shared>> -> memref<128x64xf32, #tpu.memory_space<vmem_shared>>
      tpu.wait_dma2 semaphore(%run_scoped3A : memref<!tpu.dma_semaphore, #tpu.memory_space<semaphore_mem>>) src(%arg8 : memref<128x64xf32, #tpu.memory_space<vmem>>) dst(%dma_wait3A_71 : memref<128x64xf32, #tpu.memory_space<vmem_shared>>)
      tpu.yield
    }) : () -> ()
    %mul3A_19 = arith.constant 640 : i32
    %mul3A_20 = arith.muli %arg1, %mul3A_19 : i32
    %add3A_21 = arith.constant 384 : i32
    %add3A_22 = arith.addi %mul3A_20, %add3A_21 : i32
    "tpu.region"() ({
      %run_scoped3A = tpu.sem_alloc : memref<!tpu.dma_semaphore, #tpu.memory_space<semaphore_mem>>
      %dma_start3A_65 = arith.constant 0 : i32
      %dma_start3A_66 = tpu.memref_slice %arg12[%add3A_22, %dma_start3A_65] : memref<10240x64xf32, #tpu.memory_space<vmem_shared>> -> memref<128x64xf32, #tpu.memory_space<vmem_shared>>
      %dma_start3A_67 = arith.constant 0 : i32
      %dma_start3A_68 = tpu.memref_slice %arg12[%add3A_22, %dma_start3A_67] : memref<10240x64xf32, #tpu.memory_space<vmem_shared>> -> memref<128x64xf32, #tpu.memory_space<vmem_shared>>
      tpu.enqueue_dma source(%arg8 : memref<128x64xf32, #tpu.memory_space<vmem>>) target(%dma_start3A_68 : memref<128x64xf32, #tpu.memory_space<vmem_shared>>) target_semaphore(%run_scoped3A : memref<!tpu.dma_semaphore, #tpu.memory_space<semaphore_mem>>)
      %dma_wait3A = arith.constant 0 : i32
      %dma_wait3A_69 = tpu.memref_slice %arg12[%add3A_22, %dma_wait3A] : memref<10240x64xf32, #tpu.memory_space<vmem_shared>> -> memref<128x64xf32, #tpu.memory_space<vmem_shared>>
      %dma_wait3A_70 = arith.constant 0 : i32
      %dma_wait3A_71 = tpu.memref_slice %arg12[%add3A_22, %dma_wait3A_70] : memref<10240x64xf32, #tpu.memory_space<vmem_shared>> -> memref<128x64xf32, #tpu.memory_space<vmem_shared>>
      tpu.wait_dma2 semaphore(%run_scoped3A : memref<!tpu.dma_semaphore, #tpu.memory_space<semaphore_mem>>) src(%arg8 : memref<128x64xf32, #tpu.memory_space<vmem>>) dst(%dma_wait3A_71 : memref<128x64xf32, #tpu.memory_space<vmem_shared>>)
      tpu.yield
    }) : () -> ()
    %mul3A_23 = arith.constant 640 : i32
    %mul3A_24 = arith.muli %arg1, %mul3A_23 : i32
    %add3A_25 = arith.constant 512 : i32
    %add3A_26 = arith.addi %mul3A_24, %add3A_25 : i32
    "tpu.region"() ({
      %run_scoped3A = tpu.sem_alloc : memref<!tpu.dma_semaphore, #tpu.memory_space<semaphore_mem>>
      %dma_start3A_65 = arith.constant 0 : i32
      %dma_start3A_66 = tpu.memref_slice %arg12[%add3A_26, %dma_start3A_65] : memref<10240x64xf32, #tpu.memory_space<vmem_shared>> -> memref<128x64xf32, #tpu.memory_space<vmem_shared>>
      %dma_start3A_67 = arith.constant 0 : i32
      %dma_start3A_68 = tpu.memref_slice %arg12[%add3A_26, %dma_start3A_67] : memref<10240x64xf32, #tpu.memory_space<vmem_shared>> -> memref<128x64xf32, #tpu.memory_space<vmem_shared>>
      tpu.enqueue_dma source(%arg8 : memref<128x64xf32, #tpu.memory_space<vmem>>) target(%dma_start3A_68 : memref<128x64xf32, #tpu.memory_space<vmem_shared>>) target_semaphore(%run_scoped3A : memref<!tpu.dma_semaphore, #tpu.memory_space<semaphore_mem>>)
      %dma_wait3A = arith.constant 0 : i32
      %dma_wait3A_69 = tpu.memref_slice %arg12[%add3A_26, %dma_wait3A] : memref<10240x64xf32, #tpu.memory_space<vmem_shared>> -> memref<128x64xf32, #tpu.memory_space<vmem_shared>>
      %dma_wait3A_70 = arith.constant 0 : i32
      %dma_wait3A_71 = tpu.memref_slice %arg12[%add3A_26, %dma_wait3A_70] : memref<10240x64xf32, #tpu.memory_space<vmem_shared>> -> memref<128x64xf32, #tpu.memory_space<vmem_shared>>
      tpu.wait_dma2 semaphore(%run_scoped3A : memref<!tpu.dma_semaphore, #tpu.memory_space<semaphore_mem>>) src(%arg8 : memref<128x64xf32, #tpu.memory_space<vmem>>) dst(%dma_wait3A_71 : memref<128x64xf32, #tpu.memory_space<vmem_shared>>)
      tpu.yield
    }) : () -> ()
    "tpu.region"() ({
      %run_scoped3A = tpu.sem_alloc : memref<!tpu.dma_semaphore, #tpu.memory_space<semaphore_mem>>
      %dma_start3A_65 = arith.constant 0 : i32
      %dma_start3A_66 = arith.constant 0 : i32
      %dma_start3A_67 = tpu.memref_slice %arg3[%add3A, %dma_start3A_65, %dma_start3A_66] : memref<32x40x128xi32, #tpu.memory_space<hbm>> -> memref<1x40x128xi32, #tpu.memory_space<hbm>>
      %dma_start3A_68 = tpu.memref_squeeze %dma_start3A_67 : memref<1x40x128xi32, #tpu.memory_space<hbm>> -> memref<40x128xi32, #tpu.memory_space<hbm>>
      %dma_start3A_69 = arith.constant 0 : i32
      %dma_start3A_70 = arith.constant 0 : i32
      %dma_start3A_71 = tpu.memref_slice %arg3[%add3A, %dma_start3A_69, %dma_start3A_70] : memref<32x40x128xi32, #tpu.memory_space<hbm>> -> memref<1x40x128xi32, #tpu.memory_space<hbm>>
      %dma_start3A_72 = tpu.memref_squeeze %dma_start3A_71 : memref<1x40x128xi32, #tpu.memory_space<hbm>> -> memref<40x128xi32, #tpu.memory_space<hbm>>
      tpu.enqueue_dma source(%dma_start3A_72 : memref<40x128xi32, #tpu.memory_space<hbm>>) target(%arg6 : memref<40x128xi32, #tpu.memory_space<vmem>>) target_semaphore(%run_scoped3A : memref<!tpu.dma_semaphore, #tpu.memory_space<semaphore_mem>>)
      %dma_wait3A = arith.constant 0 : i32
      %dma_wait3A_73 = arith.constant 0 : i32
      %dma_wait3A_74 = tpu.memref_slice %arg3[%add3A, %dma_wait3A, %dma_wait3A_73] : memref<32x40x128xi32, #tpu.memory_space<hbm>> -> memref<1x40x128xi32, #tpu.memory_space<hbm>>
      %dma_wait3A_75 = tpu.memref_squeeze %dma_wait3A_74 : memref<1x40x128xi32, #tpu.memory_space<hbm>> -> memref<40x128xi32, #tpu.memory_space<hbm>>
      %dma_wait3A_76 = arith.constant 0 : i32
      %dma_wait3A_77 = arith.constant 0 : i32
      %dma_wait3A_78 = tpu.memref_slice %arg3[%add3A, %dma_wait3A_76, %dma_wait3A_77] : memref<32x40x128xi32, #tpu.memory_space<hbm>> -> memref<1x40x128xi32, #tpu.memory_space<hbm>>
      %dma_wait3A_79 = tpu.memref_squeeze %dma_wait3A_78 : memref<1x40x128xi32, #tpu.memory_space<hbm>> -> memref<40x128xi32, #tpu.memory_space<hbm>>
      tpu.wait_dma2 semaphore(%run_scoped3A : memref<!tpu.dma_semaphore, #tpu.memory_space<semaphore_mem>>) src(%dma_wait3A_79 : memref<40x128xi32, #tpu.memory_space<hbm>>) dst(%arg6 : memref<40x128xi32, #tpu.memory_space<vmem>>)
      tpu.yield
    }) : () -> ()
    "tpu.region"() ({
      %run_scoped3A = tpu.sem_alloc : memref<!tpu.dma_semaphore, #tpu.memory_space<semaphore_mem>>
      %dma_start3A_65 = arith.constant 0 : i32
      %dma_start3A_66 = arith.constant 0 : i32
      %dma_start3A_67 = tpu.memref_slice %arg4[%add3A, %dma_start3A_65, %dma_start3A_66] : memref<32x40x128xi32, #tpu.memory_space<hbm>> -> memref<1x40x128xi32, #tpu.memory_space<hbm>>
      %dma_start3A_68 = tpu.memref_squeeze %dma_start3A_67 : memref<1x40x128xi32, #tpu.memory_space<hbm>> -> memref<40x128xi32, #tpu.memory_space<hbm>>
      %dma_start3A_69 = arith.constant 0 : i32
      %dma_start3A_70 = arith.constant 0 : i32
      %dma_start3A_71 = tpu.memref_slice %arg4[%add3A, %dma_start3A_69, %dma_start3A_70] : memref<32x40x128xi32, #tpu.memory_space<hbm>> -> memref<1x40x128xi32, #tpu.memory_space<hbm>>
      %dma_start3A_72 = tpu.memref_squeeze %dma_start3A_71 : memref<1x40x128xi32, #tpu.memory_space<hbm>> -> memref<40x128xi32, #tpu.memory_space<hbm>>
      tpu.enqueue_dma source(%dma_start3A_72 : memref<40x128xi32, #tpu.memory_space<hbm>>) target(%arg7 : memref<40x128xi32, #tpu.memory_space<vmem>>) target_semaphore(%run_scoped3A : memref<!tpu.dma_semaphore, #tpu.memory_space<semaphore_mem>>)
      %dma_wait3A = arith.constant 0 : i32
      %dma_wait3A_73 = arith.constant 0 : i32
      %dma_wait3A_74 = tpu.memref_slice %arg4[%add3A, %dma_wait3A, %dma_wait3A_73] : memref<32x40x128xi32, #tpu.memory_space<hbm>> -> memref<1x40x128xi32, #tpu.memory_space<hbm>>
      %dma_wait3A_75 = tpu.memref_squeeze %dma_wait3A_74 : memref<1x40x128xi32, #tpu.memory_space<hbm>> -> memref<40x128xi32, #tpu.memory_space<hbm>>
      %dma_wait3A_76 = arith.constant 0 : i32
      %dma_wait3A_77 = arith.constant 0 : i32
      %dma_wait3A_78 = tpu.memref_slice %arg4[%add3A, %dma_wait3A_76, %dma_wait3A_77] : memref<32x40x128xi32, #tpu.memory_space<hbm>> -> memref<1x40x128xi32, #tpu.memory_space<hbm>>
      %dma_wait3A_79 = tpu.memref_squeeze %dma_wait3A_78 : memref<1x40x128xi32, #tpu.memory_space<hbm>> -> memref<40x128xi32, #tpu.memory_space<hbm>>
      tpu.wait_dma2 semaphore(%run_scoped3A : memref<!tpu.dma_semaphore, #tpu.memory_space<semaphore_mem>>) src(%dma_wait3A_79 : memref<40x128xi32, #tpu.memory_space<hbm>>) dst(%arg7 : memref<40x128xi32, #tpu.memory_space<vmem>>)
      tpu.yield
    }) : () -> ()
    %barrier3A = arith.constant 0 : index
    tpu.barrier barrier_id(%barrier3A)
    %dma_start3A = arith.constant 0 : i32
    %dma_start3A_27 = arith.constant 0 : i32
    %dma_start3A_28 = tpu.memref_slice %arg6[%dma_start3A, %dma_start3A_27] : memref<40x128xi32, #tpu.memory_space<vmem>> -> memref<1x128xi32, #tpu.memory_space<vmem>>
    %dma_start3A_29 = tpu.memref_squeeze %dma_start3A_28 : memref<1x128xi32, #tpu.memory_space<vmem>> -> memref<128xi32, #tpu.memory_space<vmem>>
    %dma_start3A_30 = arith.constant 0 : i32
    %dma_start3A_31 = arith.constant 0 : i32
    %dma_start3A_32 = tpu.memref_slice %arg2[%dma_start3A_30, %dma_start3A_31] : memref<10240x64xf32, #tpu.memory_space<hbm>> -> memref<10240x64xf32, #tpu.memory_space<hbm>>
    tpu.enqueue_indirect_dma source(%dma_start3A_32 : memref<10240x64xf32, #tpu.memory_space<hbm>>) target(%arg8 : memref<128x64xf32, #tpu.memory_space<vmem>>) offsets(%dma_start3A_29 : memref<128xi32, #tpu.memory_space<vmem>>) semaphore(%arg13 : memref<!tpu.dma_semaphore, #tpu.memory_space<semaphore_mem>>)
    %dma_start3A_33 = arith.constant 1 : i32
    %dma_start3A_34 = arith.constant 0 : i32
    %dma_start3A_35 = tpu.memref_slice %arg6[%dma_start3A_33, %dma_start3A_34] : memref<40x128xi32, #tpu.memory_space<vmem>> -> memref<1x128xi32, #tpu.memory_space<vmem>>
    %dma_start3A_36 = tpu.memref_squeeze %dma_start3A_35 : memref<1x128xi32, #tpu.memory_space<vmem>> -> memref<128xi32, #tpu.memory_space<vmem>>
    %dma_start3A_37 = arith.constant 0 : i32
    %dma_start3A_38 = arith.constant 0 : i32
    %dma_start3A_39 = tpu.memref_slice %arg2[%dma_start3A_37, %dma_start3A_38] : memref<10240x64xf32, #tpu.memory_space<hbm>> -> memref<10240x64xf32, #tpu.memory_space<hbm>>
    tpu.enqueue_indirect_dma source(%dma_start3A_39 : memref<10240x64xf32, #tpu.memory_space<hbm>>) target(%arg9 : memref<128x64xf32, #tpu.memory_space<vmem>>) offsets(%dma_start3A_36 : memref<128xi32, #tpu.memory_space<vmem>>) semaphore(%arg14 : memref<!tpu.dma_semaphore, #tpu.memory_space<semaphore_mem>>)
    %dma_start3A_40 = arith.constant 2 : i32
    %dma_start3A_41 = arith.constant 0 : i32
    %dma_start3A_42 = tpu.memref_slice %arg6[%dma_start3A_40, %dma_start3A_41] : memref<40x128xi32, #tpu.memory_space<vmem>> -> memref<1x128xi32, #tpu.memory_space<vmem>>
    %dma_start3A_43 = tpu.memref_squeeze %dma_start3A_42 : memref<1x128xi32, #tpu.memory_space<vmem>> -> memref<128xi32, #tpu.memory_space<vmem>>
    %dma_start3A_44 = arith.constant 0 : i32
    %dma_start3A_45 = arith.constant 0 : i32
    %dma_start3A_46 = tpu.memref_slice %arg2[%dma_start3A_44, %dma_start3A_45] : memref<10240x64xf32, #tpu.memory_space<hbm>> -> memref<10240x64xf32, #tpu.memory_space<hbm>>
    tpu.enqueue_indirect_dma source(%dma_start3A_46 : memref<10240x64xf32, #tpu.memory_space<hbm>>) target(%arg10 : memref<128x64xf32, #tpu.memory_space<vmem>>) offsets(%dma_start3A_43 : memref<128xi32, #tpu.memory_space<vmem>>) semaphore(%arg15 : memref<!tpu.dma_semaphore, #tpu.memory_space<semaphore_mem>>)
    %dma_start3A_47 = arith.constant 3 : i32
    %dma_start3A_48 = arith.constant 0 : i32
    %dma_start3A_49 = tpu.memref_slice %arg6[%dma_start3A_47, %dma_start3A_48] : memref<40x128xi32, #tpu.memory_space<vmem>> -> memref<1x128xi32, #tpu.memory_space<vmem>>
    %dma_start3A_50 = tpu.memref_squeeze %dma_start3A_49 : memref<1x128xi32, #tpu.memory_space<vmem>> -> memref<128xi32, #tpu.memory_space<vmem>>
    %dma_start3A_51 = arith.constant 0 : i32
    %dma_start3A_52 = arith.constant 0 : i32
    %dma_start3A_53 = tpu.memref_slice %arg2[%dma_start3A_51, %dma_start3A_52] : memref<10240x64xf32, #tpu.memory_space<hbm>> -> memref<10240x64xf32, #tpu.memory_space<hbm>>
    tpu.enqueue_indirect_dma source(%dma_start3A_53 : memref<10240x64xf32, #tpu.memory_space<hbm>>) target(%arg11 : memref<128x64xf32, #tpu.memory_space<vmem>>) offsets(%dma_start3A_50 : memref<128xi32, #tpu.memory_space<vmem>>) semaphore(%arg16 : memref<!tpu.dma_semaphore, #tpu.memory_space<semaphore_mem>>)
    %scan3A_54 = arith.constant 0 : i32
    %scan3A_55 = arith.constant 0 : i32
    %scan3A_56 = arith.constant 10 : i32
    %scan3A_57 = arith.addi %scan3A_55, %scan3A_56 : i32
    %scan3A_58 = arith.constant 1 : i32
    scf.for %scan3A_65 = %scan3A_55 to %scan3A_57 step %scan3A_58  : i32 {
      %mul3A_66 = arith.constant 4 : i32
      %mul3A_67 = arith.muli %mul3A_66, %scan3A_65 : i32
      %add3A_68 = arith.constant 0 : i32
      %add3A_69 = arith.addi %mul3A_67, %add3A_68 : i32
      %dma_wait3A = arith.constant 0 : i32
      %dma_wait3A_70 = tpu.memref_slice %arg6[%add3A_69, %dma_wait3A] : memref<40x128xi32, #tpu.memory_space<vmem>> -> memref<1x128xi32, #tpu.memory_space<vmem>>
      %dma_wait3A_71 = tpu.memref_squeeze %dma_wait3A_70 : memref<1x128xi32, #tpu.memory_space<vmem>> -> memref<128xi32, #tpu.memory_space<vmem>>
      %dma_wait3A_72 = arith.constant 0 : i32
      %dma_wait3A_73 = arith.constant 0 : i32
      %dma_wait3A_74 = tpu.memref_slice %arg2[%dma_wait3A_72, %dma_wait3A_73] : memref<10240x64xf32, #tpu.memory_space<hbm>> -> memref<10240x64xf32, #tpu.memory_space<hbm>>
      tpu.wait_indirect_dma semaphore(%arg13 : memref<!tpu.dma_semaphore, #tpu.memory_space<semaphore_mem>>) src(%dma_wait3A_74 : memref<10240x64xf32, #tpu.memory_space<hbm>>) dst(%arg8 : memref<128x64xf32, #tpu.memory_space<vmem>>)
      %dma_start3A_75 = arith.constant 0 : i32
      %dma_start3A_76 = tpu.memref_slice %arg7[%add3A_69, %dma_start3A_75] : memref<40x128xi32, #tpu.memory_space<vmem>> -> memref<1x128xi32, #tpu.memory_space<vmem>>
      %dma_start3A_77 = tpu.memref_squeeze %dma_start3A_76 : memref<1x128xi32, #tpu.memory_space<vmem>> -> memref<128xi32, #tpu.memory_space<vmem>>
      %dma_start3A_78 = arith.constant 0 : i32
      %dma_start3A_79 = arith.constant 0 : i32
      %dma_start3A_80 = tpu.memref_slice %arg12[%dma_start3A_78, %dma_start3A_79] : memref<10240x64xf32, #tpu.memory_space<vmem_shared>> -> memref<10240x64xf32, #tpu.memory_space<vmem_shared>>
      tpu.enqueue_indirect_dma source(%arg8 : memref<128x64xf32, #tpu.memory_space<vmem>>) target(%dma_start3A_80 : memref<10240x64xf32, #tpu.memory_space<vmem_shared>>) offsets(%dma_start3A_77 : memref<128xi32, #tpu.memory_space<vmem>>) semaphore(%arg17 : memref<!tpu.dma_semaphore, #tpu.memory_space<semaphore_mem>>) {add = true}
      %dma_wait3A_81 = arith.constant 0 : i32
      %dma_wait3A_82 = tpu.memref_slice %arg7[%add3A_69, %dma_wait3A_81] : memref<40x128xi32, #tpu.memory_space<vmem>> -> memref<1x128xi32, #tpu.memory_space<vmem>>
      %dma_wait3A_83 = tpu.memref_squeeze %dma_wait3A_82 : memref<1x128xi32, #tpu.memory_space<vmem>> -> memref<128xi32, #tpu.memory_space<vmem>>
      %dma_wait3A_84 = arith.constant 0 : i32
      %dma_wait3A_85 = arith.constant 0 : i32
      %dma_wait3A_86 = tpu.memref_slice %arg12[%dma_wait3A_84, %dma_wait3A_85] : memref<10240x64xf32, #tpu.memory_space<vmem_shared>> -> memref<10240x64xf32, #tpu.memory_space<vmem_shared>>
      tpu.wait_indirect_dma semaphore(%arg17 : memref<!tpu.dma_semaphore, #tpu.memory_space<semaphore_mem>>) src(%arg8 : memref<128x64xf32, #tpu.memory_space<vmem>>) dst(%dma_wait3A_86 : memref<10240x64xf32, #tpu.memory_space<vmem_shared>>)
      %add3A_87 = arith.constant 4 : i32
      %add3A_88 = arith.addi %add3A_69, %add3A_87 : i32
      %lt3A = arith.constant 40 : i32
      %lt3A_89 = arith.cmpi slt, %add3A_88, %lt3A : i32
      %convert_element_type3A = arith.extui %lt3A_89 : i1 to i32
      %cond3A = arith.constant 0 : i32
      %cond3A_90 = arith.cmpi ne, %convert_element_type3A, %cond3A : i32
      scf.if %cond3A_90 {
        %add3A_178 = arith.constant 4 : i32
        %add3A_179 = arith.addi %add3A_69, %add3A_178 : i32
        %dma_start3A_180 = arith.constant 0 : i32
        %dma_start3A_181 = tpu.memref_slice %arg6[%add3A_179, %dma_start3A_180] : memref<40x128xi32, #tpu.memory_space<vmem>> -> memref<1x128xi32, #tpu.memory_space<vmem>>
        %dma_start3A_182 = tpu.memref_squeeze %dma_start3A_181 : memref<1x128xi32, #tpu.memory_space<vmem>> -> memref<128xi32, #tpu.memory_space<vmem>>
        %dma_start3A_183 = arith.constant 0 : i32
        %dma_start3A_184 = arith.constant 0 : i32
        %dma_start3A_185 = tpu.memref_slice %arg2[%dma_start3A_183, %dma_start3A_184] : memref<10240x64xf32, #tpu.memory_space<hbm>> -> memref<10240x64xf32, #tpu.memory_space<hbm>>
        tpu.enqueue_indirect_dma source(%dma_start3A_185 : memref<10240x64xf32, #tpu.memory_space<hbm>>) target(%arg8 : memref<128x64xf32, #tpu.memory_space<vmem>>) offsets(%dma_start3A_182 : memref<128xi32, #tpu.memory_space<vmem>>) semaphore(%arg13 : memref<!tpu.dma_semaphore, #tpu.memory_space<semaphore_mem>>)
      } else {
      }
      %mul3A_91 = arith.constant 4 : i32
      %mul3A_92 = arith.muli %mul3A_91, %scan3A_65 : i32
      %add3A_93 = arith.constant 1 : i32
      %add3A_94 = arith.addi %mul3A_92, %add3A_93 : i32
      %dma_wait3A_95 = arith.constant 0 : i32
      %dma_wait3A_96 = tpu.memref_slice %arg6[%add3A_94, %dma_wait3A_95] : memref<40x128xi32, #tpu.memory_space<vmem>> -> memref<1x128xi32, #tpu.memory_space<vmem>>
      %dma_wait3A_97 = tpu.memref_squeeze %dma_wait3A_96 : memref<1x128xi32, #tpu.memory_space<vmem>> -> memref<128xi32, #tpu.memory_space<vmem>>
      %dma_wait3A_98 = arith.constant 0 : i32
      %dma_wait3A_99 = arith.constant 0 : i32
      %dma_wait3A_100 = tpu.memref_slice %arg2[%dma_wait3A_98, %dma_wait3A_99] : memref<10240x64xf32, #tpu.memory_space<hbm>> -> memref<10240x64xf32, #tpu.memory_space<hbm>>
      tpu.wait_indirect_dma semaphore(%arg14 : memref<!tpu.dma_semaphore, #tpu.memory_space<semaphore_mem>>) src(%dma_wait3A_100 : memref<10240x64xf32, #tpu.memory_space<hbm>>) dst(%arg9 : memref<128x64xf32, #tpu.memory_space<vmem>>)
      %dma_start3A_101 = arith.constant 0 : i32
      %dma_start3A_102 = tpu.memref_slice %arg7[%add3A_94, %dma_start3A_101] : memref<40x128xi32, #tpu.memory_space<vmem>> -> memref<1x128xi32, #tpu.memory_space<vmem>>
      %dma_start3A_103 = tpu.memref_squeeze %dma_start3A_102 : memref<1x128xi32, #tpu.memory_space<vmem>> -> memref<128xi32, #tpu.memory_space<vmem>>
      %dma_start3A_104 = arith.constant 0 : i32
      %dma_start3A_105 = arith.constant 0 : i32
      %dma_start3A_106 = tpu.memref_slice %arg12[%dma_start3A_104, %dma_start3A_105] : memref<10240x64xf32, #tpu.memory_space<vmem_shared>> -> memref<10240x64xf32, #tpu.memory_space<vmem_shared>>
      tpu.enqueue_indirect_dma source(%arg9 : memref<128x64xf32, #tpu.memory_space<vmem>>) target(%dma_start3A_106 : memref<10240x64xf32, #tpu.memory_space<vmem_shared>>) offsets(%dma_start3A_103 : memref<128xi32, #tpu.memory_space<vmem>>) semaphore(%arg17 : memref<!tpu.dma_semaphore, #tpu.memory_space<semaphore_mem>>) {add = true}
      %dma_wait3A_107 = arith.constant 0 : i32
      %dma_wait3A_108 = tpu.memref_slice %arg7[%add3A_94, %dma_wait3A_107] : memref<40x128xi32, #tpu.memory_space<vmem>> -> memref<1x128xi32, #tpu.memory_space<vmem>>
      %dma_wait3A_109 = tpu.memref_squeeze %dma_wait3A_108 : memref<1x128xi32, #tpu.memory_space<vmem>> -> memref<128xi32, #tpu.memory_space<vmem>>
      %dma_wait3A_110 = arith.constant 0 : i32
      %dma_wait3A_111 = arith.constant 0 : i32
      %dma_wait3A_112 = tpu.memref_slice %arg12[%dma_wait3A_110, %dma_wait3A_111] : memref<10240x64xf32, #tpu.memory_space<vmem_shared>> -> memref<10240x64xf32, #tpu.memory_space<vmem_shared>>
      tpu.wait_indirect_dma semaphore(%arg17 : memref<!tpu.dma_semaphore, #tpu.memory_space<semaphore_mem>>) src(%arg9 : memref<128x64xf32, #tpu.memory_space<vmem>>) dst(%dma_wait3A_112 : memref<10240x64xf32, #tpu.memory_space<vmem_shared>>)
      %add3A_113 = arith.constant 4 : i32
      %add3A_114 = arith.addi %add3A_94, %add3A_113 : i32
      %lt3A_115 = arith.constant 40 : i32
      %lt3A_116 = arith.cmpi slt, %add3A_114, %lt3A_115 : i32
      %convert_element_type3A_117 = arith.extui %lt3A_116 : i1 to i32
      %cond3A_118 = arith.constant 0 : i32
      %cond3A_119 = arith.cmpi ne, %convert_element_type3A_117, %cond3A_118 : i32
      scf.if %cond3A_119 {
        %add3A_178 = arith.constant 4 : i32
        %add3A_179 = arith.addi %add3A_94, %add3A_178 : i32
        %dma_start3A_180 = arith.constant 0 : i32
        %dma_start3A_181 = tpu.memref_slice %arg6[%add3A_179, %dma_start3A_180] : memref<40x128xi32, #tpu.memory_space<vmem>> -> memref<1x128xi32, #tpu.memory_space<vmem>>
        %dma_start3A_182 = tpu.memref_squeeze %dma_start3A_181 : memref<1x128xi32, #tpu.memory_space<vmem>> -> memref<128xi32, #tpu.memory_space<vmem>>
        %dma_start3A_183 = arith.constant 0 : i32
        %dma_start3A_184 = arith.constant 0 : i32
        %dma_start3A_185 = tpu.memref_slice %arg2[%dma_start3A_183, %dma_start3A_184] : memref<10240x64xf32, #tpu.memory_space<hbm>> -> memref<10240x64xf32, #tpu.memory_space<hbm>>
        tpu.enqueue_indirect_dma source(%dma_start3A_185 : memref<10240x64xf32, #tpu.memory_space<hbm>>) target(%arg9 : memref<128x64xf32, #tpu.memory_space<vmem>>) offsets(%dma_start3A_182 : memref<128xi32, #tpu.memory_space<vmem>>) semaphore(%arg14 : memref<!tpu.dma_semaphore, #tpu.memory_space<semaphore_mem>>)
      } else {
      }
      %mul3A_120 = arith.constant 4 : i32
      %mul3A_121 = arith.muli %mul3A_120, %scan3A_65 : i32
      %add3A_122 = arith.constant 2 : i32
      %add3A_123 = arith.addi %mul3A_121, %add3A_122 : i32
      %dma_wait3A_124 = arith.constant 0 : i32
      %dma_wait3A_125 = tpu.memref_slice %arg6[%add3A_123, %dma_wait3A_124] : memref<40x128xi32, #tpu.memory_space<vmem>> -> memref<1x128xi32, #tpu.memory_space<vmem>>
      %dma_wait3A_126 = tpu.memref_squeeze %dma_wait3A_125 : memref<1x128xi32, #tpu.memory_space<vmem>> -> memref<128xi32, #tpu.memory_space<vmem>>
      %dma_wait3A_127 = arith.constant 0 : i32
      %dma_wait3A_128 = arith.constant 0 : i32
      %dma_wait3A_129 = tpu.memref_slice %arg2[%dma_wait3A_127, %dma_wait3A_128] : memref<10240x64xf32, #tpu.memory_space<hbm>> -> memref<10240x64xf32, #tpu.memory_space<hbm>>
      tpu.wait_indirect_dma semaphore(%arg15 : memref<!tpu.dma_semaphore, #tpu.memory_space<semaphore_mem>>) src(%dma_wait3A_129 : memref<10240x64xf32, #tpu.memory_space<hbm>>) dst(%arg10 : memref<128x64xf32, #tpu.memory_space<vmem>>)
      %dma_start3A_130 = arith.constant 0 : i32
      %dma_start3A_131 = tpu.memref_slice %arg7[%add3A_123, %dma_start3A_130] : memref<40x128xi32, #tpu.memory_space<vmem>> -> memref<1x128xi32, #tpu.memory_space<vmem>>
      %dma_start3A_132 = tpu.memref_squeeze %dma_start3A_131 : memref<1x128xi32, #tpu.memory_space<vmem>> -> memref<128xi32, #tpu.memory_space<vmem>>
      %dma_start3A_133 = arith.constant 0 : i32
      %dma_start3A_134 = arith.constant 0 : i32
      %dma_start3A_135 = tpu.memref_slice %arg12[%dma_start3A_133, %dma_start3A_134] : memref<10240x64xf32, #tpu.memory_space<vmem_shared>> -> memref<10240x64xf32, #tpu.memory_space<vmem_shared>>
      tpu.enqueue_indirect_dma source(%arg10 : memref<128x64xf32, #tpu.memory_space<vmem>>) target(%dma_start3A_135 : memref<10240x64xf32, #tpu.memory_space<vmem_shared>>) offsets(%dma_start3A_132 : memref<128xi32, #tpu.memory_space<vmem>>) semaphore(%arg17 : memref<!tpu.dma_semaphore, #tpu.memory_space<semaphore_mem>>) {add = true}
      %dma_wait3A_136 = arith.constant 0 : i32
      %dma_wait3A_137 = tpu.memref_slice %arg7[%add3A_123, %dma_wait3A_136] : memref<40x128xi32, #tpu.memory_space<vmem>> -> memref<1x128xi32, #tpu.memory_space<vmem>>
      %dma_wait3A_138 = tpu.memref_squeeze %dma_wait3A_137 : memref<1x128xi32, #tpu.memory_space<vmem>> -> memref<128xi32, #tpu.memory_space<vmem>>
      %dma_wait3A_139 = arith.constant 0 : i32
      %dma_wait3A_140 = arith.constant 0 : i32
      %dma_wait3A_141 = tpu.memref_slice %arg12[%dma_wait3A_139, %dma_wait3A_140] : memref<10240x64xf32, #tpu.memory_space<vmem_shared>> -> memref<10240x64xf32, #tpu.memory_space<vmem_shared>>
      tpu.wait_indirect_dma semaphore(%arg17 : memref<!tpu.dma_semaphore, #tpu.memory_space<semaphore_mem>>) src(%arg10 : memref<128x64xf32, #tpu.memory_space<vmem>>) dst(%dma_wait3A_141 : memref<10240x64xf32, #tpu.memory_space<vmem_shared>>)
      %add3A_142 = arith.constant 4 : i32
      %add3A_143 = arith.addi %add3A_123, %add3A_142 : i32
      %lt3A_144 = arith.constant 40 : i32
      %lt3A_145 = arith.cmpi slt, %add3A_143, %lt3A_144 : i32
      %convert_element_type3A_146 = arith.extui %lt3A_145 : i1 to i32
      %cond3A_147 = arith.constant 0 : i32
      %cond3A_148 = arith.cmpi ne, %convert_element_type3A_146, %cond3A_147 : i32
      scf.if %cond3A_148 {
        %add3A_178 = arith.constant 4 : i32
        %add3A_179 = arith.addi %add3A_123, %add3A_178 : i32
        %dma_start3A_180 = arith.constant 0 : i32
        %dma_start3A_181 = tpu.memref_slice %arg6[%add3A_179, %dma_start3A_180] : memref<40x128xi32, #tpu.memory_space<vmem>> -> memref<1x128xi32, #tpu.memory_space<vmem>>
        %dma_start3A_182 = tpu.memref_squeeze %dma_start3A_181 : memref<1x128xi32, #tpu.memory_space<vmem>> -> memref<128xi32, #tpu.memory_space<vmem>>
        %dma_start3A_183 = arith.constant 0 : i32
        %dma_start3A_184 = arith.constant 0 : i32
        %dma_start3A_185 = tpu.memref_slice %arg2[%dma_start3A_183, %dma_start3A_184] : memref<10240x64xf32, #tpu.memory_space<hbm>> -> memref<10240x64xf32, #tpu.memory_space<hbm>>
        tpu.enqueue_indirect_dma source(%dma_start3A_185 : memref<10240x64xf32, #tpu.memory_space<hbm>>) target(%arg10 : memref<128x64xf32, #tpu.memory_space<vmem>>) offsets(%dma_start3A_182 : memref<128xi32, #tpu.memory_space<vmem>>) semaphore(%arg15 : memref<!tpu.dma_semaphore, #tpu.memory_space<semaphore_mem>>)
      } else {
      }
      %mul3A_149 = arith.constant 4 : i32
      %mul3A_150 = arith.muli %mul3A_149, %scan3A_65 : i32
      %add3A_151 = arith.constant 3 : i32
      %add3A_152 = arith.addi %mul3A_150, %add3A_151 : i32
      %dma_wait3A_153 = arith.constant 0 : i32
      %dma_wait3A_154 = tpu.memref_slice %arg6[%add3A_152, %dma_wait3A_153] : memref<40x128xi32, #tpu.memory_space<vmem>> -> memref<1x128xi32, #tpu.memory_space<vmem>>
      %dma_wait3A_155 = tpu.memref_squeeze %dma_wait3A_154 : memref<1x128xi32, #tpu.memory_space<vmem>> -> memref<128xi32, #tpu.memory_space<vmem>>
      %dma_wait3A_156 = arith.constant 0 : i32
      %dma_wait3A_157 = arith.constant 0 : i32
      %dma_wait3A_158 = tpu.memref_slice %arg2[%dma_wait3A_156, %dma_wait3A_157] : memref<10240x64xf32, #tpu.memory_space<hbm>> -> memref<10240x64xf32, #tpu.memory_space<hbm>>
      tpu.wait_indirect_dma semaphore(%arg16 : memref<!tpu.dma_semaphore, #tpu.memory_space<semaphore_mem>>) src(%dma_wait3A_158 : memref<10240x64xf32, #tpu.memory_space<hbm>>) dst(%arg11 : memref<128x64xf32, #tpu.memory_space<vmem>>)
      %dma_start3A_159 = arith.constant 0 : i32
      %dma_start3A_160 = tpu.memref_slice %arg7[%add3A_152, %dma_start3A_159] : memref<40x128xi32, #tpu.memory_space<vmem>> -> memref<1x128xi32, #tpu.memory_space<vmem>>
      %dma_start3A_161 = tpu.memref_squeeze %dma_start3A_160 : memref<1x128xi32, #tpu.memory_space<vmem>> -> memref<128xi32, #tpu.memory_space<vmem>>
      %dma_start3A_162 = arith.constant 0 : i32
      %dma_start3A_163 = arith.constant 0 : i32
      %dma_start3A_164 = tpu.memref_slice %arg12[%dma_start3A_162, %dma_start3A_163] : memref<10240x64xf32, #tpu.memory_space<vmem_shared>> -> memref<10240x64xf32, #tpu.memory_space<vmem_shared>>
      tpu.enqueue_indirect_dma source(%arg11 : memref<128x64xf32, #tpu.memory_space<vmem>>) target(%dma_start3A_164 : memref<10240x64xf32, #tpu.memory_space<vmem_shared>>) offsets(%dma_start3A_161 : memref<128xi32, #tpu.memory_space<vmem>>) semaphore(%arg17 : memref<!tpu.dma_semaphore, #tpu.memory_space<semaphore_mem>>) {add = true}
      %dma_wait3A_165 = arith.constant 0 : i32
      %dma_wait3A_166 = tpu.memref_slice %arg7[%add3A_152, %dma_wait3A_165] : memref<40x128xi32, #tpu.memory_space<vmem>> -> memref<1x128xi32, #tpu.memory_space<vmem>>
      %dma_wait3A_167 = tpu.memref_squeeze %dma_wait3A_166 : memref<1x128xi32, #tpu.memory_space<vmem>> -> memref<128xi32, #tpu.memory_space<vmem>>
      %dma_wait3A_168 = arith.constant 0 : i32
      %dma_wait3A_169 = arith.constant 0 : i32
      %dma_wait3A_170 = tpu.memref_slice %arg12[%dma_wait3A_168, %dma_wait3A_169] : memref<10240x64xf32, #tpu.memory_space<vmem_shared>> -> memref<10240x64xf32, #tpu.memory_space<vmem_shared>>
      tpu.wait_indirect_dma semaphore(%arg17 : memref<!tpu.dma_semaphore, #tpu.memory_space<semaphore_mem>>) src(%arg11 : memref<128x64xf32, #tpu.memory_space<vmem>>) dst(%dma_wait3A_170 : memref<10240x64xf32, #tpu.memory_space<vmem_shared>>)
      %add3A_171 = arith.constant 4 : i32
      %add3A_172 = arith.addi %add3A_152, %add3A_171 : i32
      %lt3A_173 = arith.constant 40 : i32
      %lt3A_174 = arith.cmpi slt, %add3A_172, %lt3A_173 : i32
      %convert_element_type3A_175 = arith.extui %lt3A_174 : i1 to i32
      %cond3A_176 = arith.constant 0 : i32
      %cond3A_177 = arith.cmpi ne, %convert_element_type3A_175, %cond3A_176 : i32
      scf.if %cond3A_177 {
        %add3A_178 = arith.constant 4 : i32
        %add3A_179 = arith.addi %add3A_152, %add3A_178 : i32
        %dma_start3A_180 = arith.constant 0 : i32
        %dma_start3A_181 = tpu.memref_slice %arg6[%add3A_179, %dma_start3A_180] : memref<40x128xi32, #tpu.memory_space<vmem>> -> memref<1x128xi32, #tpu.memory_space<vmem>>
        %dma_start3A_182 = tpu.memref_squeeze %dma_start3A_181 : memref<1x128xi32, #tpu.memory_space<vmem>> -> memref<128xi32, #tpu.memory_space<vmem>>
        %dma_start3A_183 = arith.constant 0 : i32
        %dma_start3A_184 = arith.constant 0 : i32
        %dma_start3A_185 = tpu.memref_slice %arg2[%dma_start3A_183, %dma_start3A_184] : memref<10240x64xf32, #tpu.memory_space<hbm>> -> memref<10240x64xf32, #tpu.memory_space<hbm>>
        tpu.enqueue_indirect_dma source(%dma_start3A_185 : memref<10240x64xf32, #tpu.memory_space<hbm>>) target(%arg11 : memref<128x64xf32, #tpu.memory_space<vmem>>) offsets(%dma_start3A_182 : memref<128xi32, #tpu.memory_space<vmem>>) semaphore(%arg16 : memref<!tpu.dma_semaphore, #tpu.memory_space<semaphore_mem>>)
      } else {
      }
    }
    %scan3A_59 = arith.constant 10 : i32
    %barrier3A_60 = arith.constant 0 : index
    tpu.barrier barrier_id(%barrier3A_60)
    %mul3A_61 = arith.constant 640 : i32
    %mul3A_62 = arith.muli %arg1, %mul3A_61 : i32
    %mul3A_63 = arith.constant 640 : i32
    %mul3A_64 = arith.muli %arg1, %mul3A_63 : i32
    "tpu.region"() ({
      %run_scoped3A = tpu.sem_alloc : memref<!tpu.dma_semaphore, #tpu.memory_space<semaphore_mem>>
      %dma_start3A_65 = arith.constant 0 : i32
      %dma_start3A_66 = tpu.memref_slice %arg5[%arg0, %mul3A_64, %dma_start3A_65] : memref<2x10240x64xf32, #tpu.memory_space<hbm>> -> memref<1x640x64xf32, #tpu.memory_space<hbm>>
      %dma_start3A_67 = tpu.memref_squeeze %dma_start3A_66 : memref<1x640x64xf32, #tpu.memory_space<hbm>> -> memref<640x64xf32, #tpu.memory_space<hbm>>
      %dma_start3A_68 = arith.constant 0 : i32
      %dma_start3A_69 = tpu.memref_slice %arg12[%mul3A_62, %dma_start3A_68] : memref<10240x64xf32, #tpu.memory_space<vmem_shared>> -> memref<640x64xf32, #tpu.memory_space<vmem_shared>>
      tpu.enqueue_dma source(%dma_start3A_69 : memref<640x64xf32, #tpu.memory_space<vmem_shared>>) target(%dma_start3A_67 : memref<640x64xf32, #tpu.memory_space<hbm>>) target_semaphore(%run_scoped3A : memref<!tpu.dma_semaphore, #tpu.memory_space<semaphore_mem>>)
      %dma_wait3A = arith.constant 0 : i32
      %dma_wait3A_70 = tpu.memref_slice %arg5[%arg0, %mul3A_64, %dma_wait3A] : memref<2x10240x64xf32, #tpu.memory_space<hbm>> -> memref<1x640x64xf32, #tpu.memory_space<hbm>>
      %dma_wait3A_71 = tpu.memref_squeeze %dma_wait3A_70 : memref<1x640x64xf32, #tpu.memory_space<hbm>> -> memref<640x64xf32, #tpu.memory_space<hbm>>
      %dma_wait3A_72 = arith.constant 0 : i32
      %dma_wait3A_73 = tpu.memref_slice %arg12[%mul3A_62, %dma_wait3A_72] : memref<10240x64xf32, #tpu.memory_space<vmem_shared>> -> memref<640x64xf32, #tpu.memory_space<vmem_shared>>
      tpu.wait_dma2 semaphore(%run_scoped3A : memref<!tpu.dma_semaphore, #tpu.memory_space<semaphore_mem>>) src(%dma_wait3A_73 : memref<640x64xf32, #tpu.memory_space<vmem_shared>>) dst(%dma_wait3A_71 : memref<640x64xf32, #tpu.memory_space<hbm>>)
      tpu.yield
    }) : () -> ()
    return
  }
}

#map = affine_map<(d0, d1) -> (0, 0)>
#map1 = affine_map<(d0, d1) -> (0, 0, 0)>
module attributes {stable_mosaic.version = 14 : i64} {
  func.func @k(%arg0: i32, %arg1: i32, %arg2: memref<10240x128xf32, #tpu.memory_space<hbm>>, %arg3: memref<32x40x128xi32, #tpu.memory_space<hbm>>, %arg4: memref<32x40x128xi32, #tpu.memory_space<hbm>>, %arg5: memref<2x10240x128xf32, #tpu.memory_space<hbm>>, %arg6: memref<40x128xi32, #tpu.memory_space<vmem>>, %arg7: memref<40x128xi32, #tpu.memory_space<vmem>>, %arg8: memref<128x128xf32, #tpu.memory_space<vmem>>, %arg9: memref<128x128xf32, #tpu.memory_space<vmem>>, %arg10: memref<10240x128xf32, #tpu.memory_space<vmem_shared>>, %arg11: memref<!tpu.dma_semaphore, #tpu.memory_space<semaphore_mem>>, %arg12: memref<!tpu.dma_semaphore, #tpu.memory_space<semaphore_mem>>, %arg13: memref<!tpu.dma_semaphore, #tpu.memory_space<semaphore_mem>>) attributes {dimension_semantics = [#tpu.dimension_semantics<core_parallel>, #tpu.dimension_semantics<subcore_parallel>], iteration_bounds = array<i64: 2, 16>, scalar_prefetch = 0 : i64, scratch_operands = 8 : i64, tpu.core_type = #tpu.core_type<sc_vector_subcore>, window_params = [{transform_indices = #map}, {transform_indices = #map1}, {transform_indices = #map1}, {transform_indices = #map1}]} {
    %mul3A = arith.constant 16 : i32
    %mul3A_0 = arith.muli %arg0, %mul3A : i32
    %add3A = arith.addi %mul3A_0, %arg1 : i32
    %broadcast_in_dim3A = arith.constant 0.000000e+00 : f32
    %broadcast_in_dim3A_1 = vector.broadcast %broadcast_in_dim3A : f32 to vector<16xf32>
    %scan3A = arith.constant 0 : i32
    %scan3A_2 = arith.constant 0 : i32
    %scan3A_3 = arith.constant 128 : i32
    %scan3A_4 = arith.addi %scan3A_2, %scan3A_3 : i32
    %scan3A_5 = arith.constant 1 : i32
    scf.for %scan3A_51 = %scan3A_2 to %scan3A_4 step %scan3A_5  : i32 {
      %swap3A = arith.index_cast %scan3A_51 : i32 to index
      %swap3A_52 = arith.constant 0 : index
      %swap3A_53 = tpu.vector_load %arg8[%swap3A, %swap3A_52] {strides = array<i32>} : memref<128x128xf32, #tpu.memory_space<vmem>>, vector<1x16xf32>,
      %swap3A_54 = vector.shape_cast %swap3A_53 : vector<1x16xf32> to vector<16xf32>
      %swap3A_55 = vector.shape_cast %broadcast_in_dim3A_1 : vector<16xf32> to vector<1x16xf32>
      tpu.vector_store %arg8[%swap3A, %swap3A_52], %swap3A_55 {strides = array<i32>} : memref<128x128xf32, #tpu.memory_space<vmem>>, vector<1x16xf32>,
      %swap3A_56 = arith.index_cast %scan3A_51 : i32 to index
      %swap3A_57 = arith.constant 16 : index
      %swap3A_58 = tpu.vector_load %arg8[%swap3A_56, %swap3A_57] {strides = array<i32>} : memref<128x128xf32, #tpu.memory_space<vmem>>, vector<1x16xf32>,
      %swap3A_59 = vector.shape_cast %swap3A_58 : vector<1x16xf32> to vector<16xf32>
      %swap3A_60 = vector.shape_cast %broadcast_in_dim3A_1 : vector<16xf32> to vector<1x16xf32>
      tpu.vector_store %arg8[%swap3A_56, %swap3A_57], %swap3A_60 {strides = array<i32>} : memref<128x128xf32, #tpu.memory_space<vmem>>, vector<1x16xf32>,
      %swap3A_61 = arith.index_cast %scan3A_51 : i32 to index
      %swap3A_62 = arith.constant 32 : index
      %swap3A_63 = tpu.vector_load %arg8[%swap3A_61, %swap3A_62] {strides = array<i32>} : memref<128x128xf32, #tpu.memory_space<vmem>>, vector<1x16xf32>,
      %swap3A_64 = vector.shape_cast %swap3A_63 : vector<1x16xf32> to vector<16xf32>
      %swap3A_65 = vector.shape_cast %broadcast_in_dim3A_1 : vector<16xf32> to vector<1x16xf32>
      tpu.vector_store %arg8[%swap3A_61, %swap3A_62], %swap3A_65 {strides = array<i32>} : memref<128x128xf32, #tpu.memory_space<vmem>>, vector<1x16xf32>,
      %swap3A_66 = arith.index_cast %scan3A_51 : i32 to index
      %swap3A_67 = arith.constant 48 : index
      %swap3A_68 = tpu.vector_load %arg8[%swap3A_66, %swap3A_67] {strides = array<i32>} : memref<128x128xf32, #tpu.memory_space<vmem>>, vector<1x16xf32>,
      %swap3A_69 = vector.shape_cast %swap3A_68 : vector<1x16xf32> to vector<16xf32>
      %swap3A_70 = vector.shape_cast %broadcast_in_dim3A_1 : vector<16xf32> to vector<1x16xf32>
      tpu.vector_store %arg8[%swap3A_66, %swap3A_67], %swap3A_70 {strides = array<i32>} : memref<128x128xf32, #tpu.memory_space<vmem>>, vector<1x16xf32>,
      %swap3A_71 = arith.index_cast %scan3A_51 : i32 to index
      %swap3A_72 = arith.constant 64 : index
      %swap3A_73 = tpu.vector_load %arg8[%swap3A_71, %swap3A_72] {strides = array<i32>} : memref<128x128xf32, #tpu.memory_space<vmem>>, vector<1x16xf32>,
      %swap3A_74 = vector.shape_cast %swap3A_73 : vector<1x16xf32> to vector<16xf32>
      %swap3A_75 = vector.shape_cast %broadcast_in_dim3A_1 : vector<16xf32> to vector<1x16xf32>
      tpu.vector_store %arg8[%swap3A_71, %swap3A_72], %swap3A_75 {strides = array<i32>} : memref<128x128xf32, #tpu.memory_space<vmem>>, vector<1x16xf32>,
      %swap3A_76 = arith.index_cast %scan3A_51 : i32 to index
      %swap3A_77 = arith.constant 80 : index
      %swap3A_78 = tpu.vector_load %arg8[%swap3A_76, %swap3A_77] {strides = array<i32>} : memref<128x128xf32, #tpu.memory_space<vmem>>, vector<1x16xf32>,
      %swap3A_79 = vector.shape_cast %swap3A_78 : vector<1x16xf32> to vector<16xf32>
      %swap3A_80 = vector.shape_cast %broadcast_in_dim3A_1 : vector<16xf32> to vector<1x16xf32>
      tpu.vector_store %arg8[%swap3A_76, %swap3A_77], %swap3A_80 {strides = array<i32>} : memref<128x128xf32, #tpu.memory_space<vmem>>, vector<1x16xf32>,
      %swap3A_81 = arith.index_cast %scan3A_51 : i32 to index
      %swap3A_82 = arith.constant 96 : index
      %swap3A_83 = tpu.vector_load %arg8[%swap3A_81, %swap3A_82] {strides = array<i32>} : memref<128x128xf32, #tpu.memory_space<vmem>>, vector<1x16xf32>,
      %swap3A_84 = vector.shape_cast %swap3A_83 : vector<1x16xf32> to vector<16xf32>
      %swap3A_85 = vector.shape_cast %broadcast_in_dim3A_1 : vector<16xf32> to vector<1x16xf32>
      tpu.vector_store %arg8[%swap3A_81, %swap3A_82], %swap3A_85 {strides = array<i32>} : memref<128x128xf32, #tpu.memory_space<vmem>>, vector<1x16xf32>,
      %swap3A_86 = arith.index_cast %scan3A_51 : i32 to index
      %swap3A_87 = arith.constant 112 : index
      %swap3A_88 = tpu.vector_load %arg8[%swap3A_86, %swap3A_87] {strides = array<i32>} : memref<128x128xf32, #tpu.memory_space<vmem>>, vector<1x16xf32>,
      %swap3A_89 = vector.shape_cast %swap3A_88 : vector<1x16xf32> to vector<16xf32>
      %swap3A_90 = vector.shape_cast %broadcast_in_dim3A_1 : vector<16xf32> to vector<1x16xf32>
      tpu.vector_store %arg8[%swap3A_86, %swap3A_87], %swap3A_90 {strides = array<i32>} : memref<128x128xf32, #tpu.memory_space<vmem>>, vector<1x16xf32>,
    }
    %scan3A_6 = arith.constant 128 : i32
    %mul3A_7 = arith.constant 640 : i32
    %mul3A_8 = arith.muli %arg1, %mul3A_7 : i32
    %add3A_9 = arith.constant 0 : i32
    %add3A_10 = arith.addi %mul3A_8, %add3A_9 : i32
    "tpu.region"() ({
      %run_scoped3A = tpu.sem_alloc : memref<!tpu.dma_semaphore, #tpu.memory_space<semaphore_mem>>
      %dma_start3A_51 = arith.constant 0 : i32
      %dma_start3A_52 = tpu.memref_slice %arg10[%add3A_10, %dma_start3A_51] : memref<10240x128xf32, #tpu.memory_space<vmem_shared>> -> memref<128x128xf32, #tpu.memory_space<vmem_shared>>
      %dma_start3A_53 = arith.constant 0 : i32
      %dma_start3A_54 = tpu.memref_slice %arg10[%add3A_10, %dma_start3A_53] : memref<10240x128xf32, #tpu.memory_space<vmem_shared>> -> memref<128x128xf32, #tpu.memory_space<vmem_shared>>
      tpu.enqueue_dma source(%arg8 : memref<128x128xf32, #tpu.memory_space<vmem>>) target(%dma_start3A_54 : memref<128x128xf32, #tpu.memory_space<vmem_shared>>) target_semaphore(%run_scoped3A : memref<!tpu.dma_semaphore, #tpu.memory_space<semaphore_mem>>)
      %dma_wait3A = arith.constant 0 : i32
      %dma_wait3A_55 = tpu.memref_slice %arg10[%add3A_10, %dma_wait3A] : memref<10240x128xf32, #tpu.memory_space<vmem_shared>> -> memref<128x128xf32, #tpu.memory_space<vmem_shared>>
      %dma_wait3A_56 = arith.constant 0 : i32
      %dma_wait3A_57 = tpu.memref_slice %arg10[%add3A_10, %dma_wait3A_56] : memref<10240x128xf32, #tpu.memory_space<vmem_shared>> -> memref<128x128xf32, #tpu.memory_space<vmem_shared>>
      tpu.wait_dma2 semaphore(%run_scoped3A : memref<!tpu.dma_semaphore, #tpu.memory_space<semaphore_mem>>) src(%arg8 : memref<128x128xf32, #tpu.memory_space<vmem>>) dst(%dma_wait3A_57 : memref<128x128xf32, #tpu.memory_space<vmem_shared>>)
      tpu.yield
    }) : () -> ()
    %mul3A_11 = arith.constant 640 : i32
    %mul3A_12 = arith.muli %arg1, %mul3A_11 : i32
    %add3A_13 = arith.constant 128 : i32
    %add3A_14 = arith.addi %mul3A_12, %add3A_13 : i32
    "tpu.region"() ({
      %run_scoped3A = tpu.sem_alloc : memref<!tpu.dma_semaphore, #tpu.memory_space<semaphore_mem>>
      %dma_start3A_51 = arith.constant 0 : i32
      %dma_start3A_52 = tpu.memref_slice %arg10[%add3A_14, %dma_start3A_51] : memref<10240x128xf32, #tpu.memory_space<vmem_shared>> -> memref<128x128xf32, #tpu.memory_space<vmem_shared>>
      %dma_start3A_53 = arith.constant 0 : i32
      %dma_start3A_54 = tpu.memref_slice %arg10[%add3A_14, %dma_start3A_53] : memref<10240x128xf32, #tpu.memory_space<vmem_shared>> -> memref<128x128xf32, #tpu.memory_space<vmem_shared>>
      tpu.enqueue_dma source(%arg8 : memref<128x128xf32, #tpu.memory_space<vmem>>) target(%dma_start3A_54 : memref<128x128xf32, #tpu.memory_space<vmem_shared>>) target_semaphore(%run_scoped3A : memref<!tpu.dma_semaphore, #tpu.memory_space<semaphore_mem>>)
      %dma_wait3A = arith.constant 0 : i32
      %dma_wait3A_55 = tpu.memref_slice %arg10[%add3A_14, %dma_wait3A] : memref<10240x128xf32, #tpu.memory_space<vmem_shared>> -> memref<128x128xf32, #tpu.memory_space<vmem_shared>>
      %dma_wait3A_56 = arith.constant 0 : i32
      %dma_wait3A_57 = tpu.memref_slice %arg10[%add3A_14, %dma_wait3A_56] : memref<10240x128xf32, #tpu.memory_space<vmem_shared>> -> memref<128x128xf32, #tpu.memory_space<vmem_shared>>
      tpu.wait_dma2 semaphore(%run_scoped3A : memref<!tpu.dma_semaphore, #tpu.memory_space<semaphore_mem>>) src(%arg8 : memref<128x128xf32, #tpu.memory_space<vmem>>) dst(%dma_wait3A_57 : memref<128x128xf32, #tpu.memory_space<vmem_shared>>)
      tpu.yield
    }) : () -> ()
    %mul3A_15 = arith.constant 640 : i32
    %mul3A_16 = arith.muli %arg1, %mul3A_15 : i32
    %add3A_17 = arith.constant 256 : i32
    %add3A_18 = arith.addi %mul3A_16, %add3A_17 : i32
    "tpu.region"() ({
      %run_scoped3A = tpu.sem_alloc : memref<!tpu.dma_semaphore, #tpu.memory_space<semaphore_mem>>
      %dma_start3A_51 = arith.constant 0 : i32
      %dma_start3A_52 = tpu.memref_slice %arg10[%add3A_18, %dma_start3A_51] : memref<10240x128xf32, #tpu.memory_space<vmem_shared>> -> memref<128x128xf32, #tpu.memory_space<vmem_shared>>
      %dma_start3A_53 = arith.constant 0 : i32
      %dma_start3A_54 = tpu.memref_slice %arg10[%add3A_18, %dma_start3A_53] : memref<10240x128xf32, #tpu.memory_space<vmem_shared>> -> memref<128x128xf32, #tpu.memory_space<vmem_shared>>
      tpu.enqueue_dma source(%arg8 : memref<128x128xf32, #tpu.memory_space<vmem>>) target(%dma_start3A_54 : memref<128x128xf32, #tpu.memory_space<vmem_shared>>) target_semaphore(%run_scoped3A : memref<!tpu.dma_semaphore, #tpu.memory_space<semaphore_mem>>)
      %dma_wait3A = arith.constant 0 : i32
      %dma_wait3A_55 = tpu.memref_slice %arg10[%add3A_18, %dma_wait3A] : memref<10240x128xf32, #tpu.memory_space<vmem_shared>> -> memref<128x128xf32, #tpu.memory_space<vmem_shared>>
      %dma_wait3A_56 = arith.constant 0 : i32
      %dma_wait3A_57 = tpu.memref_slice %arg10[%add3A_18, %dma_wait3A_56] : memref<10240x128xf32, #tpu.memory_space<vmem_shared>> -> memref<128x128xf32, #tpu.memory_space<vmem_shared>>
      tpu.wait_dma2 semaphore(%run_scoped3A : memref<!tpu.dma_semaphore, #tpu.memory_space<semaphore_mem>>) src(%arg8 : memref<128x128xf32, #tpu.memory_space<vmem>>) dst(%dma_wait3A_57 : memref<128x128xf32, #tpu.memory_space<vmem_shared>>)
      tpu.yield
    }) : () -> ()
    %mul3A_19 = arith.constant 640 : i32
    %mul3A_20 = arith.muli %arg1, %mul3A_19 : i32
    %add3A_21 = arith.constant 384 : i32
    %add3A_22 = arith.addi %mul3A_20, %add3A_21 : i32
    "tpu.region"() ({
      %run_scoped3A = tpu.sem_alloc : memref<!tpu.dma_semaphore, #tpu.memory_space<semaphore_mem>>
      %dma_start3A_51 = arith.constant 0 : i32
      %dma_start3A_52 = tpu.memref_slice %arg10[%add3A_22, %dma_start3A_51] : memref<10240x128xf32, #tpu.memory_space<vmem_shared>> -> memref<128x128xf32, #tpu.memory_space<vmem_shared>>
      %dma_start3A_53 = arith.constant 0 : i32
      %dma_start3A_54 = tpu.memref_slice %arg10[%add3A_22, %dma_start3A_53] : memref<10240x128xf32, #tpu.memory_space<vmem_shared>> -> memref<128x128xf32, #tpu.memory_space<vmem_shared>>
      tpu.enqueue_dma source(%arg8 : memref<128x128xf32, #tpu.memory_space<vmem>>) target(%dma_start3A_54 : memref<128x128xf32, #tpu.memory_space<vmem_shared>>) target_semaphore(%run_scoped3A : memref<!tpu.dma_semaphore, #tpu.memory_space<semaphore_mem>>)
      %dma_wait3A = arith.constant 0 : i32
      %dma_wait3A_55 = tpu.memref_slice %arg10[%add3A_22, %dma_wait3A] : memref<10240x128xf32, #tpu.memory_space<vmem_shared>> -> memref<128x128xf32, #tpu.memory_space<vmem_shared>>
      %dma_wait3A_56 = arith.constant 0 : i32
      %dma_wait3A_57 = tpu.memref_slice %arg10[%add3A_22, %dma_wait3A_56] : memref<10240x128xf32, #tpu.memory_space<vmem_shared>> -> memref<128x128xf32, #tpu.memory_space<vmem_shared>>
      tpu.wait_dma2 semaphore(%run_scoped3A : memref<!tpu.dma_semaphore, #tpu.memory_space<semaphore_mem>>) src(%arg8 : memref<128x128xf32, #tpu.memory_space<vmem>>) dst(%dma_wait3A_57 : memref<128x128xf32, #tpu.memory_space<vmem_shared>>)
      tpu.yield
    }) : () -> ()
    %mul3A_23 = arith.constant 640 : i32
    %mul3A_24 = arith.muli %arg1, %mul3A_23 : i32
    %add3A_25 = arith.constant 512 : i32
    %add3A_26 = arith.addi %mul3A_24, %add3A_25 : i32
    "tpu.region"() ({
      %run_scoped3A = tpu.sem_alloc : memref<!tpu.dma_semaphore, #tpu.memory_space<semaphore_mem>>
      %dma_start3A_51 = arith.constant 0 : i32
      %dma_start3A_52 = tpu.memref_slice %arg10[%add3A_26, %dma_start3A_51] : memref<10240x128xf32, #tpu.memory_space<vmem_shared>> -> memref<128x128xf32, #tpu.memory_space<vmem_shared>>
      %dma_start3A_53 = arith.constant 0 : i32
      %dma_start3A_54 = tpu.memref_slice %arg10[%add3A_26, %dma_start3A_53] : memref<10240x128xf32, #tpu.memory_space<vmem_shared>> -> memref<128x128xf32, #tpu.memory_space<vmem_shared>>
      tpu.enqueue_dma source(%arg8 : memref<128x128xf32, #tpu.memory_space<vmem>>) target(%dma_start3A_54 : memref<128x128xf32, #tpu.memory_space<vmem_shared>>) target_semaphore(%run_scoped3A : memref<!tpu.dma_semaphore, #tpu.memory_space<semaphore_mem>>)
      %dma_wait3A = arith.constant 0 : i32
      %dma_wait3A_55 = tpu.memref_slice %arg10[%add3A_26, %dma_wait3A] : memref<10240x128xf32, #tpu.memory_space<vmem_shared>> -> memref<128x128xf32, #tpu.memory_space<vmem_shared>>
      %dma_wait3A_56 = arith.constant 0 : i32
      %dma_wait3A_57 = tpu.memref_slice %arg10[%add3A_26, %dma_wait3A_56] : memref<10240x128xf32, #tpu.memory_space<vmem_shared>> -> memref<128x128xf32, #tpu.memory_space<vmem_shared>>
      tpu.wait_dma2 semaphore(%run_scoped3A : memref<!tpu.dma_semaphore, #tpu.memory_space<semaphore_mem>>) src(%arg8 : memref<128x128xf32, #tpu.memory_space<vmem>>) dst(%dma_wait3A_57 : memref<128x128xf32, #tpu.memory_space<vmem_shared>>)
      tpu.yield
    }) : () -> ()
    "tpu.region"() ({
      %run_scoped3A = tpu.sem_alloc : memref<!tpu.dma_semaphore, #tpu.memory_space<semaphore_mem>>
      %dma_start3A_51 = arith.constant 0 : i32
      %dma_start3A_52 = arith.constant 0 : i32
      %dma_start3A_53 = tpu.memref_slice %arg3[%add3A, %dma_start3A_51, %dma_start3A_52] : memref<32x40x128xi32, #tpu.memory_space<hbm>> -> memref<1x40x128xi32, #tpu.memory_space<hbm>>
      %dma_start3A_54 = tpu.memref_squeeze %dma_start3A_53 : memref<1x40x128xi32, #tpu.memory_space<hbm>> -> memref<40x128xi32, #tpu.memory_space<hbm>>
      %dma_start3A_55 = arith.constant 0 : i32
      %dma_start3A_56 = arith.constant 0 : i32
      %dma_start3A_57 = tpu.memref_slice %arg3[%add3A, %dma_start3A_55, %dma_start3A_56] : memref<32x40x128xi32, #tpu.memory_space<hbm>> -> memref<1x40x128xi32, #tpu.memory_space<hbm>>
      %dma_start3A_58 = tpu.memref_squeeze %dma_start3A_57 : memref<1x40x128xi32, #tpu.memory_space<hbm>> -> memref<40x128xi32, #tpu.memory_space<hbm>>
      tpu.enqueue_dma source(%dma_start3A_58 : memref<40x128xi32, #tpu.memory_space<hbm>>) target(%arg6 : memref<40x128xi32, #tpu.memory_space<vmem>>) target_semaphore(%run_scoped3A : memref<!tpu.dma_semaphore, #tpu.memory_space<semaphore_mem>>)
      %dma_wait3A = arith.constant 0 : i32
      %dma_wait3A_59 = arith.constant 0 : i32
      %dma_wait3A_60 = tpu.memref_slice %arg3[%add3A, %dma_wait3A, %dma_wait3A_59] : memref<32x40x128xi32, #tpu.memory_space<hbm>> -> memref<1x40x128xi32, #tpu.memory_space<hbm>>
      %dma_wait3A_61 = tpu.memref_squeeze %dma_wait3A_60 : memref<1x40x128xi32, #tpu.memory_space<hbm>> -> memref<40x128xi32, #tpu.memory_space<hbm>>
      %dma_wait3A_62 = arith.constant 0 : i32
      %dma_wait3A_63 = arith.constant 0 : i32
      %dma_wait3A_64 = tpu.memref_slice %arg3[%add3A, %dma_wait3A_62, %dma_wait3A_63] : memref<32x40x128xi32, #tpu.memory_space<hbm>> -> memref<1x40x128xi32, #tpu.memory_space<hbm>>
      %dma_wait3A_65 = tpu.memref_squeeze %dma_wait3A_64 : memref<1x40x128xi32, #tpu.memory_space<hbm>> -> memref<40x128xi32, #tpu.memory_space<hbm>>
      tpu.wait_dma2 semaphore(%run_scoped3A : memref<!tpu.dma_semaphore, #tpu.memory_space<semaphore_mem>>) src(%dma_wait3A_65 : memref<40x128xi32, #tpu.memory_space<hbm>>) dst(%arg6 : memref<40x128xi32, #tpu.memory_space<vmem>>)
      tpu.yield
    }) : () -> ()
    "tpu.region"() ({
      %run_scoped3A = tpu.sem_alloc : memref<!tpu.dma_semaphore, #tpu.memory_space<semaphore_mem>>
      %dma_start3A_51 = arith.constant 0 : i32
      %dma_start3A_52 = arith.constant 0 : i32
      %dma_start3A_53 = tpu.memref_slice %arg4[%add3A, %dma_start3A_51, %dma_start3A_52] : memref<32x40x128xi32, #tpu.memory_space<hbm>> -> memref<1x40x128xi32, #tpu.memory_space<hbm>>
      %dma_start3A_54 = tpu.memref_squeeze %dma_start3A_53 : memref<1x40x128xi32, #tpu.memory_space<hbm>> -> memref<40x128xi32, #tpu.memory_space<hbm>>
      %dma_start3A_55 = arith.constant 0 : i32
      %dma_start3A_56 = arith.constant 0 : i32
      %dma_start3A_57 = tpu.memref_slice %arg4[%add3A, %dma_start3A_55, %dma_start3A_56] : memref<32x40x128xi32, #tpu.memory_space<hbm>> -> memref<1x40x128xi32, #tpu.memory_space<hbm>>
      %dma_start3A_58 = tpu.memref_squeeze %dma_start3A_57 : memref<1x40x128xi32, #tpu.memory_space<hbm>> -> memref<40x128xi32, #tpu.memory_space<hbm>>
      tpu.enqueue_dma source(%dma_start3A_58 : memref<40x128xi32, #tpu.memory_space<hbm>>) target(%arg7 : memref<40x128xi32, #tpu.memory_space<vmem>>) target_semaphore(%run_scoped3A : memref<!tpu.dma_semaphore, #tpu.memory_space<semaphore_mem>>)
      %dma_wait3A = arith.constant 0 : i32
      %dma_wait3A_59 = arith.constant 0 : i32
      %dma_wait3A_60 = tpu.memref_slice %arg4[%add3A, %dma_wait3A, %dma_wait3A_59] : memref<32x40x128xi32, #tpu.memory_space<hbm>> -> memref<1x40x128xi32, #tpu.memory_space<hbm>>
      %dma_wait3A_61 = tpu.memref_squeeze %dma_wait3A_60 : memref<1x40x128xi32, #tpu.memory_space<hbm>> -> memref<40x128xi32, #tpu.memory_space<hbm>>
      %dma_wait3A_62 = arith.constant 0 : i32
      %dma_wait3A_63 = arith.constant 0 : i32
      %dma_wait3A_64 = tpu.memref_slice %arg4[%add3A, %dma_wait3A_62, %dma_wait3A_63] : memref<32x40x128xi32, #tpu.memory_space<hbm>> -> memref<1x40x128xi32, #tpu.memory_space<hbm>>
      %dma_wait3A_65 = tpu.memref_squeeze %dma_wait3A_64 : memref<1x40x128xi32, #tpu.memory_space<hbm>> -> memref<40x128xi32, #tpu.memory_space<hbm>>
      tpu.wait_dma2 semaphore(%run_scoped3A : memref<!tpu.dma_semaphore, #tpu.memory_space<semaphore_mem>>) src(%dma_wait3A_65 : memref<40x128xi32, #tpu.memory_space<hbm>>) dst(%arg7 : memref<40x128xi32, #tpu.memory_space<vmem>>)
      tpu.yield
    }) : () -> ()
    %barrier3A = arith.constant 0 : index
    tpu.barrier barrier_id(%barrier3A)
    %dma_start3A = arith.constant 0 : i32
    %dma_start3A_27 = arith.constant 0 : i32
    %dma_start3A_28 = tpu.memref_slice %arg6[%dma_start3A, %dma_start3A_27] : memref<40x128xi32, #tpu.memory_space<vmem>> -> memref<1x128xi32, #tpu.memory_space<vmem>>
    %dma_start3A_29 = tpu.memref_squeeze %dma_start3A_28 : memref<1x128xi32, #tpu.memory_space<vmem>> -> memref<128xi32, #tpu.memory_space<vmem>>
    %dma_start3A_30 = arith.constant 0 : i32
    %dma_start3A_31 = arith.constant 0 : i32
    %dma_start3A_32 = tpu.memref_slice %arg2[%dma_start3A_30, %dma_start3A_31] : memref<10240x128xf32, #tpu.memory_space<hbm>> -> memref<10240x128xf32, #tpu.memory_space<hbm>>
    tpu.enqueue_indirect_dma source(%dma_start3A_32 : memref<10240x128xf32, #tpu.memory_space<hbm>>) target(%arg8 : memref<128x128xf32, #tpu.memory_space<vmem>>) offsets(%dma_start3A_29 : memref<128xi32, #tpu.memory_space<vmem>>) semaphore(%arg11 : memref<!tpu.dma_semaphore, #tpu.memory_space<semaphore_mem>>)
    %dma_start3A_33 = arith.constant 1 : i32
    %dma_start3A_34 = arith.constant 0 : i32
    %dma_start3A_35 = tpu.memref_slice %arg6[%dma_start3A_33, %dma_start3A_34] : memref<40x128xi32, #tpu.memory_space<vmem>> -> memref<1x128xi32, #tpu.memory_space<vmem>>
    %dma_start3A_36 = tpu.memref_squeeze %dma_start3A_35 : memref<1x128xi32, #tpu.memory_space<vmem>> -> memref<128xi32, #tpu.memory_space<vmem>>
    %dma_start3A_37 = arith.constant 0 : i32
    %dma_start3A_38 = arith.constant 0 : i32
    %dma_start3A_39 = tpu.memref_slice %arg2[%dma_start3A_37, %dma_start3A_38] : memref<10240x128xf32, #tpu.memory_space<hbm>> -> memref<10240x128xf32, #tpu.memory_space<hbm>>
    tpu.enqueue_indirect_dma source(%dma_start3A_39 : memref<10240x128xf32, #tpu.memory_space<hbm>>) target(%arg9 : memref<128x128xf32, #tpu.memory_space<vmem>>) offsets(%dma_start3A_36 : memref<128xi32, #tpu.memory_space<vmem>>) semaphore(%arg12 : memref<!tpu.dma_semaphore, #tpu.memory_space<semaphore_mem>>)
    %scan3A_40 = arith.constant 0 : i32
    %scan3A_41 = arith.constant 0 : i32
    %scan3A_42 = arith.constant 20 : i32
    %scan3A_43 = arith.addi %scan3A_41, %scan3A_42 : i32
    %scan3A_44 = arith.constant 1 : i32
    scf.for %scan3A_51 = %scan3A_41 to %scan3A_43 step %scan3A_44  : i32 {
      %mul3A_52 = arith.constant 2 : i32
      %mul3A_53 = arith.muli %mul3A_52, %scan3A_51 : i32
      %add3A_54 = arith.constant 0 : i32
      %add3A_55 = arith.addi %mul3A_53, %add3A_54 : i32
      %dma_wait3A = arith.constant 0 : i32
      %dma_wait3A_56 = tpu.memref_slice %arg6[%add3A_55, %dma_wait3A] : memref<40x128xi32, #tpu.memory_space<vmem>> -> memref<1x128xi32, #tpu.memory_space<vmem>>
      %dma_wait3A_57 = tpu.memref_squeeze %dma_wait3A_56 : memref<1x128xi32, #tpu.memory_space<vmem>> -> memref<128xi32, #tpu.memory_space<vmem>>
      %dma_wait3A_58 = arith.constant 0 : i32
      %dma_wait3A_59 = arith.constant 0 : i32
      %dma_wait3A_60 = tpu.memref_slice %arg2[%dma_wait3A_58, %dma_wait3A_59] : memref<10240x128xf32, #tpu.memory_space<hbm>> -> memref<10240x128xf32, #tpu.memory_space<hbm>>
      tpu.wait_indirect_dma semaphore(%arg11 : memref<!tpu.dma_semaphore, #tpu.memory_space<semaphore_mem>>) src(%dma_wait3A_60 : memref<10240x128xf32, #tpu.memory_space<hbm>>) dst(%arg8 : memref<128x128xf32, #tpu.memory_space<vmem>>)
      %dma_start3A_61 = arith.constant 0 : i32
      %dma_start3A_62 = tpu.memref_slice %arg7[%add3A_55, %dma_start3A_61] : memref<40x128xi32, #tpu.memory_space<vmem>> -> memref<1x128xi32, #tpu.memory_space<vmem>>
      %dma_start3A_63 = tpu.memref_squeeze %dma_start3A_62 : memref<1x128xi32, #tpu.memory_space<vmem>> -> memref<128xi32, #tpu.memory_space<vmem>>
      %dma_start3A_64 = arith.constant 0 : i32
      %dma_start3A_65 = arith.constant 0 : i32
      %dma_start3A_66 = tpu.memref_slice %arg10[%dma_start3A_64, %dma_start3A_65] : memref<10240x128xf32, #tpu.memory_space<vmem_shared>> -> memref<10240x128xf32, #tpu.memory_space<vmem_shared>>
      tpu.enqueue_indirect_dma source(%arg8 : memref<128x128xf32, #tpu.memory_space<vmem>>) target(%dma_start3A_66 : memref<10240x128xf32, #tpu.memory_space<vmem_shared>>) offsets(%dma_start3A_63 : memref<128xi32, #tpu.memory_space<vmem>>) semaphore(%arg13 : memref<!tpu.dma_semaphore, #tpu.memory_space<semaphore_mem>>) {add = true}
      %dma_wait3A_67 = arith.constant 0 : i32
      %dma_wait3A_68 = tpu.memref_slice %arg7[%add3A_55, %dma_wait3A_67] : memref<40x128xi32, #tpu.memory_space<vmem>> -> memref<1x128xi32, #tpu.memory_space<vmem>>
      %dma_wait3A_69 = tpu.memref_squeeze %dma_wait3A_68 : memref<1x128xi32, #tpu.memory_space<vmem>> -> memref<128xi32, #tpu.memory_space<vmem>>
      %dma_wait3A_70 = arith.constant 0 : i32
      %dma_wait3A_71 = arith.constant 0 : i32
      %dma_wait3A_72 = tpu.memref_slice %arg10[%dma_wait3A_70, %dma_wait3A_71] : memref<10240x128xf32, #tpu.memory_space<vmem_shared>> -> memref<10240x128xf32, #tpu.memory_space<vmem_shared>>
      tpu.wait_indirect_dma semaphore(%arg13 : memref<!tpu.dma_semaphore, #tpu.memory_space<semaphore_mem>>) src(%arg8 : memref<128x128xf32, #tpu.memory_space<vmem>>) dst(%dma_wait3A_72 : memref<10240x128xf32, #tpu.memory_space<vmem_shared>>)
      %add3A_73 = arith.constant 2 : i32
      %add3A_74 = arith.addi %add3A_55, %add3A_73 : i32
      %lt3A = arith.constant 40 : i32
      %lt3A_75 = arith.cmpi slt, %add3A_74, %lt3A : i32
      %convert_element_type3A = arith.extui %lt3A_75 : i1 to i32
      %cond3A = arith.constant 0 : i32
      %cond3A_76 = arith.cmpi ne, %convert_element_type3A, %cond3A : i32
      scf.if %cond3A_76 {
        %add3A_106 = arith.constant 2 : i32
        %add3A_107 = arith.addi %add3A_55, %add3A_106 : i32
        %dma_start3A_108 = arith.constant 0 : i32
        %dma_start3A_109 = tpu.memref_slice %arg6[%add3A_107, %dma_start3A_108] : memref<40x128xi32, #tpu.memory_space<vmem>> -> memref<1x128xi32, #tpu.memory_space<vmem>>
        %dma_start3A_110 = tpu.memref_squeeze %dma_start3A_109 : memref<1x128xi32, #tpu.memory_space<vmem>> -> memref<128xi32, #tpu.memory_space<vmem>>
        %dma_start3A_111 = arith.constant 0 : i32
        %dma_start3A_112 = arith.constant 0 : i32
        %dma_start3A_113 = tpu.memref_slice %arg2[%dma_start3A_111, %dma_start3A_112] : memref<10240x128xf32, #tpu.memory_space<hbm>> -> memref<10240x128xf32, #tpu.memory_space<hbm>>
        tpu.enqueue_indirect_dma source(%dma_start3A_113 : memref<10240x128xf32, #tpu.memory_space<hbm>>) target(%arg8 : memref<128x128xf32, #tpu.memory_space<vmem>>) offsets(%dma_start3A_110 : memref<128xi32, #tpu.memory_space<vmem>>) semaphore(%arg11 : memref<!tpu.dma_semaphore, #tpu.memory_space<semaphore_mem>>)
      } else {
      }
      %mul3A_77 = arith.constant 2 : i32
      %mul3A_78 = arith.muli %mul3A_77, %scan3A_51 : i32
      %add3A_79 = arith.constant 1 : i32
      %add3A_80 = arith.addi %mul3A_78, %add3A_79 : i32
      %dma_wait3A_81 = arith.constant 0 : i32
      %dma_wait3A_82 = tpu.memref_slice %arg6[%add3A_80, %dma_wait3A_81] : memref<40x128xi32, #tpu.memory_space<vmem>> -> memref<1x128xi32, #tpu.memory_space<vmem>>
      %dma_wait3A_83 = tpu.memref_squeeze %dma_wait3A_82 : memref<1x128xi32, #tpu.memory_space<vmem>> -> memref<128xi32, #tpu.memory_space<vmem>>
      %dma_wait3A_84 = arith.constant 0 : i32
      %dma_wait3A_85 = arith.constant 0 : i32
      %dma_wait3A_86 = tpu.memref_slice %arg2[%dma_wait3A_84, %dma_wait3A_85] : memref<10240x128xf32, #tpu.memory_space<hbm>> -> memref<10240x128xf32, #tpu.memory_space<hbm>>
      tpu.wait_indirect_dma semaphore(%arg12 : memref<!tpu.dma_semaphore, #tpu.memory_space<semaphore_mem>>) src(%dma_wait3A_86 : memref<10240x128xf32, #tpu.memory_space<hbm>>) dst(%arg9 : memref<128x128xf32, #tpu.memory_space<vmem>>)
      %dma_start3A_87 = arith.constant 0 : i32
      %dma_start3A_88 = tpu.memref_slice %arg7[%add3A_80, %dma_start3A_87] : memref<40x128xi32, #tpu.memory_space<vmem>> -> memref<1x128xi32, #tpu.memory_space<vmem>>
      %dma_start3A_89 = tpu.memref_squeeze %dma_start3A_88 : memref<1x128xi32, #tpu.memory_space<vmem>> -> memref<128xi32, #tpu.memory_space<vmem>>
      %dma_start3A_90 = arith.constant 0 : i32
      %dma_start3A_91 = arith.constant 0 : i32
      %dma_start3A_92 = tpu.memref_slice %arg10[%dma_start3A_90, %dma_start3A_91] : memref<10240x128xf32, #tpu.memory_space<vmem_shared>> -> memref<10240x128xf32, #tpu.memory_space<vmem_shared>>
      tpu.enqueue_indirect_dma source(%arg9 : memref<128x128xf32, #tpu.memory_space<vmem>>) target(%dma_start3A_92 : memref<10240x128xf32, #tpu.memory_space<vmem_shared>>) offsets(%dma_start3A_89 : memref<128xi32, #tpu.memory_space<vmem>>) semaphore(%arg13 : memref<!tpu.dma_semaphore, #tpu.memory_space<semaphore_mem>>) {add = true}
      %dma_wait3A_93 = arith.constant 0 : i32
      %dma_wait3A_94 = tpu.memref_slice %arg7[%add3A_80, %dma_wait3A_93] : memref<40x128xi32, #tpu.memory_space<vmem>> -> memref<1x128xi32, #tpu.memory_space<vmem>>
      %dma_wait3A_95 = tpu.memref_squeeze %dma_wait3A_94 : memref<1x128xi32, #tpu.memory_space<vmem>> -> memref<128xi32, #tpu.memory_space<vmem>>
      %dma_wait3A_96 = arith.constant 0 : i32
      %dma_wait3A_97 = arith.constant 0 : i32
      %dma_wait3A_98 = tpu.memref_slice %arg10[%dma_wait3A_96, %dma_wait3A_97] : memref<10240x128xf32, #tpu.memory_space<vmem_shared>> -> memref<10240x128xf32, #tpu.memory_space<vmem_shared>>
      tpu.wait_indirect_dma semaphore(%arg13 : memref<!tpu.dma_semaphore, #tpu.memory_space<semaphore_mem>>) src(%arg9 : memref<128x128xf32, #tpu.memory_space<vmem>>) dst(%dma_wait3A_98 : memref<10240x128xf32, #tpu.memory_space<vmem_shared>>)
      %add3A_99 = arith.constant 2 : i32
      %add3A_100 = arith.addi %add3A_80, %add3A_99 : i32
      %lt3A_101 = arith.constant 40 : i32
      %lt3A_102 = arith.cmpi slt, %add3A_100, %lt3A_101 : i32
      %convert_element_type3A_103 = arith.extui %lt3A_102 : i1 to i32
      %cond3A_104 = arith.constant 0 : i32
      %cond3A_105 = arith.cmpi ne, %convert_element_type3A_103, %cond3A_104 : i32
      scf.if %cond3A_105 {
        %add3A_106 = arith.constant 2 : i32
        %add3A_107 = arith.addi %add3A_80, %add3A_106 : i32
        %dma_start3A_108 = arith.constant 0 : i32
        %dma_start3A_109 = tpu.memref_slice %arg6[%add3A_107, %dma_start3A_108] : memref<40x128xi32, #tpu.memory_space<vmem>> -> memref<1x128xi32, #tpu.memory_space<vmem>>
        %dma_start3A_110 = tpu.memref_squeeze %dma_start3A_109 : memref<1x128xi32, #tpu.memory_space<vmem>> -> memref<128xi32, #tpu.memory_space<vmem>>
        %dma_start3A_111 = arith.constant 0 : i32
        %dma_start3A_112 = arith.constant 0 : i32
        %dma_start3A_113 = tpu.memref_slice %arg2[%dma_start3A_111, %dma_start3A_112] : memref<10240x128xf32, #tpu.memory_space<hbm>> -> memref<10240x128xf32, #tpu.memory_space<hbm>>
        tpu.enqueue_indirect_dma source(%dma_start3A_113 : memref<10240x128xf32, #tpu.memory_space<hbm>>) target(%arg9 : memref<128x128xf32, #tpu.memory_space<vmem>>) offsets(%dma_start3A_110 : memref<128xi32, #tpu.memory_space<vmem>>) semaphore(%arg12 : memref<!tpu.dma_semaphore, #tpu.memory_space<semaphore_mem>>)
      } else {
      }
    }
    %scan3A_45 = arith.constant 20 : i32
    %barrier3A_46 = arith.constant 0 : index
    tpu.barrier barrier_id(%barrier3A_46)
    %mul3A_47 = arith.constant 640 : i32
    %mul3A_48 = arith.muli %arg1, %mul3A_47 : i32
    %mul3A_49 = arith.constant 640 : i32
    %mul3A_50 = arith.muli %arg1, %mul3A_49 : i32
    "tpu.region"() ({
      %run_scoped3A = tpu.sem_alloc : memref<!tpu.dma_semaphore, #tpu.memory_space<semaphore_mem>>
      %dma_start3A_51 = arith.constant 0 : i32
      %dma_start3A_52 = tpu.memref_slice %arg5[%arg0, %mul3A_50, %dma_start3A_51] : memref<2x10240x128xf32, #tpu.memory_space<hbm>> -> memref<1x640x128xf32, #tpu.memory_space<hbm>>
      %dma_start3A_53 = tpu.memref_squeeze %dma_start3A_52 : memref<1x640x128xf32, #tpu.memory_space<hbm>> -> memref<640x128xf32, #tpu.memory_space<hbm>>
      %dma_start3A_54 = arith.constant 0 : i32
      %dma_start3A_55 = tpu.memref_slice %arg10[%mul3A_48, %dma_start3A_54] : memref<10240x128xf32, #tpu.memory_space<vmem_shared>> -> memref<640x128xf32, #tpu.memory_space<vmem_shared>>
      tpu.enqueue_dma source(%dma_start3A_55 : memref<640x128xf32, #tpu.memory_space<vmem_shared>>) target(%dma_start3A_53 : memref<640x128xf32, #tpu.memory_space<hbm>>) target_semaphore(%run_scoped3A : memref<!tpu.dma_semaphore, #tpu.memory_space<semaphore_mem>>)
      %dma_wait3A = arith.constant 0 : i32
      %dma_wait3A_56 = tpu.memref_slice %arg5[%arg0, %mul3A_50, %dma_wait3A] : memref<2x10240x128xf32, #tpu.memory_space<hbm>> -> memref<1x640x128xf32, #tpu.memory_space<hbm>>
      %dma_wait3A_57 = tpu.memref_squeeze %dma_wait3A_56 : memref<1x640x128xf32, #tpu.memory_space<hbm>> -> memref<640x128xf32, #tpu.memory_space<hbm>>
      %dma_wait3A_58 = arith.constant 0 : i32
      %dma_wait3A_59 = tpu.memref_slice %arg10[%mul3A_48, %dma_wait3A_58] : memref<10240x128xf32, #tpu.memory_space<vmem_shared>> -> memref<640x128xf32, #tpu.memory_space<vmem_shared>>
      tpu.wait_dma2 semaphore(%run_scoped3A : memref<!tpu.dma_semaphore, #tpu.memory_space<semaphore_mem>>) src(%dma_wait3A_59 : memref<640x128xf32, #tpu.memory_space<vmem_shared>>) dst(%dma_wait3A_57 : memref<640x128xf32, #tpu.memory_space<hbm>>)
      tpu.yield
    }) : () -> ()
    return
  }
}

#map = affine_map<(d0, d1) -> (0, 0)>
#map1 = affine_map<(d0, d1) -> (0, 0, 0)>
module attributes {stable_mosaic.version = 14 : i64} {
  func.func @k(%arg0: i32, %arg1: i32, %arg2: memref<10240x128xf32, #tpu.memory_space<hbm>>, %arg3: memref<32x40x128xi32, #tpu.memory_space<hbm>>, %arg4: memref<32x40x128xi32, #tpu.memory_space<hbm>>, %arg5: memref<2x10240x128xf32, #tpu.memory_space<hbm>>, %arg6: memref<40x128xi32, #tpu.memory_space<vmem>>, %arg7: memref<40x128xi32, #tpu.memory_space<vmem>>, %arg8: memref<128x128xf32, #tpu.memory_space<vmem>>, %arg9: memref<128x128xf32, #tpu.memory_space<vmem>>, %arg10: memref<10240x128xf32, #tpu.memory_space<vmem_shared>>, %arg11: memref<!tpu.dma_semaphore, #tpu.memory_space<semaphore_mem>>, %arg12: memref<!tpu.dma_semaphore, #tpu.memory_space<semaphore_mem>>, %arg13: memref<!tpu.dma_semaphore, #tpu.memory_space<semaphore_mem>>) attributes {dimension_semantics = [#tpu.dimension_semantics<core_parallel>, #tpu.dimension_semantics<subcore_parallel>], iteration_bounds = array<i64: 2, 16>, scalar_prefetch = 0 : i64, scratch_operands = 8 : i64, tpu.core_type = #tpu.core_type<sc_vector_subcore>, window_params = [{transform_indices = #map}, {transform_indices = #map1}, {transform_indices = #map1}, {transform_indices = #map1}]} {
    %mul3A = arith.constant 16 : i32
    %mul3A_0 = arith.muli %arg0, %mul3A : i32
    %add3A = arith.addi %mul3A_0, %arg1 : i32
    %broadcast_in_dim3A = arith.constant 0.000000e+00 : f32
    %broadcast_in_dim3A_1 = vector.broadcast %broadcast_in_dim3A : f32 to vector<16xf32>
    %scan3A = arith.constant 0 : i32
    %scan3A_2 = arith.constant 0 : i32
    %scan3A_3 = arith.constant 128 : i32
    %scan3A_4 = arith.addi %scan3A_2, %scan3A_3 : i32
    %scan3A_5 = arith.constant 1 : i32
    scf.for %scan3A_51 = %scan3A_2 to %scan3A_4 step %scan3A_5  : i32 {
      %swap3A = arith.index_cast %scan3A_51 : i32 to index
      %swap3A_52 = arith.constant 0 : index
      %swap3A_53 = tpu.vector_load %arg8[%swap3A, %swap3A_52] {strides = array<i32>} : memref<128x128xf32, #tpu.memory_space<vmem>>, vector<1x16xf32>,
      %swap3A_54 = vector.shape_cast %swap3A_53 : vector<1x16xf32> to vector<16xf32>
      %swap3A_55 = vector.shape_cast %broadcast_in_dim3A_1 : vector<16xf32> to vector<1x16xf32>
      tpu.vector_store %arg8[%swap3A, %swap3A_52], %swap3A_55 {strides = array<i32>} : memref<128x128xf32, #tpu.memory_space<vmem>>, vector<1x16xf32>,
      %swap3A_56 = arith.index_cast %scan3A_51 : i32 to index
      %swap3A_57 = arith.constant 16 : index
      %swap3A_58 = tpu.vector_load %arg8[%swap3A_56, %swap3A_57] {strides = array<i32>} : memref<128x128xf32, #tpu.memory_space<vmem>>, vector<1x16xf32>,
      %swap3A_59 = vector.shape_cast %swap3A_58 : vector<1x16xf32> to vector<16xf32>
      %swap3A_60 = vector.shape_cast %broadcast_in_dim3A_1 : vector<16xf32> to vector<1x16xf32>
      tpu.vector_store %arg8[%swap3A_56, %swap3A_57], %swap3A_60 {strides = array<i32>} : memref<128x128xf32, #tpu.memory_space<vmem>>, vector<1x16xf32>,
      %swap3A_61 = arith.index_cast %scan3A_51 : i32 to index
      %swap3A_62 = arith.constant 32 : index
      %swap3A_63 = tpu.vector_load %arg8[%swap3A_61, %swap3A_62] {strides = array<i32>} : memref<128x128xf32, #tpu.memory_space<vmem>>, vector<1x16xf32>,
      %swap3A_64 = vector.shape_cast %swap3A_63 : vector<1x16xf32> to vector<16xf32>
      %swap3A_65 = vector.shape_cast %broadcast_in_dim3A_1 : vector<16xf32> to vector<1x16xf32>
      tpu.vector_store %arg8[%swap3A_61, %swap3A_62], %swap3A_65 {strides = array<i32>} : memref<128x128xf32, #tpu.memory_space<vmem>>, vector<1x16xf32>,
      %swap3A_66 = arith.index_cast %scan3A_51 : i32 to index
      %swap3A_67 = arith.constant 48 : index
      %swap3A_68 = tpu.vector_load %arg8[%swap3A_66, %swap3A_67] {strides = array<i32>} : memref<128x128xf32, #tpu.memory_space<vmem>>, vector<1x16xf32>,
      %swap3A_69 = vector.shape_cast %swap3A_68 : vector<1x16xf32> to vector<16xf32>
      %swap3A_70 = vector.shape_cast %broadcast_in_dim3A_1 : vector<16xf32> to vector<1x16xf32>
      tpu.vector_store %arg8[%swap3A_66, %swap3A_67], %swap3A_70 {strides = array<i32>} : memref<128x128xf32, #tpu.memory_space<vmem>>, vector<1x16xf32>,
      %swap3A_71 = arith.index_cast %scan3A_51 : i32 to index
      %swap3A_72 = arith.constant 64 : index
      %swap3A_73 = tpu.vector_load %arg8[%swap3A_71, %swap3A_72] {strides = array<i32>} : memref<128x128xf32, #tpu.memory_space<vmem>>, vector<1x16xf32>,
      %swap3A_74 = vector.shape_cast %swap3A_73 : vector<1x16xf32> to vector<16xf32>
      %swap3A_75 = vector.shape_cast %broadcast_in_dim3A_1 : vector<16xf32> to vector<1x16xf32>
      tpu.vector_store %arg8[%swap3A_71, %swap3A_72], %swap3A_75 {strides = array<i32>} : memref<128x128xf32, #tpu.memory_space<vmem>>, vector<1x16xf32>,
      %swap3A_76 = arith.index_cast %scan3A_51 : i32 to index
      %swap3A_77 = arith.constant 80 : index
      %swap3A_78 = tpu.vector_load %arg8[%swap3A_76, %swap3A_77] {strides = array<i32>} : memref<128x128xf32, #tpu.memory_space<vmem>>, vector<1x16xf32>,
      %swap3A_79 = vector.shape_cast %swap3A_78 : vector<1x16xf32> to vector<16xf32>
      %swap3A_80 = vector.shape_cast %broadcast_in_dim3A_1 : vector<16xf32> to vector<1x16xf32>
      tpu.vector_store %arg8[%swap3A_76, %swap3A_77], %swap3A_80 {strides = array<i32>} : memref<128x128xf32, #tpu.memory_space<vmem>>, vector<1x16xf32>,
      %swap3A_81 = arith.index_cast %scan3A_51 : i32 to index
      %swap3A_82 = arith.constant 96 : index
      %swap3A_83 = tpu.vector_load %arg8[%swap3A_81, %swap3A_82] {strides = array<i32>} : memref<128x128xf32, #tpu.memory_space<vmem>>, vector<1x16xf32>,
      %swap3A_84 = vector.shape_cast %swap3A_83 : vector<1x16xf32> to vector<16xf32>
      %swap3A_85 = vector.shape_cast %broadcast_in_dim3A_1 : vector<16xf32> to vector<1x16xf32>
      tpu.vector_store %arg8[%swap3A_81, %swap3A_82], %swap3A_85 {strides = array<i32>} : memref<128x128xf32, #tpu.memory_space<vmem>>, vector<1x16xf32>,
      %swap3A_86 = arith.index_cast %scan3A_51 : i32 to index
      %swap3A_87 = arith.constant 112 : index
      %swap3A_88 = tpu.vector_load %arg8[%swap3A_86, %swap3A_87] {strides = array<i32>} : memref<128x128xf32, #tpu.memory_space<vmem>>, vector<1x16xf32>,
      %swap3A_89 = vector.shape_cast %swap3A_88 : vector<1x16xf32> to vector<16xf32>
      %swap3A_90 = vector.shape_cast %broadcast_in_dim3A_1 : vector<16xf32> to vector<1x16xf32>
      tpu.vector_store %arg8[%swap3A_86, %swap3A_87], %swap3A_90 {strides = array<i32>} : memref<128x128xf32, #tpu.memory_space<vmem>>, vector<1x16xf32>,
    }
    %scan3A_6 = arith.constant 128 : i32
    %mul3A_7 = arith.constant 640 : i32
    %mul3A_8 = arith.muli %arg1, %mul3A_7 : i32
    %add3A_9 = arith.constant 0 : i32
    %add3A_10 = arith.addi %mul3A_8, %add3A_9 : i32
    "tpu.region"() ({
      %run_scoped3A = tpu.sem_alloc : memref<!tpu.dma_semaphore, #tpu.memory_space<semaphore_mem>>
      %dma_start3A_51 = arith.constant 0 : i32
      %dma_start3A_52 = tpu.memref_slice %arg10[%add3A_10, %dma_start3A_51] : memref<10240x128xf32, #tpu.memory_space<vmem_shared>> -> memref<128x128xf32, #tpu.memory_space<vmem_shared>>
      %dma_start3A_53 = arith.constant 0 : i32
      %dma_start3A_54 = tpu.memref_slice %arg10[%add3A_10, %dma_start3A_53] : memref<10240x128xf32, #tpu.memory_space<vmem_shared>> -> memref<128x128xf32, #tpu.memory_space<vmem_shared>>
      tpu.enqueue_dma source(%arg8 : memref<128x128xf32, #tpu.memory_space<vmem>>) target(%dma_start3A_54 : memref<128x128xf32, #tpu.memory_space<vmem_shared>>) target_semaphore(%run_scoped3A : memref<!tpu.dma_semaphore, #tpu.memory_space<semaphore_mem>>)
      %dma_wait3A = arith.constant 0 : i32
      %dma_wait3A_55 = tpu.memref_slice %arg10[%add3A_10, %dma_wait3A] : memref<10240x128xf32, #tpu.memory_space<vmem_shared>> -> memref<128x128xf32, #tpu.memory_space<vmem_shared>>
      %dma_wait3A_56 = arith.constant 0 : i32
      %dma_wait3A_57 = tpu.memref_slice %arg10[%add3A_10, %dma_wait3A_56] : memref<10240x128xf32, #tpu.memory_space<vmem_shared>> -> memref<128x128xf32, #tpu.memory_space<vmem_shared>>
      tpu.wait_dma2 semaphore(%run_scoped3A : memref<!tpu.dma_semaphore, #tpu.memory_space<semaphore_mem>>) src(%arg8 : memref<128x128xf32, #tpu.memory_space<vmem>>) dst(%dma_wait3A_57 : memref<128x128xf32, #tpu.memory_space<vmem_shared>>)
      tpu.yield
    }) : () -> ()
    %mul3A_11 = arith.constant 640 : i32
    %mul3A_12 = arith.muli %arg1, %mul3A_11 : i32
    %add3A_13 = arith.constant 128 : i32
    %add3A_14 = arith.addi %mul3A_12, %add3A_13 : i32
    "tpu.region"() ({
      %run_scoped3A = tpu.sem_alloc : memref<!tpu.dma_semaphore, #tpu.memory_space<semaphore_mem>>
      %dma_start3A_51 = arith.constant 0 : i32
      %dma_start3A_52 = tpu.memref_slice %arg10[%add3A_14, %dma_start3A_51] : memref<10240x128xf32, #tpu.memory_space<vmem_shared>> -> memref<128x128xf32, #tpu.memory_space<vmem_shared>>
      %dma_start3A_53 = arith.constant 0 : i32
      %dma_start3A_54 = tpu.memref_slice %arg10[%add3A_14, %dma_start3A_53] : memref<10240x128xf32, #tpu.memory_space<vmem_shared>> -> memref<128x128xf32, #tpu.memory_space<vmem_shared>>
      tpu.enqueue_dma source(%arg8 : memref<128x128xf32, #tpu.memory_space<vmem>>) target(%dma_start3A_54 : memref<128x128xf32, #tpu.memory_space<vmem_shared>>) target_semaphore(%run_scoped3A : memref<!tpu.dma_semaphore, #tpu.memory_space<semaphore_mem>>)
      %dma_wait3A = arith.constant 0 : i32
      %dma_wait3A_55 = tpu.memref_slice %arg10[%add3A_14, %dma_wait3A] : memref<10240x128xf32, #tpu.memory_space<vmem_shared>> -> memref<128x128xf32, #tpu.memory_space<vmem_shared>>
      %dma_wait3A_56 = arith.constant 0 : i32
      %dma_wait3A_57 = tpu.memref_slice %arg10[%add3A_14, %dma_wait3A_56] : memref<10240x128xf32, #tpu.memory_space<vmem_shared>> -> memref<128x128xf32, #tpu.memory_space<vmem_shared>>
      tpu.wait_dma2 semaphore(%run_scoped3A : memref<!tpu.dma_semaphore, #tpu.memory_space<semaphore_mem>>) src(%arg8 : memref<128x128xf32, #tpu.memory_space<vmem>>) dst(%dma_wait3A_57 : memref<128x128xf32, #tpu.memory_space<vmem_shared>>)
      tpu.yield
    }) : () -> ()
    %mul3A_15 = arith.constant 640 : i32
    %mul3A_16 = arith.muli %arg1, %mul3A_15 : i32
    %add3A_17 = arith.constant 256 : i32
    %add3A_18 = arith.addi %mul3A_16, %add3A_17 : i32
    "tpu.region"() ({
      %run_scoped3A = tpu.sem_alloc : memref<!tpu.dma_semaphore, #tpu.memory_space<semaphore_mem>>
      %dma_start3A_51 = arith.constant 0 : i32
      %dma_start3A_52 = tpu.memref_slice %arg10[%add3A_18, %dma_start3A_51] : memref<10240x128xf32, #tpu.memory_space<vmem_shared>> -> memref<128x128xf32, #tpu.memory_space<vmem_shared>>
      %dma_start3A_53 = arith.constant 0 : i32
      %dma_start3A_54 = tpu.memref_slice %arg10[%add3A_18, %dma_start3A_53] : memref<10240x128xf32, #tpu.memory_space<vmem_shared>> -> memref<128x128xf32, #tpu.memory_space<vmem_shared>>
      tpu.enqueue_dma source(%arg8 : memref<128x128xf32, #tpu.memory_space<vmem>>) target(%dma_start3A_54 : memref<128x128xf32, #tpu.memory_space<vmem_shared>>) target_semaphore(%run_scoped3A : memref<!tpu.dma_semaphore, #tpu.memory_space<semaphore_mem>>)
      %dma_wait3A = arith.constant 0 : i32
      %dma_wait3A_55 = tpu.memref_slice %arg10[%add3A_18, %dma_wait3A] : memref<10240x128xf32, #tpu.memory_space<vmem_shared>> -> memref<128x128xf32, #tpu.memory_space<vmem_shared>>
      %dma_wait3A_56 = arith.constant 0 : i32
      %dma_wait3A_57 = tpu.memref_slice %arg10[%add3A_18, %dma_wait3A_56] : memref<10240x128xf32, #tpu.memory_space<vmem_shared>> -> memref<128x128xf32, #tpu.memory_space<vmem_shared>>
      tpu.wait_dma2 semaphore(%run_scoped3A : memref<!tpu.dma_semaphore, #tpu.memory_space<semaphore_mem>>) src(%arg8 : memref<128x128xf32, #tpu.memory_space<vmem>>) dst(%dma_wait3A_57 : memref<128x128xf32, #tpu.memory_space<vmem_shared>>)
      tpu.yield
    }) : () -> ()
    %mul3A_19 = arith.constant 640 : i32
    %mul3A_20 = arith.muli %arg1, %mul3A_19 : i32
    %add3A_21 = arith.constant 384 : i32
    %add3A_22 = arith.addi %mul3A_20, %add3A_21 : i32
    "tpu.region"() ({
      %run_scoped3A = tpu.sem_alloc : memref<!tpu.dma_semaphore, #tpu.memory_space<semaphore_mem>>
      %dma_start3A_51 = arith.constant 0 : i32
      %dma_start3A_52 = tpu.memref_slice %arg10[%add3A_22, %dma_start3A_51] : memref<10240x128xf32, #tpu.memory_space<vmem_shared>> -> memref<128x128xf32, #tpu.memory_space<vmem_shared>>
      %dma_start3A_53 = arith.constant 0 : i32
      %dma_start3A_54 = tpu.memref_slice %arg10[%add3A_22, %dma_start3A_53] : memref<10240x128xf32, #tpu.memory_space<vmem_shared>> -> memref<128x128xf32, #tpu.memory_space<vmem_shared>>
      tpu.enqueue_dma source(%arg8 : memref<128x128xf32, #tpu.memory_space<vmem>>) target(%dma_start3A_54 : memref<128x128xf32, #tpu.memory_space<vmem_shared>>) target_semaphore(%run_scoped3A : memref<!tpu.dma_semaphore, #tpu.memory_space<semaphore_mem>>)
      %dma_wait3A = arith.constant 0 : i32
      %dma_wait3A_55 = tpu.memref_slice %arg10[%add3A_22, %dma_wait3A] : memref<10240x128xf32, #tpu.memory_space<vmem_shared>> -> memref<128x128xf32, #tpu.memory_space<vmem_shared>>
      %dma_wait3A_56 = arith.constant 0 : i32
      %dma_wait3A_57 = tpu.memref_slice %arg10[%add3A_22, %dma_wait3A_56] : memref<10240x128xf32, #tpu.memory_space<vmem_shared>> -> memref<128x128xf32, #tpu.memory_space<vmem_shared>>
      tpu.wait_dma2 semaphore(%run_scoped3A : memref<!tpu.dma_semaphore, #tpu.memory_space<semaphore_mem>>) src(%arg8 : memref<128x128xf32, #tpu.memory_space<vmem>>) dst(%dma_wait3A_57 : memref<128x128xf32, #tpu.memory_space<vmem_shared>>)
      tpu.yield
    }) : () -> ()
    %mul3A_23 = arith.constant 640 : i32
    %mul3A_24 = arith.muli %arg1, %mul3A_23 : i32
    %add3A_25 = arith.constant 512 : i32
    %add3A_26 = arith.addi %mul3A_24, %add3A_25 : i32
    "tpu.region"() ({
      %run_scoped3A = tpu.sem_alloc : memref<!tpu.dma_semaphore, #tpu.memory_space<semaphore_mem>>
      %dma_start3A_51 = arith.constant 0 : i32
      %dma_start3A_52 = tpu.memref_slice %arg10[%add3A_26, %dma_start3A_51] : memref<10240x128xf32, #tpu.memory_space<vmem_shared>> -> memref<128x128xf32, #tpu.memory_space<vmem_shared>>
      %dma_start3A_53 = arith.constant 0 : i32
      %dma_start3A_54 = tpu.memref_slice %arg10[%add3A_26, %dma_start3A_53] : memref<10240x128xf32, #tpu.memory_space<vmem_shared>> -> memref<128x128xf32, #tpu.memory_space<vmem_shared>>
      tpu.enqueue_dma source(%arg8 : memref<128x128xf32, #tpu.memory_space<vmem>>) target(%dma_start3A_54 : memref<128x128xf32, #tpu.memory_space<vmem_shared>>) target_semaphore(%run_scoped3A : memref<!tpu.dma_semaphore, #tpu.memory_space<semaphore_mem>>)
      %dma_wait3A = arith.constant 0 : i32
      %dma_wait3A_55 = tpu.memref_slice %arg10[%add3A_26, %dma_wait3A] : memref<10240x128xf32, #tpu.memory_space<vmem_shared>> -> memref<128x128xf32, #tpu.memory_space<vmem_shared>>
      %dma_wait3A_56 = arith.constant 0 : i32
      %dma_wait3A_57 = tpu.memref_slice %arg10[%add3A_26, %dma_wait3A_56] : memref<10240x128xf32, #tpu.memory_space<vmem_shared>> -> memref<128x128xf32, #tpu.memory_space<vmem_shared>>
      tpu.wait_dma2 semaphore(%run_scoped3A : memref<!tpu.dma_semaphore, #tpu.memory_space<semaphore_mem>>) src(%arg8 : memref<128x128xf32, #tpu.memory_space<vmem>>) dst(%dma_wait3A_57 : memref<128x128xf32, #tpu.memory_space<vmem_shared>>)
      tpu.yield
    }) : () -> ()
    "tpu.region"() ({
      %run_scoped3A = tpu.sem_alloc : memref<!tpu.dma_semaphore, #tpu.memory_space<semaphore_mem>>
      %dma_start3A_51 = arith.constant 0 : i32
      %dma_start3A_52 = arith.constant 0 : i32
      %dma_start3A_53 = tpu.memref_slice %arg3[%add3A, %dma_start3A_51, %dma_start3A_52] : memref<32x40x128xi32, #tpu.memory_space<hbm>> -> memref<1x40x128xi32, #tpu.memory_space<hbm>>
      %dma_start3A_54 = tpu.memref_squeeze %dma_start3A_53 : memref<1x40x128xi32, #tpu.memory_space<hbm>> -> memref<40x128xi32, #tpu.memory_space<hbm>>
      %dma_start3A_55 = arith.constant 0 : i32
      %dma_start3A_56 = arith.constant 0 : i32
      %dma_start3A_57 = tpu.memref_slice %arg3[%add3A, %dma_start3A_55, %dma_start3A_56] : memref<32x40x128xi32, #tpu.memory_space<hbm>> -> memref<1x40x128xi32, #tpu.memory_space<hbm>>
      %dma_start3A_58 = tpu.memref_squeeze %dma_start3A_57 : memref<1x40x128xi32, #tpu.memory_space<hbm>> -> memref<40x128xi32, #tpu.memory_space<hbm>>
      tpu.enqueue_dma source(%dma_start3A_58 : memref<40x128xi32, #tpu.memory_space<hbm>>) target(%arg6 : memref<40x128xi32, #tpu.memory_space<vmem>>) target_semaphore(%run_scoped3A : memref<!tpu.dma_semaphore, #tpu.memory_space<semaphore_mem>>)
      %dma_wait3A = arith.constant 0 : i32
      %dma_wait3A_59 = arith.constant 0 : i32
      %dma_wait3A_60 = tpu.memref_slice %arg3[%add3A, %dma_wait3A, %dma_wait3A_59] : memref<32x40x128xi32, #tpu.memory_space<hbm>> -> memref<1x40x128xi32, #tpu.memory_space<hbm>>
      %dma_wait3A_61 = tpu.memref_squeeze %dma_wait3A_60 : memref<1x40x128xi32, #tpu.memory_space<hbm>> -> memref<40x128xi32, #tpu.memory_space<hbm>>
      %dma_wait3A_62 = arith.constant 0 : i32
      %dma_wait3A_63 = arith.constant 0 : i32
      %dma_wait3A_64 = tpu.memref_slice %arg3[%add3A, %dma_wait3A_62, %dma_wait3A_63] : memref<32x40x128xi32, #tpu.memory_space<hbm>> -> memref<1x40x128xi32, #tpu.memory_space<hbm>>
      %dma_wait3A_65 = tpu.memref_squeeze %dma_wait3A_64 : memref<1x40x128xi32, #tpu.memory_space<hbm>> -> memref<40x128xi32, #tpu.memory_space<hbm>>
      tpu.wait_dma2 semaphore(%run_scoped3A : memref<!tpu.dma_semaphore, #tpu.memory_space<semaphore_mem>>) src(%dma_wait3A_65 : memref<40x128xi32, #tpu.memory_space<hbm>>) dst(%arg6 : memref<40x128xi32, #tpu.memory_space<vmem>>)
      tpu.yield
    }) : () -> ()
    "tpu.region"() ({
      %run_scoped3A = tpu.sem_alloc : memref<!tpu.dma_semaphore, #tpu.memory_space<semaphore_mem>>
      %dma_start3A_51 = arith.constant 0 : i32
      %dma_start3A_52 = arith.constant 0 : i32
      %dma_start3A_53 = tpu.memref_slice %arg4[%add3A, %dma_start3A_51, %dma_start3A_52] : memref<32x40x128xi32, #tpu.memory_space<hbm>> -> memref<1x40x128xi32, #tpu.memory_space<hbm>>
      %dma_start3A_54 = tpu.memref_squeeze %dma_start3A_53 : memref<1x40x128xi32, #tpu.memory_space<hbm>> -> memref<40x128xi32, #tpu.memory_space<hbm>>
      %dma_start3A_55 = arith.constant 0 : i32
      %dma_start3A_56 = arith.constant 0 : i32
      %dma_start3A_57 = tpu.memref_slice %arg4[%add3A, %dma_start3A_55, %dma_start3A_56] : memref<32x40x128xi32, #tpu.memory_space<hbm>> -> memref<1x40x128xi32, #tpu.memory_space<hbm>>
      %dma_start3A_58 = tpu.memref_squeeze %dma_start3A_57 : memref<1x40x128xi32, #tpu.memory_space<hbm>> -> memref<40x128xi32, #tpu.memory_space<hbm>>
      tpu.enqueue_dma source(%dma_start3A_58 : memref<40x128xi32, #tpu.memory_space<hbm>>) target(%arg7 : memref<40x128xi32, #tpu.memory_space<vmem>>) target_semaphore(%run_scoped3A : memref<!tpu.dma_semaphore, #tpu.memory_space<semaphore_mem>>)
      %dma_wait3A = arith.constant 0 : i32
      %dma_wait3A_59 = arith.constant 0 : i32
      %dma_wait3A_60 = tpu.memref_slice %arg4[%add3A, %dma_wait3A, %dma_wait3A_59] : memref<32x40x128xi32, #tpu.memory_space<hbm>> -> memref<1x40x128xi32, #tpu.memory_space<hbm>>
      %dma_wait3A_61 = tpu.memref_squeeze %dma_wait3A_60 : memref<1x40x128xi32, #tpu.memory_space<hbm>> -> memref<40x128xi32, #tpu.memory_space<hbm>>
      %dma_wait3A_62 = arith.constant 0 : i32
      %dma_wait3A_63 = arith.constant 0 : i32
      %dma_wait3A_64 = tpu.memref_slice %arg4[%add3A, %dma_wait3A_62, %dma_wait3A_63] : memref<32x40x128xi32, #tpu.memory_space<hbm>> -> memref<1x40x128xi32, #tpu.memory_space<hbm>>
      %dma_wait3A_65 = tpu.memref_squeeze %dma_wait3A_64 : memref<1x40x128xi32, #tpu.memory_space<hbm>> -> memref<40x128xi32, #tpu.memory_space<hbm>>
      tpu.wait_dma2 semaphore(%run_scoped3A : memref<!tpu.dma_semaphore, #tpu.memory_space<semaphore_mem>>) src(%dma_wait3A_65 : memref<40x128xi32, #tpu.memory_space<hbm>>) dst(%arg7 : memref<40x128xi32, #tpu.memory_space<vmem>>)
      tpu.yield
    }) : () -> ()
    %barrier3A = arith.constant 0 : index
    tpu.barrier barrier_id(%barrier3A)
    %dma_start3A = arith.constant 0 : i32
    %dma_start3A_27 = arith.constant 0 : i32
    %dma_start3A_28 = tpu.memref_slice %arg6[%dma_start3A, %dma_start3A_27] : memref<40x128xi32, #tpu.memory_space<vmem>> -> memref<1x128xi32, #tpu.memory_space<vmem>>
    %dma_start3A_29 = tpu.memref_squeeze %dma_start3A_28 : memref<1x128xi32, #tpu.memory_space<vmem>> -> memref<128xi32, #tpu.memory_space<vmem>>
    %dma_start3A_30 = arith.constant 0 : i32
    %dma_start3A_31 = arith.constant 0 : i32
    %dma_start3A_32 = tpu.memref_slice %arg2[%dma_start3A_30, %dma_start3A_31] : memref<10240x128xf32, #tpu.memory_space<hbm>> -> memref<10240x128xf32, #tpu.memory_space<hbm>>
    tpu.enqueue_indirect_dma source(%dma_start3A_32 : memref<10240x128xf32, #tpu.memory_space<hbm>>) target(%arg8 : memref<128x128xf32, #tpu.memory_space<vmem>>) offsets(%dma_start3A_29 : memref<128xi32, #tpu.memory_space<vmem>>) semaphore(%arg11 : memref<!tpu.dma_semaphore, #tpu.memory_space<semaphore_mem>>)
    %dma_start3A_33 = arith.constant 1 : i32
    %dma_start3A_34 = arith.constant 0 : i32
    %dma_start3A_35 = tpu.memref_slice %arg6[%dma_start3A_33, %dma_start3A_34] : memref<40x128xi32, #tpu.memory_space<vmem>> -> memref<1x128xi32, #tpu.memory_space<vmem>>
    %dma_start3A_36 = tpu.memref_squeeze %dma_start3A_35 : memref<1x128xi32, #tpu.memory_space<vmem>> -> memref<128xi32, #tpu.memory_space<vmem>>
    %dma_start3A_37 = arith.constant 0 : i32
    %dma_start3A_38 = arith.constant 0 : i32
    %dma_start3A_39 = tpu.memref_slice %arg2[%dma_start3A_37, %dma_start3A_38] : memref<10240x128xf32, #tpu.memory_space<hbm>> -> memref<10240x128xf32, #tpu.memory_space<hbm>>
    tpu.enqueue_indirect_dma source(%dma_start3A_39 : memref<10240x128xf32, #tpu.memory_space<hbm>>) target(%arg9 : memref<128x128xf32, #tpu.memory_space<vmem>>) offsets(%dma_start3A_36 : memref<128xi32, #tpu.memory_space<vmem>>) semaphore(%arg12 : memref<!tpu.dma_semaphore, #tpu.memory_space<semaphore_mem>>)
    %scan3A_40 = arith.constant 0 : i32
    %scan3A_41 = arith.constant 0 : i32
    %scan3A_42 = arith.constant 20 : i32
    %scan3A_43 = arith.addi %scan3A_41, %scan3A_42 : i32
    %scan3A_44 = arith.constant 1 : i32
    scf.for %scan3A_51 = %scan3A_41 to %scan3A_43 step %scan3A_44  : i32 {
      %mul3A_52 = arith.constant 2 : i32
      %mul3A_53 = arith.muli %mul3A_52, %scan3A_51 : i32
      %add3A_54 = arith.constant 0 : i32
      %add3A_55 = arith.addi %mul3A_53, %add3A_54 : i32
      %dma_wait3A = arith.constant 0 : i32
      %dma_wait3A_56 = tpu.memref_slice %arg6[%add3A_55, %dma_wait3A] : memref<40x128xi32, #tpu.memory_space<vmem>> -> memref<1x128xi32, #tpu.memory_space<vmem>>
      %dma_wait3A_57 = tpu.memref_squeeze %dma_wait3A_56 : memref<1x128xi32, #tpu.memory_space<vmem>> -> memref<128xi32, #tpu.memory_space<vmem>>
      %dma_wait3A_58 = arith.constant 0 : i32
      %dma_wait3A_59 = arith.constant 0 : i32
      %dma_wait3A_60 = tpu.memref_slice %arg2[%dma_wait3A_58, %dma_wait3A_59] : memref<10240x128xf32, #tpu.memory_space<hbm>> -> memref<10240x128xf32, #tpu.memory_space<hbm>>
      tpu.wait_indirect_dma semaphore(%arg11 : memref<!tpu.dma_semaphore, #tpu.memory_space<semaphore_mem>>) src(%dma_wait3A_60 : memref<10240x128xf32, #tpu.memory_space<hbm>>) dst(%arg8 : memref<128x128xf32, #tpu.memory_space<vmem>>)
      %dma_start3A_61 = arith.constant 0 : i32
      %dma_start3A_62 = tpu.memref_slice %arg7[%add3A_55, %dma_start3A_61] : memref<40x128xi32, #tpu.memory_space<vmem>> -> memref<1x128xi32, #tpu.memory_space<vmem>>
      %dma_start3A_63 = tpu.memref_squeeze %dma_start3A_62 : memref<1x128xi32, #tpu.memory_space<vmem>> -> memref<128xi32, #tpu.memory_space<vmem>>
      %dma_start3A_64 = arith.constant 0 : i32
      %dma_start3A_65 = arith.constant 0 : i32
      %dma_start3A_66 = tpu.memref_slice %arg10[%dma_start3A_64, %dma_start3A_65] : memref<10240x128xf32, #tpu.memory_space<vmem_shared>> -> memref<10240x128xf32, #tpu.memory_space<vmem_shared>>
      tpu.enqueue_indirect_dma source(%arg8 : memref<128x128xf32, #tpu.memory_space<vmem>>) target(%dma_start3A_66 : memref<10240x128xf32, #tpu.memory_space<vmem_shared>>) offsets(%dma_start3A_63 : memref<128xi32, #tpu.memory_space<vmem>>) semaphore(%arg13 : memref<!tpu.dma_semaphore, #tpu.memory_space<semaphore_mem>>) {add = true}
      %dma_wait3A_67 = arith.constant 0 : i32
      %dma_wait3A_68 = tpu.memref_slice %arg7[%add3A_55, %dma_wait3A_67] : memref<40x128xi32, #tpu.memory_space<vmem>> -> memref<1x128xi32, #tpu.memory_space<vmem>>
      %dma_wait3A_69 = tpu.memref_squeeze %dma_wait3A_68 : memref<1x128xi32, #tpu.memory_space<vmem>> -> memref<128xi32, #tpu.memory_space<vmem>>
      %dma_wait3A_70 = arith.constant 0 : i32
      %dma_wait3A_71 = arith.constant 0 : i32
      %dma_wait3A_72 = tpu.memref_slice %arg10[%dma_wait3A_70, %dma_wait3A_71] : memref<10240x128xf32, #tpu.memory_space<vmem_shared>> -> memref<10240x128xf32, #tpu.memory_space<vmem_shared>>
      tpu.wait_indirect_dma semaphore(%arg13 : memref<!tpu.dma_semaphore, #tpu.memory_space<semaphore_mem>>) src(%arg8 : memref<128x128xf32, #tpu.memory_space<vmem>>) dst(%dma_wait3A_72 : memref<10240x128xf32, #tpu.memory_space<vmem_shared>>)
      %add3A_73 = arith.constant 2 : i32
      %add3A_74 = arith.addi %add3A_55, %add3A_73 : i32
      %lt3A = arith.constant 40 : i32
      %lt3A_75 = arith.cmpi slt, %add3A_74, %lt3A : i32
      %convert_element_type3A = arith.extui %lt3A_75 : i1 to i32
      %cond3A = arith.constant 0 : i32
      %cond3A_76 = arith.cmpi ne, %convert_element_type3A, %cond3A : i32
      scf.if %cond3A_76 {
        %add3A_106 = arith.constant 2 : i32
        %add3A_107 = arith.addi %add3A_55, %add3A_106 : i32
        %dma_start3A_108 = arith.constant 0 : i32
        %dma_start3A_109 = tpu.memref_slice %arg6[%add3A_107, %dma_start3A_108] : memref<40x128xi32, #tpu.memory_space<vmem>> -> memref<1x128xi32, #tpu.memory_space<vmem>>
        %dma_start3A_110 = tpu.memref_squeeze %dma_start3A_109 : memref<1x128xi32, #tpu.memory_space<vmem>> -> memref<128xi32, #tpu.memory_space<vmem>>
        %dma_start3A_111 = arith.constant 0 : i32
        %dma_start3A_112 = arith.constant 0 : i32
        %dma_start3A_113 = tpu.memref_slice %arg2[%dma_start3A_111, %dma_start3A_112] : memref<10240x128xf32, #tpu.memory_space<hbm>> -> memref<10240x128xf32, #tpu.memory_space<hbm>>
        tpu.enqueue_indirect_dma source(%dma_start3A_113 : memref<10240x128xf32, #tpu.memory_space<hbm>>) target(%arg8 : memref<128x128xf32, #tpu.memory_space<vmem>>) offsets(%dma_start3A_110 : memref<128xi32, #tpu.memory_space<vmem>>) semaphore(%arg11 : memref<!tpu.dma_semaphore, #tpu.memory_space<semaphore_mem>>)
      } else {
      }
      %mul3A_77 = arith.constant 2 : i32
      %mul3A_78 = arith.muli %mul3A_77, %scan3A_51 : i32
      %add3A_79 = arith.constant 1 : i32
      %add3A_80 = arith.addi %mul3A_78, %add3A_79 : i32
      %dma_wait3A_81 = arith.constant 0 : i32
      %dma_wait3A_82 = tpu.memref_slice %arg6[%add3A_80, %dma_wait3A_81] : memref<40x128xi32, #tpu.memory_space<vmem>> -> memref<1x128xi32, #tpu.memory_space<vmem>>
      %dma_wait3A_83 = tpu.memref_squeeze %dma_wait3A_82 : memref<1x128xi32, #tpu.memory_space<vmem>> -> memref<128xi32, #tpu.memory_space<vmem>>
      %dma_wait3A_84 = arith.constant 0 : i32
      %dma_wait3A_85 = arith.constant 0 : i32
      %dma_wait3A_86 = tpu.memref_slice %arg2[%dma_wait3A_84, %dma_wait3A_85] : memref<10240x128xf32, #tpu.memory_space<hbm>> -> memref<10240x128xf32, #tpu.memory_space<hbm>>
      tpu.wait_indirect_dma semaphore(%arg12 : memref<!tpu.dma_semaphore, #tpu.memory_space<semaphore_mem>>) src(%dma_wait3A_86 : memref<10240x128xf32, #tpu.memory_space<hbm>>) dst(%arg9 : memref<128x128xf32, #tpu.memory_space<vmem>>)
      %dma_start3A_87 = arith.constant 0 : i32
      %dma_start3A_88 = tpu.memref_slice %arg7[%add3A_80, %dma_start3A_87] : memref<40x128xi32, #tpu.memory_space<vmem>> -> memref<1x128xi32, #tpu.memory_space<vmem>>
      %dma_start3A_89 = tpu.memref_squeeze %dma_start3A_88 : memref<1x128xi32, #tpu.memory_space<vmem>> -> memref<128xi32, #tpu.memory_space<vmem>>
      %dma_start3A_90 = arith.constant 0 : i32
      %dma_start3A_91 = arith.constant 0 : i32
      %dma_start3A_92 = tpu.memref_slice %arg10[%dma_start3A_90, %dma_start3A_91] : memref<10240x128xf32, #tpu.memory_space<vmem_shared>> -> memref<10240x128xf32, #tpu.memory_space<vmem_shared>>
      tpu.enqueue_indirect_dma source(%arg9 : memref<128x128xf32, #tpu.memory_space<vmem>>) target(%dma_start3A_92 : memref<10240x128xf32, #tpu.memory_space<vmem_shared>>) offsets(%dma_start3A_89 : memref<128xi32, #tpu.memory_space<vmem>>) semaphore(%arg13 : memref<!tpu.dma_semaphore, #tpu.memory_space<semaphore_mem>>) {add = true}
      %dma_wait3A_93 = arith.constant 0 : i32
      %dma_wait3A_94 = tpu.memref_slice %arg7[%add3A_80, %dma_wait3A_93] : memref<40x128xi32, #tpu.memory_space<vmem>> -> memref<1x128xi32, #tpu.memory_space<vmem>>
      %dma_wait3A_95 = tpu.memref_squeeze %dma_wait3A_94 : memref<1x128xi32, #tpu.memory_space<vmem>> -> memref<128xi32, #tpu.memory_space<vmem>>
      %dma_wait3A_96 = arith.constant 0 : i32
      %dma_wait3A_97 = arith.constant 0 : i32
      %dma_wait3A_98 = tpu.memref_slice %arg10[%dma_wait3A_96, %dma_wait3A_97] : memref<10240x128xf32, #tpu.memory_space<vmem_shared>> -> memref<10240x128xf32, #tpu.memory_space<vmem_shared>>
      tpu.wait_indirect_dma semaphore(%arg13 : memref<!tpu.dma_semaphore, #tpu.memory_space<semaphore_mem>>) src(%arg9 : memref<128x128xf32, #tpu.memory_space<vmem>>) dst(%dma_wait3A_98 : memref<10240x128xf32, #tpu.memory_space<vmem_shared>>)
      %add3A_99 = arith.constant 2 : i32
      %add3A_100 = arith.addi %add3A_80, %add3A_99 : i32
      %lt3A_101 = arith.constant 40 : i32
      %lt3A_102 = arith.cmpi slt, %add3A_100, %lt3A_101 : i32
      %convert_element_type3A_103 = arith.extui %lt3A_102 : i1 to i32
      %cond3A_104 = arith.constant 0 : i32
      %cond3A_105 = arith.cmpi ne, %convert_element_type3A_103, %cond3A_104 : i32
      scf.if %cond3A_105 {
        %add3A_106 = arith.constant 2 : i32
        %add3A_107 = arith.addi %add3A_80, %add3A_106 : i32
        %dma_start3A_108 = arith.constant 0 : i32
        %dma_start3A_109 = tpu.memref_slice %arg6[%add3A_107, %dma_start3A_108] : memref<40x128xi32, #tpu.memory_space<vmem>> -> memref<1x128xi32, #tpu.memory_space<vmem>>
        %dma_start3A_110 = tpu.memref_squeeze %dma_start3A_109 : memref<1x128xi32, #tpu.memory_space<vmem>> -> memref<128xi32, #tpu.memory_space<vmem>>
        %dma_start3A_111 = arith.constant 0 : i32
        %dma_start3A_112 = arith.constant 0 : i32
        %dma_start3A_113 = tpu.memref_slice %arg2[%dma_start3A_111, %dma_start3A_112] : memref<10240x128xf32, #tpu.memory_space<hbm>> -> memref<10240x128xf32, #tpu.memory_space<hbm>>
        tpu.enqueue_indirect_dma source(%dma_start3A_113 : memref<10240x128xf32, #tpu.memory_space<hbm>>) target(%arg9 : memref<128x128xf32, #tpu.memory_space<vmem>>) offsets(%dma_start3A_110 : memref<128xi32, #tpu.memory_space<vmem>>) semaphore(%arg12 : memref<!tpu.dma_semaphore, #tpu.memory_space<semaphore_mem>>)
      } else {
      }
    }
    %scan3A_45 = arith.constant 20 : i32
    %barrier3A_46 = arith.constant 0 : index
    tpu.barrier barrier_id(%barrier3A_46)
    %mul3A_47 = arith.constant 640 : i32
    %mul3A_48 = arith.muli %arg1, %mul3A_47 : i32
    %mul3A_49 = arith.constant 640 : i32
    %mul3A_50 = arith.muli %arg1, %mul3A_49 : i32
    "tpu.region"() ({
      %run_scoped3A = tpu.sem_alloc : memref<!tpu.dma_semaphore, #tpu.memory_space<semaphore_mem>>
      %dma_start3A_51 = arith.constant 0 : i32
      %dma_start3A_52 = tpu.memref_slice %arg5[%arg0, %mul3A_50, %dma_start3A_51] : memref<2x10240x128xf32, #tpu.memory_space<hbm>> -> memref<1x640x128xf32, #tpu.memory_space<hbm>>
      %dma_start3A_53 = tpu.memref_squeeze %dma_start3A_52 : memref<1x640x128xf32, #tpu.memory_space<hbm>> -> memref<640x128xf32, #tpu.memory_space<hbm>>
      %dma_start3A_54 = arith.constant 0 : i32
      %dma_start3A_55 = tpu.memref_slice %arg10[%mul3A_48, %dma_start3A_54] : memref<10240x128xf32, #tpu.memory_space<vmem_shared>> -> memref<640x128xf32, #tpu.memory_space<vmem_shared>>
      tpu.enqueue_dma source(%dma_start3A_55 : memref<640x128xf32, #tpu.memory_space<vmem_shared>>) target(%dma_start3A_53 : memref<640x128xf32, #tpu.memory_space<hbm>>) target_semaphore(%run_scoped3A : memref<!tpu.dma_semaphore, #tpu.memory_space<semaphore_mem>>)
      %dma_wait3A = arith.constant 0 : i32
      %dma_wait3A_56 = tpu.memref_slice %arg5[%arg0, %mul3A_50, %dma_wait3A] : memref<2x10240x128xf32, #tpu.memory_space<hbm>> -> memref<1x640x128xf32, #tpu.memory_space<hbm>>
      %dma_wait3A_57 = tpu.memref_squeeze %dma_wait3A_56 : memref<1x640x128xf32, #tpu.memory_space<hbm>> -> memref<640x128xf32, #tpu.memory_space<hbm>>
      %dma_wait3A_58 = arith.constant 0 : i32
      %dma_wait3A_59 = tpu.memref_slice %arg10[%mul3A_48, %dma_wait3A_58] : memref<10240x128xf32, #tpu.memory_space<vmem_shared>> -> memref<640x128xf32, #tpu.memory_space<vmem_shared>>
      tpu.wait_dma2 semaphore(%run_scoped3A : memref<!tpu.dma_semaphore, #tpu.memory_space<semaphore_mem>>) src(%dma_wait3A_59 : memref<640x128xf32, #tpu.memory_space<vmem_shared>>) dst(%dma_wait3A_57 : memref<640x128xf32, #tpu.memory_space<hbm>>)
      tpu.yield
    }) : () -> ()
    return
  }
}

#map = affine_map<(d0, d1) -> (0, 0, 0)>
module attributes {stable_mosaic.version = 14 : i64} {
  func.func @k(%arg0: i32, %arg1: i32, %arg2: memref<32x40x128xi32, #tpu.memory_space<hbm>>, %arg3: memref<2x10240x16xf32, #tpu.memory_space<hbm>>, %arg4: memref<40x128xi32, #tpu.memory_space<vmem>>, %arg5: memref<128x16xf32, #tpu.memory_space<vmem>>, %arg6: memref<128x16xf32, #tpu.memory_space<vmem>>, %arg7: memref<10240x16xf32, #tpu.memory_space<vmem_shared>>, %arg8: memref<!tpu.dma_semaphore, #tpu.memory_space<semaphore_mem>>) attributes {dimension_semantics = [#tpu.dimension_semantics<core_parallel>, #tpu.dimension_semantics<subcore_parallel>], iteration_bounds = array<i64: 2, 16>, scalar_prefetch = 0 : i64, scratch_operands = 5 : i64, tpu.core_type = #tpu.core_type<sc_vector_subcore>, window_params = [{transform_indices = #map}, {transform_indices = #map}]} {
    %mul3A = arith.constant 16 : i32
    %mul3A_0 = arith.muli %arg0, %mul3A : i32
    %add3A = arith.addi %mul3A_0, %arg1 : i32
    %broadcast_in_dim3A = arith.constant 0.000000e+00 : f32
    %broadcast_in_dim3A_1 = vector.broadcast %broadcast_in_dim3A : f32 to vector<16xf32>
    %scan3A = arith.constant 0 : i32
    %scan3A_2 = arith.constant 0 : i32
    %scan3A_3 = arith.constant 128 : i32
    %scan3A_4 = arith.addi %scan3A_2, %scan3A_3 : i32
    %scan3A_5 = arith.constant 1 : i32
    scf.for %scan3A_73 = %scan3A_2 to %scan3A_4 step %scan3A_5  : i32 {
      %swap3A = arith.index_cast %scan3A_73 : i32 to index
      %swap3A_74 = arith.constant 0 : index
      %swap3A_75 = tpu.vector_load %arg6[%swap3A, %swap3A_74] {strides = array<i32>} : memref<128x16xf32, #tpu.memory_space<vmem>>, vector<1x16xf32>,
      %swap3A_76 = vector.shape_cast %swap3A_75 : vector<1x16xf32> to vector<16xf32>
      %swap3A_77 = vector.shape_cast %broadcast_in_dim3A_1 : vector<16xf32> to vector<1x16xf32>
      tpu.vector_store %arg6[%swap3A, %swap3A_74], %swap3A_77 {strides = array<i32>} : memref<128x16xf32, #tpu.memory_space<vmem>>, vector<1x16xf32>,
    }
    %scan3A_6 = arith.constant 128 : i32
    %broadcast_in_dim3A_7 = arith.constant 1.000000e+00 : f32
    %broadcast_in_dim3A_8 = vector.broadcast %broadcast_in_dim3A_7 : f32 to vector<16xf32>
    %scan3A_9 = arith.constant 0 : i32
    %scan3A_10 = arith.constant 0 : i32
    %scan3A_11 = arith.constant 128 : i32
    %scan3A_12 = arith.addi %scan3A_10, %scan3A_11 : i32
    %scan3A_13 = arith.constant 1 : i32
    scf.for %scan3A_73 = %scan3A_10 to %scan3A_12 step %scan3A_13  : i32 {
      %swap3A = arith.index_cast %scan3A_73 : i32 to index
      %swap3A_74 = arith.constant 0 : index
      %swap3A_75 = tpu.vector_load %arg5[%swap3A, %swap3A_74] {strides = array<i32>} : memref<128x16xf32, #tpu.memory_space<vmem>>, vector<1x16xf32>,
      %swap3A_76 = vector.shape_cast %swap3A_75 : vector<1x16xf32> to vector<16xf32>
      %swap3A_77 = vector.shape_cast %broadcast_in_dim3A_8 : vector<16xf32> to vector<1x16xf32>
      tpu.vector_store %arg5[%swap3A, %swap3A_74], %swap3A_77 {strides = array<i32>} : memref<128x16xf32, #tpu.memory_space<vmem>>, vector<1x16xf32>,
    }
    %scan3A_14 = arith.constant 128 : i32
    %mul3A_15 = arith.constant 640 : i32
    %mul3A_16 = arith.muli %arg1, %mul3A_15 : i32
    %add3A_17 = arith.constant 0 : i32
    %add3A_18 = arith.addi %mul3A_16, %add3A_17 : i32
    "tpu.region"() ({
      %run_scoped3A = tpu.sem_alloc : memref<!tpu.dma_semaphore, #tpu.memory_space<semaphore_mem>>
      %dma_start3A_73 = arith.constant 0 : i32
      %dma_start3A_74 = tpu.memref_slice %arg7[%add3A_18, %dma_start3A_73] : memref<10240x16xf32, #tpu.memory_space<vmem_shared>> -> memref<128x16xf32, #tpu.memory_space<vmem_shared>>
      %dma_start3A_75 = arith.constant 0 : i32
      %dma_start3A_76 = tpu.memref_slice %arg7[%add3A_18, %dma_start3A_75] : memref<10240x16xf32, #tpu.memory_space<vmem_shared>> -> memref<128x16xf32, #tpu.memory_space<vmem_shared>>
      tpu.enqueue_dma source(%arg6 : memref<128x16xf32, #tpu.memory_space<vmem>>) target(%dma_start3A_76 : memref<128x16xf32, #tpu.memory_space<vmem_shared>>) target_semaphore(%run_scoped3A : memref<!tpu.dma_semaphore, #tpu.memory_space<semaphore_mem>>)
      %dma_wait3A = arith.constant 0 : i32
      %dma_wait3A_77 = tpu.memref_slice %arg7[%add3A_18, %dma_wait3A] : memref<10240x16xf32, #tpu.memory_space<vmem_shared>> -> memref<128x16xf32, #tpu.memory_space<vmem_shared>>
      %dma_wait3A_78 = arith.constant 0 : i32
      %dma_wait3A_79 = tpu.memref_slice %arg7[%add3A_18, %dma_wait3A_78] : memref<10240x16xf32, #tpu.memory_space<vmem_shared>> -> memref<128x16xf32, #tpu.memory_space<vmem_shared>>
      tpu.wait_dma2 semaphore(%run_scoped3A : memref<!tpu.dma_semaphore, #tpu.memory_space<semaphore_mem>>) src(%arg6 : memref<128x16xf32, #tpu.memory_space<vmem>>) dst(%dma_wait3A_79 : memref<128x16xf32, #tpu.memory_space<vmem_shared>>)
      tpu.yield
    }) : () -> ()
    %mul3A_19 = arith.constant 640 : i32
    %mul3A_20 = arith.muli %arg1, %mul3A_19 : i32
    %add3A_21 = arith.constant 128 : i32
    %add3A_22 = arith.addi %mul3A_20, %add3A_21 : i32
    "tpu.region"() ({
      %run_scoped3A = tpu.sem_alloc : memref<!tpu.dma_semaphore, #tpu.memory_space<semaphore_mem>>
      %dma_start3A_73 = arith.constant 0 : i32
      %dma_start3A_74 = tpu.memref_slice %arg7[%add3A_22, %dma_start3A_73] : memref<10240x16xf32, #tpu.memory_space<vmem_shared>> -> memref<128x16xf32, #tpu.memory_space<vmem_shared>>
      %dma_start3A_75 = arith.constant 0 : i32
      %dma_start3A_76 = tpu.memref_slice %arg7[%add3A_22, %dma_start3A_75] : memref<10240x16xf32, #tpu.memory_space<vmem_shared>> -> memref<128x16xf32, #tpu.memory_space<vmem_shared>>
      tpu.enqueue_dma source(%arg6 : memref<128x16xf32, #tpu.memory_space<vmem>>) target(%dma_start3A_76 : memref<128x16xf32, #tpu.memory_space<vmem_shared>>) target_semaphore(%run_scoped3A : memref<!tpu.dma_semaphore, #tpu.memory_space<semaphore_mem>>)
      %dma_wait3A = arith.constant 0 : i32
      %dma_wait3A_77 = tpu.memref_slice %arg7[%add3A_22, %dma_wait3A] : memref<10240x16xf32, #tpu.memory_space<vmem_shared>> -> memref<128x16xf32, #tpu.memory_space<vmem_shared>>
      %dma_wait3A_78 = arith.constant 0 : i32
      %dma_wait3A_79 = tpu.memref_slice %arg7[%add3A_22, %dma_wait3A_78] : memref<10240x16xf32, #tpu.memory_space<vmem_shared>> -> memref<128x16xf32, #tpu.memory_space<vmem_shared>>
      tpu.wait_dma2 semaphore(%run_scoped3A : memref<!tpu.dma_semaphore, #tpu.memory_space<semaphore_mem>>) src(%arg6 : memref<128x16xf32, #tpu.memory_space<vmem>>) dst(%dma_wait3A_79 : memref<128x16xf32, #tpu.memory_space<vmem_shared>>)
      tpu.yield
    }) : () -> ()
    %mul3A_23 = arith.constant 640 : i32
    %mul3A_24 = arith.muli %arg1, %mul3A_23 : i32
    %add3A_25 = arith.constant 256 : i32
    %add3A_26 = arith.addi %mul3A_24, %add3A_25 : i32
    "tpu.region"() ({
      %run_scoped3A = tpu.sem_alloc : memref<!tpu.dma_semaphore, #tpu.memory_space<semaphore_mem>>
      %dma_start3A_73 = arith.constant 0 : i32
      %dma_start3A_74 = tpu.memref_slice %arg7[%add3A_26, %dma_start3A_73] : memref<10240x16xf32, #tpu.memory_space<vmem_shared>> -> memref<128x16xf32, #tpu.memory_space<vmem_shared>>
      %dma_start3A_75 = arith.constant 0 : i32
      %dma_start3A_76 = tpu.memref_slice %arg7[%add3A_26, %dma_start3A_75] : memref<10240x16xf32, #tpu.memory_space<vmem_shared>> -> memref<128x16xf32, #tpu.memory_space<vmem_shared>>
      tpu.enqueue_dma source(%arg6 : memref<128x16xf32, #tpu.memory_space<vmem>>) target(%dma_start3A_76 : memref<128x16xf32, #tpu.memory_space<vmem_shared>>) target_semaphore(%run_scoped3A : memref<!tpu.dma_semaphore, #tpu.memory_space<semaphore_mem>>)
      %dma_wait3A = arith.constant 0 : i32
      %dma_wait3A_77 = tpu.memref_slice %arg7[%add3A_26, %dma_wait3A] : memref<10240x16xf32, #tpu.memory_space<vmem_shared>> -> memref<128x16xf32, #tpu.memory_space<vmem_shared>>
      %dma_wait3A_78 = arith.constant 0 : i32
      %dma_wait3A_79 = tpu.memref_slice %arg7[%add3A_26, %dma_wait3A_78] : memref<10240x16xf32, #tpu.memory_space<vmem_shared>> -> memref<128x16xf32, #tpu.memory_space<vmem_shared>>
      tpu.wait_dma2 semaphore(%run_scoped3A : memref<!tpu.dma_semaphore, #tpu.memory_space<semaphore_mem>>) src(%arg6 : memref<128x16xf32, #tpu.memory_space<vmem>>) dst(%dma_wait3A_79 : memref<128x16xf32, #tpu.memory_space<vmem_shared>>)
      tpu.yield
    }) : () -> ()
    %mul3A_27 = arith.constant 640 : i32
    %mul3A_28 = arith.muli %arg1, %mul3A_27 : i32
    %add3A_29 = arith.constant 384 : i32
    %add3A_30 = arith.addi %mul3A_28, %add3A_29 : i32
    "tpu.region"() ({
      %run_scoped3A = tpu.sem_alloc : memref<!tpu.dma_semaphore, #tpu.memory_space<semaphore_mem>>
      %dma_start3A_73 = arith.constant 0 : i32
      %dma_start3A_74 = tpu.memref_slice %arg7[%add3A_30, %dma_start3A_73] : memref<10240x16xf32, #tpu.memory_space<vmem_shared>> -> memref<128x16xf32, #tpu.memory_space<vmem_shared>>
      %dma_start3A_75 = arith.constant 0 : i32
      %dma_start3A_76 = tpu.memref_slice %arg7[%add3A_30, %dma_start3A_75] : memref<10240x16xf32, #tpu.memory_space<vmem_shared>> -> memref<128x16xf32, #tpu.memory_space<vmem_shared>>
      tpu.enqueue_dma source(%arg6 : memref<128x16xf32, #tpu.memory_space<vmem>>) target(%dma_start3A_76 : memref<128x16xf32, #tpu.memory_space<vmem_shared>>) target_semaphore(%run_scoped3A : memref<!tpu.dma_semaphore, #tpu.memory_space<semaphore_mem>>)
      %dma_wait3A = arith.constant 0 : i32
      %dma_wait3A_77 = tpu.memref_slice %arg7[%add3A_30, %dma_wait3A] : memref<10240x16xf32, #tpu.memory_space<vmem_shared>> -> memref<128x16xf32, #tpu.memory_space<vmem_shared>>
      %dma_wait3A_78 = arith.constant 0 : i32
      %dma_wait3A_79 = tpu.memref_slice %arg7[%add3A_30, %dma_wait3A_78] : memref<10240x16xf32, #tpu.memory_space<vmem_shared>> -> memref<128x16xf32, #tpu.memory_space<vmem_shared>>
      tpu.wait_dma2 semaphore(%run_scoped3A : memref<!tpu.dma_semaphore, #tpu.memory_space<semaphore_mem>>) src(%arg6 : memref<128x16xf32, #tpu.memory_space<vmem>>) dst(%dma_wait3A_79 : memref<128x16xf32, #tpu.memory_space<vmem_shared>>)
      tpu.yield
    }) : () -> ()
    %mul3A_31 = arith.constant 640 : i32
    %mul3A_32 = arith.muli %arg1, %mul3A_31 : i32
    %add3A_33 = arith.constant 512 : i32
    %add3A_34 = arith.addi %mul3A_32, %add3A_33 : i32
    "tpu.region"() ({
      %run_scoped3A = tpu.sem_alloc : memref<!tpu.dma_semaphore, #tpu.memory_space<semaphore_mem>>
      %dma_start3A_73 = arith.constant 0 : i32
      %dma_start3A_74 = tpu.memref_slice %arg7[%add3A_34, %dma_start3A_73] : memref<10240x16xf32, #tpu.memory_space<vmem_shared>> -> memref<128x16xf32, #tpu.memory_space<vmem_shared>>
      %dma_start3A_75 = arith.constant 0 : i32
      %dma_start3A_76 = tpu.memref_slice %arg7[%add3A_34, %dma_start3A_75] : memref<10240x16xf32, #tpu.memory_space<vmem_shared>> -> memref<128x16xf32, #tpu.memory_space<vmem_shared>>
      tpu.enqueue_dma source(%arg6 : memref<128x16xf32, #tpu.memory_space<vmem>>) target(%dma_start3A_76 : memref<128x16xf32, #tpu.memory_space<vmem_shared>>) target_semaphore(%run_scoped3A : memref<!tpu.dma_semaphore, #tpu.memory_space<semaphore_mem>>)
      %dma_wait3A = arith.constant 0 : i32
      %dma_wait3A_77 = tpu.memref_slice %arg7[%add3A_34, %dma_wait3A] : memref<10240x16xf32, #tpu.memory_space<vmem_shared>> -> memref<128x16xf32, #tpu.memory_space<vmem_shared>>
      %dma_wait3A_78 = arith.constant 0 : i32
      %dma_wait3A_79 = tpu.memref_slice %arg7[%add3A_34, %dma_wait3A_78] : memref<10240x16xf32, #tpu.memory_space<vmem_shared>> -> memref<128x16xf32, #tpu.memory_space<vmem_shared>>
      tpu.wait_dma2 semaphore(%run_scoped3A : memref<!tpu.dma_semaphore, #tpu.memory_space<semaphore_mem>>) src(%arg6 : memref<128x16xf32, #tpu.memory_space<vmem>>) dst(%dma_wait3A_79 : memref<128x16xf32, #tpu.memory_space<vmem_shared>>)
      tpu.yield
    }) : () -> ()
    "tpu.region"() ({
      %run_scoped3A = tpu.sem_alloc : memref<!tpu.dma_semaphore, #tpu.memory_space<semaphore_mem>>
      %dma_start3A_73 = arith.constant 0 : i32
      %dma_start3A_74 = arith.constant 0 : i32
      %dma_start3A_75 = tpu.memref_slice %arg2[%add3A, %dma_start3A_73, %dma_start3A_74] : memref<32x40x128xi32, #tpu.memory_space<hbm>> -> memref<1x40x128xi32, #tpu.memory_space<hbm>>
      %dma_start3A_76 = tpu.memref_squeeze %dma_start3A_75 : memref<1x40x128xi32, #tpu.memory_space<hbm>> -> memref<40x128xi32, #tpu.memory_space<hbm>>
      %dma_start3A_77 = arith.constant 0 : i32
      %dma_start3A_78 = arith.constant 0 : i32
      %dma_start3A_79 = tpu.memref_slice %arg2[%add3A, %dma_start3A_77, %dma_start3A_78] : memref<32x40x128xi32, #tpu.memory_space<hbm>> -> memref<1x40x128xi32, #tpu.memory_space<hbm>>
      %dma_start3A_80 = tpu.memref_squeeze %dma_start3A_79 : memref<1x40x128xi32, #tpu.memory_space<hbm>> -> memref<40x128xi32, #tpu.memory_space<hbm>>
      tpu.enqueue_dma source(%dma_start3A_80 : memref<40x128xi32, #tpu.memory_space<hbm>>) target(%arg4 : memref<40x128xi32, #tpu.memory_space<vmem>>) target_semaphore(%run_scoped3A : memref<!tpu.dma_semaphore, #tpu.memory_space<semaphore_mem>>)
      %dma_wait3A = arith.constant 0 : i32
      %dma_wait3A_81 = arith.constant 0 : i32
      %dma_wait3A_82 = tpu.memref_slice %arg2[%add3A, %dma_wait3A, %dma_wait3A_81] : memref<32x40x128xi32, #tpu.memory_space<hbm>> -> memref<1x40x128xi32, #tpu.memory_space<hbm>>
      %dma_wait3A_83 = tpu.memref_squeeze %dma_wait3A_82 : memref<1x40x128xi32, #tpu.memory_space<hbm>> -> memref<40x128xi32, #tpu.memory_space<hbm>>
      %dma_wait3A_84 = arith.constant 0 : i32
      %dma_wait3A_85 = arith.constant 0 : i32
      %dma_wait3A_86 = tpu.memref_slice %arg2[%add3A, %dma_wait3A_84, %dma_wait3A_85] : memref<32x40x128xi32, #tpu.memory_space<hbm>> -> memref<1x40x128xi32, #tpu.memory_space<hbm>>
      %dma_wait3A_87 = tpu.memref_squeeze %dma_wait3A_86 : memref<1x40x128xi32, #tpu.memory_space<hbm>> -> memref<40x128xi32, #tpu.memory_space<hbm>>
      tpu.wait_dma2 semaphore(%run_scoped3A : memref<!tpu.dma_semaphore, #tpu.memory_space<semaphore_mem>>) src(%dma_wait3A_87 : memref<40x128xi32, #tpu.memory_space<hbm>>) dst(%arg4 : memref<40x128xi32, #tpu.memory_space<vmem>>)
      tpu.yield
    }) : () -> ()
    %barrier3A = arith.constant 0 : index
    tpu.barrier barrier_id(%barrier3A)
    %dma_start3A = arith.constant 0 : i32
    %dma_start3A_35 = arith.constant 0 : i32
    %dma_start3A_36 = tpu.memref_slice %arg4[%dma_start3A, %dma_start3A_35] : memref<40x128xi32, #tpu.memory_space<vmem>> -> memref<1x128xi32, #tpu.memory_space<vmem>>
    %dma_start3A_37 = tpu.memref_squeeze %dma_start3A_36 : memref<1x128xi32, #tpu.memory_space<vmem>> -> memref<128xi32, #tpu.memory_space<vmem>>
    %dma_start3A_38 = arith.constant 0 : i32
    %dma_start3A_39 = arith.constant 0 : i32
    %dma_start3A_40 = tpu.memref_slice %arg7[%dma_start3A_38, %dma_start3A_39] : memref<10240x16xf32, #tpu.memory_space<vmem_shared>> -> memref<10240x16xf32, #tpu.memory_space<vmem_shared>>
    tpu.enqueue_indirect_dma source(%arg5 : memref<128x16xf32, #tpu.memory_space<vmem>>) target(%dma_start3A_40 : memref<10240x16xf32, #tpu.memory_space<vmem_shared>>) offsets(%dma_start3A_37 : memref<128xi32, #tpu.memory_space<vmem>>) semaphore(%arg8 : memref<!tpu.dma_semaphore, #tpu.memory_space<semaphore_mem>>) {add = true}
    %dma_start3A_41 = arith.constant 1 : i32
    %dma_start3A_42 = arith.constant 0 : i32
    %dma_start3A_43 = tpu.memref_slice %arg4[%dma_start3A_41, %dma_start3A_42] : memref<40x128xi32, #tpu.memory_space<vmem>> -> memref<1x128xi32, #tpu.memory_space<vmem>>
    %dma_start3A_44 = tpu.memref_squeeze %dma_start3A_43 : memref<1x128xi32, #tpu.memory_space<vmem>> -> memref<128xi32, #tpu.memory_space<vmem>>
    %dma_start3A_45 = arith.constant 0 : i32
    %dma_start3A_46 = arith.constant 0 : i32
    %dma_start3A_47 = tpu.memref_slice %arg7[%dma_start3A_45, %dma_start3A_46] : memref<10240x16xf32, #tpu.memory_space<vmem_shared>> -> memref<10240x16xf32, #tpu.memory_space<vmem_shared>>
    tpu.enqueue_indirect_dma source(%arg5 : memref<128x16xf32, #tpu.memory_space<vmem>>) target(%dma_start3A_47 : memref<10240x16xf32, #tpu.memory_space<vmem_shared>>) offsets(%dma_start3A_44 : memref<128xi32, #tpu.memory_space<vmem>>) semaphore(%arg8 : memref<!tpu.dma_semaphore, #tpu.memory_space<semaphore_mem>>) {add = true}
    %dma_start3A_48 = arith.constant 2 : i32
    %dma_start3A_49 = arith.constant 0 : i32
    %dma_start3A_50 = tpu.memref_slice %arg4[%dma_start3A_48, %dma_start3A_49] : memref<40x128xi32, #tpu.memory_space<vmem>> -> memref<1x128xi32, #tpu.memory_space<vmem>>
    %dma_start3A_51 = tpu.memref_squeeze %dma_start3A_50 : memref<1x128xi32, #tpu.memory_space<vmem>> -> memref<128xi32, #tpu.memory_space<vmem>>
    %dma_start3A_52 = arith.constant 0 : i32
    %dma_start3A_53 = arith.constant 0 : i32
    %dma_start3A_54 = tpu.memref_slice %arg7[%dma_start3A_52, %dma_start3A_53] : memref<10240x16xf32, #tpu.memory_space<vmem_shared>> -> memref<10240x16xf32, #tpu.memory_space<vmem_shared>>
    tpu.enqueue_indirect_dma source(%arg5 : memref<128x16xf32, #tpu.memory_space<vmem>>) target(%dma_start3A_54 : memref<10240x16xf32, #tpu.memory_space<vmem_shared>>) offsets(%dma_start3A_51 : memref<128xi32, #tpu.memory_space<vmem>>) semaphore(%arg8 : memref<!tpu.dma_semaphore, #tpu.memory_space<semaphore_mem>>) {add = true}
    %dma_start3A_55 = arith.constant 3 : i32
    %dma_start3A_56 = arith.constant 0 : i32
    %dma_start3A_57 = tpu.memref_slice %arg4[%dma_start3A_55, %dma_start3A_56] : memref<40x128xi32, #tpu.memory_space<vmem>> -> memref<1x128xi32, #tpu.memory_space<vmem>>
    %dma_start3A_58 = tpu.memref_squeeze %dma_start3A_57 : memref<1x128xi32, #tpu.memory_space<vmem>> -> memref<128xi32, #tpu.memory_space<vmem>>
    %dma_start3A_59 = arith.constant 0 : i32
    %dma_start3A_60 = arith.constant 0 : i32
    %dma_start3A_61 = tpu.memref_slice %arg7[%dma_start3A_59, %dma_start3A_60] : memref<10240x16xf32, #tpu.memory_space<vmem_shared>> -> memref<10240x16xf32, #tpu.memory_space<vmem_shared>>
    tpu.enqueue_indirect_dma source(%arg5 : memref<128x16xf32, #tpu.memory_space<vmem>>) target(%dma_start3A_61 : memref<10240x16xf32, #tpu.memory_space<vmem_shared>>) offsets(%dma_start3A_58 : memref<128xi32, #tpu.memory_space<vmem>>) semaphore(%arg8 : memref<!tpu.dma_semaphore, #tpu.memory_space<semaphore_mem>>) {add = true}
    %scan3A_62 = arith.constant 0 : i32
    %scan3A_63 = arith.constant 0 : i32
    %scan3A_64 = arith.constant 40 : i32
    %scan3A_65 = arith.addi %scan3A_63, %scan3A_64 : i32
    %scan3A_66 = arith.constant 1 : i32
    scf.for %scan3A_73 = %scan3A_63 to %scan3A_65 step %scan3A_66  : i32 {
      %dma_wait3A = arith.constant 0 : i32
      %dma_wait3A_74 = tpu.memref_slice %arg4[%scan3A_73, %dma_wait3A] : memref<40x128xi32, #tpu.memory_space<vmem>> -> memref<1x128xi32, #tpu.memory_space<vmem>>
      %dma_wait3A_75 = tpu.memref_squeeze %dma_wait3A_74 : memref<1x128xi32, #tpu.memory_space<vmem>> -> memref<128xi32, #tpu.memory_space<vmem>>
      %dma_wait3A_76 = arith.constant 0 : i32
      %dma_wait3A_77 = arith.constant 0 : i32
      %dma_wait3A_78 = tpu.memref_slice %arg7[%dma_wait3A_76, %dma_wait3A_77] : memref<10240x16xf32, #tpu.memory_space<vmem_shared>> -> memref<10240x16xf32, #tpu.memory_space<vmem_shared>>
      tpu.wait_indirect_dma semaphore(%arg8 : memref<!tpu.dma_semaphore, #tpu.memory_space<semaphore_mem>>) src(%arg5 : memref<128x16xf32, #tpu.memory_space<vmem>>) dst(%dma_wait3A_78 : memref<10240x16xf32, #tpu.memory_space<vmem_shared>>)
      %add3A_79 = arith.constant 4 : i32
      %add3A_80 = arith.addi %scan3A_73, %add3A_79 : i32
      %lt3A = arith.constant 40 : i32
      %lt3A_81 = arith.cmpi slt, %add3A_80, %lt3A : i32
      %convert_element_type3A = arith.extui %lt3A_81 : i1 to i32
      %cond3A = arith.constant 0 : i32
      %cond3A_82 = arith.cmpi ne, %convert_element_type3A, %cond3A : i32
      scf.if %cond3A_82 {
        %add3A_83 = arith.constant 4 : i32
        %add3A_84 = arith.addi %scan3A_73, %add3A_83 : i32
        %dma_start3A_85 = arith.constant 0 : i32
        %dma_start3A_86 = tpu.memref_slice %arg4[%add3A_84, %dma_start3A_85] : memref<40x128xi32, #tpu.memory_space<vmem>> -> memref<1x128xi32, #tpu.memory_space<vmem>>
        %dma_start3A_87 = tpu.memref_squeeze %dma_start3A_86 : memref<1x128xi32, #tpu.memory_space<vmem>> -> memref<128xi32, #tpu.memory_space<vmem>>
        %dma_start3A_88 = arith.constant 0 : i32
        %dma_start3A_89 = arith.constant 0 : i32
        %dma_start3A_90 = tpu.memref_slice %arg7[%dma_start3A_88, %dma_start3A_89] : memref<10240x16xf32, #tpu.memory_space<vmem_shared>> -> memref<10240x16xf32, #tpu.memory_space<vmem_shared>>
        tpu.enqueue_indirect_dma source(%arg5 : memref<128x16xf32, #tpu.memory_space<vmem>>) target(%dma_start3A_90 : memref<10240x16xf32, #tpu.memory_space<vmem_shared>>) offsets(%dma_start3A_87 : memref<128xi32, #tpu.memory_space<vmem>>) semaphore(%arg8 : memref<!tpu.dma_semaphore, #tpu.memory_space<semaphore_mem>>) {add = true}
      } else {
      }
    }
    %scan3A_67 = arith.constant 40 : i32
    %barrier3A_68 = arith.constant 0 : index
    tpu.barrier barrier_id(%barrier3A_68)
    %mul3A_69 = arith.constant 640 : i32
    %mul3A_70 = arith.muli %arg1, %mul3A_69 : i32
    %mul3A_71 = arith.constant 640 : i32
    %mul3A_72 = arith.muli %arg1, %mul3A_71 : i32
    "tpu.region"() ({
      %run_scoped3A = tpu.sem_alloc : memref<!tpu.dma_semaphore, #tpu.memory_space<semaphore_mem>>
      %dma_start3A_73 = arith.constant 0 : i32
      %dma_start3A_74 = tpu.memref_slice %arg3[%arg0, %mul3A_72, %dma_start3A_73] : memref<2x10240x16xf32, #tpu.memory_space<hbm>> -> memref<1x640x16xf32, #tpu.memory_space<hbm>>
      %dma_start3A_75 = tpu.memref_squeeze %dma_start3A_74 : memref<1x640x16xf32, #tpu.memory_space<hbm>> -> memref<640x16xf32, #tpu.memory_space<hbm>>
      %dma_start3A_76 = arith.constant 0 : i32
      %dma_start3A_77 = tpu.memref_slice %arg7[%mul3A_70, %dma_start3A_76] : memref<10240x16xf32, #tpu.memory_space<vmem_shared>> -> memref<640x16xf32, #tpu.memory_space<vmem_shared>>
      tpu.enqueue_dma source(%dma_start3A_77 : memref<640x16xf32, #tpu.memory_space<vmem_shared>>) target(%dma_start3A_75 : memref<640x16xf32, #tpu.memory_space<hbm>>) target_semaphore(%run_scoped3A : memref<!tpu.dma_semaphore, #tpu.memory_space<semaphore_mem>>)
      %dma_wait3A = arith.constant 0 : i32
      %dma_wait3A_78 = tpu.memref_slice %arg3[%arg0, %mul3A_72, %dma_wait3A] : memref<2x10240x16xf32, #tpu.memory_space<hbm>> -> memref<1x640x16xf32, #tpu.memory_space<hbm>>
      %dma_wait3A_79 = tpu.memref_squeeze %dma_wait3A_78 : memref<1x640x16xf32, #tpu.memory_space<hbm>> -> memref<640x16xf32, #tpu.memory_space<hbm>>
      %dma_wait3A_80 = arith.constant 0 : i32
      %dma_wait3A_81 = tpu.memref_slice %arg7[%mul3A_70, %dma_wait3A_80] : memref<10240x16xf32, #tpu.memory_space<vmem_shared>> -> memref<640x16xf32, #tpu.memory_space<vmem_shared>>
      tpu.wait_dma2 semaphore(%run_scoped3A : memref<!tpu.dma_semaphore, #tpu.memory_space<semaphore_mem>>) src(%dma_wait3A_81 : memref<640x16xf32, #tpu.memory_space<vmem_shared>>) dst(%dma_wait3A_79 : memref<640x16xf32, #tpu.memory_space<hbm>>)
      tpu.yield
    }) : () -> ()
    return
  }
}

#map = affine_map<(d0, d1) -> (0, 0)>
#map1 = affine_map<(d0, d1) -> (0, 0, 0)>
module attributes {stable_mosaic.version = 14 : i64} {
  func.func @k(%arg0: i32, %arg1: i32, %arg2: memref<10240x128xf32, #tpu.memory_space<hbm>>, %arg3: memref<32x40x128xi32, #tpu.memory_space<hbm>>, %arg4: memref<32x40x128xi32, #tpu.memory_space<hbm>>, %arg5: memref<2x10240x128xf32, #tpu.memory_space<hbm>>, %arg6: memref<40x128xi32, #tpu.memory_space<vmem>>, %arg7: memref<40x128xi32, #tpu.memory_space<vmem>>, %arg8: memref<128x128xf32, #tpu.memory_space<vmem>>, %arg9: memref<128x128xf32, #tpu.memory_space<vmem>>, %arg10: memref<10240x128xf32, #tpu.memory_space<vmem_shared>>, %arg11: memref<!tpu.dma_semaphore, #tpu.memory_space<semaphore_mem>>, %arg12: memref<!tpu.dma_semaphore, #tpu.memory_space<semaphore_mem>>, %arg13: memref<!tpu.dma_semaphore, #tpu.memory_space<semaphore_mem>>) attributes {dimension_semantics = [#tpu.dimension_semantics<core_parallel>, #tpu.dimension_semantics<subcore_parallel>], iteration_bounds = array<i64: 2, 16>, scalar_prefetch = 0 : i64, scratch_operands = 8 : i64, tpu.core_type = #tpu.core_type<sc_vector_subcore>, window_params = [{transform_indices = #map}, {transform_indices = #map1}, {transform_indices = #map1}, {transform_indices = #map1}]} {
    %mul3A = arith.constant 16 : i32
    %mul3A_0 = arith.muli %arg0, %mul3A : i32
    %add3A = arith.addi %mul3A_0, %arg1 : i32
    %broadcast_in_dim3A = arith.constant 0.000000e+00 : f32
    %broadcast_in_dim3A_1 = vector.broadcast %broadcast_in_dim3A : f32 to vector<16xf32>
    %scan3A = arith.constant 0 : i32
    %scan3A_2 = arith.constant 0 : i32
    %scan3A_3 = arith.constant 128 : i32
    %scan3A_4 = arith.addi %scan3A_2, %scan3A_3 : i32
    %scan3A_5 = arith.constant 1 : i32
    scf.for %scan3A_51 = %scan3A_2 to %scan3A_4 step %scan3A_5  : i32 {
      %swap3A = arith.index_cast %scan3A_51 : i32 to index
      %swap3A_52 = arith.constant 0 : index
      %swap3A_53 = tpu.vector_load %arg8[%swap3A, %swap3A_52] {strides = array<i32>} : memref<128x128xf32, #tpu.memory_space<vmem>>, vector<1x16xf32>,
      %swap3A_54 = vector.shape_cast %swap3A_53 : vector<1x16xf32> to vector<16xf32>
      %swap3A_55 = vector.shape_cast %broadcast_in_dim3A_1 : vector<16xf32> to vector<1x16xf32>
      tpu.vector_store %arg8[%swap3A, %swap3A_52], %swap3A_55 {strides = array<i32>} : memref<128x128xf32, #tpu.memory_space<vmem>>, vector<1x16xf32>,
      %swap3A_56 = arith.index_cast %scan3A_51 : i32 to index
      %swap3A_57 = arith.constant 16 : index
      %swap3A_58 = tpu.vector_load %arg8[%swap3A_56, %swap3A_57] {strides = array<i32>} : memref<128x128xf32, #tpu.memory_space<vmem>>, vector<1x16xf32>,
      %swap3A_59 = vector.shape_cast %swap3A_58 : vector<1x16xf32> to vector<16xf32>
      %swap3A_60 = vector.shape_cast %broadcast_in_dim3A_1 : vector<16xf32> to vector<1x16xf32>
      tpu.vector_store %arg8[%swap3A_56, %swap3A_57], %swap3A_60 {strides = array<i32>} : memref<128x128xf32, #tpu.memory_space<vmem>>, vector<1x16xf32>,
      %swap3A_61 = arith.index_cast %scan3A_51 : i32 to index
      %swap3A_62 = arith.constant 32 : index
      %swap3A_63 = tpu.vector_load %arg8[%swap3A_61, %swap3A_62] {strides = array<i32>} : memref<128x128xf32, #tpu.memory_space<vmem>>, vector<1x16xf32>,
      %swap3A_64 = vector.shape_cast %swap3A_63 : vector<1x16xf32> to vector<16xf32>
      %swap3A_65 = vector.shape_cast %broadcast_in_dim3A_1 : vector<16xf32> to vector<1x16xf32>
      tpu.vector_store %arg8[%swap3A_61, %swap3A_62], %swap3A_65 {strides = array<i32>} : memref<128x128xf32, #tpu.memory_space<vmem>>, vector<1x16xf32>,
      %swap3A_66 = arith.index_cast %scan3A_51 : i32 to index
      %swap3A_67 = arith.constant 48 : index
      %swap3A_68 = tpu.vector_load %arg8[%swap3A_66, %swap3A_67] {strides = array<i32>} : memref<128x128xf32, #tpu.memory_space<vmem>>, vector<1x16xf32>,
      %swap3A_69 = vector.shape_cast %swap3A_68 : vector<1x16xf32> to vector<16xf32>
      %swap3A_70 = vector.shape_cast %broadcast_in_dim3A_1 : vector<16xf32> to vector<1x16xf32>
      tpu.vector_store %arg8[%swap3A_66, %swap3A_67], %swap3A_70 {strides = array<i32>} : memref<128x128xf32, #tpu.memory_space<vmem>>, vector<1x16xf32>,
      %swap3A_71 = arith.index_cast %scan3A_51 : i32 to index
      %swap3A_72 = arith.constant 64 : index
      %swap3A_73 = tpu.vector_load %arg8[%swap3A_71, %swap3A_72] {strides = array<i32>} : memref<128x128xf32, #tpu.memory_space<vmem>>, vector<1x16xf32>,
      %swap3A_74 = vector.shape_cast %swap3A_73 : vector<1x16xf32> to vector<16xf32>
      %swap3A_75 = vector.shape_cast %broadcast_in_dim3A_1 : vector<16xf32> to vector<1x16xf32>
      tpu.vector_store %arg8[%swap3A_71, %swap3A_72], %swap3A_75 {strides = array<i32>} : memref<128x128xf32, #tpu.memory_space<vmem>>, vector<1x16xf32>,
      %swap3A_76 = arith.index_cast %scan3A_51 : i32 to index
      %swap3A_77 = arith.constant 80 : index
      %swap3A_78 = tpu.vector_load %arg8[%swap3A_76, %swap3A_77] {strides = array<i32>} : memref<128x128xf32, #tpu.memory_space<vmem>>, vector<1x16xf32>,
      %swap3A_79 = vector.shape_cast %swap3A_78 : vector<1x16xf32> to vector<16xf32>
      %swap3A_80 = vector.shape_cast %broadcast_in_dim3A_1 : vector<16xf32> to vector<1x16xf32>
      tpu.vector_store %arg8[%swap3A_76, %swap3A_77], %swap3A_80 {strides = array<i32>} : memref<128x128xf32, #tpu.memory_space<vmem>>, vector<1x16xf32>,
      %swap3A_81 = arith.index_cast %scan3A_51 : i32 to index
      %swap3A_82 = arith.constant 96 : index
      %swap3A_83 = tpu.vector_load %arg8[%swap3A_81, %swap3A_82] {strides = array<i32>} : memref<128x128xf32, #tpu.memory_space<vmem>>, vector<1x16xf32>,
      %swap3A_84 = vector.shape_cast %swap3A_83 : vector<1x16xf32> to vector<16xf32>
      %swap3A_85 = vector.shape_cast %broadcast_in_dim3A_1 : vector<16xf32> to vector<1x16xf32>
      tpu.vector_store %arg8[%swap3A_81, %swap3A_82], %swap3A_85 {strides = array<i32>} : memref<128x128xf32, #tpu.memory_space<vmem>>, vector<1x16xf32>,
      %swap3A_86 = arith.index_cast %scan3A_51 : i32 to index
      %swap3A_87 = arith.constant 112 : index
      %swap3A_88 = tpu.vector_load %arg8[%swap3A_86, %swap3A_87] {strides = array<i32>} : memref<128x128xf32, #tpu.memory_space<vmem>>, vector<1x16xf32>,
      %swap3A_89 = vector.shape_cast %swap3A_88 : vector<1x16xf32> to vector<16xf32>
      %swap3A_90 = vector.shape_cast %broadcast_in_dim3A_1 : vector<16xf32> to vector<1x16xf32>
      tpu.vector_store %arg8[%swap3A_86, %swap3A_87], %swap3A_90 {strides = array<i32>} : memref<128x128xf32, #tpu.memory_space<vmem>>, vector<1x16xf32>,
    }
    %scan3A_6 = arith.constant 128 : i32
    %mul3A_7 = arith.constant 640 : i32
    %mul3A_8 = arith.muli %arg1, %mul3A_7 : i32
    %add3A_9 = arith.constant 0 : i32
    %add3A_10 = arith.addi %mul3A_8, %add3A_9 : i32
    "tpu.region"() ({
      %run_scoped3A = tpu.sem_alloc : memref<!tpu.dma_semaphore, #tpu.memory_space<semaphore_mem>>
      %dma_start3A_51 = arith.constant 0 : i32
      %dma_start3A_52 = tpu.memref_slice %arg10[%add3A_10, %dma_start3A_51] : memref<10240x128xf32, #tpu.memory_space<vmem_shared>> -> memref<128x128xf32, #tpu.memory_space<vmem_shared>>
      %dma_start3A_53 = arith.constant 0 : i32
      %dma_start3A_54 = tpu.memref_slice %arg10[%add3A_10, %dma_start3A_53] : memref<10240x128xf32, #tpu.memory_space<vmem_shared>> -> memref<128x128xf32, #tpu.memory_space<vmem_shared>>
      tpu.enqueue_dma source(%arg8 : memref<128x128xf32, #tpu.memory_space<vmem>>) target(%dma_start3A_54 : memref<128x128xf32, #tpu.memory_space<vmem_shared>>) target_semaphore(%run_scoped3A : memref<!tpu.dma_semaphore, #tpu.memory_space<semaphore_mem>>)
      %dma_wait3A = arith.constant 0 : i32
      %dma_wait3A_55 = tpu.memref_slice %arg10[%add3A_10, %dma_wait3A] : memref<10240x128xf32, #tpu.memory_space<vmem_shared>> -> memref<128x128xf32, #tpu.memory_space<vmem_shared>>
      %dma_wait3A_56 = arith.constant 0 : i32
      %dma_wait3A_57 = tpu.memref_slice %arg10[%add3A_10, %dma_wait3A_56] : memref<10240x128xf32, #tpu.memory_space<vmem_shared>> -> memref<128x128xf32, #tpu.memory_space<vmem_shared>>
      tpu.wait_dma2 semaphore(%run_scoped3A : memref<!tpu.dma_semaphore, #tpu.memory_space<semaphore_mem>>) src(%arg8 : memref<128x128xf32, #tpu.memory_space<vmem>>) dst(%dma_wait3A_57 : memref<128x128xf32, #tpu.memory_space<vmem_shared>>)
      tpu.yield
    }) : () -> ()
    %mul3A_11 = arith.constant 640 : i32
    %mul3A_12 = arith.muli %arg1, %mul3A_11 : i32
    %add3A_13 = arith.constant 128 : i32
    %add3A_14 = arith.addi %mul3A_12, %add3A_13 : i32
    "tpu.region"() ({
      %run_scoped3A = tpu.sem_alloc : memref<!tpu.dma_semaphore, #tpu.memory_space<semaphore_mem>>
      %dma_start3A_51 = arith.constant 0 : i32
      %dma_start3A_52 = tpu.memref_slice %arg10[%add3A_14, %dma_start3A_51] : memref<10240x128xf32, #tpu.memory_space<vmem_shared>> -> memref<128x128xf32, #tpu.memory_space<vmem_shared>>
      %dma_start3A_53 = arith.constant 0 : i32
      %dma_start3A_54 = tpu.memref_slice %arg10[%add3A_14, %dma_start3A_53] : memref<10240x128xf32, #tpu.memory_space<vmem_shared>> -> memref<128x128xf32, #tpu.memory_space<vmem_shared>>
      tpu.enqueue_dma source(%arg8 : memref<128x128xf32, #tpu.memory_space<vmem>>) target(%dma_start3A_54 : memref<128x128xf32, #tpu.memory_space<vmem_shared>>) target_semaphore(%run_scoped3A : memref<!tpu.dma_semaphore, #tpu.memory_space<semaphore_mem>>)
      %dma_wait3A = arith.constant 0 : i32
      %dma_wait3A_55 = tpu.memref_slice %arg10[%add3A_14, %dma_wait3A] : memref<10240x128xf32, #tpu.memory_space<vmem_shared>> -> memref<128x128xf32, #tpu.memory_space<vmem_shared>>
      %dma_wait3A_56 = arith.constant 0 : i32
      %dma_wait3A_57 = tpu.memref_slice %arg10[%add3A_14, %dma_wait3A_56] : memref<10240x128xf32, #tpu.memory_space<vmem_shared>> -> memref<128x128xf32, #tpu.memory_space<vmem_shared>>
      tpu.wait_dma2 semaphore(%run_scoped3A : memref<!tpu.dma_semaphore, #tpu.memory_space<semaphore_mem>>) src(%arg8 : memref<128x128xf32, #tpu.memory_space<vmem>>) dst(%dma_wait3A_57 : memref<128x128xf32, #tpu.memory_space<vmem_shared>>)
      tpu.yield
    }) : () -> ()
    %mul3A_15 = arith.constant 640 : i32
    %mul3A_16 = arith.muli %arg1, %mul3A_15 : i32
    %add3A_17 = arith.constant 256 : i32
    %add3A_18 = arith.addi %mul3A_16, %add3A_17 : i32
    "tpu.region"() ({
      %run_scoped3A = tpu.sem_alloc : memref<!tpu.dma_semaphore, #tpu.memory_space<semaphore_mem>>
      %dma_start3A_51 = arith.constant 0 : i32
      %dma_start3A_52 = tpu.memref_slice %arg10[%add3A_18, %dma_start3A_51] : memref<10240x128xf32, #tpu.memory_space<vmem_shared>> -> memref<128x128xf32, #tpu.memory_space<vmem_shared>>
      %dma_start3A_53 = arith.constant 0 : i32
      %dma_start3A_54 = tpu.memref_slice %arg10[%add3A_18, %dma_start3A_53] : memref<10240x128xf32, #tpu.memory_space<vmem_shared>> -> memref<128x128xf32, #tpu.memory_space<vmem_shared>>
      tpu.enqueue_dma source(%arg8 : memref<128x128xf32, #tpu.memory_space<vmem>>) target(%dma_start3A_54 : memref<128x128xf32, #tpu.memory_space<vmem_shared>>) target_semaphore(%run_scoped3A : memref<!tpu.dma_semaphore, #tpu.memory_space<semaphore_mem>>)
      %dma_wait3A = arith.constant 0 : i32
      %dma_wait3A_55 = tpu.memref_slice %arg10[%add3A_18, %dma_wait3A] : memref<10240x128xf32, #tpu.memory_space<vmem_shared>> -> memref<128x128xf32, #tpu.memory_space<vmem_shared>>
      %dma_wait3A_56 = arith.constant 0 : i32
      %dma_wait3A_57 = tpu.memref_slice %arg10[%add3A_18, %dma_wait3A_56] : memref<10240x128xf32, #tpu.memory_space<vmem_shared>> -> memref<128x128xf32, #tpu.memory_space<vmem_shared>>
      tpu.wait_dma2 semaphore(%run_scoped3A : memref<!tpu.dma_semaphore, #tpu.memory_space<semaphore_mem>>) src(%arg8 : memref<128x128xf32, #tpu.memory_space<vmem>>) dst(%dma_wait3A_57 : memref<128x128xf32, #tpu.memory_space<vmem_shared>>)
      tpu.yield
    }) : () -> ()
    %mul3A_19 = arith.constant 640 : i32
    %mul3A_20 = arith.muli %arg1, %mul3A_19 : i32
    %add3A_21 = arith.constant 384 : i32
    %add3A_22 = arith.addi %mul3A_20, %add3A_21 : i32
    "tpu.region"() ({
      %run_scoped3A = tpu.sem_alloc : memref<!tpu.dma_semaphore, #tpu.memory_space<semaphore_mem>>
      %dma_start3A_51 = arith.constant 0 : i32
      %dma_start3A_52 = tpu.memref_slice %arg10[%add3A_22, %dma_start3A_51] : memref<10240x128xf32, #tpu.memory_space<vmem_shared>> -> memref<128x128xf32, #tpu.memory_space<vmem_shared>>
      %dma_start3A_53 = arith.constant 0 : i32
      %dma_start3A_54 = tpu.memref_slice %arg10[%add3A_22, %dma_start3A_53] : memref<10240x128xf32, #tpu.memory_space<vmem_shared>> -> memref<128x128xf32, #tpu.memory_space<vmem_shared>>
      tpu.enqueue_dma source(%arg8 : memref<128x128xf32, #tpu.memory_space<vmem>>) target(%dma_start3A_54 : memref<128x128xf32, #tpu.memory_space<vmem_shared>>) target_semaphore(%run_scoped3A : memref<!tpu.dma_semaphore, #tpu.memory_space<semaphore_mem>>)
      %dma_wait3A = arith.constant 0 : i32
      %dma_wait3A_55 = tpu.memref_slice %arg10[%add3A_22, %dma_wait3A] : memref<10240x128xf32, #tpu.memory_space<vmem_shared>> -> memref<128x128xf32, #tpu.memory_space<vmem_shared>>
      %dma_wait3A_56 = arith.constant 0 : i32
      %dma_wait3A_57 = tpu.memref_slice %arg10[%add3A_22, %dma_wait3A_56] : memref<10240x128xf32, #tpu.memory_space<vmem_shared>> -> memref<128x128xf32, #tpu.memory_space<vmem_shared>>
      tpu.wait_dma2 semaphore(%run_scoped3A : memref<!tpu.dma_semaphore, #tpu.memory_space<semaphore_mem>>) src(%arg8 : memref<128x128xf32, #tpu.memory_space<vmem>>) dst(%dma_wait3A_57 : memref<128x128xf32, #tpu.memory_space<vmem_shared>>)
      tpu.yield
    }) : () -> ()
    %mul3A_23 = arith.constant 640 : i32
    %mul3A_24 = arith.muli %arg1, %mul3A_23 : i32
    %add3A_25 = arith.constant 512 : i32
    %add3A_26 = arith.addi %mul3A_24, %add3A_25 : i32
    "tpu.region"() ({
      %run_scoped3A = tpu.sem_alloc : memref<!tpu.dma_semaphore, #tpu.memory_space<semaphore_mem>>
      %dma_start3A_51 = arith.constant 0 : i32
      %dma_start3A_52 = tpu.memref_slice %arg10[%add3A_26, %dma_start3A_51] : memref<10240x128xf32, #tpu.memory_space<vmem_shared>> -> memref<128x128xf32, #tpu.memory_space<vmem_shared>>
      %dma_start3A_53 = arith.constant 0 : i32
      %dma_start3A_54 = tpu.memref_slice %arg10[%add3A_26, %dma_start3A_53] : memref<10240x128xf32, #tpu.memory_space<vmem_shared>> -> memref<128x128xf32, #tpu.memory_space<vmem_shared>>
      tpu.enqueue_dma source(%arg8 : memref<128x128xf32, #tpu.memory_space<vmem>>) target(%dma_start3A_54 : memref<128x128xf32, #tpu.memory_space<vmem_shared>>) target_semaphore(%run_scoped3A : memref<!tpu.dma_semaphore, #tpu.memory_space<semaphore_mem>>)
      %dma_wait3A = arith.constant 0 : i32
      %dma_wait3A_55 = tpu.memref_slice %arg10[%add3A_26, %dma_wait3A] : memref<10240x128xf32, #tpu.memory_space<vmem_shared>> -> memref<128x128xf32, #tpu.memory_space<vmem_shared>>
      %dma_wait3A_56 = arith.constant 0 : i32
      %dma_wait3A_57 = tpu.memref_slice %arg10[%add3A_26, %dma_wait3A_56] : memref<10240x128xf32, #tpu.memory_space<vmem_shared>> -> memref<128x128xf32, #tpu.memory_space<vmem_shared>>
      tpu.wait_dma2 semaphore(%run_scoped3A : memref<!tpu.dma_semaphore, #tpu.memory_space<semaphore_mem>>) src(%arg8 : memref<128x128xf32, #tpu.memory_space<vmem>>) dst(%dma_wait3A_57 : memref<128x128xf32, #tpu.memory_space<vmem_shared>>)
      tpu.yield
    }) : () -> ()
    "tpu.region"() ({
      %run_scoped3A = tpu.sem_alloc : memref<!tpu.dma_semaphore, #tpu.memory_space<semaphore_mem>>
      %dma_start3A_51 = arith.constant 0 : i32
      %dma_start3A_52 = arith.constant 0 : i32
      %dma_start3A_53 = tpu.memref_slice %arg3[%add3A, %dma_start3A_51, %dma_start3A_52] : memref<32x40x128xi32, #tpu.memory_space<hbm>> -> memref<1x40x128xi32, #tpu.memory_space<hbm>>
      %dma_start3A_54 = tpu.memref_squeeze %dma_start3A_53 : memref<1x40x128xi32, #tpu.memory_space<hbm>> -> memref<40x128xi32, #tpu.memory_space<hbm>>
      %dma_start3A_55 = arith.constant 0 : i32
      %dma_start3A_56 = arith.constant 0 : i32
      %dma_start3A_57 = tpu.memref_slice %arg3[%add3A, %dma_start3A_55, %dma_start3A_56] : memref<32x40x128xi32, #tpu.memory_space<hbm>> -> memref<1x40x128xi32, #tpu.memory_space<hbm>>
      %dma_start3A_58 = tpu.memref_squeeze %dma_start3A_57 : memref<1x40x128xi32, #tpu.memory_space<hbm>> -> memref<40x128xi32, #tpu.memory_space<hbm>>
      tpu.enqueue_dma source(%dma_start3A_58 : memref<40x128xi32, #tpu.memory_space<hbm>>) target(%arg6 : memref<40x128xi32, #tpu.memory_space<vmem>>) target_semaphore(%run_scoped3A : memref<!tpu.dma_semaphore, #tpu.memory_space<semaphore_mem>>)
      %dma_wait3A = arith.constant 0 : i32
      %dma_wait3A_59 = arith.constant 0 : i32
      %dma_wait3A_60 = tpu.memref_slice %arg3[%add3A, %dma_wait3A, %dma_wait3A_59] : memref<32x40x128xi32, #tpu.memory_space<hbm>> -> memref<1x40x128xi32, #tpu.memory_space<hbm>>
      %dma_wait3A_61 = tpu.memref_squeeze %dma_wait3A_60 : memref<1x40x128xi32, #tpu.memory_space<hbm>> -> memref<40x128xi32, #tpu.memory_space<hbm>>
      %dma_wait3A_62 = arith.constant 0 : i32
      %dma_wait3A_63 = arith.constant 0 : i32
      %dma_wait3A_64 = tpu.memref_slice %arg3[%add3A, %dma_wait3A_62, %dma_wait3A_63] : memref<32x40x128xi32, #tpu.memory_space<hbm>> -> memref<1x40x128xi32, #tpu.memory_space<hbm>>
      %dma_wait3A_65 = tpu.memref_squeeze %dma_wait3A_64 : memref<1x40x128xi32, #tpu.memory_space<hbm>> -> memref<40x128xi32, #tpu.memory_space<hbm>>
      tpu.wait_dma2 semaphore(%run_scoped3A : memref<!tpu.dma_semaphore, #tpu.memory_space<semaphore_mem>>) src(%dma_wait3A_65 : memref<40x128xi32, #tpu.memory_space<hbm>>) dst(%arg6 : memref<40x128xi32, #tpu.memory_space<vmem>>)
      tpu.yield
    }) : () -> ()
    "tpu.region"() ({
      %run_scoped3A = tpu.sem_alloc : memref<!tpu.dma_semaphore, #tpu.memory_space<semaphore_mem>>
      %dma_start3A_51 = arith.constant 0 : i32
      %dma_start3A_52 = arith.constant 0 : i32
      %dma_start3A_53 = tpu.memref_slice %arg4[%add3A, %dma_start3A_51, %dma_start3A_52] : memref<32x40x128xi32, #tpu.memory_space<hbm>> -> memref<1x40x128xi32, #tpu.memory_space<hbm>>
      %dma_start3A_54 = tpu.memref_squeeze %dma_start3A_53 : memref<1x40x128xi32, #tpu.memory_space<hbm>> -> memref<40x128xi32, #tpu.memory_space<hbm>>
      %dma_start3A_55 = arith.constant 0 : i32
      %dma_start3A_56 = arith.constant 0 : i32
      %dma_start3A_57 = tpu.memref_slice %arg4[%add3A, %dma_start3A_55, %dma_start3A_56] : memref<32x40x128xi32, #tpu.memory_space<hbm>> -> memref<1x40x128xi32, #tpu.memory_space<hbm>>
      %dma_start3A_58 = tpu.memref_squeeze %dma_start3A_57 : memref<1x40x128xi32, #tpu.memory_space<hbm>> -> memref<40x128xi32, #tpu.memory_space<hbm>>
      tpu.enqueue_dma source(%dma_start3A_58 : memref<40x128xi32, #tpu.memory_space<hbm>>) target(%arg7 : memref<40x128xi32, #tpu.memory_space<vmem>>) target_semaphore(%run_scoped3A : memref<!tpu.dma_semaphore, #tpu.memory_space<semaphore_mem>>)
      %dma_wait3A = arith.constant 0 : i32
      %dma_wait3A_59 = arith.constant 0 : i32
      %dma_wait3A_60 = tpu.memref_slice %arg4[%add3A, %dma_wait3A, %dma_wait3A_59] : memref<32x40x128xi32, #tpu.memory_space<hbm>> -> memref<1x40x128xi32, #tpu.memory_space<hbm>>
      %dma_wait3A_61 = tpu.memref_squeeze %dma_wait3A_60 : memref<1x40x128xi32, #tpu.memory_space<hbm>> -> memref<40x128xi32, #tpu.memory_space<hbm>>
      %dma_wait3A_62 = arith.constant 0 : i32
      %dma_wait3A_63 = arith.constant 0 : i32
      %dma_wait3A_64 = tpu.memref_slice %arg4[%add3A, %dma_wait3A_62, %dma_wait3A_63] : memref<32x40x128xi32, #tpu.memory_space<hbm>> -> memref<1x40x128xi32, #tpu.memory_space<hbm>>
      %dma_wait3A_65 = tpu.memref_squeeze %dma_wait3A_64 : memref<1x40x128xi32, #tpu.memory_space<hbm>> -> memref<40x128xi32, #tpu.memory_space<hbm>>
      tpu.wait_dma2 semaphore(%run_scoped3A : memref<!tpu.dma_semaphore, #tpu.memory_space<semaphore_mem>>) src(%dma_wait3A_65 : memref<40x128xi32, #tpu.memory_space<hbm>>) dst(%arg7 : memref<40x128xi32, #tpu.memory_space<vmem>>)
      tpu.yield
    }) : () -> ()
    %barrier3A = arith.constant 0 : index
    tpu.barrier barrier_id(%barrier3A)
    %dma_start3A = arith.constant 0 : i32
    %dma_start3A_27 = arith.constant 0 : i32
    %dma_start3A_28 = tpu.memref_slice %arg6[%dma_start3A, %dma_start3A_27] : memref<40x128xi32, #tpu.memory_space<vmem>> -> memref<1x128xi32, #tpu.memory_space<vmem>>
    %dma_start3A_29 = tpu.memref_squeeze %dma_start3A_28 : memref<1x128xi32, #tpu.memory_space<vmem>> -> memref<128xi32, #tpu.memory_space<vmem>>
    %dma_start3A_30 = arith.constant 0 : i32
    %dma_start3A_31 = arith.constant 0 : i32
    %dma_start3A_32 = tpu.memref_slice %arg2[%dma_start3A_30, %dma_start3A_31] : memref<10240x128xf32, #tpu.memory_space<hbm>> -> memref<10240x128xf32, #tpu.memory_space<hbm>>
    tpu.enqueue_indirect_dma source(%dma_start3A_32 : memref<10240x128xf32, #tpu.memory_space<hbm>>) target(%arg8 : memref<128x128xf32, #tpu.memory_space<vmem>>) offsets(%dma_start3A_29 : memref<128xi32, #tpu.memory_space<vmem>>) semaphore(%arg11 : memref<!tpu.dma_semaphore, #tpu.memory_space<semaphore_mem>>)
    %dma_start3A_33 = arith.constant 1 : i32
    %dma_start3A_34 = arith.constant 0 : i32
    %dma_start3A_35 = tpu.memref_slice %arg6[%dma_start3A_33, %dma_start3A_34] : memref<40x128xi32, #tpu.memory_space<vmem>> -> memref<1x128xi32, #tpu.memory_space<vmem>>
    %dma_start3A_36 = tpu.memref_squeeze %dma_start3A_35 : memref<1x128xi32, #tpu.memory_space<vmem>> -> memref<128xi32, #tpu.memory_space<vmem>>
    %dma_start3A_37 = arith.constant 0 : i32
    %dma_start3A_38 = arith.constant 0 : i32
    %dma_start3A_39 = tpu.memref_slice %arg2[%dma_start3A_37, %dma_start3A_38] : memref<10240x128xf32, #tpu.memory_space<hbm>> -> memref<10240x128xf32, #tpu.memory_space<hbm>>
    tpu.enqueue_indirect_dma source(%dma_start3A_39 : memref<10240x128xf32, #tpu.memory_space<hbm>>) target(%arg9 : memref<128x128xf32, #tpu.memory_space<vmem>>) offsets(%dma_start3A_36 : memref<128xi32, #tpu.memory_space<vmem>>) semaphore(%arg12 : memref<!tpu.dma_semaphore, #tpu.memory_space<semaphore_mem>>)
    %scan3A_40 = arith.constant 0 : i32
    %scan3A_41 = arith.constant 0 : i32
    %scan3A_42 = arith.constant 20 : i32
    %scan3A_43 = arith.addi %scan3A_41, %scan3A_42 : i32
    %scan3A_44 = arith.constant 1 : i32
    scf.for %scan3A_51 = %scan3A_41 to %scan3A_43 step %scan3A_44  : i32 {
      %mul3A_52 = arith.constant 2 : i32
      %mul3A_53 = arith.muli %mul3A_52, %scan3A_51 : i32
      %add3A_54 = arith.constant 0 : i32
      %add3A_55 = arith.addi %mul3A_53, %add3A_54 : i32
      %dma_wait3A = arith.constant 0 : i32
      %dma_wait3A_56 = tpu.memref_slice %arg6[%add3A_55, %dma_wait3A] : memref<40x128xi32, #tpu.memory_space<vmem>> -> memref<1x128xi32, #tpu.memory_space<vmem>>
      %dma_wait3A_57 = tpu.memref_squeeze %dma_wait3A_56 : memref<1x128xi32, #tpu.memory_space<vmem>> -> memref<128xi32, #tpu.memory_space<vmem>>
      %dma_wait3A_58 = arith.constant 0 : i32
      %dma_wait3A_59 = arith.constant 0 : i32
      %dma_wait3A_60 = tpu.memref_slice %arg2[%dma_wait3A_58, %dma_wait3A_59] : memref<10240x128xf32, #tpu.memory_space<hbm>> -> memref<10240x128xf32, #tpu.memory_space<hbm>>
      tpu.wait_indirect_dma semaphore(%arg11 : memref<!tpu.dma_semaphore, #tpu.memory_space<semaphore_mem>>) src(%dma_wait3A_60 : memref<10240x128xf32, #tpu.memory_space<hbm>>) dst(%arg8 : memref<128x128xf32, #tpu.memory_space<vmem>>)
      %dma_start3A_61 = arith.constant 0 : i32
      %dma_start3A_62 = tpu.memref_slice %arg7[%add3A_55, %dma_start3A_61] : memref<40x128xi32, #tpu.memory_space<vmem>> -> memref<1x128xi32, #tpu.memory_space<vmem>>
      %dma_start3A_63 = tpu.memref_squeeze %dma_start3A_62 : memref<1x128xi32, #tpu.memory_space<vmem>> -> memref<128xi32, #tpu.memory_space<vmem>>
      %dma_start3A_64 = arith.constant 0 : i32
      %dma_start3A_65 = arith.constant 0 : i32
      %dma_start3A_66 = tpu.memref_slice %arg10[%dma_start3A_64, %dma_start3A_65] : memref<10240x128xf32, #tpu.memory_space<vmem_shared>> -> memref<10240x128xf32, #tpu.memory_space<vmem_shared>>
      tpu.enqueue_indirect_dma source(%arg8 : memref<128x128xf32, #tpu.memory_space<vmem>>) target(%dma_start3A_66 : memref<10240x128xf32, #tpu.memory_space<vmem_shared>>) offsets(%dma_start3A_63 : memref<128xi32, #tpu.memory_space<vmem>>) semaphore(%arg13 : memref<!tpu.dma_semaphore, #tpu.memory_space<semaphore_mem>>) {add = true}
      %dma_wait3A_67 = arith.constant 0 : i32
      %dma_wait3A_68 = tpu.memref_slice %arg7[%add3A_55, %dma_wait3A_67] : memref<40x128xi32, #tpu.memory_space<vmem>> -> memref<1x128xi32, #tpu.memory_space<vmem>>
      %dma_wait3A_69 = tpu.memref_squeeze %dma_wait3A_68 : memref<1x128xi32, #tpu.memory_space<vmem>> -> memref<128xi32, #tpu.memory_space<vmem>>
      %dma_wait3A_70 = arith.constant 0 : i32
      %dma_wait3A_71 = arith.constant 0 : i32
      %dma_wait3A_72 = tpu.memref_slice %arg10[%dma_wait3A_70, %dma_wait3A_71] : memref<10240x128xf32, #tpu.memory_space<vmem_shared>> -> memref<10240x128xf32, #tpu.memory_space<vmem_shared>>
      tpu.wait_indirect_dma semaphore(%arg13 : memref<!tpu.dma_semaphore, #tpu.memory_space<semaphore_mem>>) src(%arg8 : memref<128x128xf32, #tpu.memory_space<vmem>>) dst(%dma_wait3A_72 : memref<10240x128xf32, #tpu.memory_space<vmem_shared>>)
      %add3A_73 = arith.constant 2 : i32
      %add3A_74 = arith.addi %add3A_55, %add3A_73 : i32
      %lt3A = arith.constant 40 : i32
      %lt3A_75 = arith.cmpi slt, %add3A_74, %lt3A : i32
      %convert_element_type3A = arith.extui %lt3A_75 : i1 to i32
      %cond3A = arith.constant 0 : i32
      %cond3A_76 = arith.cmpi ne, %convert_element_type3A, %cond3A : i32
      scf.if %cond3A_76 {
        %add3A_106 = arith.constant 2 : i32
        %add3A_107 = arith.addi %add3A_55, %add3A_106 : i32
        %dma_start3A_108 = arith.constant 0 : i32
        %dma_start3A_109 = tpu.memref_slice %arg6[%add3A_107, %dma_start3A_108] : memref<40x128xi32, #tpu.memory_space<vmem>> -> memref<1x128xi32, #tpu.memory_space<vmem>>
        %dma_start3A_110 = tpu.memref_squeeze %dma_start3A_109 : memref<1x128xi32, #tpu.memory_space<vmem>> -> memref<128xi32, #tpu.memory_space<vmem>>
        %dma_start3A_111 = arith.constant 0 : i32
        %dma_start3A_112 = arith.constant 0 : i32
        %dma_start3A_113 = tpu.memref_slice %arg2[%dma_start3A_111, %dma_start3A_112] : memref<10240x128xf32, #tpu.memory_space<hbm>> -> memref<10240x128xf32, #tpu.memory_space<hbm>>
        tpu.enqueue_indirect_dma source(%dma_start3A_113 : memref<10240x128xf32, #tpu.memory_space<hbm>>) target(%arg8 : memref<128x128xf32, #tpu.memory_space<vmem>>) offsets(%dma_start3A_110 : memref<128xi32, #tpu.memory_space<vmem>>) semaphore(%arg11 : memref<!tpu.dma_semaphore, #tpu.memory_space<semaphore_mem>>)
      } else {
      }
      %mul3A_77 = arith.constant 2 : i32
      %mul3A_78 = arith.muli %mul3A_77, %scan3A_51 : i32
      %add3A_79 = arith.constant 1 : i32
      %add3A_80 = arith.addi %mul3A_78, %add3A_79 : i32
      %dma_wait3A_81 = arith.constant 0 : i32
      %dma_wait3A_82 = tpu.memref_slice %arg6[%add3A_80, %dma_wait3A_81] : memref<40x128xi32, #tpu.memory_space<vmem>> -> memref<1x128xi32, #tpu.memory_space<vmem>>
      %dma_wait3A_83 = tpu.memref_squeeze %dma_wait3A_82 : memref<1x128xi32, #tpu.memory_space<vmem>> -> memref<128xi32, #tpu.memory_space<vmem>>
      %dma_wait3A_84 = arith.constant 0 : i32
      %dma_wait3A_85 = arith.constant 0 : i32
      %dma_wait3A_86 = tpu.memref_slice %arg2[%dma_wait3A_84, %dma_wait3A_85] : memref<10240x128xf32, #tpu.memory_space<hbm>> -> memref<10240x128xf32, #tpu.memory_space<hbm>>
      tpu.wait_indirect_dma semaphore(%arg12 : memref<!tpu.dma_semaphore, #tpu.memory_space<semaphore_mem>>) src(%dma_wait3A_86 : memref<10240x128xf32, #tpu.memory_space<hbm>>) dst(%arg9 : memref<128x128xf32, #tpu.memory_space<vmem>>)
      %dma_start3A_87 = arith.constant 0 : i32
      %dma_start3A_88 = tpu.memref_slice %arg7[%add3A_80, %dma_start3A_87] : memref<40x128xi32, #tpu.memory_space<vmem>> -> memref<1x128xi32, #tpu.memory_space<vmem>>
      %dma_start3A_89 = tpu.memref_squeeze %dma_start3A_88 : memref<1x128xi32, #tpu.memory_space<vmem>> -> memref<128xi32, #tpu.memory_space<vmem>>
      %dma_start3A_90 = arith.constant 0 : i32
      %dma_start3A_91 = arith.constant 0 : i32
      %dma_start3A_92 = tpu.memref_slice %arg10[%dma_start3A_90, %dma_start3A_91] : memref<10240x128xf32, #tpu.memory_space<vmem_shared>> -> memref<10240x128xf32, #tpu.memory_space<vmem_shared>>
      tpu.enqueue_indirect_dma source(%arg9 : memref<128x128xf32, #tpu.memory_space<vmem>>) target(%dma_start3A_92 : memref<10240x128xf32, #tpu.memory_space<vmem_shared>>) offsets(%dma_start3A_89 : memref<128xi32, #tpu.memory_space<vmem>>) semaphore(%arg13 : memref<!tpu.dma_semaphore, #tpu.memory_space<semaphore_mem>>) {add = true}
      %dma_wait3A_93 = arith.constant 0 : i32
      %dma_wait3A_94 = tpu.memref_slice %arg7[%add3A_80, %dma_wait3A_93] : memref<40x128xi32, #tpu.memory_space<vmem>> -> memref<1x128xi32, #tpu.memory_space<vmem>>
      %dma_wait3A_95 = tpu.memref_squeeze %dma_wait3A_94 : memref<1x128xi32, #tpu.memory_space<vmem>> -> memref<128xi32, #tpu.memory_space<vmem>>
      %dma_wait3A_96 = arith.constant 0 : i32
      %dma_wait3A_97 = arith.constant 0 : i32
      %dma_wait3A_98 = tpu.memref_slice %arg10[%dma_wait3A_96, %dma_wait3A_97] : memref<10240x128xf32, #tpu.memory_space<vmem_shared>> -> memref<10240x128xf32, #tpu.memory_space<vmem_shared>>
      tpu.wait_indirect_dma semaphore(%arg13 : memref<!tpu.dma_semaphore, #tpu.memory_space<semaphore_mem>>) src(%arg9 : memref<128x128xf32, #tpu.memory_space<vmem>>) dst(%dma_wait3A_98 : memref<10240x128xf32, #tpu.memory_space<vmem_shared>>)
      %add3A_99 = arith.constant 2 : i32
      %add3A_100 = arith.addi %add3A_80, %add3A_99 : i32
      %lt3A_101 = arith.constant 40 : i32
      %lt3A_102 = arith.cmpi slt, %add3A_100, %lt3A_101 : i32
      %convert_element_type3A_103 = arith.extui %lt3A_102 : i1 to i32
      %cond3A_104 = arith.constant 0 : i32
      %cond3A_105 = arith.cmpi ne, %convert_element_type3A_103, %cond3A_104 : i32
      scf.if %cond3A_105 {
        %add3A_106 = arith.constant 2 : i32
        %add3A_107 = arith.addi %add3A_80, %add3A_106 : i32
        %dma_start3A_108 = arith.constant 0 : i32
        %dma_start3A_109 = tpu.memref_slice %arg6[%add3A_107, %dma_start3A_108] : memref<40x128xi32, #tpu.memory_space<vmem>> -> memref<1x128xi32, #tpu.memory_space<vmem>>
        %dma_start3A_110 = tpu.memref_squeeze %dma_start3A_109 : memref<1x128xi32, #tpu.memory_space<vmem>> -> memref<128xi32, #tpu.memory_space<vmem>>
        %dma_start3A_111 = arith.constant 0 : i32
        %dma_start3A_112 = arith.constant 0 : i32
        %dma_start3A_113 = tpu.memref_slice %arg2[%dma_start3A_111, %dma_start3A_112] : memref<10240x128xf32, #tpu.memory_space<hbm>> -> memref<10240x128xf32, #tpu.memory_space<hbm>>
        tpu.enqueue_indirect_dma source(%dma_start3A_113 : memref<10240x128xf32, #tpu.memory_space<hbm>>) target(%arg9 : memref<128x128xf32, #tpu.memory_space<vmem>>) offsets(%dma_start3A_110 : memref<128xi32, #tpu.memory_space<vmem>>) semaphore(%arg12 : memref<!tpu.dma_semaphore, #tpu.memory_space<semaphore_mem>>)
      } else {
      }
    }
    %scan3A_45 = arith.constant 20 : i32
    %barrier3A_46 = arith.constant 0 : index
    tpu.barrier barrier_id(%barrier3A_46)
    %mul3A_47 = arith.constant 640 : i32
    %mul3A_48 = arith.muli %arg1, %mul3A_47 : i32
    %mul3A_49 = arith.constant 640 : i32
    %mul3A_50 = arith.muli %arg1, %mul3A_49 : i32
    "tpu.region"() ({
      %run_scoped3A = tpu.sem_alloc : memref<!tpu.dma_semaphore, #tpu.memory_space<semaphore_mem>>
      %dma_start3A_51 = arith.constant 0 : i32
      %dma_start3A_52 = tpu.memref_slice %arg5[%arg0, %mul3A_50, %dma_start3A_51] : memref<2x10240x128xf32, #tpu.memory_space<hbm>> -> memref<1x640x128xf32, #tpu.memory_space<hbm>>
      %dma_start3A_53 = tpu.memref_squeeze %dma_start3A_52 : memref<1x640x128xf32, #tpu.memory_space<hbm>> -> memref<640x128xf32, #tpu.memory_space<hbm>>
      %dma_start3A_54 = arith.constant 0 : i32
      %dma_start3A_55 = tpu.memref_slice %arg10[%mul3A_48, %dma_start3A_54] : memref<10240x128xf32, #tpu.memory_space<vmem_shared>> -> memref<640x128xf32, #tpu.memory_space<vmem_shared>>
      tpu.enqueue_dma source(%dma_start3A_55 : memref<640x128xf32, #tpu.memory_space<vmem_shared>>) target(%dma_start3A_53 : memref<640x128xf32, #tpu.memory_space<hbm>>) target_semaphore(%run_scoped3A : memref<!tpu.dma_semaphore, #tpu.memory_space<semaphore_mem>>)
      %dma_wait3A = arith.constant 0 : i32
      %dma_wait3A_56 = tpu.memref_slice %arg5[%arg0, %mul3A_50, %dma_wait3A] : memref<2x10240x128xf32, #tpu.memory_space<hbm>> -> memref<1x640x128xf32, #tpu.memory_space<hbm>>
      %dma_wait3A_57 = tpu.memref_squeeze %dma_wait3A_56 : memref<1x640x128xf32, #tpu.memory_space<hbm>> -> memref<640x128xf32, #tpu.memory_space<hbm>>
      %dma_wait3A_58 = arith.constant 0 : i32
      %dma_wait3A_59 = tpu.memref_slice %arg10[%mul3A_48, %dma_wait3A_58] : memref<10240x128xf32, #tpu.memory_space<vmem_shared>> -> memref<640x128xf32, #tpu.memory_space<vmem_shared>>
      tpu.wait_dma2 semaphore(%run_scoped3A : memref<!tpu.dma_semaphore, #tpu.memory_space<semaphore_mem>>) src(%dma_wait3A_59 : memref<640x128xf32, #tpu.memory_space<vmem_shared>>) dst(%dma_wait3A_57 : memref<640x128xf32, #tpu.memory_space<hbm>>)
      tpu.yield
    }) : () -> ()
    return
  }
}

#map = affine_map<(d0, d1) -> (0, 0)>
#map1 = affine_map<(d0, d1) -> (0, 0, 0)>
module attributes {stable_mosaic.version = 14 : i64} {
  func.func @k(%arg0: i32, %arg1: i32, %arg2: memref<10240x64xf32, #tpu.memory_space<hbm>>, %arg3: memref<32x40x128xi32, #tpu.memory_space<hbm>>, %arg4: memref<32x40x128xi32, #tpu.memory_space<hbm>>, %arg5: memref<2x10240x64xf32, #tpu.memory_space<hbm>>, %arg6: memref<40x128xi32, #tpu.memory_space<vmem>>, %arg7: memref<40x128xi32, #tpu.memory_space<vmem>>, %arg8: memref<128x64xf32, #tpu.memory_space<vmem>>, %arg9: memref<128x64xf32, #tpu.memory_space<vmem>>, %arg10: memref<128x64xf32, #tpu.memory_space<vmem>>, %arg11: memref<128x64xf32, #tpu.memory_space<vmem>>, %arg12: memref<10240x64xf32, #tpu.memory_space<vmem_shared>>, %arg13: memref<!tpu.dma_semaphore, #tpu.memory_space<semaphore_mem>>, %arg14: memref<!tpu.dma_semaphore, #tpu.memory_space<semaphore_mem>>, %arg15: memref<!tpu.dma_semaphore, #tpu.memory_space<semaphore_mem>>, %arg16: memref<!tpu.dma_semaphore, #tpu.memory_space<semaphore_mem>>, %arg17: memref<!tpu.dma_semaphore, #tpu.memory_space<semaphore_mem>>) attributes {dimension_semantics = [#tpu.dimension_semantics<core_parallel>, #tpu.dimension_semantics<subcore_parallel>], iteration_bounds = array<i64: 2, 16>, scalar_prefetch = 0 : i64, scratch_operands = 12 : i64, tpu.core_type = #tpu.core_type<sc_vector_subcore>, window_params = [{transform_indices = #map}, {transform_indices = #map1}, {transform_indices = #map1}, {transform_indices = #map1}]} {
    %mul3A = arith.constant 16 : i32
    %mul3A_0 = arith.muli %arg0, %mul3A : i32
    %add3A = arith.addi %mul3A_0, %arg1 : i32
    %broadcast_in_dim3A = arith.constant 0.000000e+00 : f32
    %broadcast_in_dim3A_1 = vector.broadcast %broadcast_in_dim3A : f32 to vector<16xf32>
    %scan3A = arith.constant 0 : i32
    %scan3A_2 = arith.constant 0 : i32
    %scan3A_3 = arith.constant 128 : i32
    %scan3A_4 = arith.addi %scan3A_2, %scan3A_3 : i32
    %scan3A_5 = arith.constant 1 : i32
    scf.for %scan3A_65 = %scan3A_2 to %scan3A_4 step %scan3A_5  : i32 {
      %swap3A = arith.index_cast %scan3A_65 : i32 to index
      %swap3A_66 = arith.constant 0 : index
      %swap3A_67 = tpu.vector_load %arg8[%swap3A, %swap3A_66] {strides = array<i32>} : memref<128x64xf32, #tpu.memory_space<vmem>>, vector<1x16xf32>,
      %swap3A_68 = vector.shape_cast %swap3A_67 : vector<1x16xf32> to vector<16xf32>
      %swap3A_69 = vector.shape_cast %broadcast_in_dim3A_1 : vector<16xf32> to vector<1x16xf32>
      tpu.vector_store %arg8[%swap3A, %swap3A_66], %swap3A_69 {strides = array<i32>} : memref<128x64xf32, #tpu.memory_space<vmem>>, vector<1x16xf32>,
      %swap3A_70 = arith.index_cast %scan3A_65 : i32 to index
      %swap3A_71 = arith.constant 16 : index
      %swap3A_72 = tpu.vector_load %arg8[%swap3A_70, %swap3A_71] {strides = array<i32>} : memref<128x64xf32, #tpu.memory_space<vmem>>, vector<1x16xf32>,
      %swap3A_73 = vector.shape_cast %swap3A_72 : vector<1x16xf32> to vector<16xf32>
      %swap3A_74 = vector.shape_cast %broadcast_in_dim3A_1 : vector<16xf32> to vector<1x16xf32>
      tpu.vector_store %arg8[%swap3A_70, %swap3A_71], %swap3A_74 {strides = array<i32>} : memref<128x64xf32, #tpu.memory_space<vmem>>, vector<1x16xf32>,
      %swap3A_75 = arith.index_cast %scan3A_65 : i32 to index
      %swap3A_76 = arith.constant 32 : index
      %swap3A_77 = tpu.vector_load %arg8[%swap3A_75, %swap3A_76] {strides = array<i32>} : memref<128x64xf32, #tpu.memory_space<vmem>>, vector<1x16xf32>,
      %swap3A_78 = vector.shape_cast %swap3A_77 : vector<1x16xf32> to vector<16xf32>
      %swap3A_79 = vector.shape_cast %broadcast_in_dim3A_1 : vector<16xf32> to vector<1x16xf32>
      tpu.vector_store %arg8[%swap3A_75, %swap3A_76], %swap3A_79 {strides = array<i32>} : memref<128x64xf32, #tpu.memory_space<vmem>>, vector<1x16xf32>,
      %swap3A_80 = arith.index_cast %scan3A_65 : i32 to index
      %swap3A_81 = arith.constant 48 : index
      %swap3A_82 = tpu.vector_load %arg8[%swap3A_80, %swap3A_81] {strides = array<i32>} : memref<128x64xf32, #tpu.memory_space<vmem>>, vector<1x16xf32>,
      %swap3A_83 = vector.shape_cast %swap3A_82 : vector<1x16xf32> to vector<16xf32>
      %swap3A_84 = vector.shape_cast %broadcast_in_dim3A_1 : vector<16xf32> to vector<1x16xf32>
      tpu.vector_store %arg8[%swap3A_80, %swap3A_81], %swap3A_84 {strides = array<i32>} : memref<128x64xf32, #tpu.memory_space<vmem>>, vector<1x16xf32>,
    }
    %scan3A_6 = arith.constant 128 : i32
    %mul3A_7 = arith.constant 640 : i32
    %mul3A_8 = arith.muli %arg1, %mul3A_7 : i32
    %add3A_9 = arith.constant 0 : i32
    %add3A_10 = arith.addi %mul3A_8, %add3A_9 : i32
    "tpu.region"() ({
      %run_scoped3A = tpu.sem_alloc : memref<!tpu.dma_semaphore, #tpu.memory_space<semaphore_mem>>
      %dma_start3A_65 = arith.constant 0 : i32
      %dma_start3A_66 = tpu.memref_slice %arg12[%add3A_10, %dma_start3A_65] : memref<10240x64xf32, #tpu.memory_space<vmem_shared>> -> memref<128x64xf32, #tpu.memory_space<vmem_shared>>
      %dma_start3A_67 = arith.constant 0 : i32
      %dma_start3A_68 = tpu.memref_slice %arg12[%add3A_10, %dma_start3A_67] : memref<10240x64xf32, #tpu.memory_space<vmem_shared>> -> memref<128x64xf32, #tpu.memory_space<vmem_shared>>
      tpu.enqueue_dma source(%arg8 : memref<128x64xf32, #tpu.memory_space<vmem>>) target(%dma_start3A_68 : memref<128x64xf32, #tpu.memory_space<vmem_shared>>) target_semaphore(%run_scoped3A : memref<!tpu.dma_semaphore, #tpu.memory_space<semaphore_mem>>)
      %dma_wait3A = arith.constant 0 : i32
      %dma_wait3A_69 = tpu.memref_slice %arg12[%add3A_10, %dma_wait3A] : memref<10240x64xf32, #tpu.memory_space<vmem_shared>> -> memref<128x64xf32, #tpu.memory_space<vmem_shared>>
      %dma_wait3A_70 = arith.constant 0 : i32
      %dma_wait3A_71 = tpu.memref_slice %arg12[%add3A_10, %dma_wait3A_70] : memref<10240x64xf32, #tpu.memory_space<vmem_shared>> -> memref<128x64xf32, #tpu.memory_space<vmem_shared>>
      tpu.wait_dma2 semaphore(%run_scoped3A : memref<!tpu.dma_semaphore, #tpu.memory_space<semaphore_mem>>) src(%arg8 : memref<128x64xf32, #tpu.memory_space<vmem>>) dst(%dma_wait3A_71 : memref<128x64xf32, #tpu.memory_space<vmem_shared>>)
      tpu.yield
    }) : () -> ()
    %mul3A_11 = arith.constant 640 : i32
    %mul3A_12 = arith.muli %arg1, %mul3A_11 : i32
    %add3A_13 = arith.constant 128 : i32
    %add3A_14 = arith.addi %mul3A_12, %add3A_13 : i32
    "tpu.region"() ({
      %run_scoped3A = tpu.sem_alloc : memref<!tpu.dma_semaphore, #tpu.memory_space<semaphore_mem>>
      %dma_start3A_65 = arith.constant 0 : i32
      %dma_start3A_66 = tpu.memref_slice %arg12[%add3A_14, %dma_start3A_65] : memref<10240x64xf32, #tpu.memory_space<vmem_shared>> -> memref<128x64xf32, #tpu.memory_space<vmem_shared>>
      %dma_start3A_67 = arith.constant 0 : i32
      %dma_start3A_68 = tpu.memref_slice %arg12[%add3A_14, %dma_start3A_67] : memref<10240x64xf32, #tpu.memory_space<vmem_shared>> -> memref<128x64xf32, #tpu.memory_space<vmem_shared>>
      tpu.enqueue_dma source(%arg8 : memref<128x64xf32, #tpu.memory_space<vmem>>) target(%dma_start3A_68 : memref<128x64xf32, #tpu.memory_space<vmem_shared>>) target_semaphore(%run_scoped3A : memref<!tpu.dma_semaphore, #tpu.memory_space<semaphore_mem>>)
      %dma_wait3A = arith.constant 0 : i32
      %dma_wait3A_69 = tpu.memref_slice %arg12[%add3A_14, %dma_wait3A] : memref<10240x64xf32, #tpu.memory_space<vmem_shared>> -> memref<128x64xf32, #tpu.memory_space<vmem_shared>>
      %dma_wait3A_70 = arith.constant 0 : i32
      %dma_wait3A_71 = tpu.memref_slice %arg12[%add3A_14, %dma_wait3A_70] : memref<10240x64xf32, #tpu.memory_space<vmem_shared>> -> memref<128x64xf32, #tpu.memory_space<vmem_shared>>
      tpu.wait_dma2 semaphore(%run_scoped3A : memref<!tpu.dma_semaphore, #tpu.memory_space<semaphore_mem>>) src(%arg8 : memref<128x64xf32, #tpu.memory_space<vmem>>) dst(%dma_wait3A_71 : memref<128x64xf32, #tpu.memory_space<vmem_shared>>)
      tpu.yield
    }) : () -> ()
    %mul3A_15 = arith.constant 640 : i32
    %mul3A_16 = arith.muli %arg1, %mul3A_15 : i32
    %add3A_17 = arith.constant 256 : i32
    %add3A_18 = arith.addi %mul3A_16, %add3A_17 : i32
    "tpu.region"() ({
      %run_scoped3A = tpu.sem_alloc : memref<!tpu.dma_semaphore, #tpu.memory_space<semaphore_mem>>
      %dma_start3A_65 = arith.constant 0 : i32
      %dma_start3A_66 = tpu.memref_slice %arg12[%add3A_18, %dma_start3A_65] : memref<10240x64xf32, #tpu.memory_space<vmem_shared>> -> memref<128x64xf32, #tpu.memory_space<vmem_shared>>
      %dma_start3A_67 = arith.constant 0 : i32
      %dma_start3A_68 = tpu.memref_slice %arg12[%add3A_18, %dma_start3A_67] : memref<10240x64xf32, #tpu.memory_space<vmem_shared>> -> memref<128x64xf32, #tpu.memory_space<vmem_shared>>
      tpu.enqueue_dma source(%arg8 : memref<128x64xf32, #tpu.memory_space<vmem>>) target(%dma_start3A_68 : memref<128x64xf32, #tpu.memory_space<vmem_shared>>) target_semaphore(%run_scoped3A : memref<!tpu.dma_semaphore, #tpu.memory_space<semaphore_mem>>)
      %dma_wait3A = arith.constant 0 : i32
      %dma_wait3A_69 = tpu.memref_slice %arg12[%add3A_18, %dma_wait3A] : memref<10240x64xf32, #tpu.memory_space<vmem_shared>> -> memref<128x64xf32, #tpu.memory_space<vmem_shared>>
      %dma_wait3A_70 = arith.constant 0 : i32
      %dma_wait3A_71 = tpu.memref_slice %arg12[%add3A_18, %dma_wait3A_70] : memref<10240x64xf32, #tpu.memory_space<vmem_shared>> -> memref<128x64xf32, #tpu.memory_space<vmem_shared>>
      tpu.wait_dma2 semaphore(%run_scoped3A : memref<!tpu.dma_semaphore, #tpu.memory_space<semaphore_mem>>) src(%arg8 : memref<128x64xf32, #tpu.memory_space<vmem>>) dst(%dma_wait3A_71 : memref<128x64xf32, #tpu.memory_space<vmem_shared>>)
      tpu.yield
    }) : () -> ()
    %mul3A_19 = arith.constant 640 : i32
    %mul3A_20 = arith.muli %arg1, %mul3A_19 : i32
    %add3A_21 = arith.constant 384 : i32
    %add3A_22 = arith.addi %mul3A_20, %add3A_21 : i32
    "tpu.region"() ({
      %run_scoped3A = tpu.sem_alloc : memref<!tpu.dma_semaphore, #tpu.memory_space<semaphore_mem>>
      %dma_start3A_65 = arith.constant 0 : i32
      %dma_start3A_66 = tpu.memref_slice %arg12[%add3A_22, %dma_start3A_65] : memref<10240x64xf32, #tpu.memory_space<vmem_shared>> -> memref<128x64xf32, #tpu.memory_space<vmem_shared>>
      %dma_start3A_67 = arith.constant 0 : i32
      %dma_start3A_68 = tpu.memref_slice %arg12[%add3A_22, %dma_start3A_67] : memref<10240x64xf32, #tpu.memory_space<vmem_shared>> -> memref<128x64xf32, #tpu.memory_space<vmem_shared>>
      tpu.enqueue_dma source(%arg8 : memref<128x64xf32, #tpu.memory_space<vmem>>) target(%dma_start3A_68 : memref<128x64xf32, #tpu.memory_space<vmem_shared>>) target_semaphore(%run_scoped3A : memref<!tpu.dma_semaphore, #tpu.memory_space<semaphore_mem>>)
      %dma_wait3A = arith.constant 0 : i32
      %dma_wait3A_69 = tpu.memref_slice %arg12[%add3A_22, %dma_wait3A] : memref<10240x64xf32, #tpu.memory_space<vmem_shared>> -> memref<128x64xf32, #tpu.memory_space<vmem_shared>>
      %dma_wait3A_70 = arith.constant 0 : i32
      %dma_wait3A_71 = tpu.memref_slice %arg12[%add3A_22, %dma_wait3A_70] : memref<10240x64xf32, #tpu.memory_space<vmem_shared>> -> memref<128x64xf32, #tpu.memory_space<vmem_shared>>
      tpu.wait_dma2 semaphore(%run_scoped3A : memref<!tpu.dma_semaphore, #tpu.memory_space<semaphore_mem>>) src(%arg8 : memref<128x64xf32, #tpu.memory_space<vmem>>) dst(%dma_wait3A_71 : memref<128x64xf32, #tpu.memory_space<vmem_shared>>)
      tpu.yield
    }) : () -> ()
    %mul3A_23 = arith.constant 640 : i32
    %mul3A_24 = arith.muli %arg1, %mul3A_23 : i32
    %add3A_25 = arith.constant 512 : i32
    %add3A_26 = arith.addi %mul3A_24, %add3A_25 : i32
    "tpu.region"() ({
      %run_scoped3A = tpu.sem_alloc : memref<!tpu.dma_semaphore, #tpu.memory_space<semaphore_mem>>
      %dma_start3A_65 = arith.constant 0 : i32
      %dma_start3A_66 = tpu.memref_slice %arg12[%add3A_26, %dma_start3A_65] : memref<10240x64xf32, #tpu.memory_space<vmem_shared>> -> memref<128x64xf32, #tpu.memory_space<vmem_shared>>
      %dma_start3A_67 = arith.constant 0 : i32
      %dma_start3A_68 = tpu.memref_slice %arg12[%add3A_26, %dma_start3A_67] : memref<10240x64xf32, #tpu.memory_space<vmem_shared>> -> memref<128x64xf32, #tpu.memory_space<vmem_shared>>
      tpu.enqueue_dma source(%arg8 : memref<128x64xf32, #tpu.memory_space<vmem>>) target(%dma_start3A_68 : memref<128x64xf32, #tpu.memory_space<vmem_shared>>) target_semaphore(%run_scoped3A : memref<!tpu.dma_semaphore, #tpu.memory_space<semaphore_mem>>)
      %dma_wait3A = arith.constant 0 : i32
      %dma_wait3A_69 = tpu.memref_slice %arg12[%add3A_26, %dma_wait3A] : memref<10240x64xf32, #tpu.memory_space<vmem_shared>> -> memref<128x64xf32, #tpu.memory_space<vmem_shared>>
      %dma_wait3A_70 = arith.constant 0 : i32
      %dma_wait3A_71 = tpu.memref_slice %arg12[%add3A_26, %dma_wait3A_70] : memref<10240x64xf32, #tpu.memory_space<vmem_shared>> -> memref<128x64xf32, #tpu.memory_space<vmem_shared>>
      tpu.wait_dma2 semaphore(%run_scoped3A : memref<!tpu.dma_semaphore, #tpu.memory_space<semaphore_mem>>) src(%arg8 : memref<128x64xf32, #tpu.memory_space<vmem>>) dst(%dma_wait3A_71 : memref<128x64xf32, #tpu.memory_space<vmem_shared>>)
      tpu.yield
    }) : () -> ()
    "tpu.region"() ({
      %run_scoped3A = tpu.sem_alloc : memref<!tpu.dma_semaphore, #tpu.memory_space<semaphore_mem>>
      %dma_start3A_65 = arith.constant 0 : i32
      %dma_start3A_66 = arith.constant 0 : i32
      %dma_start3A_67 = tpu.memref_slice %arg3[%add3A, %dma_start3A_65, %dma_start3A_66] : memref<32x40x128xi32, #tpu.memory_space<hbm>> -> memref<1x40x128xi32, #tpu.memory_space<hbm>>
      %dma_start3A_68 = tpu.memref_squeeze %dma_start3A_67 : memref<1x40x128xi32, #tpu.memory_space<hbm>> -> memref<40x128xi32, #tpu.memory_space<hbm>>
      %dma_start3A_69 = arith.constant 0 : i32
      %dma_start3A_70 = arith.constant 0 : i32
      %dma_start3A_71 = tpu.memref_slice %arg3[%add3A, %dma_start3A_69, %dma_start3A_70] : memref<32x40x128xi32, #tpu.memory_space<hbm>> -> memref<1x40x128xi32, #tpu.memory_space<hbm>>
      %dma_start3A_72 = tpu.memref_squeeze %dma_start3A_71 : memref<1x40x128xi32, #tpu.memory_space<hbm>> -> memref<40x128xi32, #tpu.memory_space<hbm>>
      tpu.enqueue_dma source(%dma_start3A_72 : memref<40x128xi32, #tpu.memory_space<hbm>>) target(%arg6 : memref<40x128xi32, #tpu.memory_space<vmem>>) target_semaphore(%run_scoped3A : memref<!tpu.dma_semaphore, #tpu.memory_space<semaphore_mem>>)
      %dma_wait3A = arith.constant 0 : i32
      %dma_wait3A_73 = arith.constant 0 : i32
      %dma_wait3A_74 = tpu.memref_slice %arg3[%add3A, %dma_wait3A, %dma_wait3A_73] : memref<32x40x128xi32, #tpu.memory_space<hbm>> -> memref<1x40x128xi32, #tpu.memory_space<hbm>>
      %dma_wait3A_75 = tpu.memref_squeeze %dma_wait3A_74 : memref<1x40x128xi32, #tpu.memory_space<hbm>> -> memref<40x128xi32, #tpu.memory_space<hbm>>
      %dma_wait3A_76 = arith.constant 0 : i32
      %dma_wait3A_77 = arith.constant 0 : i32
      %dma_wait3A_78 = tpu.memref_slice %arg3[%add3A, %dma_wait3A_76, %dma_wait3A_77] : memref<32x40x128xi32, #tpu.memory_space<hbm>> -> memref<1x40x128xi32, #tpu.memory_space<hbm>>
      %dma_wait3A_79 = tpu.memref_squeeze %dma_wait3A_78 : memref<1x40x128xi32, #tpu.memory_space<hbm>> -> memref<40x128xi32, #tpu.memory_space<hbm>>
      tpu.wait_dma2 semaphore(%run_scoped3A : memref<!tpu.dma_semaphore, #tpu.memory_space<semaphore_mem>>) src(%dma_wait3A_79 : memref<40x128xi32, #tpu.memory_space<hbm>>) dst(%arg6 : memref<40x128xi32, #tpu.memory_space<vmem>>)
      tpu.yield
    }) : () -> ()
    "tpu.region"() ({
      %run_scoped3A = tpu.sem_alloc : memref<!tpu.dma_semaphore, #tpu.memory_space<semaphore_mem>>
      %dma_start3A_65 = arith.constant 0 : i32
      %dma_start3A_66 = arith.constant 0 : i32
      %dma_start3A_67 = tpu.memref_slice %arg4[%add3A, %dma_start3A_65, %dma_start3A_66] : memref<32x40x128xi32, #tpu.memory_space<hbm>> -> memref<1x40x128xi32, #tpu.memory_space<hbm>>
      %dma_start3A_68 = tpu.memref_squeeze %dma_start3A_67 : memref<1x40x128xi32, #tpu.memory_space<hbm>> -> memref<40x128xi32, #tpu.memory_space<hbm>>
      %dma_start3A_69 = arith.constant 0 : i32
      %dma_start3A_70 = arith.constant 0 : i32
      %dma_start3A_71 = tpu.memref_slice %arg4[%add3A, %dma_start3A_69, %dma_start3A_70] : memref<32x40x128xi32, #tpu.memory_space<hbm>> -> memref<1x40x128xi32, #tpu.memory_space<hbm>>
      %dma_start3A_72 = tpu.memref_squeeze %dma_start3A_71 : memref<1x40x128xi32, #tpu.memory_space<hbm>> -> memref<40x128xi32, #tpu.memory_space<hbm>>
      tpu.enqueue_dma source(%dma_start3A_72 : memref<40x128xi32, #tpu.memory_space<hbm>>) target(%arg7 : memref<40x128xi32, #tpu.memory_space<vmem>>) target_semaphore(%run_scoped3A : memref<!tpu.dma_semaphore, #tpu.memory_space<semaphore_mem>>)
      %dma_wait3A = arith.constant 0 : i32
      %dma_wait3A_73 = arith.constant 0 : i32
      %dma_wait3A_74 = tpu.memref_slice %arg4[%add3A, %dma_wait3A, %dma_wait3A_73] : memref<32x40x128xi32, #tpu.memory_space<hbm>> -> memref<1x40x128xi32, #tpu.memory_space<hbm>>
      %dma_wait3A_75 = tpu.memref_squeeze %dma_wait3A_74 : memref<1x40x128xi32, #tpu.memory_space<hbm>> -> memref<40x128xi32, #tpu.memory_space<hbm>>
      %dma_wait3A_76 = arith.constant 0 : i32
      %dma_wait3A_77 = arith.constant 0 : i32
      %dma_wait3A_78 = tpu.memref_slice %arg4[%add3A, %dma_wait3A_76, %dma_wait3A_77] : memref<32x40x128xi32, #tpu.memory_space<hbm>> -> memref<1x40x128xi32, #tpu.memory_space<hbm>>
      %dma_wait3A_79 = tpu.memref_squeeze %dma_wait3A_78 : memref<1x40x128xi32, #tpu.memory_space<hbm>> -> memref<40x128xi32, #tpu.memory_space<hbm>>
      tpu.wait_dma2 semaphore(%run_scoped3A : memref<!tpu.dma_semaphore, #tpu.memory_space<semaphore_mem>>) src(%dma_wait3A_79 : memref<40x128xi32, #tpu.memory_space<hbm>>) dst(%arg7 : memref<40x128xi32, #tpu.memory_space<vmem>>)
      tpu.yield
    }) : () -> ()
    %barrier3A = arith.constant 0 : index
    tpu.barrier barrier_id(%barrier3A)
    %dma_start3A = arith.constant 0 : i32
    %dma_start3A_27 = arith.constant 0 : i32
    %dma_start3A_28 = tpu.memref_slice %arg6[%dma_start3A, %dma_start3A_27] : memref<40x128xi32, #tpu.memory_space<vmem>> -> memref<1x128xi32, #tpu.memory_space<vmem>>
    %dma_start3A_29 = tpu.memref_squeeze %dma_start3A_28 : memref<1x128xi32, #tpu.memory_space<vmem>> -> memref<128xi32, #tpu.memory_space<vmem>>
    %dma_start3A_30 = arith.constant 0 : i32
    %dma_start3A_31 = arith.constant 0 : i32
    %dma_start3A_32 = tpu.memref_slice %arg2[%dma_start3A_30, %dma_start3A_31] : memref<10240x64xf32, #tpu.memory_space<hbm>> -> memref<10240x64xf32, #tpu.memory_space<hbm>>
    tpu.enqueue_indirect_dma source(%dma_start3A_32 : memref<10240x64xf32, #tpu.memory_space<hbm>>) target(%arg8 : memref<128x64xf32, #tpu.memory_space<vmem>>) offsets(%dma_start3A_29 : memref<128xi32, #tpu.memory_space<vmem>>) semaphore(%arg13 : memref<!tpu.dma_semaphore, #tpu.memory_space<semaphore_mem>>)
    %dma_start3A_33 = arith.constant 1 : i32
    %dma_start3A_34 = arith.constant 0 : i32
    %dma_start3A_35 = tpu.memref_slice %arg6[%dma_start3A_33, %dma_start3A_34] : memref<40x128xi32, #tpu.memory_space<vmem>> -> memref<1x128xi32, #tpu.memory_space<vmem>>
    %dma_start3A_36 = tpu.memref_squeeze %dma_start3A_35 : memref<1x128xi32, #tpu.memory_space<vmem>> -> memref<128xi32, #tpu.memory_space<vmem>>
    %dma_start3A_37 = arith.constant 0 : i32
    %dma_start3A_38 = arith.constant 0 : i32
    %dma_start3A_39 = tpu.memref_slice %arg2[%dma_start3A_37, %dma_start3A_38] : memref<10240x64xf32, #tpu.memory_space<hbm>> -> memref<10240x64xf32, #tpu.memory_space<hbm>>
    tpu.enqueue_indirect_dma source(%dma_start3A_39 : memref<10240x64xf32, #tpu.memory_space<hbm>>) target(%arg9 : memref<128x64xf32, #tpu.memory_space<vmem>>) offsets(%dma_start3A_36 : memref<128xi32, #tpu.memory_space<vmem>>) semaphore(%arg14 : memref<!tpu.dma_semaphore, #tpu.memory_space<semaphore_mem>>)
    %dma_start3A_40 = arith.constant 2 : i32
    %dma_start3A_41 = arith.constant 0 : i32
    %dma_start3A_42 = tpu.memref_slice %arg6[%dma_start3A_40, %dma_start3A_41] : memref<40x128xi32, #tpu.memory_space<vmem>> -> memref<1x128xi32, #tpu.memory_space<vmem>>
    %dma_start3A_43 = tpu.memref_squeeze %dma_start3A_42 : memref<1x128xi32, #tpu.memory_space<vmem>> -> memref<128xi32, #tpu.memory_space<vmem>>
    %dma_start3A_44 = arith.constant 0 : i32
    %dma_start3A_45 = arith.constant 0 : i32
    %dma_start3A_46 = tpu.memref_slice %arg2[%dma_start3A_44, %dma_start3A_45] : memref<10240x64xf32, #tpu.memory_space<hbm>> -> memref<10240x64xf32, #tpu.memory_space<hbm>>
    tpu.enqueue_indirect_dma source(%dma_start3A_46 : memref<10240x64xf32, #tpu.memory_space<hbm>>) target(%arg10 : memref<128x64xf32, #tpu.memory_space<vmem>>) offsets(%dma_start3A_43 : memref<128xi32, #tpu.memory_space<vmem>>) semaphore(%arg15 : memref<!tpu.dma_semaphore, #tpu.memory_space<semaphore_mem>>)
    %dma_start3A_47 = arith.constant 3 : i32
    %dma_start3A_48 = arith.constant 0 : i32
    %dma_start3A_49 = tpu.memref_slice %arg6[%dma_start3A_47, %dma_start3A_48] : memref<40x128xi32, #tpu.memory_space<vmem>> -> memref<1x128xi32, #tpu.memory_space<vmem>>
    %dma_start3A_50 = tpu.memref_squeeze %dma_start3A_49 : memref<1x128xi32, #tpu.memory_space<vmem>> -> memref<128xi32, #tpu.memory_space<vmem>>
    %dma_start3A_51 = arith.constant 0 : i32
    %dma_start3A_52 = arith.constant 0 : i32
    %dma_start3A_53 = tpu.memref_slice %arg2[%dma_start3A_51, %dma_start3A_52] : memref<10240x64xf32, #tpu.memory_space<hbm>> -> memref<10240x64xf32, #tpu.memory_space<hbm>>
    tpu.enqueue_indirect_dma source(%dma_start3A_53 : memref<10240x64xf32, #tpu.memory_space<hbm>>) target(%arg11 : memref<128x64xf32, #tpu.memory_space<vmem>>) offsets(%dma_start3A_50 : memref<128xi32, #tpu.memory_space<vmem>>) semaphore(%arg16 : memref<!tpu.dma_semaphore, #tpu.memory_space<semaphore_mem>>)
    %scan3A_54 = arith.constant 0 : i32
    %scan3A_55 = arith.constant 0 : i32
    %scan3A_56 = arith.constant 10 : i32
    %scan3A_57 = arith.addi %scan3A_55, %scan3A_56 : i32
    %scan3A_58 = arith.constant 1 : i32
    scf.for %scan3A_65 = %scan3A_55 to %scan3A_57 step %scan3A_58  : i32 {
      %mul3A_66 = arith.constant 4 : i32
      %mul3A_67 = arith.muli %mul3A_66, %scan3A_65 : i32
      %add3A_68 = arith.constant 0 : i32
      %add3A_69 = arith.addi %mul3A_67, %add3A_68 : i32
      %dma_wait3A = arith.constant 0 : i32
      %dma_wait3A_70 = tpu.memref_slice %arg6[%add3A_69, %dma_wait3A] : memref<40x128xi32, #tpu.memory_space<vmem>> -> memref<1x128xi32, #tpu.memory_space<vmem>>
      %dma_wait3A_71 = tpu.memref_squeeze %dma_wait3A_70 : memref<1x128xi32, #tpu.memory_space<vmem>> -> memref<128xi32, #tpu.memory_space<vmem>>
      %dma_wait3A_72 = arith.constant 0 : i32
      %dma_wait3A_73 = arith.constant 0 : i32
      %dma_wait3A_74 = tpu.memref_slice %arg2[%dma_wait3A_72, %dma_wait3A_73] : memref<10240x64xf32, #tpu.memory_space<hbm>> -> memref<10240x64xf32, #tpu.memory_space<hbm>>
      tpu.wait_indirect_dma semaphore(%arg13 : memref<!tpu.dma_semaphore, #tpu.memory_space<semaphore_mem>>) src(%dma_wait3A_74 : memref<10240x64xf32, #tpu.memory_space<hbm>>) dst(%arg8 : memref<128x64xf32, #tpu.memory_space<vmem>>)
      %dma_start3A_75 = arith.constant 0 : i32
      %dma_start3A_76 = tpu.memref_slice %arg7[%add3A_69, %dma_start3A_75] : memref<40x128xi32, #tpu.memory_space<vmem>> -> memref<1x128xi32, #tpu.memory_space<vmem>>
      %dma_start3A_77 = tpu.memref_squeeze %dma_start3A_76 : memref<1x128xi32, #tpu.memory_space<vmem>> -> memref<128xi32, #tpu.memory_space<vmem>>
      %dma_start3A_78 = arith.constant 0 : i32
      %dma_start3A_79 = arith.constant 0 : i32
      %dma_start3A_80 = tpu.memref_slice %arg12[%dma_start3A_78, %dma_start3A_79] : memref<10240x64xf32, #tpu.memory_space<vmem_shared>> -> memref<10240x64xf32, #tpu.memory_space<vmem_shared>>
      tpu.enqueue_indirect_dma source(%arg8 : memref<128x64xf32, #tpu.memory_space<vmem>>) target(%dma_start3A_80 : memref<10240x64xf32, #tpu.memory_space<vmem_shared>>) offsets(%dma_start3A_77 : memref<128xi32, #tpu.memory_space<vmem>>) semaphore(%arg17 : memref<!tpu.dma_semaphore, #tpu.memory_space<semaphore_mem>>) {add = true}
      %dma_wait3A_81 = arith.constant 0 : i32
      %dma_wait3A_82 = tpu.memref_slice %arg7[%add3A_69, %dma_wait3A_81] : memref<40x128xi32, #tpu.memory_space<vmem>> -> memref<1x128xi32, #tpu.memory_space<vmem>>
      %dma_wait3A_83 = tpu.memref_squeeze %dma_wait3A_82 : memref<1x128xi32, #tpu.memory_space<vmem>> -> memref<128xi32, #tpu.memory_space<vmem>>
      %dma_wait3A_84 = arith.constant 0 : i32
      %dma_wait3A_85 = arith.constant 0 : i32
      %dma_wait3A_86 = tpu.memref_slice %arg12[%dma_wait3A_84, %dma_wait3A_85] : memref<10240x64xf32, #tpu.memory_space<vmem_shared>> -> memref<10240x64xf32, #tpu.memory_space<vmem_shared>>
      tpu.wait_indirect_dma semaphore(%arg17 : memref<!tpu.dma_semaphore, #tpu.memory_space<semaphore_mem>>) src(%arg8 : memref<128x64xf32, #tpu.memory_space<vmem>>) dst(%dma_wait3A_86 : memref<10240x64xf32, #tpu.memory_space<vmem_shared>>)
      %add3A_87 = arith.constant 4 : i32
      %add3A_88 = arith.addi %add3A_69, %add3A_87 : i32
      %lt3A = arith.constant 40 : i32
      %lt3A_89 = arith.cmpi slt, %add3A_88, %lt3A : i32
      %convert_element_type3A = arith.extui %lt3A_89 : i1 to i32
      %cond3A = arith.constant 0 : i32
      %cond3A_90 = arith.cmpi ne, %convert_element_type3A, %cond3A : i32
      scf.if %cond3A_90 {
        %add3A_178 = arith.constant 4 : i32
        %add3A_179 = arith.addi %add3A_69, %add3A_178 : i32
        %dma_start3A_180 = arith.constant 0 : i32
        %dma_start3A_181 = tpu.memref_slice %arg6[%add3A_179, %dma_start3A_180] : memref<40x128xi32, #tpu.memory_space<vmem>> -> memref<1x128xi32, #tpu.memory_space<vmem>>
        %dma_start3A_182 = tpu.memref_squeeze %dma_start3A_181 : memref<1x128xi32, #tpu.memory_space<vmem>> -> memref<128xi32, #tpu.memory_space<vmem>>
        %dma_start3A_183 = arith.constant 0 : i32
        %dma_start3A_184 = arith.constant 0 : i32
        %dma_start3A_185 = tpu.memref_slice %arg2[%dma_start3A_183, %dma_start3A_184] : memref<10240x64xf32, #tpu.memory_space<hbm>> -> memref<10240x64xf32, #tpu.memory_space<hbm>>
        tpu.enqueue_indirect_dma source(%dma_start3A_185 : memref<10240x64xf32, #tpu.memory_space<hbm>>) target(%arg8 : memref<128x64xf32, #tpu.memory_space<vmem>>) offsets(%dma_start3A_182 : memref<128xi32, #tpu.memory_space<vmem>>) semaphore(%arg13 : memref<!tpu.dma_semaphore, #tpu.memory_space<semaphore_mem>>)
      } else {
      }
      %mul3A_91 = arith.constant 4 : i32
      %mul3A_92 = arith.muli %mul3A_91, %scan3A_65 : i32
      %add3A_93 = arith.constant 1 : i32
      %add3A_94 = arith.addi %mul3A_92, %add3A_93 : i32
      %dma_wait3A_95 = arith.constant 0 : i32
      %dma_wait3A_96 = tpu.memref_slice %arg6[%add3A_94, %dma_wait3A_95] : memref<40x128xi32, #tpu.memory_space<vmem>> -> memref<1x128xi32, #tpu.memory_space<vmem>>
      %dma_wait3A_97 = tpu.memref_squeeze %dma_wait3A_96 : memref<1x128xi32, #tpu.memory_space<vmem>> -> memref<128xi32, #tpu.memory_space<vmem>>
      %dma_wait3A_98 = arith.constant 0 : i32
      %dma_wait3A_99 = arith.constant 0 : i32
      %dma_wait3A_100 = tpu.memref_slice %arg2[%dma_wait3A_98, %dma_wait3A_99] : memref<10240x64xf32, #tpu.memory_space<hbm>> -> memref<10240x64xf32, #tpu.memory_space<hbm>>
      tpu.wait_indirect_dma semaphore(%arg14 : memref<!tpu.dma_semaphore, #tpu.memory_space<semaphore_mem>>) src(%dma_wait3A_100 : memref<10240x64xf32, #tpu.memory_space<hbm>>) dst(%arg9 : memref<128x64xf32, #tpu.memory_space<vmem>>)
      %dma_start3A_101 = arith.constant 0 : i32
      %dma_start3A_102 = tpu.memref_slice %arg7[%add3A_94, %dma_start3A_101] : memref<40x128xi32, #tpu.memory_space<vmem>> -> memref<1x128xi32, #tpu.memory_space<vmem>>
      %dma_start3A_103 = tpu.memref_squeeze %dma_start3A_102 : memref<1x128xi32, #tpu.memory_space<vmem>> -> memref<128xi32, #tpu.memory_space<vmem>>
      %dma_start3A_104 = arith.constant 0 : i32
      %dma_start3A_105 = arith.constant 0 : i32
      %dma_start3A_106 = tpu.memref_slice %arg12[%dma_start3A_104, %dma_start3A_105] : memref<10240x64xf32, #tpu.memory_space<vmem_shared>> -> memref<10240x64xf32, #tpu.memory_space<vmem_shared>>
      tpu.enqueue_indirect_dma source(%arg9 : memref<128x64xf32, #tpu.memory_space<vmem>>) target(%dma_start3A_106 : memref<10240x64xf32, #tpu.memory_space<vmem_shared>>) offsets(%dma_start3A_103 : memref<128xi32, #tpu.memory_space<vmem>>) semaphore(%arg17 : memref<!tpu.dma_semaphore, #tpu.memory_space<semaphore_mem>>) {add = true}
      %dma_wait3A_107 = arith.constant 0 : i32
      %dma_wait3A_108 = tpu.memref_slice %arg7[%add3A_94, %dma_wait3A_107] : memref<40x128xi32, #tpu.memory_space<vmem>> -> memref<1x128xi32, #tpu.memory_space<vmem>>
      %dma_wait3A_109 = tpu.memref_squeeze %dma_wait3A_108 : memref<1x128xi32, #tpu.memory_space<vmem>> -> memref<128xi32, #tpu.memory_space<vmem>>
      %dma_wait3A_110 = arith.constant 0 : i32
      %dma_wait3A_111 = arith.constant 0 : i32
      %dma_wait3A_112 = tpu.memref_slice %arg12[%dma_wait3A_110, %dma_wait3A_111] : memref<10240x64xf32, #tpu.memory_space<vmem_shared>> -> memref<10240x64xf32, #tpu.memory_space<vmem_shared>>
      tpu.wait_indirect_dma semaphore(%arg17 : memref<!tpu.dma_semaphore, #tpu.memory_space<semaphore_mem>>) src(%arg9 : memref<128x64xf32, #tpu.memory_space<vmem>>) dst(%dma_wait3A_112 : memref<10240x64xf32, #tpu.memory_space<vmem_shared>>)
      %add3A_113 = arith.constant 4 : i32
      %add3A_114 = arith.addi %add3A_94, %add3A_113 : i32
      %lt3A_115 = arith.constant 40 : i32
      %lt3A_116 = arith.cmpi slt, %add3A_114, %lt3A_115 : i32
      %convert_element_type3A_117 = arith.extui %lt3A_116 : i1 to i32
      %cond3A_118 = arith.constant 0 : i32
      %cond3A_119 = arith.cmpi ne, %convert_element_type3A_117, %cond3A_118 : i32
      scf.if %cond3A_119 {
        %add3A_178 = arith.constant 4 : i32
        %add3A_179 = arith.addi %add3A_94, %add3A_178 : i32
        %dma_start3A_180 = arith.constant 0 : i32
        %dma_start3A_181 = tpu.memref_slice %arg6[%add3A_179, %dma_start3A_180] : memref<40x128xi32, #tpu.memory_space<vmem>> -> memref<1x128xi32, #tpu.memory_space<vmem>>
        %dma_start3A_182 = tpu.memref_squeeze %dma_start3A_181 : memref<1x128xi32, #tpu.memory_space<vmem>> -> memref<128xi32, #tpu.memory_space<vmem>>
        %dma_start3A_183 = arith.constant 0 : i32
        %dma_start3A_184 = arith.constant 0 : i32
        %dma_start3A_185 = tpu.memref_slice %arg2[%dma_start3A_183, %dma_start3A_184] : memref<10240x64xf32, #tpu.memory_space<hbm>> -> memref<10240x64xf32, #tpu.memory_space<hbm>>
        tpu.enqueue_indirect_dma source(%dma_start3A_185 : memref<10240x64xf32, #tpu.memory_space<hbm>>) target(%arg9 : memref<128x64xf32, #tpu.memory_space<vmem>>) offsets(%dma_start3A_182 : memref<128xi32, #tpu.memory_space<vmem>>) semaphore(%arg14 : memref<!tpu.dma_semaphore, #tpu.memory_space<semaphore_mem>>)
      } else {
      }
      %mul3A_120 = arith.constant 4 : i32
      %mul3A_121 = arith.muli %mul3A_120, %scan3A_65 : i32
      %add3A_122 = arith.constant 2 : i32
      %add3A_123 = arith.addi %mul3A_121, %add3A_122 : i32
      %dma_wait3A_124 = arith.constant 0 : i32
      %dma_wait3A_125 = tpu.memref_slice %arg6[%add3A_123, %dma_wait3A_124] : memref<40x128xi32, #tpu.memory_space<vmem>> -> memref<1x128xi32, #tpu.memory_space<vmem>>
      %dma_wait3A_126 = tpu.memref_squeeze %dma_wait3A_125 : memref<1x128xi32, #tpu.memory_space<vmem>> -> memref<128xi32, #tpu.memory_space<vmem>>
      %dma_wait3A_127 = arith.constant 0 : i32
      %dma_wait3A_128 = arith.constant 0 : i32
      %dma_wait3A_129 = tpu.memref_slice %arg2[%dma_wait3A_127, %dma_wait3A_128] : memref<10240x64xf32, #tpu.memory_space<hbm>> -> memref<10240x64xf32, #tpu.memory_space<hbm>>
      tpu.wait_indirect_dma semaphore(%arg15 : memref<!tpu.dma_semaphore, #tpu.memory_space<semaphore_mem>>) src(%dma_wait3A_129 : memref<10240x64xf32, #tpu.memory_space<hbm>>) dst(%arg10 : memref<128x64xf32, #tpu.memory_space<vmem>>)
      %dma_start3A_130 = arith.constant 0 : i32
      %dma_start3A_131 = tpu.memref_slice %arg7[%add3A_123, %dma_start3A_130] : memref<40x128xi32, #tpu.memory_space<vmem>> -> memref<1x128xi32, #tpu.memory_space<vmem>>
      %dma_start3A_132 = tpu.memref_squeeze %dma_start3A_131 : memref<1x128xi32, #tpu.memory_space<vmem>> -> memref<128xi32, #tpu.memory_space<vmem>>
      %dma_start3A_133 = arith.constant 0 : i32
      %dma_start3A_134 = arith.constant 0 : i32
      %dma_start3A_135 = tpu.memref_slice %arg12[%dma_start3A_133, %dma_start3A_134] : memref<10240x64xf32, #tpu.memory_space<vmem_shared>> -> memref<10240x64xf32, #tpu.memory_space<vmem_shared>>
      tpu.enqueue_indirect_dma source(%arg10 : memref<128x64xf32, #tpu.memory_space<vmem>>) target(%dma_start3A_135 : memref<10240x64xf32, #tpu.memory_space<vmem_shared>>) offsets(%dma_start3A_132 : memref<128xi32, #tpu.memory_space<vmem>>) semaphore(%arg17 : memref<!tpu.dma_semaphore, #tpu.memory_space<semaphore_mem>>) {add = true}
      %dma_wait3A_136 = arith.constant 0 : i32
      %dma_wait3A_137 = tpu.memref_slice %arg7[%add3A_123, %dma_wait3A_136] : memref<40x128xi32, #tpu.memory_space<vmem>> -> memref<1x128xi32, #tpu.memory_space<vmem>>
      %dma_wait3A_138 = tpu.memref_squeeze %dma_wait3A_137 : memref<1x128xi32, #tpu.memory_space<vmem>> -> memref<128xi32, #tpu.memory_space<vmem>>
      %dma_wait3A_139 = arith.constant 0 : i32
      %dma_wait3A_140 = arith.constant 0 : i32
      %dma_wait3A_141 = tpu.memref_slice %arg12[%dma_wait3A_139, %dma_wait3A_140] : memref<10240x64xf32, #tpu.memory_space<vmem_shared>> -> memref<10240x64xf32, #tpu.memory_space<vmem_shared>>
      tpu.wait_indirect_dma semaphore(%arg17 : memref<!tpu.dma_semaphore, #tpu.memory_space<semaphore_mem>>) src(%arg10 : memref<128x64xf32, #tpu.memory_space<vmem>>) dst(%dma_wait3A_141 : memref<10240x64xf32, #tpu.memory_space<vmem_shared>>)
      %add3A_142 = arith.constant 4 : i32
      %add3A_143 = arith.addi %add3A_123, %add3A_142 : i32
      %lt3A_144 = arith.constant 40 : i32
      %lt3A_145 = arith.cmpi slt, %add3A_143, %lt3A_144 : i32
      %convert_element_type3A_146 = arith.extui %lt3A_145 : i1 to i32
      %cond3A_147 = arith.constant 0 : i32
      %cond3A_148 = arith.cmpi ne, %convert_element_type3A_146, %cond3A_147 : i32
      scf.if %cond3A_148 {
        %add3A_178 = arith.constant 4 : i32
        %add3A_179 = arith.addi %add3A_123, %add3A_178 : i32
        %dma_start3A_180 = arith.constant 0 : i32
        %dma_start3A_181 = tpu.memref_slice %arg6[%add3A_179, %dma_start3A_180] : memref<40x128xi32, #tpu.memory_space<vmem>> -> memref<1x128xi32, #tpu.memory_space<vmem>>
        %dma_start3A_182 = tpu.memref_squeeze %dma_start3A_181 : memref<1x128xi32, #tpu.memory_space<vmem>> -> memref<128xi32, #tpu.memory_space<vmem>>
        %dma_start3A_183 = arith.constant 0 : i32
        %dma_start3A_184 = arith.constant 0 : i32
        %dma_start3A_185 = tpu.memref_slice %arg2[%dma_start3A_183, %dma_start3A_184] : memref<10240x64xf32, #tpu.memory_space<hbm>> -> memref<10240x64xf32, #tpu.memory_space<hbm>>
        tpu.enqueue_indirect_dma source(%dma_start3A_185 : memref<10240x64xf32, #tpu.memory_space<hbm>>) target(%arg10 : memref<128x64xf32, #tpu.memory_space<vmem>>) offsets(%dma_start3A_182 : memref<128xi32, #tpu.memory_space<vmem>>) semaphore(%arg15 : memref<!tpu.dma_semaphore, #tpu.memory_space<semaphore_mem>>)
      } else {
      }
      %mul3A_149 = arith.constant 4 : i32
      %mul3A_150 = arith.muli %mul3A_149, %scan3A_65 : i32
      %add3A_151 = arith.constant 3 : i32
      %add3A_152 = arith.addi %mul3A_150, %add3A_151 : i32
      %dma_wait3A_153 = arith.constant 0 : i32
      %dma_wait3A_154 = tpu.memref_slice %arg6[%add3A_152, %dma_wait3A_153] : memref<40x128xi32, #tpu.memory_space<vmem>> -> memref<1x128xi32, #tpu.memory_space<vmem>>
      %dma_wait3A_155 = tpu.memref_squeeze %dma_wait3A_154 : memref<1x128xi32, #tpu.memory_space<vmem>> -> memref<128xi32, #tpu.memory_space<vmem>>
      %dma_wait3A_156 = arith.constant 0 : i32
      %dma_wait3A_157 = arith.constant 0 : i32
      %dma_wait3A_158 = tpu.memref_slice %arg2[%dma_wait3A_156, %dma_wait3A_157] : memref<10240x64xf32, #tpu.memory_space<hbm>> -> memref<10240x64xf32, #tpu.memory_space<hbm>>
      tpu.wait_indirect_dma semaphore(%arg16 : memref<!tpu.dma_semaphore, #tpu.memory_space<semaphore_mem>>) src(%dma_wait3A_158 : memref<10240x64xf32, #tpu.memory_space<hbm>>) dst(%arg11 : memref<128x64xf32, #tpu.memory_space<vmem>>)
      %dma_start3A_159 = arith.constant 0 : i32
      %dma_start3A_160 = tpu.memref_slice %arg7[%add3A_152, %dma_start3A_159] : memref<40x128xi32, #tpu.memory_space<vmem>> -> memref<1x128xi32, #tpu.memory_space<vmem>>
      %dma_start3A_161 = tpu.memref_squeeze %dma_start3A_160 : memref<1x128xi32, #tpu.memory_space<vmem>> -> memref<128xi32, #tpu.memory_space<vmem>>
      %dma_start3A_162 = arith.constant 0 : i32
      %dma_start3A_163 = arith.constant 0 : i32
      %dma_start3A_164 = tpu.memref_slice %arg12[%dma_start3A_162, %dma_start3A_163] : memref<10240x64xf32, #tpu.memory_space<vmem_shared>> -> memref<10240x64xf32, #tpu.memory_space<vmem_shared>>
      tpu.enqueue_indirect_dma source(%arg11 : memref<128x64xf32, #tpu.memory_space<vmem>>) target(%dma_start3A_164 : memref<10240x64xf32, #tpu.memory_space<vmem_shared>>) offsets(%dma_start3A_161 : memref<128xi32, #tpu.memory_space<vmem>>) semaphore(%arg17 : memref<!tpu.dma_semaphore, #tpu.memory_space<semaphore_mem>>) {add = true}
      %dma_wait3A_165 = arith.constant 0 : i32
      %dma_wait3A_166 = tpu.memref_slice %arg7[%add3A_152, %dma_wait3A_165] : memref<40x128xi32, #tpu.memory_space<vmem>> -> memref<1x128xi32, #tpu.memory_space<vmem>>
      %dma_wait3A_167 = tpu.memref_squeeze %dma_wait3A_166 : memref<1x128xi32, #tpu.memory_space<vmem>> -> memref<128xi32, #tpu.memory_space<vmem>>
      %dma_wait3A_168 = arith.constant 0 : i32
      %dma_wait3A_169 = arith.constant 0 : i32
      %dma_wait3A_170 = tpu.memref_slice %arg12[%dma_wait3A_168, %dma_wait3A_169] : memref<10240x64xf32, #tpu.memory_space<vmem_shared>> -> memref<10240x64xf32, #tpu.memory_space<vmem_shared>>
      tpu.wait_indirect_dma semaphore(%arg17 : memref<!tpu.dma_semaphore, #tpu.memory_space<semaphore_mem>>) src(%arg11 : memref<128x64xf32, #tpu.memory_space<vmem>>) dst(%dma_wait3A_170 : memref<10240x64xf32, #tpu.memory_space<vmem_shared>>)
      %add3A_171 = arith.constant 4 : i32
      %add3A_172 = arith.addi %add3A_152, %add3A_171 : i32
      %lt3A_173 = arith.constant 40 : i32
      %lt3A_174 = arith.cmpi slt, %add3A_172, %lt3A_173 : i32
      %convert_element_type3A_175 = arith.extui %lt3A_174 : i1 to i32
      %cond3A_176 = arith.constant 0 : i32
      %cond3A_177 = arith.cmpi ne, %convert_element_type3A_175, %cond3A_176 : i32
      scf.if %cond3A_177 {
        %add3A_178 = arith.constant 4 : i32
        %add3A_179 = arith.addi %add3A_152, %add3A_178 : i32
        %dma_start3A_180 = arith.constant 0 : i32
        %dma_start3A_181 = tpu.memref_slice %arg6[%add3A_179, %dma_start3A_180] : memref<40x128xi32, #tpu.memory_space<vmem>> -> memref<1x128xi32, #tpu.memory_space<vmem>>
        %dma_start3A_182 = tpu.memref_squeeze %dma_start3A_181 : memref<1x128xi32, #tpu.memory_space<vmem>> -> memref<128xi32, #tpu.memory_space<vmem>>
        %dma_start3A_183 = arith.constant 0 : i32
        %dma_start3A_184 = arith.constant 0 : i32
        %dma_start3A_185 = tpu.memref_slice %arg2[%dma_start3A_183, %dma_start3A_184] : memref<10240x64xf32, #tpu.memory_space<hbm>> -> memref<10240x64xf32, #tpu.memory_space<hbm>>
        tpu.enqueue_indirect_dma source(%dma_start3A_185 : memref<10240x64xf32, #tpu.memory_space<hbm>>) target(%arg11 : memref<128x64xf32, #tpu.memory_space<vmem>>) offsets(%dma_start3A_182 : memref<128xi32, #tpu.memory_space<vmem>>) semaphore(%arg16 : memref<!tpu.dma_semaphore, #tpu.memory_space<semaphore_mem>>)
      } else {
      }
    }
    %scan3A_59 = arith.constant 10 : i32
    %barrier3A_60 = arith.constant 0 : index
    tpu.barrier barrier_id(%barrier3A_60)
    %mul3A_61 = arith.constant 640 : i32
    %mul3A_62 = arith.muli %arg1, %mul3A_61 : i32
    %mul3A_63 = arith.constant 640 : i32
    %mul3A_64 = arith.muli %arg1, %mul3A_63 : i32
    "tpu.region"() ({
      %run_scoped3A = tpu.sem_alloc : memref<!tpu.dma_semaphore, #tpu.memory_space<semaphore_mem>>
      %dma_start3A_65 = arith.constant 0 : i32
      %dma_start3A_66 = tpu.memref_slice %arg5[%arg0, %mul3A_64, %dma_start3A_65] : memref<2x10240x64xf32, #tpu.memory_space<hbm>> -> memref<1x640x64xf32, #tpu.memory_space<hbm>>
      %dma_start3A_67 = tpu.memref_squeeze %dma_start3A_66 : memref<1x640x64xf32, #tpu.memory_space<hbm>> -> memref<640x64xf32, #tpu.memory_space<hbm>>
      %dma_start3A_68 = arith.constant 0 : i32
      %dma_start3A_69 = tpu.memref_slice %arg12[%mul3A_62, %dma_start3A_68] : memref<10240x64xf32, #tpu.memory_space<vmem_shared>> -> memref<640x64xf32, #tpu.memory_space<vmem_shared>>
      tpu.enqueue_dma source(%dma_start3A_69 : memref<640x64xf32, #tpu.memory_space<vmem_shared>>) target(%dma_start3A_67 : memref<640x64xf32, #tpu.memory_space<hbm>>) target_semaphore(%run_scoped3A : memref<!tpu.dma_semaphore, #tpu.memory_space<semaphore_mem>>)
      %dma_wait3A = arith.constant 0 : i32
      %dma_wait3A_70 = tpu.memref_slice %arg5[%arg0, %mul3A_64, %dma_wait3A] : memref<2x10240x64xf32, #tpu.memory_space<hbm>> -> memref<1x640x64xf32, #tpu.memory_space<hbm>>
      %dma_wait3A_71 = tpu.memref_squeeze %dma_wait3A_70 : memref<1x640x64xf32, #tpu.memory_space<hbm>> -> memref<640x64xf32, #tpu.memory_space<hbm>>
      %dma_wait3A_72 = arith.constant 0 : i32
      %dma_wait3A_73 = tpu.memref_slice %arg12[%mul3A_62, %dma_wait3A_72] : memref<10240x64xf32, #tpu.memory_space<vmem_shared>> -> memref<640x64xf32, #tpu.memory_space<vmem_shared>>
      tpu.wait_dma2 semaphore(%run_scoped3A : memref<!tpu.dma_semaphore, #tpu.memory_space<semaphore_mem>>) src(%dma_wait3A_73 : memref<640x64xf32, #tpu.memory_space<vmem_shared>>) dst(%dma_wait3A_71 : memref<640x64xf32, #tpu.memory_space<hbm>>)
      tpu.yield
    }) : () -> ()
    return
  }
}

#map = affine_map<(d0, d1) -> (0, 0)>
#map1 = affine_map<(d0, d1) -> (0, 0, 0)>
module attributes {stable_mosaic.version = 14 : i64} {
  func.func @k(%arg0: i32, %arg1: i32, %arg2: memref<10240x64xf32, #tpu.memory_space<hbm>>, %arg3: memref<32x40x128xi32, #tpu.memory_space<hbm>>, %arg4: memref<32x40x128xi32, #tpu.memory_space<hbm>>, %arg5: memref<2x10240x64xf32, #tpu.memory_space<hbm>>, %arg6: memref<40x128xi32, #tpu.memory_space<vmem>>, %arg7: memref<40x128xi32, #tpu.memory_space<vmem>>, %arg8: memref<128x64xf32, #tpu.memory_space<vmem>>, %arg9: memref<128x64xf32, #tpu.memory_space<vmem>>, %arg10: memref<128x64xf32, #tpu.memory_space<vmem>>, %arg11: memref<128x64xf32, #tpu.memory_space<vmem>>, %arg12: memref<10240x64xf32, #tpu.memory_space<vmem_shared>>, %arg13: memref<!tpu.dma_semaphore, #tpu.memory_space<semaphore_mem>>, %arg14: memref<!tpu.dma_semaphore, #tpu.memory_space<semaphore_mem>>, %arg15: memref<!tpu.dma_semaphore, #tpu.memory_space<semaphore_mem>>, %arg16: memref<!tpu.dma_semaphore, #tpu.memory_space<semaphore_mem>>, %arg17: memref<!tpu.dma_semaphore, #tpu.memory_space<semaphore_mem>>) attributes {dimension_semantics = [#tpu.dimension_semantics<core_parallel>, #tpu.dimension_semantics<subcore_parallel>], iteration_bounds = array<i64: 2, 16>, scalar_prefetch = 0 : i64, scratch_operands = 12 : i64, tpu.core_type = #tpu.core_type<sc_vector_subcore>, window_params = [{transform_indices = #map}, {transform_indices = #map1}, {transform_indices = #map1}, {transform_indices = #map1}]} {
    %mul3A = arith.constant 16 : i32
    %mul3A_0 = arith.muli %arg0, %mul3A : i32
    %add3A = arith.addi %mul3A_0, %arg1 : i32
    %broadcast_in_dim3A = arith.constant 0.000000e+00 : f32
    %broadcast_in_dim3A_1 = vector.broadcast %broadcast_in_dim3A : f32 to vector<16xf32>
    %scan3A = arith.constant 0 : i32
    %scan3A_2 = arith.constant 0 : i32
    %scan3A_3 = arith.constant 128 : i32
    %scan3A_4 = arith.addi %scan3A_2, %scan3A_3 : i32
    %scan3A_5 = arith.constant 1 : i32
    scf.for %scan3A_65 = %scan3A_2 to %scan3A_4 step %scan3A_5  : i32 {
      %swap3A = arith.index_cast %scan3A_65 : i32 to index
      %swap3A_66 = arith.constant 0 : index
      %swap3A_67 = tpu.vector_load %arg8[%swap3A, %swap3A_66] {strides = array<i32>} : memref<128x64xf32, #tpu.memory_space<vmem>>, vector<1x16xf32>,
      %swap3A_68 = vector.shape_cast %swap3A_67 : vector<1x16xf32> to vector<16xf32>
      %swap3A_69 = vector.shape_cast %broadcast_in_dim3A_1 : vector<16xf32> to vector<1x16xf32>
      tpu.vector_store %arg8[%swap3A, %swap3A_66], %swap3A_69 {strides = array<i32>} : memref<128x64xf32, #tpu.memory_space<vmem>>, vector<1x16xf32>,
      %swap3A_70 = arith.index_cast %scan3A_65 : i32 to index
      %swap3A_71 = arith.constant 16 : index
      %swap3A_72 = tpu.vector_load %arg8[%swap3A_70, %swap3A_71] {strides = array<i32>} : memref<128x64xf32, #tpu.memory_space<vmem>>, vector<1x16xf32>,
      %swap3A_73 = vector.shape_cast %swap3A_72 : vector<1x16xf32> to vector<16xf32>
      %swap3A_74 = vector.shape_cast %broadcast_in_dim3A_1 : vector<16xf32> to vector<1x16xf32>
      tpu.vector_store %arg8[%swap3A_70, %swap3A_71], %swap3A_74 {strides = array<i32>} : memref<128x64xf32, #tpu.memory_space<vmem>>, vector<1x16xf32>,
      %swap3A_75 = arith.index_cast %scan3A_65 : i32 to index
      %swap3A_76 = arith.constant 32 : index
      %swap3A_77 = tpu.vector_load %arg8[%swap3A_75, %swap3A_76] {strides = array<i32>} : memref<128x64xf32, #tpu.memory_space<vmem>>, vector<1x16xf32>,
      %swap3A_78 = vector.shape_cast %swap3A_77 : vector<1x16xf32> to vector<16xf32>
      %swap3A_79 = vector.shape_cast %broadcast_in_dim3A_1 : vector<16xf32> to vector<1x16xf32>
      tpu.vector_store %arg8[%swap3A_75, %swap3A_76], %swap3A_79 {strides = array<i32>} : memref<128x64xf32, #tpu.memory_space<vmem>>, vector<1x16xf32>,
      %swap3A_80 = arith.index_cast %scan3A_65 : i32 to index
      %swap3A_81 = arith.constant 48 : index
      %swap3A_82 = tpu.vector_load %arg8[%swap3A_80, %swap3A_81] {strides = array<i32>} : memref<128x64xf32, #tpu.memory_space<vmem>>, vector<1x16xf32>,
      %swap3A_83 = vector.shape_cast %swap3A_82 : vector<1x16xf32> to vector<16xf32>
      %swap3A_84 = vector.shape_cast %broadcast_in_dim3A_1 : vector<16xf32> to vector<1x16xf32>
      tpu.vector_store %arg8[%swap3A_80, %swap3A_81], %swap3A_84 {strides = array<i32>} : memref<128x64xf32, #tpu.memory_space<vmem>>, vector<1x16xf32>,
    }
    %scan3A_6 = arith.constant 128 : i32
    %mul3A_7 = arith.constant 640 : i32
    %mul3A_8 = arith.muli %arg1, %mul3A_7 : i32
    %add3A_9 = arith.constant 0 : i32
    %add3A_10 = arith.addi %mul3A_8, %add3A_9 : i32
    "tpu.region"() ({
      %run_scoped3A = tpu.sem_alloc : memref<!tpu.dma_semaphore, #tpu.memory_space<semaphore_mem>>
      %dma_start3A_65 = arith.constant 0 : i32
      %dma_start3A_66 = tpu.memref_slice %arg12[%add3A_10, %dma_start3A_65] : memref<10240x64xf32, #tpu.memory_space<vmem_shared>> -> memref<128x64xf32, #tpu.memory_space<vmem_shared>>
      %dma_start3A_67 = arith.constant 0 : i32
      %dma_start3A_68 = tpu.memref_slice %arg12[%add3A_10, %dma_start3A_67] : memref<10240x64xf32, #tpu.memory_space<vmem_shared>> -> memref<128x64xf32, #tpu.memory_space<vmem_shared>>
      tpu.enqueue_dma source(%arg8 : memref<128x64xf32, #tpu.memory_space<vmem>>) target(%dma_start3A_68 : memref<128x64xf32, #tpu.memory_space<vmem_shared>>) target_semaphore(%run_scoped3A : memref<!tpu.dma_semaphore, #tpu.memory_space<semaphore_mem>>)
      %dma_wait3A = arith.constant 0 : i32
      %dma_wait3A_69 = tpu.memref_slice %arg12[%add3A_10, %dma_wait3A] : memref<10240x64xf32, #tpu.memory_space<vmem_shared>> -> memref<128x64xf32, #tpu.memory_space<vmem_shared>>
      %dma_wait3A_70 = arith.constant 0 : i32
      %dma_wait3A_71 = tpu.memref_slice %arg12[%add3A_10, %dma_wait3A_70] : memref<10240x64xf32, #tpu.memory_space<vmem_shared>> -> memref<128x64xf32, #tpu.memory_space<vmem_shared>>
      tpu.wait_dma2 semaphore(%run_scoped3A : memref<!tpu.dma_semaphore, #tpu.memory_space<semaphore_mem>>) src(%arg8 : memref<128x64xf32, #tpu.memory_space<vmem>>) dst(%dma_wait3A_71 : memref<128x64xf32, #tpu.memory_space<vmem_shared>>)
      tpu.yield
    }) : () -> ()
    %mul3A_11 = arith.constant 640 : i32
    %mul3A_12 = arith.muli %arg1, %mul3A_11 : i32
    %add3A_13 = arith.constant 128 : i32
    %add3A_14 = arith.addi %mul3A_12, %add3A_13 : i32
    "tpu.region"() ({
      %run_scoped3A = tpu.sem_alloc : memref<!tpu.dma_semaphore, #tpu.memory_space<semaphore_mem>>
      %dma_start3A_65 = arith.constant 0 : i32
      %dma_start3A_66 = tpu.memref_slice %arg12[%add3A_14, %dma_start3A_65] : memref<10240x64xf32, #tpu.memory_space<vmem_shared>> -> memref<128x64xf32, #tpu.memory_space<vmem_shared>>
      %dma_start3A_67 = arith.constant 0 : i32
      %dma_start3A_68 = tpu.memref_slice %arg12[%add3A_14, %dma_start3A_67] : memref<10240x64xf32, #tpu.memory_space<vmem_shared>> -> memref<128x64xf32, #tpu.memory_space<vmem_shared>>
      tpu.enqueue_dma source(%arg8 : memref<128x64xf32, #tpu.memory_space<vmem>>) target(%dma_start3A_68 : memref<128x64xf32, #tpu.memory_space<vmem_shared>>) target_semaphore(%run_scoped3A : memref<!tpu.dma_semaphore, #tpu.memory_space<semaphore_mem>>)
      %dma_wait3A = arith.constant 0 : i32
      %dma_wait3A_69 = tpu.memref_slice %arg12[%add3A_14, %dma_wait3A] : memref<10240x64xf32, #tpu.memory_space<vmem_shared>> -> memref<128x64xf32, #tpu.memory_space<vmem_shared>>
      %dma_wait3A_70 = arith.constant 0 : i32
      %dma_wait3A_71 = tpu.memref_slice %arg12[%add3A_14, %dma_wait3A_70] : memref<10240x64xf32, #tpu.memory_space<vmem_shared>> -> memref<128x64xf32, #tpu.memory_space<vmem_shared>>
      tpu.wait_dma2 semaphore(%run_scoped3A : memref<!tpu.dma_semaphore, #tpu.memory_space<semaphore_mem>>) src(%arg8 : memref<128x64xf32, #tpu.memory_space<vmem>>) dst(%dma_wait3A_71 : memref<128x64xf32, #tpu.memory_space<vmem_shared>>)
      tpu.yield
    }) : () -> ()
    %mul3A_15 = arith.constant 640 : i32
    %mul3A_16 = arith.muli %arg1, %mul3A_15 : i32
    %add3A_17 = arith.constant 256 : i32
    %add3A_18 = arith.addi %mul3A_16, %add3A_17 : i32
    "tpu.region"() ({
      %run_scoped3A = tpu.sem_alloc : memref<!tpu.dma_semaphore, #tpu.memory_space<semaphore_mem>>
      %dma_start3A_65 = arith.constant 0 : i32
      %dma_start3A_66 = tpu.memref_slice %arg12[%add3A_18, %dma_start3A_65] : memref<10240x64xf32, #tpu.memory_space<vmem_shared>> -> memref<128x64xf32, #tpu.memory_space<vmem_shared>>
      %dma_start3A_67 = arith.constant 0 : i32
      %dma_start3A_68 = tpu.memref_slice %arg12[%add3A_18, %dma_start3A_67] : memref<10240x64xf32, #tpu.memory_space<vmem_shared>> -> memref<128x64xf32, #tpu.memory_space<vmem_shared>>
      tpu.enqueue_dma source(%arg8 : memref<128x64xf32, #tpu.memory_space<vmem>>) target(%dma_start3A_68 : memref<128x64xf32, #tpu.memory_space<vmem_shared>>) target_semaphore(%run_scoped3A : memref<!tpu.dma_semaphore, #tpu.memory_space<semaphore_mem>>)
      %dma_wait3A = arith.constant 0 : i32
      %dma_wait3A_69 = tpu.memref_slice %arg12[%add3A_18, %dma_wait3A] : memref<10240x64xf32, #tpu.memory_space<vmem_shared>> -> memref<128x64xf32, #tpu.memory_space<vmem_shared>>
      %dma_wait3A_70 = arith.constant 0 : i32
      %dma_wait3A_71 = tpu.memref_slice %arg12[%add3A_18, %dma_wait3A_70] : memref<10240x64xf32, #tpu.memory_space<vmem_shared>> -> memref<128x64xf32, #tpu.memory_space<vmem_shared>>
      tpu.wait_dma2 semaphore(%run_scoped3A : memref<!tpu.dma_semaphore, #tpu.memory_space<semaphore_mem>>) src(%arg8 : memref<128x64xf32, #tpu.memory_space<vmem>>) dst(%dma_wait3A_71 : memref<128x64xf32, #tpu.memory_space<vmem_shared>>)
      tpu.yield
    }) : () -> ()
    %mul3A_19 = arith.constant 640 : i32
    %mul3A_20 = arith.muli %arg1, %mul3A_19 : i32
    %add3A_21 = arith.constant 384 : i32
    %add3A_22 = arith.addi %mul3A_20, %add3A_21 : i32
    "tpu.region"() ({
      %run_scoped3A = tpu.sem_alloc : memref<!tpu.dma_semaphore, #tpu.memory_space<semaphore_mem>>
      %dma_start3A_65 = arith.constant 0 : i32
      %dma_start3A_66 = tpu.memref_slice %arg12[%add3A_22, %dma_start3A_65] : memref<10240x64xf32, #tpu.memory_space<vmem_shared>> -> memref<128x64xf32, #tpu.memory_space<vmem_shared>>
      %dma_start3A_67 = arith.constant 0 : i32
      %dma_start3A_68 = tpu.memref_slice %arg12[%add3A_22, %dma_start3A_67] : memref<10240x64xf32, #tpu.memory_space<vmem_shared>> -> memref<128x64xf32, #tpu.memory_space<vmem_shared>>
      tpu.enqueue_dma source(%arg8 : memref<128x64xf32, #tpu.memory_space<vmem>>) target(%dma_start3A_68 : memref<128x64xf32, #tpu.memory_space<vmem_shared>>) target_semaphore(%run_scoped3A : memref<!tpu.dma_semaphore, #tpu.memory_space<semaphore_mem>>)
      %dma_wait3A = arith.constant 0 : i32
      %dma_wait3A_69 = tpu.memref_slice %arg12[%add3A_22, %dma_wait3A] : memref<10240x64xf32, #tpu.memory_space<vmem_shared>> -> memref<128x64xf32, #tpu.memory_space<vmem_shared>>
      %dma_wait3A_70 = arith.constant 0 : i32
      %dma_wait3A_71 = tpu.memref_slice %arg12[%add3A_22, %dma_wait3A_70] : memref<10240x64xf32, #tpu.memory_space<vmem_shared>> -> memref<128x64xf32, #tpu.memory_space<vmem_shared>>
      tpu.wait_dma2 semaphore(%run_scoped3A : memref<!tpu.dma_semaphore, #tpu.memory_space<semaphore_mem>>) src(%arg8 : memref<128x64xf32, #tpu.memory_space<vmem>>) dst(%dma_wait3A_71 : memref<128x64xf32, #tpu.memory_space<vmem_shared>>)
      tpu.yield
    }) : () -> ()
    %mul3A_23 = arith.constant 640 : i32
    %mul3A_24 = arith.muli %arg1, %mul3A_23 : i32
    %add3A_25 = arith.constant 512 : i32
    %add3A_26 = arith.addi %mul3A_24, %add3A_25 : i32
    "tpu.region"() ({
      %run_scoped3A = tpu.sem_alloc : memref<!tpu.dma_semaphore, #tpu.memory_space<semaphore_mem>>
      %dma_start3A_65 = arith.constant 0 : i32
      %dma_start3A_66 = tpu.memref_slice %arg12[%add3A_26, %dma_start3A_65] : memref<10240x64xf32, #tpu.memory_space<vmem_shared>> -> memref<128x64xf32, #tpu.memory_space<vmem_shared>>
      %dma_start3A_67 = arith.constant 0 : i32
      %dma_start3A_68 = tpu.memref_slice %arg12[%add3A_26, %dma_start3A_67] : memref<10240x64xf32, #tpu.memory_space<vmem_shared>> -> memref<128x64xf32, #tpu.memory_space<vmem_shared>>
      tpu.enqueue_dma source(%arg8 : memref<128x64xf32, #tpu.memory_space<vmem>>) target(%dma_start3A_68 : memref<128x64xf32, #tpu.memory_space<vmem_shared>>) target_semaphore(%run_scoped3A : memref<!tpu.dma_semaphore, #tpu.memory_space<semaphore_mem>>)
      %dma_wait3A = arith.constant 0 : i32
      %dma_wait3A_69 = tpu.memref_slice %arg12[%add3A_26, %dma_wait3A] : memref<10240x64xf32, #tpu.memory_space<vmem_shared>> -> memref<128x64xf32, #tpu.memory_space<vmem_shared>>
      %dma_wait3A_70 = arith.constant 0 : i32
      %dma_wait3A_71 = tpu.memref_slice %arg12[%add3A_26, %dma_wait3A_70] : memref<10240x64xf32, #tpu.memory_space<vmem_shared>> -> memref<128x64xf32, #tpu.memory_space<vmem_shared>>
      tpu.wait_dma2 semaphore(%run_scoped3A : memref<!tpu.dma_semaphore, #tpu.memory_space<semaphore_mem>>) src(%arg8 : memref<128x64xf32, #tpu.memory_space<vmem>>) dst(%dma_wait3A_71 : memref<128x64xf32, #tpu.memory_space<vmem_shared>>)
      tpu.yield
    }) : () -> ()
    "tpu.region"() ({
      %run_scoped3A = tpu.sem_alloc : memref<!tpu.dma_semaphore, #tpu.memory_space<semaphore_mem>>
      %dma_start3A_65 = arith.constant 0 : i32
      %dma_start3A_66 = arith.constant 0 : i32
      %dma_start3A_67 = tpu.memref_slice %arg3[%add3A, %dma_start3A_65, %dma_start3A_66] : memref<32x40x128xi32, #tpu.memory_space<hbm>> -> memref<1x40x128xi32, #tpu.memory_space<hbm>>
      %dma_start3A_68 = tpu.memref_squeeze %dma_start3A_67 : memref<1x40x128xi32, #tpu.memory_space<hbm>> -> memref<40x128xi32, #tpu.memory_space<hbm>>
      %dma_start3A_69 = arith.constant 0 : i32
      %dma_start3A_70 = arith.constant 0 : i32
      %dma_start3A_71 = tpu.memref_slice %arg3[%add3A, %dma_start3A_69, %dma_start3A_70] : memref<32x40x128xi32, #tpu.memory_space<hbm>> -> memref<1x40x128xi32, #tpu.memory_space<hbm>>
      %dma_start3A_72 = tpu.memref_squeeze %dma_start3A_71 : memref<1x40x128xi32, #tpu.memory_space<hbm>> -> memref<40x128xi32, #tpu.memory_space<hbm>>
      tpu.enqueue_dma source(%dma_start3A_72 : memref<40x128xi32, #tpu.memory_space<hbm>>) target(%arg6 : memref<40x128xi32, #tpu.memory_space<vmem>>) target_semaphore(%run_scoped3A : memref<!tpu.dma_semaphore, #tpu.memory_space<semaphore_mem>>)
      %dma_wait3A = arith.constant 0 : i32
      %dma_wait3A_73 = arith.constant 0 : i32
      %dma_wait3A_74 = tpu.memref_slice %arg3[%add3A, %dma_wait3A, %dma_wait3A_73] : memref<32x40x128xi32, #tpu.memory_space<hbm>> -> memref<1x40x128xi32, #tpu.memory_space<hbm>>
      %dma_wait3A_75 = tpu.memref_squeeze %dma_wait3A_74 : memref<1x40x128xi32, #tpu.memory_space<hbm>> -> memref<40x128xi32, #tpu.memory_space<hbm>>
      %dma_wait3A_76 = arith.constant 0 : i32
      %dma_wait3A_77 = arith.constant 0 : i32
      %dma_wait3A_78 = tpu.memref_slice %arg3[%add3A, %dma_wait3A_76, %dma_wait3A_77] : memref<32x40x128xi32, #tpu.memory_space<hbm>> -> memref<1x40x128xi32, #tpu.memory_space<hbm>>
      %dma_wait3A_79 = tpu.memref_squeeze %dma_wait3A_78 : memref<1x40x128xi32, #tpu.memory_space<hbm>> -> memref<40x128xi32, #tpu.memory_space<hbm>>
      tpu.wait_dma2 semaphore(%run_scoped3A : memref<!tpu.dma_semaphore, #tpu.memory_space<semaphore_mem>>) src(%dma_wait3A_79 : memref<40x128xi32, #tpu.memory_space<hbm>>) dst(%arg6 : memref<40x128xi32, #tpu.memory_space<vmem>>)
      tpu.yield
    }) : () -> ()
    "tpu.region"() ({
      %run_scoped3A = tpu.sem_alloc : memref<!tpu.dma_semaphore, #tpu.memory_space<semaphore_mem>>
      %dma_start3A_65 = arith.constant 0 : i32
      %dma_start3A_66 = arith.constant 0 : i32
      %dma_start3A_67 = tpu.memref_slice %arg4[%add3A, %dma_start3A_65, %dma_start3A_66] : memref<32x40x128xi32, #tpu.memory_space<hbm>> -> memref<1x40x128xi32, #tpu.memory_space<hbm>>
      %dma_start3A_68 = tpu.memref_squeeze %dma_start3A_67 : memref<1x40x128xi32, #tpu.memory_space<hbm>> -> memref<40x128xi32, #tpu.memory_space<hbm>>
      %dma_start3A_69 = arith.constant 0 : i32
      %dma_start3A_70 = arith.constant 0 : i32
      %dma_start3A_71 = tpu.memref_slice %arg4[%add3A, %dma_start3A_69, %dma_start3A_70] : memref<32x40x128xi32, #tpu.memory_space<hbm>> -> memref<1x40x128xi32, #tpu.memory_space<hbm>>
      %dma_start3A_72 = tpu.memref_squeeze %dma_start3A_71 : memref<1x40x128xi32, #tpu.memory_space<hbm>> -> memref<40x128xi32, #tpu.memory_space<hbm>>
      tpu.enqueue_dma source(%dma_start3A_72 : memref<40x128xi32, #tpu.memory_space<hbm>>) target(%arg7 : memref<40x128xi32, #tpu.memory_space<vmem>>) target_semaphore(%run_scoped3A : memref<!tpu.dma_semaphore, #tpu.memory_space<semaphore_mem>>)
      %dma_wait3A = arith.constant 0 : i32
      %dma_wait3A_73 = arith.constant 0 : i32
      %dma_wait3A_74 = tpu.memref_slice %arg4[%add3A, %dma_wait3A, %dma_wait3A_73] : memref<32x40x128xi32, #tpu.memory_space<hbm>> -> memref<1x40x128xi32, #tpu.memory_space<hbm>>
      %dma_wait3A_75 = tpu.memref_squeeze %dma_wait3A_74 : memref<1x40x128xi32, #tpu.memory_space<hbm>> -> memref<40x128xi32, #tpu.memory_space<hbm>>
      %dma_wait3A_76 = arith.constant 0 : i32
      %dma_wait3A_77 = arith.constant 0 : i32
      %dma_wait3A_78 = tpu.memref_slice %arg4[%add3A, %dma_wait3A_76, %dma_wait3A_77] : memref<32x40x128xi32, #tpu.memory_space<hbm>> -> memref<1x40x128xi32, #tpu.memory_space<hbm>>
      %dma_wait3A_79 = tpu.memref_squeeze %dma_wait3A_78 : memref<1x40x128xi32, #tpu.memory_space<hbm>> -> memref<40x128xi32, #tpu.memory_space<hbm>>
      tpu.wait_dma2 semaphore(%run_scoped3A : memref<!tpu.dma_semaphore, #tpu.memory_space<semaphore_mem>>) src(%dma_wait3A_79 : memref<40x128xi32, #tpu.memory_space<hbm>>) dst(%arg7 : memref<40x128xi32, #tpu.memory_space<vmem>>)
      tpu.yield
    }) : () -> ()
    %barrier3A = arith.constant 0 : index
    tpu.barrier barrier_id(%barrier3A)
    %dma_start3A = arith.constant 0 : i32
    %dma_start3A_27 = arith.constant 0 : i32
    %dma_start3A_28 = tpu.memref_slice %arg6[%dma_start3A, %dma_start3A_27] : memref<40x128xi32, #tpu.memory_space<vmem>> -> memref<1x128xi32, #tpu.memory_space<vmem>>
    %dma_start3A_29 = tpu.memref_squeeze %dma_start3A_28 : memref<1x128xi32, #tpu.memory_space<vmem>> -> memref<128xi32, #tpu.memory_space<vmem>>
    %dma_start3A_30 = arith.constant 0 : i32
    %dma_start3A_31 = arith.constant 0 : i32
    %dma_start3A_32 = tpu.memref_slice %arg2[%dma_start3A_30, %dma_start3A_31] : memref<10240x64xf32, #tpu.memory_space<hbm>> -> memref<10240x64xf32, #tpu.memory_space<hbm>>
    tpu.enqueue_indirect_dma source(%dma_start3A_32 : memref<10240x64xf32, #tpu.memory_space<hbm>>) target(%arg8 : memref<128x64xf32, #tpu.memory_space<vmem>>) offsets(%dma_start3A_29 : memref<128xi32, #tpu.memory_space<vmem>>) semaphore(%arg13 : memref<!tpu.dma_semaphore, #tpu.memory_space<semaphore_mem>>)
    %dma_start3A_33 = arith.constant 1 : i32
    %dma_start3A_34 = arith.constant 0 : i32
    %dma_start3A_35 = tpu.memref_slice %arg6[%dma_start3A_33, %dma_start3A_34] : memref<40x128xi32, #tpu.memory_space<vmem>> -> memref<1x128xi32, #tpu.memory_space<vmem>>
    %dma_start3A_36 = tpu.memref_squeeze %dma_start3A_35 : memref<1x128xi32, #tpu.memory_space<vmem>> -> memref<128xi32, #tpu.memory_space<vmem>>
    %dma_start3A_37 = arith.constant 0 : i32
    %dma_start3A_38 = arith.constant 0 : i32
    %dma_start3A_39 = tpu.memref_slice %arg2[%dma_start3A_37, %dma_start3A_38] : memref<10240x64xf32, #tpu.memory_space<hbm>> -> memref<10240x64xf32, #tpu.memory_space<hbm>>
    tpu.enqueue_indirect_dma source(%dma_start3A_39 : memref<10240x64xf32, #tpu.memory_space<hbm>>) target(%arg9 : memref<128x64xf32, #tpu.memory_space<vmem>>) offsets(%dma_start3A_36 : memref<128xi32, #tpu.memory_space<vmem>>) semaphore(%arg14 : memref<!tpu.dma_semaphore, #tpu.memory_space<semaphore_mem>>)
    %dma_start3A_40 = arith.constant 2 : i32
    %dma_start3A_41 = arith.constant 0 : i32
    %dma_start3A_42 = tpu.memref_slice %arg6[%dma_start3A_40, %dma_start3A_41] : memref<40x128xi32, #tpu.memory_space<vmem>> -> memref<1x128xi32, #tpu.memory_space<vmem>>
    %dma_start3A_43 = tpu.memref_squeeze %dma_start3A_42 : memref<1x128xi32, #tpu.memory_space<vmem>> -> memref<128xi32, #tpu.memory_space<vmem>>
    %dma_start3A_44 = arith.constant 0 : i32
    %dma_start3A_45 = arith.constant 0 : i32
    %dma_start3A_46 = tpu.memref_slice %arg2[%dma_start3A_44, %dma_start3A_45] : memref<10240x64xf32, #tpu.memory_space<hbm>> -> memref<10240x64xf32, #tpu.memory_space<hbm>>
    tpu.enqueue_indirect_dma source(%dma_start3A_46 : memref<10240x64xf32, #tpu.memory_space<hbm>>) target(%arg10 : memref<128x64xf32, #tpu.memory_space<vmem>>) offsets(%dma_start3A_43 : memref<128xi32, #tpu.memory_space<vmem>>) semaphore(%arg15 : memref<!tpu.dma_semaphore, #tpu.memory_space<semaphore_mem>>)
    %dma_start3A_47 = arith.constant 3 : i32
    %dma_start3A_48 = arith.constant 0 : i32
    %dma_start3A_49 = tpu.memref_slice %arg6[%dma_start3A_47, %dma_start3A_48] : memref<40x128xi32, #tpu.memory_space<vmem>> -> memref<1x128xi32, #tpu.memory_space<vmem>>
    %dma_start3A_50 = tpu.memref_squeeze %dma_start3A_49 : memref<1x128xi32, #tpu.memory_space<vmem>> -> memref<128xi32, #tpu.memory_space<vmem>>
    %dma_start3A_51 = arith.constant 0 : i32
    %dma_start3A_52 = arith.constant 0 : i32
    %dma_start3A_53 = tpu.memref_slice %arg2[%dma_start3A_51, %dma_start3A_52] : memref<10240x64xf32, #tpu.memory_space<hbm>> -> memref<10240x64xf32, #tpu.memory_space<hbm>>
    tpu.enqueue_indirect_dma source(%dma_start3A_53 : memref<10240x64xf32, #tpu.memory_space<hbm>>) target(%arg11 : memref<128x64xf32, #tpu.memory_space<vmem>>) offsets(%dma_start3A_50 : memref<128xi32, #tpu.memory_space<vmem>>) semaphore(%arg16 : memref<!tpu.dma_semaphore, #tpu.memory_space<semaphore_mem>>)
    %scan3A_54 = arith.constant 0 : i32
    %scan3A_55 = arith.constant 0 : i32
    %scan3A_56 = arith.constant 10 : i32
    %scan3A_57 = arith.addi %scan3A_55, %scan3A_56 : i32
    %scan3A_58 = arith.constant 1 : i32
    scf.for %scan3A_65 = %scan3A_55 to %scan3A_57 step %scan3A_58  : i32 {
      %mul3A_66 = arith.constant 4 : i32
      %mul3A_67 = arith.muli %mul3A_66, %scan3A_65 : i32
      %add3A_68 = arith.constant 0 : i32
      %add3A_69 = arith.addi %mul3A_67, %add3A_68 : i32
      %dma_wait3A = arith.constant 0 : i32
      %dma_wait3A_70 = tpu.memref_slice %arg6[%add3A_69, %dma_wait3A] : memref<40x128xi32, #tpu.memory_space<vmem>> -> memref<1x128xi32, #tpu.memory_space<vmem>>
      %dma_wait3A_71 = tpu.memref_squeeze %dma_wait3A_70 : memref<1x128xi32, #tpu.memory_space<vmem>> -> memref<128xi32, #tpu.memory_space<vmem>>
      %dma_wait3A_72 = arith.constant 0 : i32
      %dma_wait3A_73 = arith.constant 0 : i32
      %dma_wait3A_74 = tpu.memref_slice %arg2[%dma_wait3A_72, %dma_wait3A_73] : memref<10240x64xf32, #tpu.memory_space<hbm>> -> memref<10240x64xf32, #tpu.memory_space<hbm>>
      tpu.wait_indirect_dma semaphore(%arg13 : memref<!tpu.dma_semaphore, #tpu.memory_space<semaphore_mem>>) src(%dma_wait3A_74 : memref<10240x64xf32, #tpu.memory_space<hbm>>) dst(%arg8 : memref<128x64xf32, #tpu.memory_space<vmem>>)
      %dma_start3A_75 = arith.constant 0 : i32
      %dma_start3A_76 = tpu.memref_slice %arg7[%add3A_69, %dma_start3A_75] : memref<40x128xi32, #tpu.memory_space<vmem>> -> memref<1x128xi32, #tpu.memory_space<vmem>>
      %dma_start3A_77 = tpu.memref_squeeze %dma_start3A_76 : memref<1x128xi32, #tpu.memory_space<vmem>> -> memref<128xi32, #tpu.memory_space<vmem>>
      %dma_start3A_78 = arith.constant 0 : i32
      %dma_start3A_79 = arith.constant 0 : i32
      %dma_start3A_80 = tpu.memref_slice %arg12[%dma_start3A_78, %dma_start3A_79] : memref<10240x64xf32, #tpu.memory_space<vmem_shared>> -> memref<10240x64xf32, #tpu.memory_space<vmem_shared>>
      tpu.enqueue_indirect_dma source(%arg8 : memref<128x64xf32, #tpu.memory_space<vmem>>) target(%dma_start3A_80 : memref<10240x64xf32, #tpu.memory_space<vmem_shared>>) offsets(%dma_start3A_77 : memref<128xi32, #tpu.memory_space<vmem>>) semaphore(%arg17 : memref<!tpu.dma_semaphore, #tpu.memory_space<semaphore_mem>>) {add = true}
      %dma_wait3A_81 = arith.constant 0 : i32
      %dma_wait3A_82 = tpu.memref_slice %arg7[%add3A_69, %dma_wait3A_81] : memref<40x128xi32, #tpu.memory_space<vmem>> -> memref<1x128xi32, #tpu.memory_space<vmem>>
      %dma_wait3A_83 = tpu.memref_squeeze %dma_wait3A_82 : memref<1x128xi32, #tpu.memory_space<vmem>> -> memref<128xi32, #tpu.memory_space<vmem>>
      %dma_wait3A_84 = arith.constant 0 : i32
      %dma_wait3A_85 = arith.constant 0 : i32
      %dma_wait3A_86 = tpu.memref_slice %arg12[%dma_wait3A_84, %dma_wait3A_85] : memref<10240x64xf32, #tpu.memory_space<vmem_shared>> -> memref<10240x64xf32, #tpu.memory_space<vmem_shared>>
      tpu.wait_indirect_dma semaphore(%arg17 : memref<!tpu.dma_semaphore, #tpu.memory_space<semaphore_mem>>) src(%arg8 : memref<128x64xf32, #tpu.memory_space<vmem>>) dst(%dma_wait3A_86 : memref<10240x64xf32, #tpu.memory_space<vmem_shared>>)
      %add3A_87 = arith.constant 4 : i32
      %add3A_88 = arith.addi %add3A_69, %add3A_87 : i32
      %lt3A = arith.constant 40 : i32
      %lt3A_89 = arith.cmpi slt, %add3A_88, %lt3A : i32
      %convert_element_type3A = arith.extui %lt3A_89 : i1 to i32
      %cond3A = arith.constant 0 : i32
      %cond3A_90 = arith.cmpi ne, %convert_element_type3A, %cond3A : i32
      scf.if %cond3A_90 {
        %add3A_178 = arith.constant 4 : i32
        %add3A_179 = arith.addi %add3A_69, %add3A_178 : i32
        %dma_start3A_180 = arith.constant 0 : i32
        %dma_start3A_181 = tpu.memref_slice %arg6[%add3A_179, %dma_start3A_180] : memref<40x128xi32, #tpu.memory_space<vmem>> -> memref<1x128xi32, #tpu.memory_space<vmem>>
        %dma_start3A_182 = tpu.memref_squeeze %dma_start3A_181 : memref<1x128xi32, #tpu.memory_space<vmem>> -> memref<128xi32, #tpu.memory_space<vmem>>
        %dma_start3A_183 = arith.constant 0 : i32
        %dma_start3A_184 = arith.constant 0 : i32
        %dma_start3A_185 = tpu.memref_slice %arg2[%dma_start3A_183, %dma_start3A_184] : memref<10240x64xf32, #tpu.memory_space<hbm>> -> memref<10240x64xf32, #tpu.memory_space<hbm>>
        tpu.enqueue_indirect_dma source(%dma_start3A_185 : memref<10240x64xf32, #tpu.memory_space<hbm>>) target(%arg8 : memref<128x64xf32, #tpu.memory_space<vmem>>) offsets(%dma_start3A_182 : memref<128xi32, #tpu.memory_space<vmem>>) semaphore(%arg13 : memref<!tpu.dma_semaphore, #tpu.memory_space<semaphore_mem>>)
      } else {
      }
      %mul3A_91 = arith.constant 4 : i32
      %mul3A_92 = arith.muli %mul3A_91, %scan3A_65 : i32
      %add3A_93 = arith.constant 1 : i32
      %add3A_94 = arith.addi %mul3A_92, %add3A_93 : i32
      %dma_wait3A_95 = arith.constant 0 : i32
      %dma_wait3A_96 = tpu.memref_slice %arg6[%add3A_94, %dma_wait3A_95] : memref<40x128xi32, #tpu.memory_space<vmem>> -> memref<1x128xi32, #tpu.memory_space<vmem>>
      %dma_wait3A_97 = tpu.memref_squeeze %dma_wait3A_96 : memref<1x128xi32, #tpu.memory_space<vmem>> -> memref<128xi32, #tpu.memory_space<vmem>>
      %dma_wait3A_98 = arith.constant 0 : i32
      %dma_wait3A_99 = arith.constant 0 : i32
      %dma_wait3A_100 = tpu.memref_slice %arg2[%dma_wait3A_98, %dma_wait3A_99] : memref<10240x64xf32, #tpu.memory_space<hbm>> -> memref<10240x64xf32, #tpu.memory_space<hbm>>
      tpu.wait_indirect_dma semaphore(%arg14 : memref<!tpu.dma_semaphore, #tpu.memory_space<semaphore_mem>>) src(%dma_wait3A_100 : memref<10240x64xf32, #tpu.memory_space<hbm>>) dst(%arg9 : memref<128x64xf32, #tpu.memory_space<vmem>>)
      %dma_start3A_101 = arith.constant 0 : i32
      %dma_start3A_102 = tpu.memref_slice %arg7[%add3A_94, %dma_start3A_101] : memref<40x128xi32, #tpu.memory_space<vmem>> -> memref<1x128xi32, #tpu.memory_space<vmem>>
      %dma_start3A_103 = tpu.memref_squeeze %dma_start3A_102 : memref<1x128xi32, #tpu.memory_space<vmem>> -> memref<128xi32, #tpu.memory_space<vmem>>
      %dma_start3A_104 = arith.constant 0 : i32
      %dma_start3A_105 = arith.constant 0 : i32
      %dma_start3A_106 = tpu.memref_slice %arg12[%dma_start3A_104, %dma_start3A_105] : memref<10240x64xf32, #tpu.memory_space<vmem_shared>> -> memref<10240x64xf32, #tpu.memory_space<vmem_shared>>
      tpu.enqueue_indirect_dma source(%arg9 : memref<128x64xf32, #tpu.memory_space<vmem>>) target(%dma_start3A_106 : memref<10240x64xf32, #tpu.memory_space<vmem_shared>>) offsets(%dma_start3A_103 : memref<128xi32, #tpu.memory_space<vmem>>) semaphore(%arg17 : memref<!tpu.dma_semaphore, #tpu.memory_space<semaphore_mem>>) {add = true}
      %dma_wait3A_107 = arith.constant 0 : i32
      %dma_wait3A_108 = tpu.memref_slice %arg7[%add3A_94, %dma_wait3A_107] : memref<40x128xi32, #tpu.memory_space<vmem>> -> memref<1x128xi32, #tpu.memory_space<vmem>>
      %dma_wait3A_109 = tpu.memref_squeeze %dma_wait3A_108 : memref<1x128xi32, #tpu.memory_space<vmem>> -> memref<128xi32, #tpu.memory_space<vmem>>
      %dma_wait3A_110 = arith.constant 0 : i32
      %dma_wait3A_111 = arith.constant 0 : i32
      %dma_wait3A_112 = tpu.memref_slice %arg12[%dma_wait3A_110, %dma_wait3A_111] : memref<10240x64xf32, #tpu.memory_space<vmem_shared>> -> memref<10240x64xf32, #tpu.memory_space<vmem_shared>>
      tpu.wait_indirect_dma semaphore(%arg17 : memref<!tpu.dma_semaphore, #tpu.memory_space<semaphore_mem>>) src(%arg9 : memref<128x64xf32, #tpu.memory_space<vmem>>) dst(%dma_wait3A_112 : memref<10240x64xf32, #tpu.memory_space<vmem_shared>>)
      %add3A_113 = arith.constant 4 : i32
      %add3A_114 = arith.addi %add3A_94, %add3A_113 : i32
      %lt3A_115 = arith.constant 40 : i32
      %lt3A_116 = arith.cmpi slt, %add3A_114, %lt3A_115 : i32
      %convert_element_type3A_117 = arith.extui %lt3A_116 : i1 to i32
      %cond3A_118 = arith.constant 0 : i32
      %cond3A_119 = arith.cmpi ne, %convert_element_type3A_117, %cond3A_118 : i32
      scf.if %cond3A_119 {
        %add3A_178 = arith.constant 4 : i32
        %add3A_179 = arith.addi %add3A_94, %add3A_178 : i32
        %dma_start3A_180 = arith.constant 0 : i32
        %dma_start3A_181 = tpu.memref_slice %arg6[%add3A_179, %dma_start3A_180] : memref<40x128xi32, #tpu.memory_space<vmem>> -> memref<1x128xi32, #tpu.memory_space<vmem>>
        %dma_start3A_182 = tpu.memref_squeeze %dma_start3A_181 : memref<1x128xi32, #tpu.memory_space<vmem>> -> memref<128xi32, #tpu.memory_space<vmem>>
        %dma_start3A_183 = arith.constant 0 : i32
        %dma_start3A_184 = arith.constant 0 : i32
        %dma_start3A_185 = tpu.memref_slice %arg2[%dma_start3A_183, %dma_start3A_184] : memref<10240x64xf32, #tpu.memory_space<hbm>> -> memref<10240x64xf32, #tpu.memory_space<hbm>>
        tpu.enqueue_indirect_dma source(%dma_start3A_185 : memref<10240x64xf32, #tpu.memory_space<hbm>>) target(%arg9 : memref<128x64xf32, #tpu.memory_space<vmem>>) offsets(%dma_start3A_182 : memref<128xi32, #tpu.memory_space<vmem>>) semaphore(%arg14 : memref<!tpu.dma_semaphore, #tpu.memory_space<semaphore_mem>>)
      } else {
      }
      %mul3A_120 = arith.constant 4 : i32
      %mul3A_121 = arith.muli %mul3A_120, %scan3A_65 : i32
      %add3A_122 = arith.constant 2 : i32
      %add3A_123 = arith.addi %mul3A_121, %add3A_122 : i32
      %dma_wait3A_124 = arith.constant 0 : i32
      %dma_wait3A_125 = tpu.memref_slice %arg6[%add3A_123, %dma_wait3A_124] : memref<40x128xi32, #tpu.memory_space<vmem>> -> memref<1x128xi32, #tpu.memory_space<vmem>>
      %dma_wait3A_126 = tpu.memref_squeeze %dma_wait3A_125 : memref<1x128xi32, #tpu.memory_space<vmem>> -> memref<128xi32, #tpu.memory_space<vmem>>
      %dma_wait3A_127 = arith.constant 0 : i32
      %dma_wait3A_128 = arith.constant 0 : i32
      %dma_wait3A_129 = tpu.memref_slice %arg2[%dma_wait3A_127, %dma_wait3A_128] : memref<10240x64xf32, #tpu.memory_space<hbm>> -> memref<10240x64xf32, #tpu.memory_space<hbm>>
      tpu.wait_indirect_dma semaphore(%arg15 : memref<!tpu.dma_semaphore, #tpu.memory_space<semaphore_mem>>) src(%dma_wait3A_129 : memref<10240x64xf32, #tpu.memory_space<hbm>>) dst(%arg10 : memref<128x64xf32, #tpu.memory_space<vmem>>)
      %dma_start3A_130 = arith.constant 0 : i32
      %dma_start3A_131 = tpu.memref_slice %arg7[%add3A_123, %dma_start3A_130] : memref<40x128xi32, #tpu.memory_space<vmem>> -> memref<1x128xi32, #tpu.memory_space<vmem>>
      %dma_start3A_132 = tpu.memref_squeeze %dma_start3A_131 : memref<1x128xi32, #tpu.memory_space<vmem>> -> memref<128xi32, #tpu.memory_space<vmem>>
      %dma_start3A_133 = arith.constant 0 : i32
      %dma_start3A_134 = arith.constant 0 : i32
      %dma_start3A_135 = tpu.memref_slice %arg12[%dma_start3A_133, %dma_start3A_134] : memref<10240x64xf32, #tpu.memory_space<vmem_shared>> -> memref<10240x64xf32, #tpu.memory_space<vmem_shared>>
      tpu.enqueue_indirect_dma source(%arg10 : memref<128x64xf32, #tpu.memory_space<vmem>>) target(%dma_start3A_135 : memref<10240x64xf32, #tpu.memory_space<vmem_shared>>) offsets(%dma_start3A_132 : memref<128xi32, #tpu.memory_space<vmem>>) semaphore(%arg17 : memref<!tpu.dma_semaphore, #tpu.memory_space<semaphore_mem>>) {add = true}
      %dma_wait3A_136 = arith.constant 0 : i32
      %dma_wait3A_137 = tpu.memref_slice %arg7[%add3A_123, %dma_wait3A_136] : memref<40x128xi32, #tpu.memory_space<vmem>> -> memref<1x128xi32, #tpu.memory_space<vmem>>
      %dma_wait3A_138 = tpu.memref_squeeze %dma_wait3A_137 : memref<1x128xi32, #tpu.memory_space<vmem>> -> memref<128xi32, #tpu.memory_space<vmem>>
      %dma_wait3A_139 = arith.constant 0 : i32
      %dma_wait3A_140 = arith.constant 0 : i32
      %dma_wait3A_141 = tpu.memref_slice %arg12[%dma_wait3A_139, %dma_wait3A_140] : memref<10240x64xf32, #tpu.memory_space<vmem_shared>> -> memref<10240x64xf32, #tpu.memory_space<vmem_shared>>
      tpu.wait_indirect_dma semaphore(%arg17 : memref<!tpu.dma_semaphore, #tpu.memory_space<semaphore_mem>>) src(%arg10 : memref<128x64xf32, #tpu.memory_space<vmem>>) dst(%dma_wait3A_141 : memref<10240x64xf32, #tpu.memory_space<vmem_shared>>)
      %add3A_142 = arith.constant 4 : i32
      %add3A_143 = arith.addi %add3A_123, %add3A_142 : i32
      %lt3A_144 = arith.constant 40 : i32
      %lt3A_145 = arith.cmpi slt, %add3A_143, %lt3A_144 : i32
      %convert_element_type3A_146 = arith.extui %lt3A_145 : i1 to i32
      %cond3A_147 = arith.constant 0 : i32
      %cond3A_148 = arith.cmpi ne, %convert_element_type3A_146, %cond3A_147 : i32
      scf.if %cond3A_148 {
        %add3A_178 = arith.constant 4 : i32
        %add3A_179 = arith.addi %add3A_123, %add3A_178 : i32
        %dma_start3A_180 = arith.constant 0 : i32
        %dma_start3A_181 = tpu.memref_slice %arg6[%add3A_179, %dma_start3A_180] : memref<40x128xi32, #tpu.memory_space<vmem>> -> memref<1x128xi32, #tpu.memory_space<vmem>>
        %dma_start3A_182 = tpu.memref_squeeze %dma_start3A_181 : memref<1x128xi32, #tpu.memory_space<vmem>> -> memref<128xi32, #tpu.memory_space<vmem>>
        %dma_start3A_183 = arith.constant 0 : i32
        %dma_start3A_184 = arith.constant 0 : i32
        %dma_start3A_185 = tpu.memref_slice %arg2[%dma_start3A_183, %dma_start3A_184] : memref<10240x64xf32, #tpu.memory_space<hbm>> -> memref<10240x64xf32, #tpu.memory_space<hbm>>
        tpu.enqueue_indirect_dma source(%dma_start3A_185 : memref<10240x64xf32, #tpu.memory_space<hbm>>) target(%arg10 : memref<128x64xf32, #tpu.memory_space<vmem>>) offsets(%dma_start3A_182 : memref<128xi32, #tpu.memory_space<vmem>>) semaphore(%arg15 : memref<!tpu.dma_semaphore, #tpu.memory_space<semaphore_mem>>)
      } else {
      }
      %mul3A_149 = arith.constant 4 : i32
      %mul3A_150 = arith.muli %mul3A_149, %scan3A_65 : i32
      %add3A_151 = arith.constant 3 : i32
      %add3A_152 = arith.addi %mul3A_150, %add3A_151 : i32
      %dma_wait3A_153 = arith.constant 0 : i32
      %dma_wait3A_154 = tpu.memref_slice %arg6[%add3A_152, %dma_wait3A_153] : memref<40x128xi32, #tpu.memory_space<vmem>> -> memref<1x128xi32, #tpu.memory_space<vmem>>
      %dma_wait3A_155 = tpu.memref_squeeze %dma_wait3A_154 : memref<1x128xi32, #tpu.memory_space<vmem>> -> memref<128xi32, #tpu.memory_space<vmem>>
      %dma_wait3A_156 = arith.constant 0 : i32
      %dma_wait3A_157 = arith.constant 0 : i32
      %dma_wait3A_158 = tpu.memref_slice %arg2[%dma_wait3A_156, %dma_wait3A_157] : memref<10240x64xf32, #tpu.memory_space<hbm>> -> memref<10240x64xf32, #tpu.memory_space<hbm>>
      tpu.wait_indirect_dma semaphore(%arg16 : memref<!tpu.dma_semaphore, #tpu.memory_space<semaphore_mem>>) src(%dma_wait3A_158 : memref<10240x64xf32, #tpu.memory_space<hbm>>) dst(%arg11 : memref<128x64xf32, #tpu.memory_space<vmem>>)
      %dma_start3A_159 = arith.constant 0 : i32
      %dma_start3A_160 = tpu.memref_slice %arg7[%add3A_152, %dma_start3A_159] : memref<40x128xi32, #tpu.memory_space<vmem>> -> memref<1x128xi32, #tpu.memory_space<vmem>>
      %dma_start3A_161 = tpu.memref_squeeze %dma_start3A_160 : memref<1x128xi32, #tpu.memory_space<vmem>> -> memref<128xi32, #tpu.memory_space<vmem>>
      %dma_start3A_162 = arith.constant 0 : i32
      %dma_start3A_163 = arith.constant 0 : i32
      %dma_start3A_164 = tpu.memref_slice %arg12[%dma_start3A_162, %dma_start3A_163] : memref<10240x64xf32, #tpu.memory_space<vmem_shared>> -> memref<10240x64xf32, #tpu.memory_space<vmem_shared>>
      tpu.enqueue_indirect_dma source(%arg11 : memref<128x64xf32, #tpu.memory_space<vmem>>) target(%dma_start3A_164 : memref<10240x64xf32, #tpu.memory_space<vmem_shared>>) offsets(%dma_start3A_161 : memref<128xi32, #tpu.memory_space<vmem>>) semaphore(%arg17 : memref<!tpu.dma_semaphore, #tpu.memory_space<semaphore_mem>>) {add = true}
      %dma_wait3A_165 = arith.constant 0 : i32
      %dma_wait3A_166 = tpu.memref_slice %arg7[%add3A_152, %dma_wait3A_165] : memref<40x128xi32, #tpu.memory_space<vmem>> -> memref<1x128xi32, #tpu.memory_space<vmem>>
      %dma_wait3A_167 = tpu.memref_squeeze %dma_wait3A_166 : memref<1x128xi32, #tpu.memory_space<vmem>> -> memref<128xi32, #tpu.memory_space<vmem>>
      %dma_wait3A_168 = arith.constant 0 : i32
      %dma_wait3A_169 = arith.constant 0 : i32
      %dma_wait3A_170 = tpu.memref_slice %arg12[%dma_wait3A_168, %dma_wait3A_169] : memref<10240x64xf32, #tpu.memory_space<vmem_shared>> -> memref<10240x64xf32, #tpu.memory_space<vmem_shared>>
      tpu.wait_indirect_dma semaphore(%arg17 : memref<!tpu.dma_semaphore, #tpu.memory_space<semaphore_mem>>) src(%arg11 : memref<128x64xf32, #tpu.memory_space<vmem>>) dst(%dma_wait3A_170 : memref<10240x64xf32, #tpu.memory_space<vmem_shared>>)
      %add3A_171 = arith.constant 4 : i32
      %add3A_172 = arith.addi %add3A_152, %add3A_171 : i32
      %lt3A_173 = arith.constant 40 : i32
      %lt3A_174 = arith.cmpi slt, %add3A_172, %lt3A_173 : i32
      %convert_element_type3A_175 = arith.extui %lt3A_174 : i1 to i32
      %cond3A_176 = arith.constant 0 : i32
      %cond3A_177 = arith.cmpi ne, %convert_element_type3A_175, %cond3A_176 : i32
      scf.if %cond3A_177 {
        %add3A_178 = arith.constant 4 : i32
        %add3A_179 = arith.addi %add3A_152, %add3A_178 : i32
        %dma_start3A_180 = arith.constant 0 : i32
        %dma_start3A_181 = tpu.memref_slice %arg6[%add3A_179, %dma_start3A_180] : memref<40x128xi32, #tpu.memory_space<vmem>> -> memref<1x128xi32, #tpu.memory_space<vmem>>
        %dma_start3A_182 = tpu.memref_squeeze %dma_start3A_181 : memref<1x128xi32, #tpu.memory_space<vmem>> -> memref<128xi32, #tpu.memory_space<vmem>>
        %dma_start3A_183 = arith.constant 0 : i32
        %dma_start3A_184 = arith.constant 0 : i32
        %dma_start3A_185 = tpu.memref_slice %arg2[%dma_start3A_183, %dma_start3A_184] : memref<10240x64xf32, #tpu.memory_space<hbm>> -> memref<10240x64xf32, #tpu.memory_space<hbm>>
        tpu.enqueue_indirect_dma source(%dma_start3A_185 : memref<10240x64xf32, #tpu.memory_space<hbm>>) target(%arg11 : memref<128x64xf32, #tpu.memory_space<vmem>>) offsets(%dma_start3A_182 : memref<128xi32, #tpu.memory_space<vmem>>) semaphore(%arg16 : memref<!tpu.dma_semaphore, #tpu.memory_space<semaphore_mem>>)
      } else {
      }
    }
    %scan3A_59 = arith.constant 10 : i32
    %barrier3A_60 = arith.constant 0 : index
    tpu.barrier barrier_id(%barrier3A_60)
    %mul3A_61 = arith.constant 640 : i32
    %mul3A_62 = arith.muli %arg1, %mul3A_61 : i32
    %mul3A_63 = arith.constant 640 : i32
    %mul3A_64 = arith.muli %arg1, %mul3A_63 : i32
    "tpu.region"() ({
      %run_scoped3A = tpu.sem_alloc : memref<!tpu.dma_semaphore, #tpu.memory_space<semaphore_mem>>
      %dma_start3A_65 = arith.constant 0 : i32
      %dma_start3A_66 = tpu.memref_slice %arg5[%arg0, %mul3A_64, %dma_start3A_65] : memref<2x10240x64xf32, #tpu.memory_space<hbm>> -> memref<1x640x64xf32, #tpu.memory_space<hbm>>
      %dma_start3A_67 = tpu.memref_squeeze %dma_start3A_66 : memref<1x640x64xf32, #tpu.memory_space<hbm>> -> memref<640x64xf32, #tpu.memory_space<hbm>>
      %dma_start3A_68 = arith.constant 0 : i32
      %dma_start3A_69 = tpu.memref_slice %arg12[%mul3A_62, %dma_start3A_68] : memref<10240x64xf32, #tpu.memory_space<vmem_shared>> -> memref<640x64xf32, #tpu.memory_space<vmem_shared>>
      tpu.enqueue_dma source(%dma_start3A_69 : memref<640x64xf32, #tpu.memory_space<vmem_shared>>) target(%dma_start3A_67 : memref<640x64xf32, #tpu.memory_space<hbm>>) target_semaphore(%run_scoped3A : memref<!tpu.dma_semaphore, #tpu.memory_space<semaphore_mem>>)
      %dma_wait3A = arith.constant 0 : i32
      %dma_wait3A_70 = tpu.memref_slice %arg5[%arg0, %mul3A_64, %dma_wait3A] : memref<2x10240x64xf32, #tpu.memory_space<hbm>> -> memref<1x640x64xf32, #tpu.memory_space<hbm>>
      %dma_wait3A_71 = tpu.memref_squeeze %dma_wait3A_70 : memref<1x640x64xf32, #tpu.memory_space<hbm>> -> memref<640x64xf32, #tpu.memory_space<hbm>>
      %dma_wait3A_72 = arith.constant 0 : i32
      %dma_wait3A_73 = tpu.memref_slice %arg12[%mul3A_62, %dma_wait3A_72] : memref<10240x64xf32, #tpu.memory_space<vmem_shared>> -> memref<640x64xf32, #tpu.memory_space<vmem_shared>>
      tpu.wait_dma2 semaphore(%run_scoped3A : memref<!tpu.dma_semaphore, #tpu.memory_space<semaphore_mem>>) src(%dma_wait3A_73 : memref<640x64xf32, #tpu.memory_space<vmem_shared>>) dst(%dma_wait3A_71 : memref<640x64xf32, #tpu.memory_space<hbm>>)
      tpu.yield
    }) : () -> ()
    return
  }
}

module attributes {stable_mosaic.version = 14 : i64} {
  func.func @_mm1_body(%arg0: i32, %arg1: memref<256x1433xf32, #tpu.memory_space<vmem>>, %arg2: memref<1433x192xf32, #tpu.memory_space<vmem>>, %arg3: memref<256x16xf32, #tpu.memory_space<vmem>>, %arg4: memref<256x16xf32, #tpu.memory_space<vmem>>, %arg5: memref<256x64xf32, #tpu.memory_space<vmem>>, %arg6: memref<256x128xf32, #tpu.memory_space<vmem>>, %arg7: memref<256x128xf32, #tpu.memory_space<vmem>>) attributes {dimension_semantics = [#tpu.dimension_semantics<arbitrary>], iteration_bounds = array<i64: 40>, scalar_prefetch = 0 : i64, scratch_operands = 0 : i64, tpu.core_type = #tpu.core_type<tc>, window_params = [{transform_indices = @transform_0, window_bounds = array<i64: 256, 1433>}, {pipeline_mode = #tpu.pipeline_mode<synchronous>, transform_indices = @transform_1, window_bounds = array<i64: 1433, 192>}, {transform_indices = @transform_2, window_bounds = array<i64: 256, 16>}, {transform_indices = @transform_3, window_bounds = array<i64: 256, 16>}, {transform_indices = @transform_4, window_bounds = array<i64: 256, 64>}, {transform_indices = @transform_5, window_bounds = array<i64: 256, 128>}, {transform_indices = @transform_6, window_bounds = array<i64: 256, 128>}]} {
    %get3A = arith.constant 0 : index
    %get3A_0 = arith.constant 0 : index
    %get3A_1 = vector.load %arg1[%get3A, %get3A_0] : memref<256x1433xf32, #tpu.memory_space<vmem>>, vector<256x1433xf32>
    %get3A_2 = arith.constant 0 : index
    %get3A_3 = arith.constant 0 : index
    %get3A_4 = vector.load %arg2[%get3A_2, %get3A_3] : memref<1433x192xf32, #tpu.memory_space<vmem>>, vector<1433x192xf32>
    %dot_general3A = arith.constant dense<0.000000e+00> : vector<256x192xf32>
    %dot_general3A_5 = tpu.matmul %get3A_1, %get3A_4, %dot_general3A {dimension_numbers = #tpu.dot_dimension_numbers<[1], [0], [0], [1], [0, 0, 1, 1], [], []>, transpose_lhs_hint = false} : vector<256x1433xf32>, vector<1433x192xf32>, vector<256x192xf32> -> vector<256x192xf32>
    %get3A_6 = arith.constant 0 : index
    %get3A_7 = arith.constant 0 : index
    %get3A_8 = vector.load %arg3[%get3A_6, %get3A_7] : memref<256x16xf32, #tpu.memory_space<vmem>>, vector<256x16xf32>
    %slice3A = vector.extract_strided_slice %get3A_8 {offsets = [0, 0], sizes = [256, 1], strides = [1, 1]} : vector<256x16xf32> to vector<256x1xf32>
    %get3A_9 = arith.constant 0 : index
    %get3A_10 = arith.constant 0 : index
    %get3A_11 = vector.load %arg4[%get3A_9, %get3A_10] : memref<256x16xf32, #tpu.memory_space<vmem>>, vector<256x16xf32>
    %slice3A_12 = vector.extract_strided_slice %get3A_11 {offsets = [0, 0], sizes = [256, 1], strides = [1, 1]} : vector<256x16xf32> to vector<256x1xf32>
    %add3A = arith.addf %slice3A, %slice3A_12 : vector<256x1xf32>
    %add3A_13 = arith.constant 1.000000e+00 : f32
    %add3A_14 = vector.broadcast %add3A_13 : f32 to vector<256x1xf32>
    %add3A_15 = arith.addf %add3A, %add3A_14 : vector<256x1xf32>
    %rsqrt3A = math.rsqrt %add3A_15 : vector<256x1xf32>
    %broadcast_in_dim3A = vector.shape_cast %rsqrt3A : vector<256x1xf32> to vector<256x1xf32>
    %broadcast_in_dim3A_16 = vector.broadcast %broadcast_in_dim3A : vector<256x1xf32> to vector<256x128xf32>
    %swap3A = arith.constant 0 : index
    %swap3A_17 = arith.constant 0 : index
    %swap3A_18 = vector.load %arg7[%swap3A, %swap3A_17] : memref<256x128xf32, #tpu.memory_space<vmem>>, vector<256x128xf32>
    tpu.vector_store %arg7[%swap3A, %swap3A_17], %broadcast_in_dim3A_16 {strides = array<i32>} : memref<256x128xf32, #tpu.memory_space<vmem>>, vector<256x128xf32>,
    %slice3A_19 = vector.extract_strided_slice %dot_general3A_5 {offsets = [0, 0], sizes = [256, 64], strides = [1, 1]} : vector<256x192xf32> to vector<256x64xf32>
    %swap3A_20 = arith.constant 0 : index
    %swap3A_21 = arith.constant 0 : index
    %swap3A_22 = vector.load %arg5[%swap3A_20, %swap3A_21] : memref<256x64xf32, #tpu.memory_space<vmem>>, vector<256x64xf32>
    tpu.vector_store %arg5[%swap3A_20, %swap3A_21], %slice3A_19 {strides = array<i32>} : memref<256x64xf32, #tpu.memory_space<vmem>>, vector<256x64xf32>,
    %slice3A_23 = vector.extract_strided_slice %dot_general3A_5 {offsets = [0, 64], sizes = [256, 128], strides = [1, 1]} : vector<256x192xf32> to vector<256x128xf32>
    %mul3A = arith.mulf %slice3A_23, %broadcast_in_dim3A_16 : vector<256x128xf32>
    %swap3A_24 = arith.constant 0 : index
    %swap3A_25 = arith.constant 0 : index
    %swap3A_26 = vector.load %arg6[%swap3A_24, %swap3A_25] : memref<256x128xf32, #tpu.memory_space<vmem>>, vector<256x128xf32>
    tpu.vector_store %arg6[%swap3A_24, %swap3A_25], %mul3A {strides = array<i32>} : memref<256x128xf32, #tpu.memory_space<vmem>>, vector<256x128xf32>,
    return
  }
  func.func @transform_0(%arg0: i32) -> (i32, i32) {
    %c0_i32 = arith.constant 0 : i32
    %c0_i32_0 = arith.constant 0 : i32
    return %arg0, %c0_i32 : i32, i32
  }
  func.func @transform_1(%arg0: i32) -> (i32, i32) {
    %c0_i32 = arith.constant 0 : i32
    %c0_i32_0 = arith.constant 0 : i32
    %c0_i32_1 = arith.constant 0 : i32
    return %c0_i32, %c0_i32_0 : i32, i32
  }
  func.func @transform_2(%arg0: i32) -> (i32, i32) {
    %c0_i32 = arith.constant 0 : i32
    %c0_i32_0 = arith.constant 0 : i32
    return %arg0, %c0_i32 : i32, i32
  }
  func.func @transform_3(%arg0: i32) -> (i32, i32) {
    %c0_i32 = arith.constant 0 : i32
    %c0_i32_0 = arith.constant 0 : i32
    return %arg0, %c0_i32 : i32, i32
  }
  func.func @transform_4(%arg0: i32) -> (i32, i32) {
    %c0_i32 = arith.constant 0 : i32
    %c0_i32_0 = arith.constant 0 : i32
    return %arg0, %c0_i32 : i32, i32
  }
  func.func @transform_5(%arg0: i32) -> (i32, i32) {
    %c0_i32 = arith.constant 0 : i32
    %c0_i32_0 = arith.constant 0 : i32
    return %arg0, %c0_i32 : i32, i32
  }
  func.func @transform_6(%arg0: i32) -> (i32, i32) {
    %c0_i32 = arith.constant 0 : i32
    %c0_i32_0 = arith.constant 0 : i32
    return %arg0, %c0_i32 : i32, i32
  }
}

module attributes {stable_mosaic.version = 14 : i64} {
  func.func @_mid_body(%arg0: i32, %arg1: memref<2x256x128xf32, #tpu.memory_space<vmem>>, %arg2: memref<256x128xf32, #tpu.memory_space<vmem>>, %arg3: memref<256x128xf32, #tpu.memory_space<vmem>>, %arg4: memref<256x64xf32, #tpu.memory_space<vmem>>, %arg5: memref<256x64xf32, #tpu.memory_space<vmem>>) attributes {dimension_semantics = [#tpu.dimension_semantics<arbitrary>], iteration_bounds = array<i64: 40>, scalar_prefetch = 0 : i64, scratch_operands = 0 : i64, tpu.core_type = #tpu.core_type<tc>, window_params = [{transform_indices = @transform_0, window_bounds = array<i64: 2, 256, 128>}, {transform_indices = @transform_1, window_bounds = array<i64: 256, 128>}, {transform_indices = @transform_2, window_bounds = array<i64: 256, 128>}, {transform_indices = @transform_3, window_bounds = array<i64: 256, 64>}, {transform_indices = @transform_4, window_bounds = array<i64: 256, 64>}]} {
    %get3A = arith.constant 0 : index
    %get3A_0 = arith.constant 0 : index
    %get3A_1 = vector.load %arg2[%get3A, %get3A_0] : memref<256x128xf32, #tpu.memory_space<vmem>>, vector<256x128xf32>
    %get3A_2 = arith.constant 0 : index
    %get3A_3 = arith.constant 0 : index
    %get3A_4 = vector.load %arg3[%get3A_2, %get3A_3] : memref<256x128xf32, #tpu.memory_space<vmem>>, vector<256x128xf32>
    %get3A_5 = arith.constant 0 : index
    %get3A_6 = arith.constant 0 : index
    %get3A_7 = arith.constant 0 : index
    %get3A_8 = vector.load %arg1[%get3A_5, %get3A_6, %get3A_7] : memref<2x256x128xf32, #tpu.memory_space<vmem>>, vector<1x256x128xf32>
    %get3A_9 = vector.shape_cast %get3A_8 : vector<1x256x128xf32> to vector<256x128xf32>
    %get3A_10 = arith.constant 1 : index
    %get3A_11 = arith.constant 0 : index
    %get3A_12 = arith.constant 0 : index
    %get3A_13 = vector.load %arg1[%get3A_10, %get3A_11, %get3A_12] : memref<2x256x128xf32, #tpu.memory_space<vmem>>, vector<1x256x128xf32>
    %get3A_14 = vector.shape_cast %get3A_13 : vector<1x256x128xf32> to vector<256x128xf32>
    %add3A = arith.addf %get3A_9, %get3A_14 : vector<256x128xf32>
    %slice3A = vector.extract_strided_slice %add3A {offsets = [0, 0], sizes = [256, 64], strides = [1, 1]} : vector<256x128xf32> to vector<256x64xf32>
    %slice3A_15 = vector.extract_strided_slice %get3A_1 {offsets = [0, 0], sizes = [256, 64], strides = [1, 1]} : vector<256x128xf32> to vector<256x64xf32>
    %add3A_16 = arith.addf %slice3A, %slice3A_15 : vector<256x64xf32>
    %slice3A_17 = vector.extract_strided_slice %get3A_4 {offsets = [0, 0], sizes = [256, 64], strides = [1, 1]} : vector<256x128xf32> to vector<256x64xf32>
    %mul3A = arith.mulf %add3A_16, %slice3A_17 : vector<256x64xf32>
    %swap3A = arith.constant 0 : index
    %swap3A_18 = arith.constant 0 : index
    %swap3A_19 = vector.load %arg4[%swap3A, %swap3A_18] : memref<256x64xf32, #tpu.memory_space<vmem>>, vector<256x64xf32>
    tpu.vector_store %arg4[%swap3A, %swap3A_18], %mul3A {strides = array<i32>} : memref<256x64xf32, #tpu.memory_space<vmem>>, vector<256x64xf32>,
    %slice3A_20 = vector.extract_strided_slice %add3A {offsets = [0, 64], sizes = [256, 64], strides = [1, 1]} : vector<256x128xf32> to vector<256x64xf32>
    %slice3A_21 = vector.extract_strided_slice %get3A_1 {offsets = [0, 64], sizes = [256, 64], strides = [1, 1]} : vector<256x128xf32> to vector<256x64xf32>
    %add3A_22 = arith.addf %slice3A_20, %slice3A_21 : vector<256x64xf32>
    %mul3A_23 = arith.mulf %get3A_4, %get3A_4 : vector<256x128xf32>
    %slice3A_24 = vector.extract_strided_slice %mul3A_23 {offsets = [0, 64], sizes = [256, 64], strides = [1, 1]} : vector<256x128xf32> to vector<256x64xf32>
    %mul3A_25 = arith.mulf %add3A_22, %slice3A_24 : vector<256x64xf32>
    %swap3A_26 = arith.constant 0 : index
    %swap3A_27 = arith.constant 0 : index
    %swap3A_28 = vector.load %arg5[%swap3A_26, %swap3A_27] : memref<256x64xf32, #tpu.memory_space<vmem>>, vector<256x64xf32>
    tpu.vector_store %arg5[%swap3A_26, %swap3A_27], %mul3A_25 {strides = array<i32>} : memref<256x64xf32, #tpu.memory_space<vmem>>, vector<256x64xf32>,
    return
  }
  func.func @transform_0(%arg0: i32) -> (i32, i32, i32) {
    %c0_i32 = arith.constant 0 : i32
    %c0_i32_0 = arith.constant 0 : i32
    %c0_i32_1 = arith.constant 0 : i32
    return %c0_i32, %arg0, %c0_i32_0 : i32, i32, i32
  }
  func.func @transform_1(%arg0: i32) -> (i32, i32) {
    %c0_i32 = arith.constant 0 : i32
    %c0_i32_0 = arith.constant 0 : i32
    return %arg0, %c0_i32 : i32, i32
  }
  func.func @transform_2(%arg0: i32) -> (i32, i32) {
    %c0_i32 = arith.constant 0 : i32
    %c0_i32_0 = arith.constant 0 : i32
    return %arg0, %c0_i32 : i32, i32
  }
  func.func @transform_3(%arg0: i32) -> (i32, i32) {
    %c0_i32 = arith.constant 0 : i32
    %c0_i32_0 = arith.constant 0 : i32
    return %arg0, %c0_i32 : i32, i32
  }
  func.func @transform_4(%arg0: i32) -> (i32, i32) {
    %c0_i32 = arith.constant 0 : i32
    %c0_i32_0 = arith.constant 0 : i32
    return %arg0, %c0_i32 : i32, i32
  }
}

module attributes {stable_mosaic.version = 14 : i64} {
  func.func @_postmm_body(%arg0: i32, %arg1: memref<256x64xf32, #tpu.memory_space<vmem>>, %arg2: memref<256x64xf32, #tpu.memory_space<vmem>>, %arg3: memref<256x64xf32, #tpu.memory_space<vmem>>, %arg4: memref<256x64xf32, #tpu.memory_space<vmem>>, %arg5: memref<256x64xf32, #tpu.memory_space<vmem>>, %arg6: memref<256x128xf32, #tpu.memory_space<vmem>>, %arg7: memref<8x192xf32, #tpu.memory_space<vmem>>, %arg8: memref<8x192xf32, #tpu.memory_space<vmem>>, %arg9: memref<192x192xf32, #tpu.memory_space<vmem>>, %arg10: memref<256x64xf32, #tpu.memory_space<vmem>>, %arg11: memref<256x128xf32, #tpu.memory_space<vmem>>) attributes {dimension_semantics = [#tpu.dimension_semantics<arbitrary>], iteration_bounds = array<i64: 40>, scalar_prefetch = 0 : i64, scratch_operands = 0 : i64, tpu.core_type = #tpu.core_type<tc>, window_params = [{transform_indices = @transform_0, window_bounds = array<i64: 256, 64>}, {transform_indices = @transform_1, window_bounds = array<i64: 256, 64>}, {transform_indices = @transform_2, window_bounds = array<i64: 256, 64>}, {transform_indices = @transform_3, window_bounds = array<i64: 256, 64>}, {transform_indices = @transform_4, window_bounds = array<i64: 256, 64>}, {transform_indices = @transform_5, window_bounds = array<i64: 256, 128>}, {pipeline_mode = #tpu.pipeline_mode<synchronous>, transform_indices = @transform_6, window_bounds = array<i64: 8, 192>}, {pipeline_mode = #tpu.pipeline_mode<synchronous>, transform_indices = @transform_7, window_bounds = array<i64: 8, 192>}, {pipeline_mode = #tpu.pipeline_mode<synchronous>, transform_indices = @transform_8, window_bounds = array<i64: 192, 192>}, {transform_indices = @transform_9, window_bounds = array<i64: 256, 64>}, {transform_indices = @transform_10, window_bounds = array<i64: 256, 128>}]} {
    %get3A = arith.constant 0 : index
    %get3A_0 = arith.constant 0 : index
    %get3A_1 = vector.load %arg1[%get3A, %get3A_0] : memref<256x64xf32, #tpu.memory_space<vmem>>, vector<256x64xf32>
    %get3A_2 = arith.constant 0 : index
    %get3A_3 = arith.constant 0 : index
    %get3A_4 = vector.load %arg2[%get3A_2, %get3A_3] : memref<256x64xf32, #tpu.memory_space<vmem>>, vector<256x64xf32>
    %add3A = arith.addf %get3A_1, %get3A_4 : vector<256x64xf32>
    %get3A_5 = arith.constant 0 : index
    %get3A_6 = arith.constant 0 : index
    %get3A_7 = vector.load %arg3[%get3A_5, %get3A_6] : memref<256x64xf32, #tpu.memory_space<vmem>>, vector<256x64xf32>
    %add3A_8 = arith.addf %add3A, %get3A_7 : vector<256x64xf32>
    %get3A_9 = arith.constant 0 : index
    %get3A_10 = arith.constant 0 : index
    %get3A_11 = vector.load %arg6[%get3A_9, %get3A_10] : memref<256x128xf32, #tpu.memory_space<vmem>>, vector<256x128xf32>
    %slice3A = vector.extract_strided_slice %get3A_11 {offsets = [0, 0], sizes = [256, 64], strides = [1, 1]} : vector<256x128xf32> to vector<256x64xf32>
    %mul3A = arith.mulf %add3A_8, %slice3A : vector<256x64xf32>
    %get3A_12 = arith.constant 0 : index
    %get3A_13 = arith.constant 0 : index
    %get3A_14 = vector.load %arg4[%get3A_12, %get3A_13] : memref<256x64xf32, #tpu.memory_space<vmem>>, vector<256x64xf32>
    %get3A_15 = arith.constant 0 : index
    %get3A_16 = arith.constant 0 : index
    %get3A_17 = vector.load %arg5[%get3A_15, %get3A_16] : memref<256x64xf32, #tpu.memory_space<vmem>>, vector<256x64xf32>
    %concatenate3A = tpu.concatenate %get3A_14, %get3A_17, %mul3A in 1 : vector<256x64xf32>, vector<256x64xf32>, vector<256x64xf32> -> vector<256x192xf32>
    %get3A_18 = arith.constant 0 : index
    %get3A_19 = arith.constant 0 : index
    %get3A_20 = vector.load %arg7[%get3A_18, %get3A_19] : memref<8x192xf32, #tpu.memory_space<vmem>>, vector<8x192xf32>
    %slice3A_21 = vector.extract_strided_slice %get3A_20 {offsets = [0, 0], sizes = [1, 192], strides = [1, 1]} : vector<8x192xf32> to vector<1x192xf32>
    %mul3A_22 = vector.broadcast %slice3A_21 : vector<1x192xf32> to vector<256x192xf32>
    %mul3A_23 = arith.mulf %concatenate3A, %mul3A_22 : vector<256x192xf32>
    %get3A_24 = arith.constant 0 : index
    %get3A_25 = arith.constant 0 : index
    %get3A_26 = vector.load %arg8[%get3A_24, %get3A_25] : memref<8x192xf32, #tpu.memory_space<vmem>>, vector<8x192xf32>
    %slice3A_27 = vector.extract_strided_slice %get3A_26 {offsets = [0, 0], sizes = [1, 192], strides = [1, 1]} : vector<8x192xf32> to vector<1x192xf32>
    %add3A_28 = vector.broadcast %slice3A_27 : vector<1x192xf32> to vector<256x192xf32>
    %add3A_29 = arith.addf %mul3A_23, %add3A_28 : vector<256x192xf32>
    %get3A_30 = arith.constant 0 : index
    %get3A_31 = arith.constant 0 : index
    %get3A_32 = vector.load %arg9[%get3A_30, %get3A_31] : memref<192x192xf32, #tpu.memory_space<vmem>>, vector<192x192xf32>
    %dot_general3A = arith.constant dense<0.000000e+00> : vector<256x192xf32>
    %dot_general3A_33 = tpu.matmul %add3A_29, %get3A_32, %dot_general3A {dimension_numbers = #tpu.dot_dimension_numbers<[1], [0], [0], [1], [0, 0, 1, 1], [], []>, transpose_lhs_hint = false} : vector<256x192xf32>, vector<192x192xf32>, vector<256x192xf32> -> vector<256x192xf32>
    %slice3A_34 = vector.extract_strided_slice %dot_general3A_33 {offsets = [0, 0], sizes = [256, 64], strides = [1, 1]} : vector<256x192xf32> to vector<256x64xf32>
    %swap3A = arith.constant 0 : index
    %swap3A_35 = arith.constant 0 : index
    %swap3A_36 = vector.load %arg10[%swap3A, %swap3A_35] : memref<256x64xf32, #tpu.memory_space<vmem>>, vector<256x64xf32>
    tpu.vector_store %arg10[%swap3A, %swap3A_35], %slice3A_34 {strides = array<i32>} : memref<256x64xf32, #tpu.memory_space<vmem>>, vector<256x64xf32>,
    %slice3A_37 = vector.extract_strided_slice %dot_general3A_33 {offsets = [0, 64], sizes = [256, 128], strides = [1, 1]} : vector<256x192xf32> to vector<256x128xf32>
    %get3A_38 = arith.constant 0 : index
    %get3A_39 = arith.constant 0 : index
    %get3A_40 = vector.load %arg6[%get3A_38, %get3A_39] : memref<256x128xf32, #tpu.memory_space<vmem>>, vector<256x128xf32>
    %mul3A_41 = arith.mulf %slice3A_37, %get3A_40 : vector<256x128xf32>
    %swap3A_42 = arith.constant 0 : index
    %swap3A_43 = arith.constant 0 : index
    %swap3A_44 = vector.load %arg11[%swap3A_42, %swap3A_43] : memref<256x128xf32, #tpu.memory_space<vmem>>, vector<256x128xf32>
    tpu.vector_store %arg11[%swap3A_42, %swap3A_43], %mul3A_41 {strides = array<i32>} : memref<256x128xf32, #tpu.memory_space<vmem>>, vector<256x128xf32>,
    return
  }
  func.func @transform_0(%arg0: i32) -> (i32, i32) {
    %c0_i32 = arith.constant 0 : i32
    %c0_i32_0 = arith.constant 0 : i32
    return %arg0, %c0_i32 : i32, i32
  }
  func.func @transform_1(%arg0: i32) -> (i32, i32) {
    %c0_i32 = arith.constant 0 : i32
    %c0_i32_0 = arith.constant 0 : i32
    return %arg0, %c0_i32 : i32, i32
  }
  func.func @transform_2(%arg0: i32) -> (i32, i32) {
    %c0_i32 = arith.constant 0 : i32
    %c0_i32_0 = arith.constant 0 : i32
    return %arg0, %c0_i32 : i32, i32
  }
  func.func @transform_3(%arg0: i32) -> (i32, i32) {
    %c0_i32 = arith.constant 0 : i32
    %c0_i32_0 = arith.constant 0 : i32
    return %arg0, %c0_i32 : i32, i32
  }
  func.func @transform_4(%arg0: i32) -> (i32, i32) {
    %c0_i32 = arith.constant 0 : i32
    %c0_i32_0 = arith.constant 0 : i32
    return %arg0, %c0_i32 : i32, i32
  }
  func.func @transform_5(%arg0: i32) -> (i32, i32) {
    %c0_i32 = arith.constant 0 : i32
    %c0_i32_0 = arith.constant 0 : i32
    return %arg0, %c0_i32 : i32, i32
  }
  func.func @transform_6(%arg0: i32) -> (i32, i32) {
    %c0_i32 = arith.constant 0 : i32
    %c0_i32_0 = arith.constant 0 : i32
    %c0_i32_1 = arith.constant 0 : i32
    return %c0_i32, %c0_i32_0 : i32, i32
  }
  func.func @transform_7(%arg0: i32) -> (i32, i32) {
    %c0_i32 = arith.constant 0 : i32
    %c0_i32_0 = arith.constant 0 : i32
    %c0_i32_1 = arith.constant 0 : i32
    return %c0_i32, %c0_i32_0 : i32, i32
  }
  func.func @transform_8(%arg0: i32) -> (i32, i32) {
    %c0_i32 = arith.constant 0 : i32
    %c0_i32_0 = arith.constant 0 : i32
    %c0_i32_1 = arith.constant 0 : i32
    return %c0_i32, %c0_i32_0 : i32, i32
  }
  func.func @transform_9(%arg0: i32) -> (i32, i32) {
    %c0_i32 = arith.constant 0 : i32
    %c0_i32_0 = arith.constant 0 : i32
    return %arg0, %c0_i32 : i32, i32
  }
  func.func @transform_10(%arg0: i32) -> (i32, i32) {
    %c0_i32 = arith.constant 0 : i32
    %c0_i32_0 = arith.constant 0 : i32
    return %arg0, %c0_i32 : i32, i32
  }
}

module attributes {stable_mosaic.version = 14 : i64} {
  func.func @_postfinal_body(%arg0: i32, %arg1: memref<256x64xf32, #tpu.memory_space<vmem>>, %arg2: memref<256x64xf32, #tpu.memory_space<vmem>>, %arg3: memref<256x64xf32, #tpu.memory_space<vmem>>, %arg4: memref<256x64xf32, #tpu.memory_space<vmem>>, %arg5: memref<256x64xf32, #tpu.memory_space<vmem>>, %arg6: memref<256x128xf32, #tpu.memory_space<vmem>>, %arg7: memref<8x192xf32, #tpu.memory_space<vmem>>, %arg8: memref<8x192xf32, #tpu.memory_space<vmem>>, %arg9: memref<192x128xf32, #tpu.memory_space<vmem>>, %arg10: memref<8x128xf32, #tpu.memory_space<vmem>>, %arg11: memref<256x128xf32, #tpu.memory_space<vmem>>) attributes {dimension_semantics = [#tpu.dimension_semantics<arbitrary>], iteration_bounds = array<i64: 40>, scalar_prefetch = 0 : i64, scratch_operands = 0 : i64, tpu.core_type = #tpu.core_type<tc>, window_params = [{transform_indices = @transform_0, window_bounds = array<i64: 256, 64>}, {transform_indices = @transform_1, window_bounds = array<i64: 256, 64>}, {transform_indices = @transform_2, window_bounds = array<i64: 256, 64>}, {transform_indices = @transform_3, window_bounds = array<i64: 256, 64>}, {transform_indices = @transform_4, window_bounds = array<i64: 256, 64>}, {transform_indices = @transform_5, window_bounds = array<i64: 256, 128>}, {pipeline_mode = #tpu.pipeline_mode<synchronous>, transform_indices = @transform_6, window_bounds = array<i64: 8, 192>}, {pipeline_mode = #tpu.pipeline_mode<synchronous>, transform_indices = @transform_7, window_bounds = array<i64: 8, 192>}, {pipeline_mode = #tpu.pipeline_mode<synchronous>, transform_indices = @transform_8, window_bounds = array<i64: 192, 128>}, {pipeline_mode = #tpu.pipeline_mode<synchronous>, transform_indices = @transform_9, window_bounds = array<i64: 8, 128>}, {transform_indices = @transform_10, window_bounds = array<i64: 256, 128>}]} {
    %get3A = arith.constant 0 : index
    %get3A_0 = arith.constant 0 : index
    %get3A_1 = vector.load %arg1[%get3A, %get3A_0] : memref<256x64xf32, #tpu.memory_space<vmem>>, vector<256x64xf32>
    %get3A_2 = arith.constant 0 : index
    %get3A_3 = arith.constant 0 : index
    %get3A_4 = vector.load %arg2[%get3A_2, %get3A_3] : memref<256x64xf32, #tpu.memory_space<vmem>>, vector<256x64xf32>
    %add3A = arith.addf %get3A_1, %get3A_4 : vector<256x64xf32>
    %get3A_5 = arith.constant 0 : index
    %get3A_6 = arith.constant 0 : index
    %get3A_7 = vector.load %arg3[%get3A_5, %get3A_6] : memref<256x64xf32, #tpu.memory_space<vmem>>, vector<256x64xf32>
    %add3A_8 = arith.addf %add3A, %get3A_7 : vector<256x64xf32>
    %get3A_9 = arith.constant 0 : index
    %get3A_10 = arith.constant 0 : index
    %get3A_11 = vector.load %arg6[%get3A_9, %get3A_10] : memref<256x128xf32, #tpu.memory_space<vmem>>, vector<256x128xf32>
    %slice3A = vector.extract_strided_slice %get3A_11 {offsets = [0, 0], sizes = [256, 64], strides = [1, 1]} : vector<256x128xf32> to vector<256x64xf32>
    %mul3A = arith.mulf %add3A_8, %slice3A : vector<256x64xf32>
    %get3A_12 = arith.constant 0 : index
    %get3A_13 = arith.constant 0 : index
    %get3A_14 = vector.load %arg4[%get3A_12, %get3A_13] : memref<256x64xf32, #tpu.memory_space<vmem>>, vector<256x64xf32>
    %get3A_15 = arith.constant 0 : index
    %get3A_16 = arith.constant 0 : index
    %get3A_17 = vector.load %arg5[%get3A_15, %get3A_16] : memref<256x64xf32, #tpu.memory_space<vmem>>, vector<256x64xf32>
    %concatenate3A = tpu.concatenate %get3A_14, %get3A_17, %mul3A in 1 : vector<256x64xf32>, vector<256x64xf32>, vector<256x64xf32> -> vector<256x192xf32>
    %get3A_18 = arith.constant 0 : index
    %get3A_19 = arith.constant 0 : index
    %get3A_20 = vector.load %arg7[%get3A_18, %get3A_19] : memref<8x192xf32, #tpu.memory_space<vmem>>, vector<8x192xf32>
    %slice3A_21 = vector.extract_strided_slice %get3A_20 {offsets = [0, 0], sizes = [1, 192], strides = [1, 1]} : vector<8x192xf32> to vector<1x192xf32>
    %mul3A_22 = vector.broadcast %slice3A_21 : vector<1x192xf32> to vector<256x192xf32>
    %mul3A_23 = arith.mulf %concatenate3A, %mul3A_22 : vector<256x192xf32>
    %get3A_24 = arith.constant 0 : index
    %get3A_25 = arith.constant 0 : index
    %get3A_26 = vector.load %arg8[%get3A_24, %get3A_25] : memref<8x192xf32, #tpu.memory_space<vmem>>, vector<8x192xf32>
    %slice3A_27 = vector.extract_strided_slice %get3A_26 {offsets = [0, 0], sizes = [1, 192], strides = [1, 1]} : vector<8x192xf32> to vector<1x192xf32>
    %add3A_28 = vector.broadcast %slice3A_27 : vector<1x192xf32> to vector<256x192xf32>
    %add3A_29 = arith.addf %mul3A_23, %add3A_28 : vector<256x192xf32>
    %get3A_30 = arith.constant 0 : index
    %get3A_31 = arith.constant 0 : index
    %get3A_32 = vector.load %arg9[%get3A_30, %get3A_31] : memref<192x128xf32, #tpu.memory_space<vmem>>, vector<192x128xf32>
    %dot_general3A = arith.constant dense<0.000000e+00> : vector<256x128xf32>
    %dot_general3A_33 = tpu.matmul %add3A_29, %get3A_32, %dot_general3A {dimension_numbers = #tpu.dot_dimension_numbers<[1], [0], [0], [1], [0, 0, 1, 1], [], []>, transpose_lhs_hint = false} : vector<256x192xf32>, vector<192x128xf32>, vector<256x128xf32> -> vector<256x128xf32>
    %get3A_34 = arith.constant 0 : index
    %get3A_35 = arith.constant 0 : index
    %get3A_36 = vector.load %arg10[%get3A_34, %get3A_35] : memref<8x128xf32, #tpu.memory_space<vmem>>, vector<8x128xf32>
    %slice3A_37 = vector.extract_strided_slice %get3A_36 {offsets = [0, 0], sizes = [1, 128], strides = [1, 1]} : vector<8x128xf32> to vector<1x128xf32>
    %add3A_38 = vector.broadcast %slice3A_37 : vector<1x128xf32> to vector<256x128xf32>
    %add3A_39 = arith.addf %dot_general3A_33, %add3A_38 : vector<256x128xf32>
    %swap3A = arith.constant 0 : index
    %swap3A_40 = arith.constant 0 : index
    %swap3A_41 = vector.load %arg11[%swap3A, %swap3A_40] : memref<256x128xf32, #tpu.memory_space<vmem>>, vector<256x128xf32>
    tpu.vector_store %arg11[%swap3A, %swap3A_40], %add3A_39 {strides = array<i32>} : memref<256x128xf32, #tpu.memory_space<vmem>>, vector<256x128xf32>,
    return
  }
  func.func @transform_0(%arg0: i32) -> (i32, i32) {
    %c0_i32 = arith.constant 0 : i32
    %c0_i32_0 = arith.constant 0 : i32
    return %arg0, %c0_i32 : i32, i32
  }
  func.func @transform_1(%arg0: i32) -> (i32, i32) {
    %c0_i32 = arith.constant 0 : i32
    %c0_i32_0 = arith.constant 0 : i32
    return %arg0, %c0_i32 : i32, i32
  }
  func.func @transform_2(%arg0: i32) -> (i32, i32) {
    %c0_i32 = arith.constant 0 : i32
    %c0_i32_0 = arith.constant 0 : i32
    return %arg0, %c0_i32 : i32, i32
  }
  func.func @transform_3(%arg0: i32) -> (i32, i32) {
    %c0_i32 = arith.constant 0 : i32
    %c0_i32_0 = arith.constant 0 : i32
    return %arg0, %c0_i32 : i32, i32
  }
  func.func @transform_4(%arg0: i32) -> (i32, i32) {
    %c0_i32 = arith.constant 0 : i32
    %c0_i32_0 = arith.constant 0 : i32
    return %arg0, %c0_i32 : i32, i32
  }
  func.func @transform_5(%arg0: i32) -> (i32, i32) {
    %c0_i32 = arith.constant 0 : i32
    %c0_i32_0 = arith.constant 0 : i32
    return %arg0, %c0_i32 : i32, i32
  }
  func.func @transform_6(%arg0: i32) -> (i32, i32) {
    %c0_i32 = arith.constant 0 : i32
    %c0_i32_0 = arith.constant 0 : i32
    %c0_i32_1 = arith.constant 0 : i32
    return %c0_i32, %c0_i32_0 : i32, i32
  }
  func.func @transform_7(%arg0: i32) -> (i32, i32) {
    %c0_i32 = arith.constant 0 : i32
    %c0_i32_0 = arith.constant 0 : i32
    %c0_i32_1 = arith.constant 0 : i32
    return %c0_i32, %c0_i32_0 : i32, i32
  }
  func.func @transform_8(%arg0: i32) -> (i32, i32) {
    %c0_i32 = arith.constant 0 : i32
    %c0_i32_0 = arith.constant 0 : i32
    %c0_i32_1 = arith.constant 0 : i32
    return %c0_i32, %c0_i32_0 : i32, i32
  }
  func.func @transform_9(%arg0: i32) -> (i32, i32) {
    %c0_i32 = arith.constant 0 : i32
    %c0_i32_0 = arith.constant 0 : i32
    %c0_i32_1 = arith.constant 0 : i32
    return %c0_i32, %c0_i32_0 : i32, i32
  }
  func.func @transform_10(%arg0: i32) -> (i32, i32) {
    %c0_i32 = arith.constant 0 : i32
    %c0_i32_0 = arith.constant 0 : i32
    return %arg0, %c0_i32 : i32, i32
  }
}

</mosaic_0001>

<sc_bundles>
// kernel: kernel.16.cloned.1.call-start
scs
__scs_entry_jumppad:
0x0: {  	(pc) =	sbr.rel $0x88, $3  }
0x1: {  	(tag) =	ssettag $0x0;
	lr =	simm.s32 $0x1  }
0x2: {  	[smem:$0x3F91] =	sst lr;
	_ =	strace $0xD0000000  }
0x3: {  	_ = 	snop  }
0x4: {  	_ = 	snop  }
0x5: {  	_ = 	snop  }
0x6: {  	_ = 	snop  }
0x7: {  	_ = 	snop  }
__scs_overlays_trampoline_lowered:
0x8: {  	[smem:$0x3FA0] =	sst s0  }
0x9: {  	[smem:$0x3FA1] =	sst s1  }
0xa: {  	[smem:$0x3FA2] =	sst s2  }
0xb: {  	[smem:$0x3FA3] =	sst s3  }
0xc: {  	[smem:$0x3FA4] =	sst s4  }
0xd: {  	[smem:$0x3FA5] =	sst s5  }
0xe: {  	[smem:$0x3FA6] =	sst s6  }
0xf: {  	[smem:$0x3FA7] =	sst s7  }
0x10: {  	[smem:$0x3FA8] =	sst s8  }
0x11: {  	[smem:$0x3FA9] =	sst s9;
	s0 =	simm.s32 @!p0 $0x0  }
0x12: {  	s1 =	sld [smem:$0x3F8F];
	s0 =	simm.s32 @p0 $0x1  }
0x13: {  	[smem:$0x3FAA] =	sst s0;
	s0 =	simm.s32 @!p1 $0x0  }
0x14: {  	s2 =	sld [smem:$0x3F8E];
	s0 =	simm.s32 @p1 $0x1  }
0x15: {  	[smem:$0x3FAB] =	sst s0;
	s0 =	simm.s32 @!p2 $0x0  }
0x16: {  	s3 =	sld [smem:$0x3FDB];
	s0 =	simm.s32 @p2 $0x1  }
0x17: {  	s4 =	simm.s32 $0x1BF5;
	[smem:$0x3FAD] =	sst s0  }
0x18: {  	s0 =	sld [smem:$0x3F90];
	_ =	swait.ge [sflag:s4], $0x0  }
0x19: {  	s7 =	sld [smem:$0x3F91]  }
0x1a: {  	s8 =	sadd.s32 $0xFFFFE003, lr  }
0x1b: {  	s9 =	sadd.s32 $0xFFFFFEF7, lr;
	s5 =	simm.s32 $0xFFFFFFFF;
	p2 =	slt.u32 s8, $0xFFFFF086  }
0x1c: {  	p1 =	slt.u32 s9, $0xF7A;
	s5 =	simm.s32 @!p2 $0x0  }
0x1d: {  	s5 =	simm.s32 @p1 $0x1;
	p0 =	seq.s32 s7, s2  }
0x1e: {  	s7 =	smul.u32 @!p0 $0xF7A, s2;
	p2 =	seq.s32 @!p0 s5, $0x0  }
0x1f: {  	s9 =	smul.u32 $0xF7A, s1;
	s8 =	simm.s32 @!p0 $0x1BF5;
	p2 =	por !p2, p0  }
0x20: {  	[sflag:s8] =	ssyncset.s32 @!p0 $0xFFFFF086;
	s6 =	sadd.s32 @!p0 s3, s7;
	s7 =	simm.s32 @!p0 $0x108  }
0x21: {  	s3 =	sadd.s32 s3, s9;
	s6 =	sadd.s32 @!p0 $0x88, s6;
	s7 =	simm.s32 @p2 $0x1082  }
0x22: {  	[simem:s7], [sflag:s8] =	dma.local @!p0 [hbm:s6], $0xF7A  }
0x23: {  	s9 =	sor.u32 $0xD0000000, s2;
	s6 =	simm.s32 $0x108;
	_ =	swait.ge @!p0 [sflag:s8], $0x0  }
0x24: {  	s3 =	sadd.s32 $0x88, s3;
	s6 =	simm.s32 @!p1 $0x1082;
	[sflag:s4] =	ssyncset.s32 $0xFFFFF086  }
0x25: {  	[simem:s6], [sflag:s4] =	dma.local [hbm:s3], $0xF7A  }
0x26: {  	[smem:$0x3F91] =	sst s1;
	(tag) =	ssettag s2;
	_ =	strace s9  }
0x27: {  	s1 =	sld [smem:$0x3FA1]  }
0x28: {  	s2 =	sld [smem:$0x3FA2]  }
0x29: {  	s4 =	sld [smem:$0x3FA4]  }
0x2a: {  	p0 =	seq.s32 s5, $0x0;
	s5 =	sld [smem:$0x3FA5]  }
0x2b: {  	s6 =	sld [smem:$0x3FA6]  }
0x2c: {  	s7 =	sld [smem:$0x3FA7]  }
0x2d: {  	s3 =	simm.s32 $0x108;
	s8 =	sld [smem:$0x3FA8]  }
0x2e: {  	s3 =	simm.s32 @!p0 $0x1082;
	s9 =	sld [smem:$0x3FA9]  }
0x2f: {  	lr =	sadd.s32 s0, s3;
	s0 =	sld [smem:$0x3FA0]  }
0x30: {  	s3 =	sld [smem:$0x3FA3]  }
0x31: {  	[smem:$0x3FAC] =	sst s10  }
0x32: {  	s10 =	sld [smem:$0x3FAA];
	_ =	sdelay $0x3  }
0x33: {  	p0 =	seq.s32 s10, $0x1;
	s10 =	sld [smem:$0x3FAC];
	_ =	sdelay $0x3  }
0x34: {  	[smem:$0x3FAC] =	sst s10  }
0x35: {  	s10 =	sld [smem:$0x3FAB];
	_ =	sdelay $0x3  }
0x36: {  	p1 =	seq.s32 s10, $0x1;
	s10 =	sld [smem:$0x3FAC];
	_ =	sdelay $0x3  }
0x37: {  	[smem:$0x3FAC] =	sst s10  }
0x38: {  	s10 =	sld [smem:$0x3FAD]  }
0x39: {  	_ = 	snop;
	(pc) =	sbr.ind lr, $3  }
0x3a: {  	_ = 	snop  }
0x3b: {  	_ = 	snop  }
0x3c: {  	p2 =	seq.s32 s10, $0x1;
	s10 =	sld [smem:$0x3FAC]  }
0x3d: {  	_ =	shalt  }
0x3e: {  	_ =	shalt  }
0x3f: {  	_ =	shalt  }
0x40: {  	_ =	shalt  }
0x41: {  	_ =	shalt  }
0x42: {  	_ =	shalt  }
0x43: {  	_ =	shalt  }
0x44: {  	_ =	shalt  }
0x45: {  	_ =	shalt  }
0x46: {  	_ =	shalt  }
0x47: {  	_ =	shalt  }
0x48: {  	_ =	shalt  }
0x49: {  	_ =	shalt  }
0x4a: {  	_ =	shalt  }
0x4b: {  	_ =	shalt  }
0x4c: {  	_ =	shalt  }
0x4d: {  	_ =	shalt  }
0x4e: {  	_ =	shalt  }
0x4f: {  	_ =	shalt  }
0x50: {  	_ =	shalt  }
0x51: {  	_ =	shalt  }
0x52: {  	_ =	shalt  }
0x53: {  	_ =	shalt  }
0x54: {  	_ =	shalt  }
0x55: {  	_ =	shalt  }
0x56: {  	_ =	shalt  }
0x57: {  	_ =	shalt  }
0x58: {  	_ =	shalt  }
0x59: {  	_ =	shalt  }
0x5a: {  	_ =	shalt  }
0x5b: {  	_ =	shalt  }
0x5c: {  	_ =	shalt  }
0x5d: {  	_ =	shalt  }
0x5e: {  	_ =	shalt  }
0x5f: {  	_ =	shalt  }
0x60: {  	_ =	shalt  }
0x61: {  	_ =	shalt  }
0x62: {  	_ =	shalt  }
0x63: {  	_ =	shalt  }
0x64: {  	_ =	shalt  }
0x65: {  	_ =	shalt  }
0x66: {  	_ =	shalt  }
0x67: {  	_ =	shalt  }
0x68: {  	_ =	shalt  }
0x69: {  	_ =	shalt  }
0x6a: {  	_ =	shalt  }
0x6b: {  	_ =	shalt  }
0x6c: {  	_ =	shalt  }
0x6d: {  	_ =	shalt  }
0x6e: {  	_ =	shalt  }
0x6f: {  	_ =	shalt  }
0x70: {  	_ =	shalt  }
0x71: {  	_ =	shalt  }
0x72: {  	_ =	shalt  }
0x73: {  	_ =	shalt  }
0x74: {  	_ =	shalt  }
0x75: {  	_ =	shalt  }
0x76: {  	_ =	shalt  }
0x77: {  	_ =	shalt  }
0x78: {  	_ =	shalt  }
0x79: {  	_ =	shalt  }
0x7a: {  	_ =	shalt  }
0x7b: {  	_ =	shalt  }
0x7c: {  	_ =	shalt  }
0x7d: {  	_ =	shalt  }
0x7e: {  	_ =	shalt  }
0x7f: {  	_ =	shalt  }
0x80: {  	_ =	shalt  }
0x81: {  	_ =	shalt  }
0x82: {  	_ =	shalt  }
0x83: {  	_ =	shalt  }
0x84: {  	_ =	shalt  }
0x85: {  	_ =	shalt  }
0x86: {  	_ =	shalt  }
0x87: {  	_ =	shalt  }
.Lfunc_end0:
.L_simem_size_0:
called_computation_lowered:
.L_overlay_start_0:
0x88: {  	s2 =	sld [smem:$0x3FD9]  }
0x89: {  	s3 =	sld [smem:$0x3FFE];
	_ =	sdelay $0x1  }
0x8a: {  	s1 =	srdreg.scid  }
0x8b: {  	s0 =	sand.u32 $0x1, s1  }
0x8c: {  	s16 =	sshll.u32 s0, $0xA;
	s2 =	sadd.s32 s3, s2  }
0x8d: {  	s2 =	sadd.s32 s2, s16  }
0x8e: {  	[smem:$0x3FB8] =	sst s2  }
0x8f: {  	_ = 	snop  }
0x90: {  	(tm) =	ssettm $0x1  }
0x91: {  	s17 =	sld [smem:$0x3FFB];
	_ =	sdelay $0x3  }
0x92: {  	_ =	strace s17  }
0x93: {  	s2 =	sld [smem:$0x3FFC];
	_ =	sdelay $0x3  }
0x94: {  	_ =	strace s2  }
0x95: {  	s2 =	sld [smem:$0x3FFD];
	_ =	sdelay $0x3  }
0x96: {  	_ =	strace s2  }
0x97: {  	_ =	strace $0x8FFFFFFF  }
0x98: {  	s18 =	sld [smem:$0x3FDB];
	_ =	sdelay $0x1  }
0x99: {  	s19 =	simm.s32 $_scs_section_size  }
0x9a: {  	s4 =	simm.s32 $_size__tile_overlayer_lowered;
	s5 =	simm.s32 $_tile_overlayer_lowered  }
0x9b: {  	s22 =	simm.s32 $0x1BFF;
	s21 =	sshll.u32 s5, $0x1;
	s2 =	sadd.s32 s19, s18  }
0x9c: {  	s6 =	simm.s32 $0x0;
	s20 =	sshll.u32 s4, $0x1;
	s4 =	sadd.s32 s21, s2  }
0x9d: {  	[timem:s6], [sflag:s22] =	dma.local [hbm:s4], s20  }
0x9e: {  	_ =	swait.ge [sflag:s22], s20  }
0x9f: {  	s3 =	ssub.s32 $0x0, s20;
	[sflag:s22] =	ssyncset.done $0x0  }
0xa0: {  	[sflag:s22] =	ssyncadd.s32 s3;
	_ =	sdelay $0x1  }
0xa1: {  	s23 =	simm.s32 $0x1B8B  }
0xa2: {  	_ =	swait.ge [sflag:s23], $0x1  }
0xa3: {  	[sflag:s23] =	ssyncset.done $0x0  }
0xa4: {  	s25 =	simm.s32 $0x1B8E;
	s24 =	sld [smem:$0x3FFE];
	[sflag:s23] =	ssyncadd.s32 $0xFFFFFFFF  }
0xa5: {  	s26 =	simm.s32 $execute0_lowered;
	[smem:$0x3FD2] =	sst s25  }
0xa6: {  	s4 =	sshll.u32 s26, $0x1;
	_ =	strace $0x80000046;
	[dreg:$0x1] =	wrdreg $0xFFFFFFFF  }
0xa7: {  	s28 =	simm.s32 $_size_execute0_lowered;
	s2 =	sadd.s32 s2, s4;
	[dreg:$0x0] =	wrdreg $0x0  }
0xa8: {  	s4 =	sshll.u32 s28, $0x1;
	[dreg:$0x2] =	wrdreg s2  }
0xa9: {  	[dreg:$0x3] =	wrdreg s4  }
0xaa: {  	[dreg:$0x4] =	wrdreg $0xC0  }
0xab: {  	_ =	task [dreg:s6], $0x5FFFF  }
0xac: {  	[dreg:$0x1] =	wrdreg $0xFFFFFFFF  }
0xad: {  	[dreg:$0x0] =	wrdreg $0x60  }
0xae: {  	[dreg:$0x2] =	wrdreg s24  }
0xaf: {  	[dreg:$0x3] =	wrdreg $0x24000  }
0xb0: {  	[dreg:$0x4] =	wrdreg $0x9  }
0xb1: {  	_ =	task.clear_ibuf [dreg:s6], $0x5FFFF;
	_ =	strace $0x90000046  }
0xb2: {  	s29 =	simm.s32 $0x9;
	_ =	strace $0x80000048  }
0xb3: {  	_ =	swait.ge [sflag:s29], $0x1  }
0xb4: {  	[sflag:s29] =	ssyncadd.s32 $0xFFFFFFFF  }
0xb5: {  	_ =	strace $0x90000048  }
0xb6: {  	_ =	sfence  }
0xb7: {  	s30 =	sld [smem:$0x0];
	_ =	sdelay $0x2  }
0xb8: {  	s31 =	sshll.u32 s1, $0xD;
	s1 =	sshrl.u32 s1, $0x2  }
0xb9: {  	s3 =	sand.u32 $0x4000, s31;
	s1 =	sadd.s32 s1, s30  }
0xba: {  	s0 =	sor.u32 s3, s0;
	s1 =	sshll.u32 s1, $0x11  }
0xbb: {  	s0 =	sor.u32 s1, s0  }
0xbc: {  	s0 =	sadd.s32 $0x8F2B, s0  }
0xbd: {  	[sflag:s0] =	ssyncadd.remote.s32 $0x1  }
0xbe: {  	_ =	sfence.sel $0xFFFF  }
0xbf: {  	[dreg:$0x0] =	wrdreg $0xFFFFFFFF;
	(pc) =	sbr.abs _section_cstart, $3  }
0xc0: {  	[dreg:$0x1] =	wrdreg $0xFFFFFFFF  }
0xc1: {  	_ =	task.clear_ibuf [dreg:s6], $0x2FFFF;
	_ =	strace $0x9FFFFFFF  }
0xc2: {  	(tm) =	ssettm $0x7FFFFFFF  }
0xc3: {  	_ =	shalt  }
tec
execute0_lowered:
.L_overlay_start_1:
0x0: {  	(tag) =	ssettag $0x1  }
0x1: {  	s5 =	rddreg [dreg:$0x0]  }
0x2: {  	s0 =	srdreg.scid;
	s2 =	rddreg [dreg:$0x1]  }
0x3: {  	s3 =	simm.s32 $0x0;
	s13 =	simm.s32 $0x2;
	s14 =	simm.s32 $0x80  }
0x4: {  	s15 =	simm.s32 $0x1400;
	s4 =	sand.u32 $0x1, s0;
	s0 =	stileid.u32  }
0x5: {  	s16 =	simm.s32 $0x100;
	s17 =	simm.s32 $0x180;
	s7 =	smul.u32 $0x2800, s0  }
0x6: {  	s18 =	simm.s32 $0x1;
	s1 =	sshll.u32 s4, $0x4;
	s8 =	smul.u32 $0x28000, s4  }
0x7: {  	s9 =	smul.u32 $0xA000, s0;
	s4 =	ssub.s32 $0x2, s4;
	s1 =	sor.u32 s0, s1  }
0x8: {  	[smem:$0x7FF] =	sst s3;
	s30 =	sshrl.u32 s4, $0x1;
	s6 =	smul.u32 $0x280, s1  }
0x9: {  	s1 =	rddreg [dreg:$0x2];
	_ =	strace $0x80000047;
	s29 =	sadd.s32 s7, s8  }
0xa: {  	s9 =	sshrl.u32 s9, $0x2;
	s12 =	ssub.s32 s4, s30;
	s4 =	sadd.s32 s7, s2  }
0xb: {  	s31 =	sadd.s32 s9, s2;
	s10 =	sadd.s32 s6, s5;
	s6 =	sshrl.u32 s29, $0x3  }
0xc: {  	s7 =	sadd.s32 $0x1800, s31;
	s8 =	sadd.s32 $0x2000, s31;
	s11 =	sadd.s32 s6, s5  }
0xd: {  	s5 =	sadd.s32 $0x800, s31;
	s6 =	sadd.s32 $0x1000, s31;
	s9 =	sadd.s32 $0x7400, s10  }
0xe: {  	v0 =	vimm.f32 $0.0e+00;
	v1 =	vimm.f32 $1.000000000e+00;
	s10 =	sadd.s32 $0x11400, s11;
	s11 =	smax.u32 s12, $0x1;
	s12 =	simm.s32 $0x1C00  }
.LBB2_1:
0xf: {  	s19 =	simm.s32 $0x0  }
.LBB2_2:
0x10: {  	p0 =	sne.s32 s19, $0x1FC0  }
.Ltmp0:
0x11: {  	_ = 	snop;
	(pc) =	sbr.rel @p0 .LBB2_2-.Ltmp0, $3  }
0x12: {  	_ =	sdelay $0x1  }
0x13: {  	s20 =	sshra.s32 s19, $0x2  }
0x14: {  	s19 =	sadd.s32 $0x40, s19;
	[tilespmem:s20+$0x1C00] =	vst v0  }
0x15: {  	s19 =	simm.s32 $0x40;
	s20 =	simm.s32 $0x0  }
.LBB2_4:
0x16: {  	p0 =	sne.s32 s19, $0x1FC0;
	[tilespmem:s20+$0x1400] =	vst v1;
	s20 =	smov.u32 s19;
	s19 =	sadd.s32 $0x40, s19  }
.Ltmp1:
0x17: {  	(pc) =	sbr.rel @p0 .LBB2_4-.Ltmp1, $2  }
0x18: {  	_ =	sdelay $0x2  }
0x19: {  	s20 =	sshra.s32 s20, $0x2  }
0x1a: {  	[tilespmem:s20+$0x1400] =	vst v1  }
0x1b: {  	[spmem:s4] =	stream.linear.scatter [tilespmem:s12], [sflag:$0x2], $0x800, $0x38;
	[tilespmem:$0x4C00] =	vst v63  }
0x1c: {  	_ =	swait.ge [sflag:s13], $0x800  }
0x1d: {  	[sflag:s13] =	ssyncset.done $0x0  }
0x1e: {  	[sflag:s13] =	ssyncadd.s32 $0xFFFFF800  }
0x1f: {  	[spmem:s5] =	stream.linear.scatter [tilespmem:s12], [sflag:$0x2], $0x800, $0x38;
	[tilespmem:$0x4C00] =	vst v63  }
0x20: {  	_ =	swait.ge [sflag:s13], $0x800  }
0x21: {  	[sflag:s13] =	ssyncset.done $0x0  }
0x22: {  	[sflag:s13] =	ssyncadd.s32 $0xFFFFF800  }
0x23: {  	[spmem:s6] =	stream.linear.scatter [tilespmem:s12], [sflag:$0x2], $0x800, $0x38;
	[tilespmem:$0x4C00] =	vst v63  }
0x24: {  	_ =	swait.ge [sflag:s13], $0x800  }
0x25: {  	[sflag:s13] =	ssyncset.done $0x0  }
0x26: {  	[sflag:s13] =	ssyncadd.s32 $0xFFFFF800  }
0x27: {  	[spmem:s7] =	stream.linear.scatter [tilespmem:s12], [sflag:$0x2], $0x800, $0x38;
	[tilespmem:$0x4C00] =	vst v63  }
0x28: {  	_ =	swait.ge [sflag:s13], $0x800  }
0x29: {  	[sflag:s13] =	ssyncset.done $0x0  }
0x2a: {  	[sflag:s13] =	ssyncadd.s32 $0xFFFFF800  }
0x2b: {  	[spmem:s8] =	stream.linear.scatter [tilespmem:s12], [sflag:$0x2], $0x800, $0x38;
	[tilespmem:$0x4C00] =	vst v63  }
0x2c: {  	_ =	swait.ge [sflag:s13], $0x800  }
0x2d: {  	[sflag:s13] =	ssyncset.done $0x0  }
0x2e: {  	s19 =	simm.s32 $0x0;
	[sflag:s13] =	ssyncadd.s32 $0xFFFFF800  }
0x2f: {  	[tilespmem:s19], [sflag:$0x2] =	stream.linear.gather [hbm4b:s9+s19], $0x1400, $0x38;
	[tilespmem:$0x4C00] =	vst v63  }
0x30: {  	_ =	swait.ge [sflag:s13], $0x1400  }
0x31: {  	[sflag:s13] =	ssyncset.done $0x0  }
0x32: {  	[sflag:s13] =	ssyncadd.s32 $0xFFFFEC00  }
0x33: {  	[bflag:$0x0] =	sbarrier.arrive $0xFFFF  }
0x34: {  	[spmem:s2] =	stream.indirect.scatter.add.f32 [tilespmem:s15], [sflag:$0x1], $0x10, s19, s14, $0xb8;
	[tilespmem:$0x4C00] =	vst v63  }
0x35: {  	_ = 	snop  }
0x36: {  	[spmem:s2] =	stream.indirect.scatter.add.f32 [tilespmem:s15], [sflag:$0x1], $0x10, s14, s14, $0xb8;
	[tilespmem:$0x4C00] =	vst v63  }
0x37: {  	_ = 	snop  }
0x38: {  	[spmem:s2] =	stream.indirect.scatter.add.f32 [tilespmem:s15], [sflag:$0x1], $0x10, s16, s14, $0xb8;
	[tilespmem:$0x4C00] =	vst v63  }
0x39: {  	_ = 	snop  }
0x3a: {  	[spmem:s2] =	stream.indirect.scatter.add.f32 [tilespmem:s15], [sflag:$0x1], $0x10, s17, s14, $0xb8;
	[tilespmem:$0x4C00] =	vst v63  }
0x3b: {  	s20 =	simm.s32 $0x200;
	p0 =	por $0x0, $0x0;
	_ =	swait.ge [sflag:s18], $0x800  }
0x3c: {  	s21 =	simm.s32 $0x280;
	s22 =	simm.s32 @!p0 $0x80;
	[sflag:s18] =	ssyncset.done $0x0  }
0x3d: {  	s23 =	simm.s32 @!p0 $0x1400;
	s19 =	simm.s32 $0x1;
	[sflag:s18] =	ssyncadd.s32 $0xFFFFF800  }
.LBB2_6:
0x3e: {  	[spmem:s2] =	stream.indirect.scatter.add.f32 @!p0 [tilespmem:s23], [sflag:$0x1], $0x10, s20, s22, $0xb8;
	[tilespmem:$0x4C00] =	vst v63  }
0x3f: {  	s22 =	smov.u32 s19;
	s19 =	sadd.s32 $0x1, s19  }
0x40: {  	p1 =	sne.s32 s19, $0x28  }
.Ltmp2:
0x41: {  	(pc) =	sbr.rel @p1 .LBB2_6-.Ltmp2, $4  }
0x42: {  	s20 =	smov.u32 s21  }
0x43: {  	_ =	swait.ge [sflag:s18], $0x800  }
0x44: {  	s21 =	sadd.s32 $0x80, s21;
	p0 =	sgt.u32 s22, $0x23;
	[sflag:s18] =	ssyncset.done $0x0  }
0x45: {  	s22 =	simm.s32 @!p0 $0x80;
	s23 =	simm.s32 @!p0 $0x1400;
	[sflag:s18] =	ssyncadd.s32 $0xFFFFF800  }
0x46: {  	[spmem:s2] =	stream.indirect.scatter.add.f32 @!p0 [tilespmem:s23], [sflag:$0x1], $0x10, s20, s22, $0xb8;
	[tilespmem:$0x4C00] =	vst v63  }
0x47: {  	s3 =	sadd.s32 $0x1, s3  }
0x48: {  	s19 =	sshll.u32 s0, $0x6;
	s31 =	sshrl.u32 s4, $0x3;
	p0 =	sne.s32 s3, s11  }
.Ltmp3:
0x49: {  	[bflag:$0x0] =	sbarrier.arrive $0xFFFF;
	s19 =	sor.u32 $0x1C02, s19;
	(pc) =	sbr.rel @p0 .LBB2_1-.Ltmp3, $4  }
0x4a: {  	[hbm:s10], [sflag:s19] =	dma.local [spmem:s31], $0x500  }
0x4b: {  	_ =	swait.ge [sflag:s13], $0x500  }
0x4c: {  	[sflag:s13] =	ssyncset.done $0x0  }
0x4d: {  	[sflag:s13] =	ssyncadd.s32 $0xFFFFFB00  }
0x4e: {  	_ =	sfence.sel $0x180000  }
0x4f: {  	[bflag:$0x0] =	sbarrier.arrive $0xFFFF  }
0x50: {  	p0 =	sne.s32 s0, $0x0;
	_ =	strace $0x90000047  }
0x51: {  	s0 =	sadd.s32 @!p0 $0x100000, s1;
	[bflag:$0x2] =	sbarrier.arrive $0xFFFF  }
0x52: {  	[sflag:s0] =	ssyncadd.tile.s32 @!p0 $0x1;
	_ =	shalt  }
.Lfunc_end2:
_tile_overlayer_lowered:
.L_overlay_start_2:
0x53: {  	(tag) =	ssettag $0x2  }
0x54: {  	s0 =	rddreg [dreg:$0x0];
	s2 =	stileid.u32  }
0x55: {  	s1 =	rddreg [dreg:$0x1];
	p0 =	sne.s32 s2, $0x0  }
0x56: {  	s3 =	rddreg [dreg:$0x2];
	[bflag:$0x3] =	sbarrier.arrive $0xFFFF;
	s2 =	simm.s32 @!p0 $0x1C02  }
0x57: {  	[timem:s3], [sflag:s2] =	dma.local @!p0 [hbm:s0], s1  }
0x58: {  	s0 =	simm.s32 @!p0 $0x2  }
0x59: {  	_ =	swait.ge @!p0 [sflag:s0], s1  }
0x5a: {  	s1 =	ssub.s32 @!p0 $0x0, s1;
	[sflag:s0] =	ssyncset.done @!p0 $0x0  }
0x5b: {  	[sflag:s0] =	ssyncadd.s32 @!p0 s1  }
0x5c: {  	[bflag:$0x3] =	sbarrier.arrive $0xFFFF  }
0x5d: {  	_ =	shalt  }

// kernel: kernel.19.cloned.1.call-start
scs
__scs_entry_jumppad:
0x0: {  	(pc) =	sbr.rel $0x88, $3  }
0x1: {  	(tag) =	ssettag $0x0;
	lr =	simm.s32 $0x1  }
0x2: {  	[smem:$0x3F91] =	sst lr;
	_ =	strace $0xD0000000  }
0x3: {  	_ = 	snop  }
0x4: {  	_ = 	snop  }
0x5: {  	_ = 	snop  }
0x6: {  	_ = 	snop  }
0x7: {  	_ = 	snop  }
__scs_overlays_trampoline_lowered:
0x8: {  	[smem:$0x3FA0] =	sst s0  }
0x9: {  	[smem:$0x3FA1] =	sst s1  }
0xa: {  	[smem:$0x3FA2] =	sst s2  }
0xb: {  	[smem:$0x3FA3] =	sst s3  }
0xc: {  	[smem:$0x3FA4] =	sst s4  }
0xd: {  	[smem:$0x3FA5] =	sst s5  }
0xe: {  	[smem:$0x3FA6] =	sst s6  }
0xf: {  	[smem:$0x3FA7] =	sst s7  }
0x10: {  	[smem:$0x3FA8] =	sst s8  }
0x11: {  	[smem:$0x3FA9] =	sst s9;
	s0 =	simm.s32 @!p0 $0x0  }
0x12: {  	s1 =	sld [smem:$0x3F8F];
	s0 =	simm.s32 @p0 $0x1  }
0x13: {  	[smem:$0x3FAA] =	sst s0;
	s0 =	simm.s32 @!p1 $0x0  }
0x14: {  	s2 =	sld [smem:$0x3F8E];
	s0 =	simm.s32 @p1 $0x1  }
0x15: {  	[smem:$0x3FAB] =	sst s0;
	s0 =	simm.s32 @!p2 $0x0  }
0x16: {  	s3 =	sld [smem:$0x3FDB];
	s0 =	simm.s32 @p2 $0x1  }
0x17: {  	s4 =	simm.s32 $0x1BF5;
	[smem:$0x3FAD] =	sst s0  }
0x18: {  	s0 =	sld [smem:$0x3F90];
	_ =	swait.ge [sflag:s4], $0x0  }
0x19: {  	s7 =	sld [smem:$0x3F91]  }
0x1a: {  	s8 =	sadd.s32 $0xFFFFE003, lr  }
0x1b: {  	s9 =	sadd.s32 $0xFFFFFEF7, lr;
	s5 =	simm.s32 $0xFFFFFFFF;
	p2 =	slt.u32 s8, $0xFFFFF086  }
0x1c: {  	p1 =	slt.u32 s9, $0xF7A;
	s5 =	simm.s32 @!p2 $0x0  }
0x1d: {  	s5 =	simm.s32 @p1 $0x1;
	p0 =	seq.s32 s7, s2  }
0x1e: {  	s7 =	smul.u32 @!p0 $0xF7A, s2;
	p2 =	seq.s32 @!p0 s5, $0x0  }
0x1f: {  	s9 =	smul.u32 $0xF7A, s1;
	s8 =	simm.s32 @!p0 $0x1BF5;
	p2 =	por !p2, p0  }
0x20: {  	[sflag:s8] =	ssyncset.s32 @!p0 $0xFFFFF086;
	s6 =	sadd.s32 @!p0 s3, s7;
	s7 =	simm.s32 @!p0 $0x108  }
0x21: {  	s3 =	sadd.s32 s3, s9;
	s6 =	sadd.s32 @!p0 $0x88, s6;
	s7 =	simm.s32 @p2 $0x1082  }
0x22: {  	[simem:s7], [sflag:s8] =	dma.local @!p0 [hbm:s6], $0xF7A  }
0x23: {  	s9 =	sor.u32 $0xD0000000, s2;
	s6 =	simm.s32 $0x108;
	_ =	swait.ge @!p0 [sflag:s8], $0x0  }
0x24: {  	s3 =	sadd.s32 $0x88, s3;
	s6 =	simm.s32 @!p1 $0x1082;
	[sflag:s4] =	ssyncset.s32 $0xFFFFF086  }
0x25: {  	[simem:s6], [sflag:s4] =	dma.local [hbm:s3], $0xF7A  }
0x26: {  	[smem:$0x3F91] =	sst s1;
	(tag) =	ssettag s2;
	_ =	strace s9  }
0x27: {  	s1 =	sld [smem:$0x3FA1]  }
0x28: {  	s2 =	sld [smem:$0x3FA2]  }
0x29: {  	s4 =	sld [smem:$0x3FA4]  }
0x2a: {  	p0 =	seq.s32 s5, $0x0;
	s5 =	sld [smem:$0x3FA5]  }
0x2b: {  	s6 =	sld [smem:$0x3FA6]  }
0x2c: {  	s7 =	sld [smem:$0x3FA7]  }
0x2d: {  	s3 =	simm.s32 $0x108;
	s8 =	sld [smem:$0x3FA8]  }
0x2e: {  	s3 =	simm.s32 @!p0 $0x1082;
	s9 =	sld [smem:$0x3FA9]  }
0x2f: {  	lr =	sadd.s32 s0, s3;
	s0 =	sld [smem:$0x3FA0]  }
0x30: {  	s3 =	sld [smem:$0x3FA3]  }
0x31: {  	[smem:$0x3FAC] =	sst s10  }
0x32: {  	s10 =	sld [smem:$0x3FAA];
	_ =	sdelay $0x3  }
0x33: {  	p0 =	seq.s32 s10, $0x1;
	s10 =	sld [smem:$0x3FAC];
	_ =	sdelay $0x3  }
0x34: {  	[smem:$0x3FAC] =	sst s10  }
0x35: {  	s10 =	sld [smem:$0x3FAB];
	_ =	sdelay $0x3  }
0x36: {  	p1 =	seq.s32 s10, $0x1;
	s10 =	sld [smem:$0x3FAC];
	_ =	sdelay $0x3  }
0x37: {  	[smem:$0x3FAC] =	sst s10  }
0x38: {  	s10 =	sld [smem:$0x3FAD]  }
0x39: {  	_ = 	snop;
	(pc) =	sbr.ind lr, $3  }
0x3a: {  	_ = 	snop  }
0x3b: {  	_ = 	snop  }
0x3c: {  	p2 =	seq.s32 s10, $0x1;
	s10 =	sld [smem:$0x3FAC]  }
0x3d: {  	_ =	shalt  }
0x3e: {  	_ =	shalt  }
0x3f: {  	_ =	shalt  }
0x40: {  	_ =	shalt  }
0x41: {  	_ =	shalt  }
0x42: {  	_ =	shalt  }
0x43: {  	_ =	shalt  }
0x44: {  	_ =	shalt  }
0x45: {  	_ =	shalt  }
0x46: {  	_ =	shalt  }
0x47: {  	_ =	shalt  }
0x48: {  	_ =	shalt  }
0x49: {  	_ =	shalt  }
0x4a: {  	_ =	shalt  }
0x4b: {  	_ =	shalt  }
0x4c: {  	_ =	shalt  }
0x4d: {  	_ =	shalt  }
0x4e: {  	_ =	shalt  }
0x4f: {  	_ =	shalt  }
0x50: {  	_ =	shalt  }
0x51: {  	_ =	shalt  }
0x52: {  	_ =	shalt  }
0x53: {  	_ =	shalt  }
0x54: {  	_ =	shalt  }
0x55: {  	_ =	shalt  }
0x56: {  	_ =	shalt  }
0x57: {  	_ =	shalt  }
0x58: {  	_ =	shalt  }
0x59: {  	_ =	shalt  }
0x5a: {  	_ =	shalt  }
0x5b: {  	_ =	shalt  }
0x5c: {  	_ =	shalt  }
0x5d: {  	_ =	shalt  }
0x5e: {  	_ =	shalt  }
0x5f: {  	_ =	shalt  }
0x60: {  	_ =	shalt  }
0x61: {  	_ =	shalt  }
0x62: {  	_ =	shalt  }
0x63: {  	_ =	shalt  }
0x64: {  	_ =	shalt  }
0x65: {  	_ =	shalt  }
0x66: {  	_ =	shalt  }
0x67: {  	_ =	shalt  }
0x68: {  	_ =	shalt  }
0x69: {  	_ =	shalt  }
0x6a: {  	_ =	shalt  }
0x6b: {  	_ =	shalt  }
0x6c: {  	_ =	shalt  }
0x6d: {  	_ =	shalt  }
0x6e: {  	_ =	shalt  }
0x6f: {  	_ =	shalt  }
0x70: {  	_ =	shalt  }
0x71: {  	_ =	shalt  }
0x72: {  	_ =	shalt  }
0x73: {  	_ =	shalt  }
0x74: {  	_ =	shalt  }
0x75: {  	_ =	shalt  }
0x76: {  	_ =	shalt  }
0x77: {  	_ =	shalt  }
0x78: {  	_ =	shalt  }
0x79: {  	_ =	shalt  }
0x7a: {  	_ =	shalt  }
0x7b: {  	_ =	shalt  }
0x7c: {  	_ =	shalt  }
0x7d: {  	_ =	shalt  }
0x7e: {  	_ =	shalt  }
0x7f: {  	_ =	shalt  }
0x80: {  	_ =	shalt  }
0x81: {  	_ =	shalt  }
0x82: {  	_ =	shalt  }
0x83: {  	_ =	shalt  }
0x84: {  	_ =	shalt  }
0x85: {  	_ =	shalt  }
0x86: {  	_ =	shalt  }
0x87: {  	_ =	shalt  }
.Lfunc_end0:
.L_simem_size_0:
called_computation.1_lowered:
.L_overlay_start_0:
0x88: {  	s2 =	sld [smem:$0x3FD9]  }
0x89: {  	s3 =	sld [smem:$0x3FFE];
	_ =	sdelay $0x1  }
0x8a: {  	s1 =	srdreg.scid  }
0x8b: {  	s0 =	sand.u32 $0x1, s1  }
0x8c: {  	s16 =	sshll.u32 s0, $0xA;
	s2 =	sadd.s32 s3, s2  }
0x8d: {  	s2 =	sadd.s32 s2, s16  }
0x8e: {  	[smem:$0x3FB8] =	sst s2  }
0x8f: {  	_ = 	snop  }
0x90: {  	(tm) =	ssettm $0x1  }
0x91: {  	s17 =	sld [smem:$0x3FFB];
	_ =	sdelay $0x3  }
0x92: {  	_ =	strace s17  }
0x93: {  	s2 =	sld [smem:$0x3FFC];
	_ =	sdelay $0x3  }
0x94: {  	_ =	strace s2  }
0x95: {  	s2 =	sld [smem:$0x3FFD];
	_ =	sdelay $0x3  }
0x96: {  	_ =	strace s2  }
0x97: {  	_ =	strace $0x8FFFFFFF  }
0x98: {  	s18 =	sld [smem:$0x3FDB];
	_ =	sdelay $0x1  }
0x99: {  	s19 =	simm.s32 $_scs_section_size  }
0x9a: {  	s4 =	simm.s32 $_size__tile_overlayer_lowered;
	s5 =	simm.s32 $_tile_overlayer_lowered  }
0x9b: {  	s22 =	simm.s32 $0x1BFF;
	s21 =	sshll.u32 s5, $0x1;
	s2 =	sadd.s32 s19, s18  }
0x9c: {  	s6 =	simm.s32 $0x0;
	s20 =	sshll.u32 s4, $0x1;
	s4 =	sadd.s32 s21, s2  }
0x9d: {  	[timem:s6], [sflag:s22] =	dma.local [hbm:s4], s20  }
0x9e: {  	_ =	swait.ge [sflag:s22], s20  }
0x9f: {  	s3 =	ssub.s32 $0x0, s20;
	[sflag:s22] =	ssyncset.done $0x0  }
0xa0: {  	[sflag:s22] =	ssyncadd.s32 s3;
	_ =	sdelay $0x1  }
0xa1: {  	s23 =	simm.s32 $0x1B8B  }
0xa2: {  	_ =	swait.ge [sflag:s23], $0x1  }
0xa3: {  	[sflag:s23] =	ssyncset.done $0x0  }
0xa4: {  	s25 =	simm.s32 $0x1B8E;
	s24 =	sld [smem:$0x3FFE];
	[sflag:s23] =	ssyncadd.s32 $0xFFFFFFFF  }
0xa5: {  	s26 =	simm.s32 $execute0_lowered;
	[smem:$0x3FD2] =	sst s25  }
0xa6: {  	s4 =	sshll.u32 s26, $0x1;
	_ =	strace $0x80000049;
	[dreg:$0x1] =	wrdreg $0xFFFFFFFF  }
0xa7: {  	s28 =	simm.s32 $_size_execute0_lowered;
	s2 =	sadd.s32 s2, s4;
	[dreg:$0x0] =	wrdreg $0x0  }
0xa8: {  	s4 =	sshll.u32 s28, $0x1;
	[dreg:$0x2] =	wrdreg s2  }
0xa9: {  	[dreg:$0x3] =	wrdreg s4  }
0xaa: {  	[dreg:$0x4] =	wrdreg $0xC0  }
0xab: {  	_ =	task [dreg:s6], $0x5FFFF  }
0xac: {  	[dreg:$0x1] =	wrdreg $0xFFFFFFFF  }
0xad: {  	[dreg:$0x0] =	wrdreg $0x60  }
0xae: {  	[dreg:$0x2] =	wrdreg s24  }
0xaf: {  	[dreg:$0x3] =	wrdreg $0xA8000  }
0xb0: {  	[dreg:$0x4] =	wrdreg $0x9  }
0xb1: {  	_ =	task.clear_ibuf [dreg:s6], $0x5FFFF;
	_ =	strace $0x90000049  }
0xb2: {  	s29 =	simm.s32 $0x9;
	_ =	strace $0x8000004B  }
0xb3: {  	_ =	swait.ge [sflag:s29], $0x1  }
0xb4: {  	[sflag:s29] =	ssyncadd.s32 $0xFFFFFFFF  }
0xb5: {  	_ =	strace $0x9000004B  }
0xb6: {  	_ =	sfence  }
0xb7: {  	s30 =	sld [smem:$0x0];
	_ =	sdelay $0x2  }
0xb8: {  	s31 =	sshll.u32 s1, $0xD;
	s1 =	sshrl.u32 s1, $0x2  }
0xb9: {  	s3 =	sand.u32 $0x4000, s31;
	s1 =	sadd.s32 s1, s30  }
0xba: {  	s0 =	sor.u32 s3, s0;
	s1 =	sshll.u32 s1, $0x11  }
0xbb: {  	s0 =	sor.u32 s1, s0  }
0xbc: {  	s0 =	sadd.s32 $0x8F2B, s0  }
0xbd: {  	[sflag:s0] =	ssyncadd.remote.s32 $0x1  }
0xbe: {  	_ =	sfence.sel $0xFFFF  }
0xbf: {  	[dreg:$0x0] =	wrdreg $0xFFFFFFFF;
	(pc) =	sbr.abs _section_cstart, $3  }
0xc0: {  	[dreg:$0x1] =	wrdreg $0xFFFFFFFF  }
0xc1: {  	_ =	task.clear_ibuf [dreg:s6], $0x2FFFF;
	_ =	strace $0x9FFFFFFF  }
0xc2: {  	(tm) =	ssettm $0x7FFFFFFF  }
0xc3: {  	_ =	shalt  }
tec
execute0_lowered:
.L_overlay_start_1:
0x0: {  	(tag) =	ssettag $0x1  }
0x1: {  	s5 =	rddreg [dreg:$0x0]  }
0x2: {  	s2 =	rddreg [dreg:$0x1];
	s3 =	srdreg.scid  }
0x3: {  	s0 =	rddreg [dreg:$0x2];
	s1 =	stileid.u32  }
0x4: {  	s14 =	simm.s32 $0x2800;
	s15 =	simm.s32 $0x4;
	s16 =	simm.s32 $0x1400  }
0x5: {  	s17 =	simm.s32 $0x80;
	s18 =	simm.s32 $0x6800;
	s19 =	simm.s32 $0x1  }
0x6: {  	s20 =	simm.s32 $0x3;
	s21 =	simm.s32 $0x2;
	s22 =	simm.s32 $0x2700  }
0x7: {  	s23 =	simm.s32 $0x2780;
	s6 =	sand.u32 $0x1, s3;
	s7 =	smul.u32 $0x14000, s1  }
0x8: {  	s3 =	simm.s32 $0x0;
	s10 =	smul.u32 $0x50000, s1;
	s4 =	sshll.u32 s6, $0x4  }
0x9: {  	[smem:$0x7FF] =	sst s3;
	s8 =	smul.u32 $0x140000, s6;
	s6 =	ssub.s32 $0x2, s6  }
0xa: {  	s4 =	sor.u32 s1, s4;
	_ =	strace $0x8000004A;
	s29 =	sshrl.u32 s6, $0x1  }
0xb: {  	s30 =	sshrl.u32 s10, $0x2;
	s9 =	smul.u32 $0x280, s4;
	s4 =	sadd.s32 $0x11400, s5  }
0xc: {  	s8 =	sadd.s32 s7, s8;
	s13 =	ssub.s32 s6, s29;
	s31 =	sadd.s32 s30, s2  }
0xd: {  	s8 =	sshrl.u32 s8, $0x3;
	s6 =	sadd.s32 $0x4000, s31;
	s13 =	smax.u32 s13, $0x1  }
0xe: {  	s11 =	sadd.s32 s9, s5;
	s12 =	sadd.s32 s8, s5;
	s5 =	sadd.s32 s7, s2  }
0xf: {  	s7 =	sadd.s32 $0x8000, s31;
	s8 =	sadd.s32 $0xC000, s31;
	s9 =	sadd.s32 $0x10000, s31  }
0x10: {  	v0 =	vimm.f32 $0.0e+00;
	s10 =	sadd.s32 $0xC400, s11;
	s11 =	sadd.s32 $0x7400, s11;
	s12 =	sadd.s32 $0x89400, s12  }
.LBB2_1:
0x11: {  	s24 =	simm.s32 $0x0;
	s25 =	simm.s32 $0x200  }
.LBB2_2:
0x12: {  	p0 =	sne.s32 s25, $0xFE00;
	[tilespmem:s24+$0x2870] =	vst v0  }
0x13: {  	[tilespmem:s24+$0x2800] =	vst v0  }
0x14: {  	[tilespmem:s24+$0x2810] =	vst v0  }
.Ltmp0:
0x15: {  	[tilespmem:s24+$0x2820] =	vst v0;
	(pc) =	sbr.rel @p0 .LBB2_2-.Ltmp0, $4  }
0x16: {  	[tilespmem:s24+$0x2830] =	vst v0  }
0x17: {  	[tilespmem:s24+$0x2840] =	vst v0  }
0x18: {  	[tilespmem:s24+$0x2850] =	vst v0  }
0x19: {  	[tilespmem:s24+$0x2860] =	vst v0;
	s24 =	sshra.s32 s25, $0x2;
	s25 =	sadd.s32 $0x200, s25  }
0x1a: {  	[tilespmem:s24+$0x2870] =	vst v0  }
0x1b: {  	[tilespmem:s24+$0x2800] =	vst v0  }
0x1c: {  	[tilespmem:s24+$0x2810] =	vst v0  }
0x1d: {  	[tilespmem:s24+$0x2820] =	vst v0  }
0x1e: {  	[tilespmem:s24+$0x2830] =	vst v0  }
0x1f: {  	[tilespmem:s24+$0x2840] =	vst v0  }
0x20: {  	[tilespmem:s24+$0x2850] =	vst v0  }
0x21: {  	[tilespmem:s24+$0x2860] =	vst v0  }
0x22: {  	[spmem:s5] =	stream.linear.scatter [tilespmem:s14], [sflag:$0x4], $0x4000, $0x38;
	[tilespmem:$0x1E800] =	vst v63  }
0x23: {  	_ =	swait.ge [sflag:s15], $0x4000  }
0x24: {  	[sflag:s15] =	ssyncset.done $0x0  }
0x25: {  	[sflag:s15] =	ssyncadd.s32 $0xFFFFC000  }
0x26: {  	[spmem:s6] =	stream.linear.scatter [tilespmem:s14], [sflag:$0x4], $0x4000, $0x38;
	[tilespmem:$0x1E800] =	vst v63  }
0x27: {  	_ =	swait.ge [sflag:s15], $0x4000  }
0x28: {  	[sflag:s15] =	ssyncset.done $0x0  }
0x29: {  	[sflag:s15] =	ssyncadd.s32 $0xFFFFC000  }
0x2a: {  	[spmem:s7] =	stream.linear.scatter [tilespmem:s14], [sflag:$0x4], $0x4000, $0x38;
	[tilespmem:$0x1E800] =	vst v63  }
0x2b: {  	_ =	swait.ge [sflag:s15], $0x4000  }
0x2c: {  	[sflag:s15] =	ssyncset.done $0x0  }
0x2d: {  	[sflag:s15] =	ssyncadd.s32 $0xFFFFC000  }
0x2e: {  	[spmem:s8] =	stream.linear.scatter [tilespmem:s14], [sflag:$0x4], $0x4000, $0x38;
	[tilespmem:$0x1E800] =	vst v63  }
0x2f: {  	_ =	swait.ge [sflag:s15], $0x4000  }
0x30: {  	[sflag:s15] =	ssyncset.done $0x0  }
0x31: {  	[sflag:s15] =	ssyncadd.s32 $0xFFFFC000  }
0x32: {  	[spmem:s9] =	stream.linear.scatter [tilespmem:s14], [sflag:$0x4], $0x4000, $0x38;
	[tilespmem:$0x1E800] =	vst v63  }
0x33: {  	_ =	swait.ge [sflag:s15], $0x4000  }
0x34: {  	[sflag:s15] =	ssyncset.done $0x0  }
0x35: {  	s28 =	simm.s32 $0x0;
	[sflag:s15] =	ssyncadd.s32 $0xFFFFC000  }
0x36: {  	[tilespmem:s28], [sflag:$0x4] =	stream.linear.gather [hbm4b:s10+s28], $0x1400, $0x38;
	[tilespmem:$0x1E800] =	vst v63  }
0x37: {  	_ =	swait.ge [sflag:s15], $0x1400  }
0x38: {  	[sflag:s15] =	ssyncset.done $0x0  }
0x39: {  	[sflag:s15] =	ssyncadd.s32 $0xFFFFEC00  }
0x3a: {  	[tilespmem:s16], [sflag:$0x4] =	stream.linear.gather [hbm4b:s11+s28], $0x1400, $0x38;
	[tilespmem:$0x1E800] =	vst v63  }
0x3b: {  	_ =	swait.ge [sflag:s15], $0x1400  }
0x3c: {  	[sflag:s15] =	ssyncset.done $0x0  }
0x3d: {  	[sflag:s15] =	ssyncadd.s32 $0xFFFFEC00  }
0x3e: {  	[bflag:$0x0] =	sbarrier.arrive $0xFFFF  }
0x3f: {  	[tilespmem:s14], [sflag:$0x1] =	stream.indirect.gather [hbm4b:s4+s17], $0x80, s28, s17, $0xb8;
	[tilespmem:$0x1E800] =	vst v63  }
0x40: {  	_ = 	snop  }
0x41: {  	[tilespmem:s18], [sflag:$0x2] =	stream.indirect.gather [hbm4b:s4+s17], $0x80, s17, s17, $0xb8;
	[tilespmem:$0x1E800] =	vst v63  }
0x42: {  	_ =	swait.ge [sflag:s19], $0x4000  }
0x43: {  	[sflag:s19] =	ssyncset.done $0x0  }
0x44: {  	s29 =	simm.s32 $0x1400;
	[sflag:s19] =	ssyncadd.s32 $0xFFFFC000  }
0x45: {  	[spmem:s2] =	stream.indirect.scatter.add.f32 [tilespmem:s14], [sflag:$0x3], $0x80, s29, s17, $0xb8;
	[tilespmem:$0x1E800] =	vst v63  }
0x46: {  	_ =	swait.ge [sflag:s20], $0x4000  }
0x47: {  	[sflag:s20] =	ssyncset.done $0x0  }
0x48: {  	s30 =	simm.s32 $0x100;
	[sflag:s20] =	ssyncadd.s32 $0xFFFFC000  }
0x49: {  	[tilespmem:s14], [sflag:$0x1] =	stream.indirect.gather [hbm4b:s4+s17], $0x80, s30, s17, $0xb8;
	[tilespmem:$0x1E800] =	vst v63  }
0x4a: {  	_ =	swait.ge [sflag:s21], $0x4000  }
0x4b: {  	[sflag:s21] =	ssyncset.done $0x0  }
0x4c: {  	s31 =	simm.s32 $0x1480;
	[sflag:s21] =	ssyncadd.s32 $0xFFFFC000  }
0x4d: {  	[spmem:s2] =	stream.indirect.scatter.add.f32 [tilespmem:s18], [sflag:$0x3], $0x80, s31, s17, $0xb8;
	[tilespmem:$0x1E800] =	vst v63  }
0x4e: {  	_ =	swait.ge [sflag:s20], $0x4000  }
0x4f: {  	[sflag:s20] =	ssyncset.done $0x0  }
0x50: {  	s24 =	simm.s32 $0x400;
	s25 =	simm.s32 $0x180;
	[sflag:s20] =	ssyncadd.s32 $0xFFFFC000  }
.LBB2_4:
0x51: {  	[tilespmem:s18], [sflag:$0x2] =	stream.indirect.gather [hbm4b:s4+s17], $0x80, s25, s17, $0xb8;
	[tilespmem:$0x1E800] =	vst v63  }
0x52: {  	s25 =	smov.u32 s24  }
0x53: {  	p0 =	sne.s32 s24, $0x4800;
	s24 =	sadd.s32 $0x400, s24;
	_ =	swait.ge [sflag:s19], $0x4000  }
0x54: {  	s25 =	sshra.s32 s25, $0x2;
	[sflag:s19] =	ssyncset.done $0x0  }
0x55: {  	s26 =	sadd.s32 $0x1400, s25;
	[sflag:s19] =	ssyncadd.s32 $0xFFFFC000  }
0x56: {  	[spmem:s2] =	stream.indirect.scatter.add.f32 [tilespmem:s14], [sflag:$0x3], $0x80, s26, s17, $0xb8;
	[tilespmem:$0x1E800] =	vst v63  }
0x57: {  	_ =	swait.ge [sflag:s20], $0x4000  }
0x58: {  	[sflag:s20] =	ssyncset.done $0x0  }
0x59: {  	s26 =	sadd.s32 $0x100, s25;
	[sflag:s20] =	ssyncadd.s32 $0xFFFFC000  }
0x5a: {  	[tilespmem:s14], [sflag:$0x1] =	stream.indirect.gather [hbm4b:s4+s17], $0x80, s26, s17, $0xb8;
	[tilespmem:$0x1E800] =	vst v63  }
0x5b: {  	_ =	swait.ge [sflag:s21], $0x4000  }
0x5c: {  	[sflag:s21] =	ssyncset.done $0x0  }
.Ltmp1:
0x5d: {  	s26 =	sadd.s32 $0x1480, s25;
	[sflag:s21] =	ssyncadd.s32 $0xFFFFC000;
	(pc) =	sbr.rel @p0 .LBB2_4-.Ltmp1, $4  }
0x5e: {  	[spmem:s2] =	stream.indirect.scatter.add.f32 [tilespmem:s18], [sflag:$0x3], $0x80, s26, s17, $0xb8;
	[tilespmem:$0x1E800] =	vst v63  }
0x5f: {  	_ =	swait.ge [sflag:s20], $0x4000  }
0x60: {  	[sflag:s20] =	ssyncset.done $0x0  }
0x61: {  	s25 =	sadd.s32 $0x180, s25;
	[sflag:s20] =	ssyncadd.s32 $0xFFFFC000  }
0x62: {  	[tilespmem:s18], [sflag:$0x2] =	stream.indirect.gather [hbm4b:s4+s17], $0x80, s25, s17, $0xb8;
	[tilespmem:$0x1E800] =	vst v63  }
0x63: {  	_ =	swait.ge [sflag:s19], $0x4000  }
0x64: {  	[sflag:s19] =	ssyncset.done $0x0  }
0x65: {  	[sflag:s19] =	ssyncadd.s32 $0xFFFFC000  }
0x66: {  	[spmem:s2] =	stream.indirect.scatter.add.f32 [tilespmem:s14], [sflag:$0x3], $0x80, s22, s17, $0xb8;
	[tilespmem:$0x1E800] =	vst v63  }
0x67: {  	_ =	swait.ge [sflag:s20], $0x4000  }
0x68: {  	[sflag:s20] =	ssyncset.done $0x0  }
0x69: {  	[sflag:s20] =	ssyncadd.s32 $0xFFFFC000  }
0x6a: {  	_ =	swait.ge [sflag:s21], $0x4000  }
0x6b: {  	[sflag:s21] =	ssyncset.done $0x0  }
0x6c: {  	[sflag:s21] =	ssyncadd.s32 $0xFFFFC000  }
0x6d: {  	[spmem:s2] =	stream.indirect.scatter.add.f32 [tilespmem:s18], [sflag:$0x3], $0x80, s23, s17, $0xb8;
	[tilespmem:$0x1E800] =	vst v63  }
0x6e: {  	_ =	swait.ge [sflag:s20], $0x4000  }
0x6f: {  	s24 =	sshll.u32 s1, $0x6;
	s3 =	sadd.s32 $0x1, s3;
	[sflag:s20] =	ssyncset.done $0x0  }
0x70: {  	s31 =	sshrl.u32 s5, $0x3;
	p0 =	sne.s32 s3, s13;
	[sflag:s20] =	ssyncadd.s32 $0xFFFFC000  }
.Ltmp2:
0x71: {  	s24 =	sor.u32 $0x1C04, s24;
	[bflag:$0x0] =	sbarrier.arrive $0xFFFF;
	(pc) =	sbr.rel @p0 .LBB2_1-.Ltmp2, $4  }
0x72: {  	[hbm:s12], [sflag:s24] =	dma.local [spmem:s31], $0x2800  }
0x73: {  	_ =	swait.ge [sflag:s15], $0x2800  }
0x74: {  	[sflag:s15] =	ssyncset.done $0x0  }
0x75: {  	[sflag:s15] =	ssyncadd.s32 $0xFFFFD800  }
0x76: {  	_ =	sfence.sel $0x180000  }
0x77: {  	[bflag:$0x0] =	sbarrier.arrive $0xFFFF  }
0x78: {  	p0 =	sne.s32 s1, $0x0;
	_ =	strace $0x9000004A  }
0x79: {  	s0 =	sadd.s32 @!p0 $0x100000, s0;
	[bflag:$0x2] =	sbarrier.arrive $0xFFFF  }
0x7a: {  	[sflag:s0] =	ssyncadd.tile.s32 @!p0 $0x1;
	_ =	shalt  }
.Lfunc_end2:
_tile_overlayer_lowered:
.L_overlay_start_2:
0x7b: {  	(tag) =	ssettag $0x2  }
0x7c: {  	s0 =	rddreg [dreg:$0x0];
	s2 =	stileid.u32  }
0x7d: {  	s1 =	rddreg [dreg:$0x1];
	p0 =	sne.s32 s2, $0x0  }
0x7e: {  	s3 =	rddreg [dreg:$0x2];
	[bflag:$0x3] =	sbarrier.arrive $0xFFFF;
	s2 =	simm.s32 @!p0 $0x1C04  }
0x7f: {  	[timem:s3], [sflag:s2] =	dma.local @!p0 [hbm:s0], s1  }
0x80: {  	s0 =	simm.s32 @!p0 $0x4  }
0x81: {  	_ =	swait.ge @!p0 [sflag:s0], s1  }
0x82: {  	s1 =	ssub.s32 @!p0 $0x0, s1;
	[sflag:s0] =	ssyncset.done @!p0 $0x0  }
0x83: {  	[sflag:s0] =	ssyncadd.s32 @!p0 s1  }
0x84: {  	[bflag:$0x3] =	sbarrier.arrive $0xFFFF  }
0x85: {  	_ =	shalt  }

// kernel: kernel.22.cloned.1.call-start
scs
__scs_entry_jumppad:
0x0: {  	(pc) =	sbr.rel $0x88, $3  }
0x1: {  	(tag) =	ssettag $0x0;
	lr =	simm.s32 $0x1  }
0x2: {  	[smem:$0x3F91] =	sst lr;
	_ =	strace $0xD0000000  }
0x3: {  	_ = 	snop  }
0x4: {  	_ = 	snop  }
0x5: {  	_ = 	snop  }
0x6: {  	_ = 	snop  }
0x7: {  	_ = 	snop  }
__scs_overlays_trampoline_lowered:
0x8: {  	[smem:$0x3FA0] =	sst s0  }
0x9: {  	[smem:$0x3FA1] =	sst s1  }
0xa: {  	[smem:$0x3FA2] =	sst s2  }
0xb: {  	[smem:$0x3FA3] =	sst s3  }
0xc: {  	[smem:$0x3FA4] =	sst s4  }
0xd: {  	[smem:$0x3FA5] =	sst s5  }
0xe: {  	[smem:$0x3FA6] =	sst s6  }
0xf: {  	[smem:$0x3FA7] =	sst s7  }
0x10: {  	[smem:$0x3FA8] =	sst s8  }
0x11: {  	[smem:$0x3FA9] =	sst s9;
	s0 =	simm.s32 @!p0 $0x0  }
0x12: {  	s1 =	sld [smem:$0x3F8F];
	s0 =	simm.s32 @p0 $0x1  }
0x13: {  	[smem:$0x3FAA] =	sst s0;
	s0 =	simm.s32 @!p1 $0x0  }
0x14: {  	s2 =	sld [smem:$0x3F8E];
	s0 =	simm.s32 @p1 $0x1  }
0x15: {  	[smem:$0x3FAB] =	sst s0;
	s0 =	simm.s32 @!p2 $0x0  }
0x16: {  	s3 =	sld [smem:$0x3FDB];
	s0 =	simm.s32 @p2 $0x1  }
0x17: {  	s4 =	simm.s32 $0x1BF5;
	[smem:$0x3FAD] =	sst s0  }
0x18: {  	s0 =	sld [smem:$0x3F90];
	_ =	swait.ge [sflag:s4], $0x0  }
0x19: {  	s7 =	sld [smem:$0x3F91]  }
0x1a: {  	s8 =	sadd.s32 $0xFFFFE003, lr  }
0x1b: {  	s9 =	sadd.s32 $0xFFFFFEF7, lr;
	s5 =	simm.s32 $0xFFFFFFFF;
	p2 =	slt.u32 s8, $0xFFFFF086  }
0x1c: {  	p1 =	slt.u32 s9, $0xF7A;
	s5 =	simm.s32 @!p2 $0x0  }
0x1d: {  	s5 =	simm.s32 @p1 $0x1;
	p0 =	seq.s32 s7, s2  }
0x1e: {  	s7 =	smul.u32 @!p0 $0xF7A, s2;
	p2 =	seq.s32 @!p0 s5, $0x0  }
0x1f: {  	s9 =	smul.u32 $0xF7A, s1;
	s8 =	simm.s32 @!p0 $0x1BF5;
	p2 =	por !p2, p0  }
0x20: {  	[sflag:s8] =	ssyncset.s32 @!p0 $0xFFFFF086;
	s6 =	sadd.s32 @!p0 s3, s7;
	s7 =	simm.s32 @!p0 $0x108  }
0x21: {  	s3 =	sadd.s32 s3, s9;
	s6 =	sadd.s32 @!p0 $0x88, s6;
	s7 =	simm.s32 @p2 $0x1082  }
0x22: {  	[simem:s7], [sflag:s8] =	dma.local @!p0 [hbm:s6], $0xF7A  }
0x23: {  	s9 =	sor.u32 $0xD0000000, s2;
	s6 =	simm.s32 $0x108;
	_ =	swait.ge @!p0 [sflag:s8], $0x0  }
0x24: {  	s3 =	sadd.s32 $0x88, s3;
	s6 =	simm.s32 @!p1 $0x1082;
	[sflag:s4] =	ssyncset.s32 $0xFFFFF086  }
0x25: {  	[simem:s6], [sflag:s4] =	dma.local [hbm:s3], $0xF7A  }
0x26: {  	[smem:$0x3F91] =	sst s1;
	(tag) =	ssettag s2;
	_ =	strace s9  }
0x27: {  	s1 =	sld [smem:$0x3FA1]  }
0x28: {  	s2 =	sld [smem:$0x3FA2]  }
0x29: {  	s4 =	sld [smem:$0x3FA4]  }
0x2a: {  	p0 =	seq.s32 s5, $0x0;
	s5 =	sld [smem:$0x3FA5]  }
0x2b: {  	s6 =	sld [smem:$0x3FA6]  }
0x2c: {  	s7 =	sld [smem:$0x3FA7]  }
0x2d: {  	s3 =	simm.s32 $0x108;
	s8 =	sld [smem:$0x3FA8]  }
0x2e: {  	s3 =	simm.s32 @!p0 $0x1082;
	s9 =	sld [smem:$0x3FA9]  }
0x2f: {  	lr =	sadd.s32 s0, s3;
	s0 =	sld [smem:$0x3FA0]  }
0x30: {  	s3 =	sld [smem:$0x3FA3]  }
0x31: {  	[smem:$0x3FAC] =	sst s10  }
0x32: {  	s10 =	sld [smem:$0x3FAA];
	_ =	sdelay $0x3  }
0x33: {  	p0 =	seq.s32 s10, $0x1;
	s10 =	sld [smem:$0x3FAC];
	_ =	sdelay $0x3  }
0x34: {  	[smem:$0x3FAC] =	sst s10  }
0x35: {  	s10 =	sld [smem:$0x3FAB];
	_ =	sdelay $0x3  }
0x36: {  	p1 =	seq.s32 s10, $0x1;
	s10 =	sld [smem:$0x3FAC];
	_ =	sdelay $0x3  }
0x37: {  	[smem:$0x3FAC] =	sst s10  }
0x38: {  	s10 =	sld [smem:$0x3FAD]  }
0x39: {  	_ = 	snop;
	(pc) =	sbr.ind lr, $3  }
0x3a: {  	_ = 	snop  }
0x3b: {  	_ = 	snop  }
0x3c: {  	p2 =	seq.s32 s10, $0x1;
	s10 =	sld [smem:$0x3FAC]  }
0x3d: {  	_ =	shalt  }
0x3e: {  	_ =	shalt  }
0x3f: {  	_ =	shalt  }
0x40: {  	_ =	shalt  }
0x41: {  	_ =	shalt  }
0x42: {  	_ =	shalt  }
0x43: {  	_ =	shalt  }
0x44: {  	_ =	shalt  }
0x45: {  	_ =	shalt  }
0x46: {  	_ =	shalt  }
0x47: {  	_ =	shalt  }
0x48: {  	_ =	shalt  }
0x49: {  	_ =	shalt  }
0x4a: {  	_ =	shalt  }
0x4b: {  	_ =	shalt  }
0x4c: {  	_ =	shalt  }
0x4d: {  	_ =	shalt  }
0x4e: {  	_ =	shalt  }
0x4f: {  	_ =	shalt  }
0x50: {  	_ =	shalt  }
0x51: {  	_ =	shalt  }
0x52: {  	_ =	shalt  }
0x53: {  	_ =	shalt  }
0x54: {  	_ =	shalt  }
0x55: {  	_ =	shalt  }
0x56: {  	_ =	shalt  }
0x57: {  	_ =	shalt  }
0x58: {  	_ =	shalt  }
0x59: {  	_ =	shalt  }
0x5a: {  	_ =	shalt  }
0x5b: {  	_ =	shalt  }
0x5c: {  	_ =	shalt  }
0x5d: {  	_ =	shalt  }
0x5e: {  	_ =	shalt  }
0x5f: {  	_ =	shalt  }
0x60: {  	_ =	shalt  }
0x61: {  	_ =	shalt  }
0x62: {  	_ =	shalt  }
0x63: {  	_ =	shalt  }
0x64: {  	_ =	shalt  }
0x65: {  	_ =	shalt  }
0x66: {  	_ =	shalt  }
0x67: {  	_ =	shalt  }
0x68: {  	_ =	shalt  }
0x69: {  	_ =	shalt  }
0x6a: {  	_ =	shalt  }
0x6b: {  	_ =	shalt  }
0x6c: {  	_ =	shalt  }
0x6d: {  	_ =	shalt  }
0x6e: {  	_ =	shalt  }
0x6f: {  	_ =	shalt  }
0x70: {  	_ =	shalt  }
0x71: {  	_ =	shalt  }
0x72: {  	_ =	shalt  }
0x73: {  	_ =	shalt  }
0x74: {  	_ =	shalt  }
0x75: {  	_ =	shalt  }
0x76: {  	_ =	shalt  }
0x77: {  	_ =	shalt  }
0x78: {  	_ =	shalt  }
0x79: {  	_ =	shalt  }
0x7a: {  	_ =	shalt  }
0x7b: {  	_ =	shalt  }
0x7c: {  	_ =	shalt  }
0x7d: {  	_ =	shalt  }
0x7e: {  	_ =	shalt  }
0x7f: {  	_ =	shalt  }
0x80: {  	_ =	shalt  }
0x81: {  	_ =	shalt  }
0x82: {  	_ =	shalt  }
0x83: {  	_ =	shalt  }
0x84: {  	_ =	shalt  }
0x85: {  	_ =	shalt  }
0x86: {  	_ =	shalt  }
0x87: {  	_ =	shalt  }
.Lfunc_end0:
.L_simem_size_0:
called_computation.2_lowered:
.L_overlay_start_0:
0x88: {  	s2 =	sld [smem:$0x3FD9]  }
0x89: {  	s3 =	sld [smem:$0x3FFE];
	_ =	sdelay $0x1  }
0x8a: {  	s1 =	srdreg.scid  }
0x8b: {  	s0 =	sand.u32 $0x1, s1  }
0x8c: {  	s16 =	sshll.u32 s0, $0xA;
	s2 =	sadd.s32 s3, s2  }
0x8d: {  	s2 =	sadd.s32 s2, s16  }
0x8e: {  	[smem:$0x3FB8] =	sst s2  }
0x8f: {  	_ = 	snop  }
0x90: {  	(tm) =	ssettm $0x1  }
0x91: {  	s17 =	sld [smem:$0x3FFB];
	_ =	sdelay $0x3  }
0x92: {  	_ =	strace s17  }
0x93: {  	s2 =	sld [smem:$0x3FFC];
	_ =	sdelay $0x3  }
0x94: {  	_ =	strace s2  }
0x95: {  	s2 =	sld [smem:$0x3FFD];
	_ =	sdelay $0x3  }
0x96: {  	_ =	strace s2  }
0x97: {  	_ =	strace $0x8FFFFFFF  }
0x98: {  	s18 =	sld [smem:$0x3FDB];
	_ =	sdelay $0x1  }
0x99: {  	s19 =	simm.s32 $_scs_section_size  }
0x9a: {  	s4 =	simm.s32 $_size__tile_overlayer_lowered;
	s5 =	simm.s32 $_tile_overlayer_lowered  }
0x9b: {  	s22 =	simm.s32 $0x1BFF;
	s21 =	sshll.u32 s5, $0x1;
	s2 =	sadd.s32 s19, s18  }
0x9c: {  	s6 =	simm.s32 $0x0;
	s20 =	sshll.u32 s4, $0x1;
	s4 =	sadd.s32 s21, s2  }
0x9d: {  	[timem:s6], [sflag:s22] =	dma.local [hbm:s4], s20  }
0x9e: {  	_ =	swait.ge [sflag:s22], s20  }
0x9f: {  	s3 =	ssub.s32 $0x0, s20;
	[sflag:s22] =	ssyncset.done $0x0  }
0xa0: {  	[sflag:s22] =	ssyncadd.s32 s3;
	_ =	sdelay $0x1  }
0xa1: {  	s23 =	simm.s32 $0x1B8B  }
0xa2: {  	_ =	swait.ge [sflag:s23], $0x1  }
0xa3: {  	[sflag:s23] =	ssyncset.done $0x0  }
0xa4: {  	s25 =	simm.s32 $0x1B8E;
	s24 =	sld [smem:$0x3FFE];
	[sflag:s23] =	ssyncadd.s32 $0xFFFFFFFF  }
0xa5: {  	s26 =	simm.s32 $execute0_lowered;
	[smem:$0x3FD2] =	sst s25  }
0xa6: {  	s4 =	sshll.u32 s26, $0x1;
	_ =	strace $0x8000004C;
	[dreg:$0x1] =	wrdreg $0xFFFFFFFF  }
0xa7: {  	s28 =	simm.s32 $_size_execute0_lowered;
	s2 =	sadd.s32 s2, s4;
	[dreg:$0x0] =	wrdreg $0x0  }
0xa8: {  	s4 =	sshll.u32 s28, $0x1;
	[dreg:$0x2] =	wrdreg s2  }
0xa9: {  	[dreg:$0x3] =	wrdreg s4  }
0xaa: {  	[dreg:$0x4] =	wrdreg $0xC0  }
0xab: {  	_ =	task [dreg:s6], $0x5FFFF  }
0xac: {  	[dreg:$0x1] =	wrdreg $0xFFFFFFFF  }
0xad: {  	[dreg:$0x0] =	wrdreg $0x60  }
0xae: {  	[dreg:$0x2] =	wrdreg s24  }
0xaf: {  	[dreg:$0x3] =	wrdreg $0xA8000  }
0xb0: {  	[dreg:$0x4] =	wrdreg $0x9  }
0xb1: {  	_ =	task.clear_ibuf [dreg:s6], $0x5FFFF;
	_ =	strace $0x9000004C  }
0xb2: {  	s29 =	simm.s32 $0x9;
	_ =	strace $0x8000004E  }
0xb3: {  	_ =	swait.ge [sflag:s29], $0x1  }
0xb4: {  	[sflag:s29] =	ssyncadd.s32 $0xFFFFFFFF  }
0xb5: {  	_ =	strace $0x9000004E  }
0xb6: {  	_ =	sfence  }
0xb7: {  	s30 =	sld [smem:$0x0];
	_ =	sdelay $0x2  }
0xb8: {  	s31 =	sshll.u32 s1, $0xD;
	s1 =	sshrl.u32 s1, $0x2  }
0xb9: {  	s3 =	sand.u32 $0x4000, s31;
	s1 =	sadd.s32 s1, s30  }
0xba: {  	s0 =	sor.u32 s3, s0;
	s1 =	sshll.u32 s1, $0x11  }
0xbb: {  	s0 =	sor.u32 s1, s0  }
0xbc: {  	s0 =	sadd.s32 $0x8F2B, s0  }
0xbd: {  	[sflag:s0] =	ssyncadd.remote.s32 $0x1  }
0xbe: {  	_ =	sfence.sel $0xFFFF  }
0xbf: {  	[dreg:$0x0] =	wrdreg $0xFFFFFFFF;
	(pc) =	sbr.abs _section_cstart, $3  }
0xc0: {  	[dreg:$0x1] =	wrdreg $0xFFFFFFFF  }
0xc1: {  	_ =	task.clear_ibuf [dreg:s6], $0x2FFFF;
	_ =	strace $0x9FFFFFFF  }
0xc2: {  	(tm) =	ssettm $0x7FFFFFFF  }
0xc3: {  	_ =	shalt  }
tec
execute0_lowered:
.L_overlay_start_1:
0x0: {  	(tag) =	ssettag $0x1  }
0x1: {  	s0 =	srdreg.scid;
	s5 =	rddreg [dreg:$0x0]  }
0x2: {  	s8 =	stileid.u32;
	s2 =	rddreg [dreg:$0x1]  }
0x3: {  	s3 =	simm.s32 $0x0;
	s14 =	simm.s32 $0x2800;
	s15 =	simm.s32 $0x6  }
0x4: {  	s17 =	simm.s32 $0x80;
	s18 =	simm.s32 $0x4800;
	s20 =	simm.s32 $0x6800  }
0x5: {  	s21 =	simm.s32 $0x180;
	s22 =	simm.s32 $0x8800;
	s23 =	simm.s32 $0x1  }
0x6: {  	s24 =	simm.s32 $0x5;
	s25 =	simm.s32 $0x2;
	s28 =	simm.s32 $0x4  }
0x7: {  	s29 =	simm.s32 $0x2600;
	s30 =	simm.s32 $0x2680;
	s31 =	simm.s32 $0x2700  }
0x8: {  	s0 =	sand.u32 $0x1, s0;
	s6 =	smul.u32 $0xA000, s8;
	[smem:$0x7FF] =	sst s3  }
0x9: {  	s4 =	sadd.s32 $0xB1400, s5;
	s1 =	sshll.u32 s0, $0x4;
	s7 =	smul.u32 $0xA0000, s0  }
0xa: {  	s0 =	ssub.s32 $0x2, s0;
	s1 =	sor.u32 s8, s1;
	s8 =	smul.u32 $0x28000, s8  }
0xb: {  	s9 =	sshrl.u32 s0, $0x1;
	s1 =	smul.u32 $0x280, s1;
	s7 =	sadd.s32 s6, s7  }
0xc: {  	_ =	strace $0x8000004D;
	s0 =	ssub.s32 s0, s9;
	s7 =	sshrl.u32 s7, $0x3  }
0xd: {  	s8 =	sshrl.u32 s8, $0x2;
	s13 =	smax.u32 s0, $0x1;
	s1 =	sadd.s32 s1, s5  }
0xe: {  	s12 =	sadd.s32 s7, s5;
	s26 =	sadd.s32 s8, s2;
	s5 =	sadd.s32 s6, s2  }
0xf: {  	s6 =	sadd.s32 $0x2000, s26;
	s7 =	sadd.s32 $0x4000, s26;
	s8 =	sadd.s32 $0x6000, s26  }
0x10: {  	s9 =	sadd.s32 $0x8000, s26;
	s10 =	sadd.s32 $0xC400, s1;
	s11 =	sadd.s32 $0x7400, s1  }
0x11: {  	v0 =	vimm.f32 $0.0e+00;
	s12 =	sadd.s32 $0xC5400, s12;
	s26 =	simm.s32 $0x3;
	s1 =	simm.s32 $0x2780  }
.LBB2_1:
0x12: {  	s16 =	simm.s32 $0x100;
	s0 =	simm.s32 $0x0  }
.LBB2_2:
0x13: {  	p0 =	sne.s32 s16, $0x7F00;
	[tilespmem:s0+$0x2830] =	vst v0;
	s19 =	smov.u32 s16;
	s16 =	sadd.s32 $0x100, s16  }
.Ltmp0:
0x14: {  	[tilespmem:s0+$0x2820] =	vst v0;
	(pc) =	sbr.rel @p0 .LBB2_2-.Ltmp0, $3  }
0x15: {  	[tilespmem:s0+$0x2800] =	vst v0  }
0x16: {  	[tilespmem:s0+$0x2810] =	vst v0;
	_ =	sdelay $0x1  }
0x17: {  	s0 =	sshra.s32 s19, $0x2  }
0x18: {  	[tilespmem:s0+$0x2830] =	vst v0  }
0x19: {  	[tilespmem:s0+$0x2820] =	vst v0  }
0x1a: {  	[tilespmem:s0+$0x2800] =	vst v0  }
0x1b: {  	[tilespmem:s0+$0x2810] =	vst v0  }
0x1c: {  	[spmem:s5] =	stream.linear.scatter [tilespmem:s14], [sflag:$0x6], $0x2000, $0x38;
	[tilespmem:$0x14800] =	vst v63  }
0x1d: {  	_ =	swait.ge [sflag:s15], $0x2000  }
0x1e: {  	[sflag:s15] =	ssyncset.done $0x0  }
0x1f: {  	[sflag:s15] =	ssyncadd.s32 $0xFFFFE000  }
0x20: {  	[spmem:s6] =	stream.linear.scatter [tilespmem:s14], [sflag:$0x6], $0x2000, $0x38;
	[tilespmem:$0x14800] =	vst v63  }
0x21: {  	_ =	swait.ge [sflag:s15], $0x2000  }
0x22: {  	[sflag:s15] =	ssyncset.done $0x0  }
0x23: {  	[sflag:s15] =	ssyncadd.s32 $0xFFFFE000  }
0x24: {  	[spmem:s7] =	stream.linear.scatter [tilespmem:s14], [sflag:$0x6], $0x2000, $0x38;
	[tilespmem:$0x14800] =	vst v63  }
0x25: {  	_ =	swait.ge [sflag:s15], $0x2000  }
0x26: {  	[sflag:s15] =	ssyncset.done $0x0  }
0x27: {  	[sflag:s15] =	ssyncadd.s32 $0xFFFFE000  }
0x28: {  	[spmem:s8] =	stream.linear.scatter [tilespmem:s14], [sflag:$0x6], $0x2000, $0x38;
	[tilespmem:$0x14800] =	vst v63  }
0x29: {  	_ =	swait.ge [sflag:s15], $0x2000  }
0x2a: {  	[sflag:s15] =	ssyncset.done $0x0  }
0x2b: {  	[sflag:s15] =	ssyncadd.s32 $0xFFFFE000  }
0x2c: {  	[spmem:s9] =	stream.linear.scatter [tilespmem:s14], [sflag:$0x6], $0x2000, $0x38;
	[tilespmem:$0x14800] =	vst v63  }
0x2d: {  	_ =	swait.ge [sflag:s15], $0x2000  }
0x2e: {  	[sflag:s15] =	ssyncset.done $0x0  }
0x2f: {  	s19 =	simm.s32 $0x0;
	[sflag:s15] =	ssyncadd.s32 $0xFFFFE000  }
0x30: {  	[tilespmem:s19], [sflag:$0x6] =	stream.linear.gather [hbm4b:s10+s19], $0x1400, $0x38;
	[tilespmem:$0x14800] =	vst v63  }
0x31: {  	_ =	swait.ge [sflag:s15], $0x1400  }
0x32: {  	[sflag:s15] =	ssyncset.done $0x0  }
0x33: {  	s16 =	simm.s32 $0x1400;
	[sflag:s15] =	ssyncadd.s32 $0xFFFFEC00  }
0x34: {  	[tilespmem:s16], [sflag:$0x6] =	stream.linear.gather [hbm4b:s11+s19], $0x1400, $0x38;
	[tilespmem:$0x14800] =	vst v63  }
0x35: {  	_ =	swait.ge [sflag:s15], $0x1400  }
0x36: {  	[sflag:s15] =	ssyncset.done $0x0  }
0x37: {  	[sflag:s15] =	ssyncadd.s32 $0xFFFFEC00  }
0x38: {  	[bflag:$0x0] =	sbarrier.arrive $0xFFFF  }
0x39: {  	[tilespmem:s14], [sflag:$0x1] =	stream.indirect.gather [hbm4b:s4+s17], $0x40, s19, s17, $0xb8;
	[tilespmem:$0x14800] =	vst v63  }
0x3a: {  	_ = 	snop  }
0x3b: {  	[tilespmem:s18], [sflag:$0x2] =	stream.indirect.gather [hbm4b:s4+s17], $0x40, s17, s17, $0xb8;
	[tilespmem:$0x14800] =	vst v63  }
0x3c: {  	s16 =	simm.s32 $0x100  }
0x3d: {  	[tilespmem:s20], [sflag:$0x3] =	stream.indirect.gather [hbm4b:s4+s17], $0x40, s16, s17, $0xb8;
	[tilespmem:$0x14800] =	vst v63  }
0x3e: {  	_ = 	snop  }
0x3f: {  	[tilespmem:s22], [sflag:$0x4] =	stream.indirect.gather [hbm4b:s4+s17], $0x40, s21, s17, $0xb8;
	[tilespmem:$0x14800] =	vst v63  }
0x40: {  	_ =	swait.ge [sflag:s23], $0x2000  }
0x41: {  	[sflag:s23] =	ssyncset.done $0x0  }
0x42: {  	s19 =	simm.s32 $0x1400;
	[sflag:s23] =	ssyncadd.s32 $0xFFFFE000  }
0x43: {  	[spmem:s2] =	stream.indirect.scatter.add.f32 [tilespmem:s14], [sflag:$0x5], $0x40, s19, s17, $0xb8;
	[tilespmem:$0x14800] =	vst v63  }
0x44: {  	_ =	swait.ge [sflag:s24], $0x2000  }
0x45: {  	[sflag:s24] =	ssyncset.done $0x0  }
0x46: {  	s16 =	simm.s32 $0x200;
	[sflag:s24] =	ssyncadd.s32 $0xFFFFE000  }
0x47: {  	[tilespmem:s14], [sflag:$0x1] =	stream.indirect.gather [hbm4b:s4+s17], $0x40, s16, s17, $0xb8;
	[tilespmem:$0x14800] =	vst v63  }
0x48: {  	_ =	swait.ge [sflag:s25], $0x2000  }
0x49: {  	[sflag:s25] =	ssyncset.done $0x0  }
0x4a: {  	s19 =	simm.s32 $0x1480;
	[sflag:s25] =	ssyncadd.s32 $0xFFFFE000  }
0x4b: {  	[spmem:s2] =	stream.indirect.scatter.add.f32 [tilespmem:s18], [sflag:$0x5], $0x40, s19, s17, $0xb8;
	[tilespmem:$0x14800] =	vst v63  }
0x4c: {  	_ =	swait.ge [sflag:s24], $0x2000  }
0x4d: {  	[sflag:s24] =	ssyncset.done $0x0  }
0x4e: {  	s16 =	simm.s32 $0x280;
	[sflag:s24] =	ssyncadd.s32 $0xFFFFE000  }
0x4f: {  	[tilespmem:s18], [sflag:$0x2] =	stream.indirect.gather [hbm4b:s4+s17], $0x40, s16, s17, $0xb8;
	[tilespmem:$0x14800] =	vst v63  }
0x50: {  	_ =	swait.ge [sflag:s26], $0x2000  }
0x51: {  	[sflag:s26] =	ssyncset.done $0x0  }
0x52: {  	s19 =	simm.s32 $0x1500;
	[sflag:s26] =	ssyncadd.s32 $0xFFFFE000  }
0x53: {  	[spmem:s2] =	stream.indirect.scatter.add.f32 [tilespmem:s20], [sflag:$0x5], $0x40, s19, s17, $0xb8;
	[tilespmem:$0x14800] =	vst v63  }
0x54: {  	_ =	swait.ge [sflag:s24], $0x2000  }
0x55: {  	[sflag:s24] =	ssyncset.done $0x0  }
0x56: {  	s16 =	simm.s32 $0x300;
	[sflag:s24] =	ssyncadd.s32 $0xFFFFE000  }
0x57: {  	[tilespmem:s20], [sflag:$0x3] =	stream.indirect.gather [hbm4b:s4+s17], $0x40, s16, s17, $0xb8;
	[tilespmem:$0x14800] =	vst v63  }
0x58: {  	_ =	swait.ge [sflag:s28], $0x2000  }
0x59: {  	[sflag:s28] =	ssyncset.done $0x0  }
0x5a: {  	s19 =	simm.s32 $0x1580;
	[sflag:s28] =	ssyncadd.s32 $0xFFFFE000  }
0x5b: {  	[spmem:s2] =	stream.indirect.scatter.add.f32 [tilespmem:s22], [sflag:$0x5], $0x40, s19, s17, $0xb8;
	[tilespmem:$0x14800] =	vst v63  }
0x5c: {  	_ =	swait.ge [sflag:s24], $0x2000  }
0x5d: {  	[sflag:s24] =	ssyncset.done $0x0  }
0x5e: {  	s0 =	simm.s32 $0x800;
	s16 =	simm.s32 $0x380;
	[sflag:s24] =	ssyncadd.s32 $0xFFFFE000  }
.LBB2_4:
0x5f: {  	[tilespmem:s22], [sflag:$0x4] =	stream.indirect.gather [hbm4b:s4+s17], $0x40, s16, s17, $0xb8;
	[tilespmem:$0x14800] =	vst v63  }
0x60: {  	s16 =	smov.u32 s0  }
0x61: {  	p0 =	sne.s32 s0, $0x4000;
	s0 =	sadd.s32 $0x800, s0;
	_ =	swait.ge [sflag:s23], $0x2000  }
0x62: {  	s16 =	sshra.s32 s16, $0x2;
	[sflag:s23] =	ssyncset.done $0x0  }
0x63: {  	s19 =	sadd.s32 $0x1400, s16;
	[sflag:s23] =	ssyncadd.s32 $0xFFFFE000  }
0x64: {  	[spmem:s2] =	stream.indirect.scatter.add.f32 [tilespmem:s14], [sflag:$0x5], $0x40, s19, s17, $0xb8;
	[tilespmem:$0x14800] =	vst v63  }
0x65: {  	_ =	swait.ge [sflag:s24], $0x2000  }
0x66: {  	[sflag:s24] =	ssyncset.done $0x0  }
0x67: {  	s19 =	sadd.s32 $0x200, s16;
	[sflag:s24] =	ssyncadd.s32 $0xFFFFE000  }
0x68: {  	[tilespmem:s14], [sflag:$0x1] =	stream.indirect.gather [hbm4b:s4+s17], $0x40, s19, s17, $0xb8;
	[tilespmem:$0x14800] =	vst v63  }
0x69: {  	_ =	swait.ge [sflag:s25], $0x2000  }
0x6a: {  	[sflag:s25] =	ssyncset.done $0x0  }
0x6b: {  	s19 =	sadd.s32 $0x1480, s16;
	[sflag:s25] =	ssyncadd.s32 $0xFFFFE000  }
0x6c: {  	[spmem:s2] =	stream.indirect.scatter.add.f32 [tilespmem:s18], [sflag:$0x5], $0x40, s19, s17, $0xb8;
	[tilespmem:$0x14800] =	vst v63  }
0x6d: {  	_ =	swait.ge [sflag:s24], $0x2000  }
0x6e: {  	[sflag:s24] =	ssyncset.done $0x0  }
0x6f: {  	s19 =	sadd.s32 $0x280, s16;
	[sflag:s24] =	ssyncadd.s32 $0xFFFFE000  }
0x70: {  	[tilespmem:s18], [sflag:$0x2] =	stream.indirect.gather [hbm4b:s4+s17], $0x40, s19, s17, $0xb8;
	[tilespmem:$0x14800] =	vst v63  }
0x71: {  	_ =	swait.ge [sflag:s26], $0x2000  }
0x72: {  	[sflag:s26] =	ssyncset.done $0x0  }
0x73: {  	s19 =	sadd.s32 $0x1500, s16;
	[sflag:s26] =	ssyncadd.s32 $0xFFFFE000  }
0x74: {  	[spmem:s2] =	stream.indirect.scatter.add.f32 [tilespmem:s20], [sflag:$0x5], $0x40, s19, s17, $0xb8;
	[tilespmem:$0x14800] =	vst v63  }
0x75: {  	_ =	swait.ge [sflag:s24], $0x2000  }
0x76: {  	[sflag:s24] =	ssyncset.done $0x0  }
0x77: {  	s19 =	sadd.s32 $0x300, s16;
	[sflag:s24] =	ssyncadd.s32 $0xFFFFE000  }
0x78: {  	[tilespmem:s20], [sflag:$0x3] =	stream.indirect.gather [hbm4b:s4+s17], $0x40, s19, s17, $0xb8;
	[tilespmem:$0x14800] =	vst v63  }
0x79: {  	_ =	swait.ge [sflag:s28], $0x2000  }
0x7a: {  	[sflag:s28] =	ssyncset.done $0x0  }
.Ltmp1:
0x7b: {  	s19 =	sadd.s32 $0x1580, s16;
	[sflag:s28] =	ssyncadd.s32 $0xFFFFE000;
	(pc) =	sbr.rel @p0 .LBB2_4-.Ltmp1, $4  }
0x7c: {  	[spmem:s2] =	stream.indirect.scatter.add.f32 [tilespmem:s22], [sflag:$0x5], $0x40, s19, s17, $0xb8;
	[tilespmem:$0x14800] =	vst v63  }
0x7d: {  	_ =	swait.ge [sflag:s24], $0x2000  }
0x7e: {  	[sflag:s24] =	ssyncset.done $0x0  }
0x7f: {  	s16 =	sadd.s32 $0x380, s16;
	[sflag:s24] =	ssyncadd.s32 $0xFFFFE000  }
0x80: {  	[tilespmem:s22], [sflag:$0x4] =	stream.indirect.gather [hbm4b:s4+s17], $0x40, s16, s17, $0xb8;
	[tilespmem:$0x14800] =	vst v63  }
0x81: {  	_ =	swait.ge [sflag:s23], $0x2000  }
0x82: {  	[sflag:s23] =	ssyncset.done $0x0  }
0x83: {  	[sflag:s23] =	ssyncadd.s32 $0xFFFFE000  }
0x84: {  	[spmem:s2] =	stream.indirect.scatter.add.f32 [tilespmem:s14], [sflag:$0x5], $0x40, s29, s17, $0xb8;
	[tilespmem:$0x14800] =	vst v63  }
0x85: {  	_ =	swait.ge [sflag:s24], $0x2000  }
0x86: {  	[sflag:s24] =	ssyncset.done $0x0  }
0x87: {  	[sflag:s24] =	ssyncadd.s32 $0xFFFFE000  }
0x88: {  	_ =	swait.ge [sflag:s25], $0x2000  }
0x89: {  	[sflag:s25] =	ssyncset.done $0x0  }
0x8a: {  	[sflag:s25] =	ssyncadd.s32 $0xFFFFE000  }
0x8b: {  	[spmem:s2] =	stream.indirect.scatter.add.f32 [tilespmem:s18], [sflag:$0x5], $0x40, s30, s17, $0xb8;
	[tilespmem:$0x14800] =	vst v63  }
0x8c: {  	_ =	swait.ge [sflag:s24], $0x2000  }
0x8d: {  	[sflag:s24] =	ssyncset.done $0x0  }
0x8e: {  	[sflag:s24] =	ssyncadd.s32 $0xFFFFE000  }
0x8f: {  	_ =	swait.ge [sflag:s26], $0x2000  }
0x90: {  	[sflag:s26] =	ssyncset.done $0x0  }
0x91: {  	[sflag:s26] =	ssyncadd.s32 $0xFFFFE000  }
0x92: {  	[spmem:s2] =	stream.indirect.scatter.add.f32 [tilespmem:s20], [sflag:$0x5], $0x40, s31, s17, $0xb8;
	[tilespmem:$0x14800] =	vst v63  }
0x93: {  	_ =	swait.ge [sflag:s24], $0x2000  }
0x94: {  	[sflag:s24] =	ssyncset.done $0x0  }
0x95: {  	[sflag:s24] =	ssyncadd.s32 $0xFFFFE000  }
0x96: {  	_ =	swait.ge [sflag:s28], $0x2000  }
0x97: {  	[sflag:s28] =	ssyncset.done $0x0  }
0x98: {  	[sflag:s28] =	ssyncadd.s32 $0xFFFFE000  }
0x99: {  	[spmem:s2] =	stream.indirect.scatter.add.f32 [tilespmem:s22], [sflag:$0x5], $0x40, s1, s17, $0xb8;
	[tilespmem:$0x14800] =	vst v63  }
0x9a: {  	s0 =	stileid.u32;
	_ =	swait.ge [sflag:s24], $0x2000  }
0x9b: {  	s19 =	sshrl.u32 s5, $0x3;
	s3 =	sadd.s32 $0x1, s3;
	[sflag:s24] =	ssyncset.done $0x0  }
0x9c: {  	s0 =	sshll.u32 s0, $0x6;
	p0 =	sne.s32 s3, s13;
	[sflag:s24] =	ssyncadd.s32 $0xFFFFE000  }
.Ltmp2:
0x9d: {  	s0 =	sor.u32 $0x1C06, s0;
	[bflag:$0x0] =	sbarrier.arrive $0xFFFF;
	(pc) =	sbr.rel @p0 .LBB2_1-.Ltmp2, $4  }
0x9e: {  	[hbm:s12], [sflag:s0] =	dma.local [spmem:s19], $0x1400  }
0x9f: {  	_ =	swait.ge [sflag:s15], $0x1400  }
0xa0: {  	[sflag:s15] =	ssyncset.done $0x0  }
0xa1: {  	[sflag:s15] =	ssyncadd.s32 $0xFFFFEC00  }
0xa2: {  	_ =	sfence.sel $0x180000  }
0xa3: {  	[bflag:$0x0] =	sbarrier.arrive $0xFFFF  }
0xa4: {  	_ =	strace $0x9000004D  }
0xa5: {  	s0 =	stileid.u32;
	[bflag:$0x2] =	sbarrier.arrive $0xFFFF  }
0xa6: {  	p0 =	sne.s32 s0, $0x0;
	s0 =	rddreg [dreg:$0x2]  }
0xa7: {  	s0 =	sadd.s32 @!p0 $0x100000, s0  }
0xa8: {  	[sflag:s0] =	ssyncadd.tile.s32 @!p0 $0x1;
	_ =	shalt  }
.Lfunc_end2:
_tile_overlayer_lowered:
.L_overlay_start_2:
0xa9: {  	(tag) =	ssettag $0x2  }
0xaa: {  	s0 =	rddreg [dreg:$0x0];
	s2 =	stileid.u32  }
0xab: {  	s1 =	rddreg [dreg:$0x1];
	p0 =	sne.s32 s2, $0x0  }
0xac: {  	s3 =	rddreg [dreg:$0x2];
	[bflag:$0x3] =	sbarrier.arrive $0xFFFF;
	s2 =	simm.s32 @!p0 $0x1C06  }
0xad: {  	[timem:s3], [sflag:s2] =	dma.local @!p0 [hbm:s0], s1  }
0xae: {  	s0 =	simm.s32 @!p0 $0x6  }
0xaf: {  	_ =	swait.ge @!p0 [sflag:s0], s1  }
0xb0: {  	s1 =	ssub.s32 @!p0 $0x0, s1;
	[sflag:s0] =	ssyncset.done @!p0 $0x0  }
0xb1: {  	[sflag:s0] =	ssyncadd.s32 @!p0 s1  }
0xb2: {  	[bflag:$0x3] =	sbarrier.arrive $0xFFFF  }
0xb3: {  	_ =	shalt  }

// kernel: kernel.25.cloned.1.call-start
scs
__scs_entry_jumppad:
0x0: {  	(pc) =	sbr.rel $0x88, $3  }
0x1: {  	(tag) =	ssettag $0x0;
	lr =	simm.s32 $0x1  }
0x2: {  	[smem:$0x3F91] =	sst lr;
	_ =	strace $0xD0000000  }
0x3: {  	_ = 	snop  }
0x4: {  	_ = 	snop  }
0x5: {  	_ = 	snop  }
0x6: {  	_ = 	snop  }
0x7: {  	_ = 	snop  }
__scs_overlays_trampoline_lowered:
0x8: {  	[smem:$0x3FA0] =	sst s0  }
0x9: {  	[smem:$0x3FA1] =	sst s1  }
0xa: {  	[smem:$0x3FA2] =	sst s2  }
0xb: {  	[smem:$0x3FA3] =	sst s3  }
0xc: {  	[smem:$0x3FA4] =	sst s4  }
0xd: {  	[smem:$0x3FA5] =	sst s5  }
0xe: {  	[smem:$0x3FA6] =	sst s6  }
0xf: {  	[smem:$0x3FA7] =	sst s7  }
0x10: {  	[smem:$0x3FA8] =	sst s8  }
0x11: {  	[smem:$0x3FA9] =	sst s9;
	s0 =	simm.s32 @!p0 $0x0  }
0x12: {  	s1 =	sld [smem:$0x3F8F];
	s0 =	simm.s32 @p0 $0x1  }
0x13: {  	[smem:$0x3FAA] =	sst s0;
	s0 =	simm.s32 @!p1 $0x0  }
0x14: {  	s2 =	sld [smem:$0x3F8E];
	s0 =	simm.s32 @p1 $0x1  }
0x15: {  	[smem:$0x3FAB] =	sst s0;
	s0 =	simm.s32 @!p2 $0x0  }
0x16: {  	s3 =	sld [smem:$0x3FDB];
	s0 =	simm.s32 @p2 $0x1  }
0x17: {  	s4 =	simm.s32 $0x1BF5;
	[smem:$0x3FAD] =	sst s0  }
0x18: {  	s0 =	sld [smem:$0x3F90];
	_ =	swait.ge [sflag:s4], $0x0  }
0x19: {  	s7 =	sld [smem:$0x3F91]  }
0x1a: {  	s8 =	sadd.s32 $0xFFFFE003, lr  }
0x1b: {  	s9 =	sadd.s32 $0xFFFFFEF7, lr;
	s5 =	simm.s32 $0xFFFFFFFF;
	p2 =	slt.u32 s8, $0xFFFFF086  }
0x1c: {  	p1 =	slt.u32 s9, $0xF7A;
	s5 =	simm.s32 @!p2 $0x0  }
0x1d: {  	s5 =	simm.s32 @p1 $0x1;
	p0 =	seq.s32 s7, s2  }
0x1e: {  	s7 =	smul.u32 @!p0 $0xF7A, s2;
	p2 =	seq.s32 @!p0 s5, $0x0  }
0x1f: {  	s9 =	smul.u32 $0xF7A, s1;
	s8 =	simm.s32 @!p0 $0x1BF5;
	p2 =	por !p2, p0  }
0x20: {  	[sflag:s8] =	ssyncset.s32 @!p0 $0xFFFFF086;
	s6 =	sadd.s32 @!p0 s3, s7;
	s7 =	simm.s32 @!p0 $0x108  }
0x21: {  	s3 =	sadd.s32 s3, s9;
	s6 =	sadd.s32 @!p0 $0x88, s6;
	s7 =	simm.s32 @p2 $0x1082  }
0x22: {  	[simem:s7], [sflag:s8] =	dma.local @!p0 [hbm:s6], $0xF7A  }
0x23: {  	s9 =	sor.u32 $0xD0000000, s2;
	s6 =	simm.s32 $0x108;
	_ =	swait.ge @!p0 [sflag:s8], $0x0  }
0x24: {  	s3 =	sadd.s32 $0x88, s3;
	s6 =	simm.s32 @!p1 $0x1082;
	[sflag:s4] =	ssyncset.s32 $0xFFFFF086  }
0x25: {  	[simem:s6], [sflag:s4] =	dma.local [hbm:s3], $0xF7A  }
0x26: {  	[smem:$0x3F91] =	sst s1;
	(tag) =	ssettag s2;
	_ =	strace s9  }
0x27: {  	s1 =	sld [smem:$0x3FA1]  }
0x28: {  	s2 =	sld [smem:$0x3FA2]  }
0x29: {  	s4 =	sld [smem:$0x3FA4]  }
0x2a: {  	p0 =	seq.s32 s5, $0x0;
	s5 =	sld [smem:$0x3FA5]  }
0x2b: {  	s6 =	sld [smem:$0x3FA6]  }
0x2c: {  	s7 =	sld [smem:$0x3FA7]  }
0x2d: {  	s3 =	simm.s32 $0x108;
	s8 =	sld [smem:$0x3FA8]  }
0x2e: {  	s3 =	simm.s32 @!p0 $0x1082;
	s9 =	sld [smem:$0x3FA9]  }
0x2f: {  	lr =	sadd.s32 s0, s3;
	s0 =	sld [smem:$0x3FA0]  }
0x30: {  	s3 =	sld [smem:$0x3FA3]  }
0x31: {  	[smem:$0x3FAC] =	sst s10  }
0x32: {  	s10 =	sld [smem:$0x3FAA];
	_ =	sdelay $0x3  }
0x33: {  	p0 =	seq.s32 s10, $0x1;
	s10 =	sld [smem:$0x3FAC];
	_ =	sdelay $0x3  }
0x34: {  	[smem:$0x3FAC] =	sst s10  }
0x35: {  	s10 =	sld [smem:$0x3FAB];
	_ =	sdelay $0x3  }
0x36: {  	p1 =	seq.s32 s10, $0x1;
	s10 =	sld [smem:$0x3FAC];
	_ =	sdelay $0x3  }
0x37: {  	[smem:$0x3FAC] =	sst s10  }
0x38: {  	s10 =	sld [smem:$0x3FAD]  }
0x39: {  	_ = 	snop;
	(pc) =	sbr.ind lr, $3  }
0x3a: {  	_ = 	snop  }
0x3b: {  	_ = 	snop  }
0x3c: {  	p2 =	seq.s32 s10, $0x1;
	s10 =	sld [smem:$0x3FAC]  }
0x3d: {  	_ =	shalt  }
0x3e: {  	_ =	shalt  }
0x3f: {  	_ =	shalt  }
0x40: {  	_ =	shalt  }
0x41: {  	_ =	shalt  }
0x42: {  	_ =	shalt  }
0x43: {  	_ =	shalt  }
0x44: {  	_ =	shalt  }
0x45: {  	_ =	shalt  }
0x46: {  	_ =	shalt  }
0x47: {  	_ =	shalt  }
0x48: {  	_ =	shalt  }
0x49: {  	_ =	shalt  }
0x4a: {  	_ =	shalt  }
0x4b: {  	_ =	shalt  }
0x4c: {  	_ =	shalt  }
0x4d: {  	_ =	shalt  }
0x4e: {  	_ =	shalt  }
0x4f: {  	_ =	shalt  }
0x50: {  	_ =	shalt  }
0x51: {  	_ =	shalt  }
0x52: {  	_ =	shalt  }
0x53: {  	_ =	shalt  }
0x54: {  	_ =	shalt  }
0x55: {  	_ =	shalt  }
0x56: {  	_ =	shalt  }
0x57: {  	_ =	shalt  }
0x58: {  	_ =	shalt  }
0x59: {  	_ =	shalt  }
0x5a: {  	_ =	shalt  }
0x5b: {  	_ =	shalt  }
0x5c: {  	_ =	shalt  }
0x5d: {  	_ =	shalt  }
0x5e: {  	_ =	shalt  }
0x5f: {  	_ =	shalt  }
0x60: {  	_ =	shalt  }
0x61: {  	_ =	shalt  }
0x62: {  	_ =	shalt  }
0x63: {  	_ =	shalt  }
0x64: {  	_ =	shalt  }
0x65: {  	_ =	shalt  }
0x66: {  	_ =	shalt  }
0x67: {  	_ =	shalt  }
0x68: {  	_ =	shalt  }
0x69: {  	_ =	shalt  }
0x6a: {  	_ =	shalt  }
0x6b: {  	_ =	shalt  }
0x6c: {  	_ =	shalt  }
0x6d: {  	_ =	shalt  }
0x6e: {  	_ =	shalt  }
0x6f: {  	_ =	shalt  }
0x70: {  	_ =	shalt  }
0x71: {  	_ =	shalt  }
0x72: {  	_ =	shalt  }
0x73: {  	_ =	shalt  }
0x74: {  	_ =	shalt  }
0x75: {  	_ =	shalt  }
0x76: {  	_ =	shalt  }
0x77: {  	_ =	shalt  }
0x78: {  	_ =	shalt  }
0x79: {  	_ =	shalt  }
0x7a: {  	_ =	shalt  }
0x7b: {  	_ =	shalt  }
0x7c: {  	_ =	shalt  }
0x7d: {  	_ =	shalt  }
0x7e: {  	_ =	shalt  }
0x7f: {  	_ =	shalt  }
0x80: {  	_ =	shalt  }
0x81: {  	_ =	shalt  }
0x82: {  	_ =	shalt  }
0x83: {  	_ =	shalt  }
0x84: {  	_ =	shalt  }
0x85: {  	_ =	shalt  }
0x86: {  	_ =	shalt  }
0x87: {  	_ =	shalt  }
.Lfunc_end0:
.L_simem_size_0:
called_computation.3_lowered:
.L_overlay_start_0:
0x88: {  	s2 =	sld [smem:$0x3FD9]  }
0x89: {  	s3 =	sld [smem:$0x3FFE];
	_ =	sdelay $0x1  }
0x8a: {  	s1 =	srdreg.scid  }
0x8b: {  	s0 =	sand.u32 $0x1, s1  }
0x8c: {  	s16 =	sshll.u32 s0, $0xA;
	s2 =	sadd.s32 s3, s2  }
0x8d: {  	s2 =	sadd.s32 s2, s16  }
0x8e: {  	[smem:$0x3FB8] =	sst s2  }
0x8f: {  	_ = 	snop  }
0x90: {  	(tm) =	ssettm $0x1  }
0x91: {  	s17 =	sld [smem:$0x3FFB];
	_ =	sdelay $0x3  }
0x92: {  	_ =	strace s17  }
0x93: {  	s2 =	sld [smem:$0x3FFC];
	_ =	sdelay $0x3  }
0x94: {  	_ =	strace s2  }
0x95: {  	s2 =	sld [smem:$0x3FFD];
	_ =	sdelay $0x3  }
0x96: {  	_ =	strace s2  }
0x97: {  	_ =	strace $0x8FFFFFFF  }
0x98: {  	s18 =	sld [smem:$0x3FDB];
	_ =	sdelay $0x1  }
0x99: {  	s19 =	simm.s32 $_scs_section_size  }
0x9a: {  	s4 =	simm.s32 $_size__tile_overlayer_lowered;
	s5 =	simm.s32 $_tile_overlayer_lowered  }
0x9b: {  	s22 =	simm.s32 $0x1BFF;
	s21 =	sshll.u32 s5, $0x1;
	s2 =	sadd.s32 s19, s18  }
0x9c: {  	s6 =	simm.s32 $0x0;
	s20 =	sshll.u32 s4, $0x1;
	s4 =	sadd.s32 s21, s2  }
0x9d: {  	[timem:s6], [sflag:s22] =	dma.local [hbm:s4], s20  }
0x9e: {  	_ =	swait.ge [sflag:s22], s20  }
0x9f: {  	s3 =	ssub.s32 $0x0, s20;
	[sflag:s22] =	ssyncset.done $0x0  }
0xa0: {  	[sflag:s22] =	ssyncadd.s32 s3;
	_ =	sdelay $0x1  }
0xa1: {  	s23 =	simm.s32 $0x1B8B  }
0xa2: {  	_ =	swait.ge [sflag:s23], $0x1  }
0xa3: {  	[sflag:s23] =	ssyncset.done $0x0  }
0xa4: {  	s25 =	simm.s32 $0x1B8E;
	s24 =	sld [smem:$0x3FFE];
	[sflag:s23] =	ssyncadd.s32 $0xFFFFFFFF  }
0xa5: {  	s26 =	simm.s32 $execute0_lowered;
	[smem:$0x3FD2] =	sst s25  }
0xa6: {  	s4 =	sshll.u32 s26, $0x1;
	_ =	strace $0x8000004F;
	[dreg:$0x1] =	wrdreg $0xFFFFFFFF  }
0xa7: {  	s28 =	simm.s32 $_size_execute0_lowered;
	s2 =	sadd.s32 s2, s4;
	[dreg:$0x0] =	wrdreg $0x0  }
0xa8: {  	s4 =	sshll.u32 s28, $0x1;
	[dreg:$0x2] =	wrdreg s2  }
0xa9: {  	[dreg:$0x3] =	wrdreg s4  }
0xaa: {  	[dreg:$0x4] =	wrdreg $0xC0  }
0xab: {  	_ =	task [dreg:s6], $0x5FFFF  }
0xac: {  	[dreg:$0x1] =	wrdreg $0xFFFFFFFF  }
0xad: {  	[dreg:$0x0] =	wrdreg $0x60  }
0xae: {  	[dreg:$0x2] =	wrdreg s24  }
0xaf: {  	[dreg:$0x3] =	wrdreg $0xA8000  }
0xb0: {  	[dreg:$0x4] =	wrdreg $0x9  }
0xb1: {  	_ =	task.clear_ibuf [dreg:s6], $0x5FFFF;
	_ =	strace $0x9000004F  }
0xb2: {  	s29 =	simm.s32 $0x9;
	_ =	strace $0x80000051  }
0xb3: {  	_ =	swait.ge [sflag:s29], $0x1  }
0xb4: {  	[sflag:s29] =	ssyncadd.s32 $0xFFFFFFFF  }
0xb5: {  	_ =	strace $0x90000051  }
0xb6: {  	_ =	sfence  }
0xb7: {  	s30 =	sld [smem:$0x0];
	_ =	sdelay $0x2  }
0xb8: {  	s31 =	sshll.u32 s1, $0xD;
	s1 =	sshrl.u32 s1, $0x2  }
0xb9: {  	s3 =	sand.u32 $0x4000, s31;
	s1 =	sadd.s32 s1, s30  }
0xba: {  	s0 =	sor.u32 s3, s0;
	s1 =	sshll.u32 s1, $0x11  }
0xbb: {  	s0 =	sor.u32 s1, s0  }
0xbc: {  	s0 =	sadd.s32 $0x8F2B, s0  }
0xbd: {  	[sflag:s0] =	ssyncadd.remote.s32 $0x1  }
0xbe: {  	_ =	sfence.sel $0xFFFF  }
0xbf: {  	[dreg:$0x0] =	wrdreg $0xFFFFFFFF;
	(pc) =	sbr.abs _section_cstart, $3  }
0xc0: {  	[dreg:$0x1] =	wrdreg $0xFFFFFFFF  }
0xc1: {  	_ =	task.clear_ibuf [dreg:s6], $0x2FFFF;
	_ =	strace $0x9FFFFFFF  }
0xc2: {  	(tm) =	ssettm $0x7FFFFFFF  }
0xc3: {  	_ =	shalt  }
tec
execute0_lowered:
.L_overlay_start_1:
0x0: {  	(tag) =	ssettag $0x1  }
0x1: {  	s5 =	rddreg [dreg:$0x0]  }
0x2: {  	s2 =	rddreg [dreg:$0x1];
	s3 =	srdreg.scid  }
0x3: {  	s0 =	rddreg [dreg:$0x2];
	s1 =	stileid.u32  }
0x4: {  	s14 =	simm.s32 $0x2800;
	s15 =	simm.s32 $0x4;
	s16 =	simm.s32 $0x1400  }
0x5: {  	s17 =	simm.s32 $0x80;
	s18 =	simm.s32 $0x6800;
	s19 =	simm.s32 $0x1  }
0x6: {  	s20 =	simm.s32 $0x3;
	s21 =	simm.s32 $0x2;
	s22 =	simm.s32 $0x2700  }
0x7: {  	s23 =	simm.s32 $0x2780;
	s6 =	sand.u32 $0x1, s3;
	s7 =	smul.u32 $0x14000, s1  }
0x8: {  	s3 =	simm.s32 $0x0;
	s10 =	smul.u32 $0x50000, s1;
	s4 =	sshll.u32 s6, $0x4  }
0x9: {  	[smem:$0x7FF] =	sst s3;
	s8 =	smul.u32 $0x140000, s6;
	s6 =	ssub.s32 $0x2, s6  }
0xa: {  	s4 =	sor.u32 s1, s4;
	_ =	strace $0x80000050;
	s29 =	sshrl.u32 s6, $0x1  }
0xb: {  	s30 =	sshrl.u32 s10, $0x2;
	s9 =	smul.u32 $0x280, s4;
	s4 =	sadd.s32 $0x11400, s5  }
0xc: {  	s8 =	sadd.s32 s7, s8;
	s13 =	ssub.s32 s6, s29;
	s31 =	sadd.s32 s30, s2  }
0xd: {  	s8 =	sshrl.u32 s8, $0x3;
	s6 =	sadd.s32 $0x4000, s31;
	s13 =	smax.u32 s13, $0x1  }
0xe: {  	s11 =	sadd.s32 s9, s5;
	s12 =	sadd.s32 s8, s5;
	s5 =	sadd.s32 s7, s2  }
0xf: {  	s7 =	sadd.s32 $0x8000, s31;
	s8 =	sadd.s32 $0xC000, s31;
	s9 =	sadd.s32 $0x10000, s31  }
0x10: {  	v0 =	vimm.f32 $0.0e+00;
	s10 =	sadd.s32 $0xC400, s11;
	s11 =	sadd.s32 $0x7400, s11;
	s12 =	sadd.s32 $0x89400, s12  }
.LBB2_1:
0x11: {  	s24 =	simm.s32 $0x0;
	s25 =	simm.s32 $0x200  }
.LBB2_2:
0x12: {  	p0 =	sne.s32 s25, $0xFE00;
	[tilespmem:s24+$0x2870] =	vst v0  }
0x13: {  	[tilespmem:s24+$0x2800] =	vst v0  }
0x14: {  	[tilespmem:s24+$0x2810] =	vst v0  }
.Ltmp0:
0x15: {  	[tilespmem:s24+$0x2820] =	vst v0;
	(pc) =	sbr.rel @p0 .LBB2_2-.Ltmp0, $4  }
0x16: {  	[tilespmem:s24+$0x2830] =	vst v0  }
0x17: {  	[tilespmem:s24+$0x2840] =	vst v0  }
0x18: {  	[tilespmem:s24+$0x2850] =	vst v0  }
0x19: {  	[tilespmem:s24+$0x2860] =	vst v0;
	s24 =	sshra.s32 s25, $0x2;
	s25 =	sadd.s32 $0x200, s25  }
0x1a: {  	[tilespmem:s24+$0x2870] =	vst v0  }
0x1b: {  	[tilespmem:s24+$0x2800] =	vst v0  }
0x1c: {  	[tilespmem:s24+$0x2810] =	vst v0  }
0x1d: {  	[tilespmem:s24+$0x2820] =	vst v0  }
0x1e: {  	[tilespmem:s24+$0x2830] =	vst v0  }
0x1f: {  	[tilespmem:s24+$0x2840] =	vst v0  }
0x20: {  	[tilespmem:s24+$0x2850] =	vst v0  }
0x21: {  	[tilespmem:s24+$0x2860] =	vst v0  }
0x22: {  	[spmem:s5] =	stream.linear.scatter [tilespmem:s14], [sflag:$0x4], $0x4000, $0x38;
	[tilespmem:$0x1E800] =	vst v63  }
0x23: {  	_ =	swait.ge [sflag:s15], $0x4000  }
0x24: {  	[sflag:s15] =	ssyncset.done $0x0  }
0x25: {  	[sflag:s15] =	ssyncadd.s32 $0xFFFFC000  }
0x26: {  	[spmem:s6] =	stream.linear.scatter [tilespmem:s14], [sflag:$0x4], $0x4000, $0x38;
	[tilespmem:$0x1E800] =	vst v63  }
0x27: {  	_ =	swait.ge [sflag:s15], $0x4000  }
0x28: {  	[sflag:s15] =	ssyncset.done $0x0  }
0x29: {  	[sflag:s15] =	ssyncadd.s32 $0xFFFFC000  }
0x2a: {  	[spmem:s7] =	stream.linear.scatter [tilespmem:s14], [sflag:$0x4], $0x4000, $0x38;
	[tilespmem:$0x1E800] =	vst v63  }
0x2b: {  	_ =	swait.ge [sflag:s15], $0x4000  }
0x2c: {  	[sflag:s15] =	ssyncset.done $0x0  }
0x2d: {  	[sflag:s15] =	ssyncadd.s32 $0xFFFFC000  }
0x2e: {  	[spmem:s8] =	stream.linear.scatter [tilespmem:s14], [sflag:$0x4], $0x4000, $0x38;
	[tilespmem:$0x1E800] =	vst v63  }
0x2f: {  	_ =	swait.ge [sflag:s15], $0x4000  }
0x30: {  	[sflag:s15] =	ssyncset.done $0x0  }
0x31: {  	[sflag:s15] =	ssyncadd.s32 $0xFFFFC000  }
0x32: {  	[spmem:s9] =	stream.linear.scatter [tilespmem:s14], [sflag:$0x4], $0x4000, $0x38;
	[tilespmem:$0x1E800] =	vst v63  }
0x33: {  	_ =	swait.ge [sflag:s15], $0x4000  }
0x34: {  	[sflag:s15] =	ssyncset.done $0x0  }
0x35: {  	s28 =	simm.s32 $0x0;
	[sflag:s15] =	ssyncadd.s32 $0xFFFFC000  }
0x36: {  	[tilespmem:s28], [sflag:$0x4] =	stream.linear.gather [hbm4b:s10+s28], $0x1400, $0x38;
	[tilespmem:$0x1E800] =	vst v63  }
0x37: {  	_ =	swait.ge [sflag:s15], $0x1400  }
0x38: {  	[sflag:s15] =	ssyncset.done $0x0  }
0x39: {  	[sflag:s15] =	ssyncadd.s32 $0xFFFFEC00  }
0x3a: {  	[tilespmem:s16], [sflag:$0x4] =	stream.linear.gather [hbm4b:s11+s28], $0x1400, $0x38;
	[tilespmem:$0x1E800] =	vst v63  }
0x3b: {  	_ =	swait.ge [sflag:s15], $0x1400  }
0x3c: {  	[sflag:s15] =	ssyncset.done $0x0  }
0x3d: {  	[sflag:s15] =	ssyncadd.s32 $0xFFFFEC00  }
0x3e: {  	[bflag:$0x0] =	sbarrier.arrive $0xFFFF  }
0x3f: {  	[tilespmem:s14], [sflag:$0x1] =	stream.indirect.gather [hbm4b:s4+s17], $0x80, s28, s17, $0xb8;
	[tilespmem:$0x1E800] =	vst v63  }
0x40: {  	_ = 	snop  }
0x41: {  	[tilespmem:s18], [sflag:$0x2] =	stream.indirect.gather [hbm4b:s4+s17], $0x80, s17, s17, $0xb8;
	[tilespmem:$0x1E800] =	vst v63  }
0x42: {  	_ =	swait.ge [sflag:s19], $0x4000  }
0x43: {  	[sflag:s19] =	ssyncset.done $0x0  }
0x44: {  	s29 =	simm.s32 $0x1400;
	[sflag:s19] =	ssyncadd.s32 $0xFFFFC000  }
0x45: {  	[spmem:s2] =	stream.indirect.scatter.add.f32 [tilespmem:s14], [sflag:$0x3], $0x80, s29, s17, $0xb8;
	[tilespmem:$0x1E800] =	vst v63  }
0x46: {  	_ =	swait.ge [sflag:s20], $0x4000  }
0x47: {  	[sflag:s20] =	ssyncset.done $0x0  }
0x48: {  	s30 =	simm.s32 $0x100;
	[sflag:s20] =	ssyncadd.s32 $0xFFFFC000  }
0x49: {  	[tilespmem:s14], [sflag:$0x1] =	stream.indirect.gather [hbm4b:s4+s17], $0x80, s30, s17, $0xb8;
	[tilespmem:$0x1E800] =	vst v63  }
0x4a: {  	_ =	swait.ge [sflag:s21], $0x4000  }
0x4b: {  	[sflag:s21] =	ssyncset.done $0x0  }
0x4c: {  	s31 =	simm.s32 $0x1480;
	[sflag:s21] =	ssyncadd.s32 $0xFFFFC000  }
0x4d: {  	[spmem:s2] =	stream.indirect.scatter.add.f32 [tilespmem:s18], [sflag:$0x3], $0x80, s31, s17, $0xb8;
	[tilespmem:$0x1E800] =	vst v63  }
0x4e: {  	_ =	swait.ge [sflag:s20], $0x4000  }
0x4f: {  	[sflag:s20] =	ssyncset.done $0x0  }
0x50: {  	s24 =	simm.s32 $0x400;
	s25 =	simm.s32 $0x180;
	[sflag:s20] =	ssyncadd.s32 $0xFFFFC000  }
.LBB2_4:
0x51: {  	[tilespmem:s18], [sflag:$0x2] =	stream.indirect.gather [hbm4b:s4+s17], $0x80, s25, s17, $0xb8;
	[tilespmem:$0x1E800] =	vst v63  }
0x52: {  	s25 =	smov.u32 s24  }
0x53: {  	p0 =	sne.s32 s24, $0x4800;
	s24 =	sadd.s32 $0x400, s24;
	_ =	swait.ge [sflag:s19], $0x4000  }
0x54: {  	s25 =	sshra.s32 s25, $0x2;
	[sflag:s19] =	ssyncset.done $0x0  }
0x55: {  	s26 =	sadd.s32 $0x1400, s25;
	[sflag:s19] =	ssyncadd.s32 $0xFFFFC000  }
0x56: {  	[spmem:s2] =	stream.indirect.scatter.add.f32 [tilespmem:s14], [sflag:$0x3], $0x80, s26, s17, $0xb8;
	[tilespmem:$0x1E800] =	vst v63  }
0x57: {  	_ =	swait.ge [sflag:s20], $0x4000  }
0x58: {  	[sflag:s20] =	ssyncset.done $0x0  }
0x59: {  	s26 =	sadd.s32 $0x100, s25;
	[sflag:s20] =	ssyncadd.s32 $0xFFFFC000  }
0x5a: {  	[tilespmem:s14], [sflag:$0x1] =	stream.indirect.gather [hbm4b:s4+s17], $0x80, s26, s17, $0xb8;
	[tilespmem:$0x1E800] =	vst v63  }
0x5b: {  	_ =	swait.ge [sflag:s21], $0x4000  }
0x5c: {  	[sflag:s21] =	ssyncset.done $0x0  }
.Ltmp1:
0x5d: {  	s26 =	sadd.s32 $0x1480, s25;
	[sflag:s21] =	ssyncadd.s32 $0xFFFFC000;
	(pc) =	sbr.rel @p0 .LBB2_4-.Ltmp1, $4  }
0x5e: {  	[spmem:s2] =	stream.indirect.scatter.add.f32 [tilespmem:s18], [sflag:$0x3], $0x80, s26, s17, $0xb8;
	[tilespmem:$0x1E800] =	vst v63  }
0x5f: {  	_ =	swait.ge [sflag:s20], $0x4000  }
0x60: {  	[sflag:s20] =	ssyncset.done $0x0  }
0x61: {  	s25 =	sadd.s32 $0x180, s25;
	[sflag:s20] =	ssyncadd.s32 $0xFFFFC000  }
0x62: {  	[tilespmem:s18], [sflag:$0x2] =	stream.indirect.gather [hbm4b:s4+s17], $0x80, s25, s17, $0xb8;
	[tilespmem:$0x1E800] =	vst v63  }
0x63: {  	_ =	swait.ge [sflag:s19], $0x4000  }
0x64: {  	[sflag:s19] =	ssyncset.done $0x0  }
0x65: {  	[sflag:s19] =	ssyncadd.s32 $0xFFFFC000  }
0x66: {  	[spmem:s2] =	stream.indirect.scatter.add.f32 [tilespmem:s14], [sflag:$0x3], $0x80, s22, s17, $0xb8;
	[tilespmem:$0x1E800] =	vst v63  }
0x67: {  	_ =	swait.ge [sflag:s20], $0x4000  }
0x68: {  	[sflag:s20] =	ssyncset.done $0x0  }
0x69: {  	[sflag:s20] =	ssyncadd.s32 $0xFFFFC000  }
0x6a: {  	_ =	swait.ge [sflag:s21], $0x4000  }
0x6b: {  	[sflag:s21] =	ssyncset.done $0x0  }
0x6c: {  	[sflag:s21] =	ssyncadd.s32 $0xFFFFC000  }
0x6d: {  	[spmem:s2] =	stream.indirect.scatter.add.f32 [tilespmem:s18], [sflag:$0x3], $0x80, s23, s17, $0xb8;
	[tilespmem:$0x1E800] =	vst v63  }
0x6e: {  	_ =	swait.ge [sflag:s20], $0x4000  }
0x6f: {  	s24 =	sshll.u32 s1, $0x6;
	s3 =	sadd.s32 $0x1, s3;
	[sflag:s20] =	ssyncset.done $0x0  }
0x70: {  	s31 =	sshrl.u32 s5, $0x3;
	p0 =	sne.s32 s3, s13;
	[sflag:s20] =	ssyncadd.s32 $0xFFFFC000  }
.Ltmp2:
0x71: {  	s24 =	sor.u32 $0x1C04, s24;
	[bflag:$0x0] =	sbarrier.arrive $0xFFFF;
	(pc) =	sbr.rel @p0 .LBB2_1-.Ltmp2, $4  }
0x72: {  	[hbm:s12], [sflag:s24] =	dma.local [spmem:s31], $0x2800  }
0x73: {  	_ =	swait.ge [sflag:s15], $0x2800  }
0x74: {  	[sflag:s15] =	ssyncset.done $0x0  }
0x75: {  	[sflag:s15] =	ssyncadd.s32 $0xFFFFD800  }
0x76: {  	_ =	sfence.sel $0x180000  }
0x77: {  	[bflag:$0x0] =	sbarrier.arrive $0xFFFF  }
0x78: {  	p0 =	sne.s32 s1, $0x0;
	_ =	strace $0x90000050  }
0x79: {  	s0 =	sadd.s32 @!p0 $0x100000, s0;
	[bflag:$0x2] =	sbarrier.arrive $0xFFFF  }
0x7a: {  	[sflag:s0] =	ssyncadd.tile.s32 @!p0 $0x1;
	_ =	shalt  }
.Lfunc_end2:
_tile_overlayer_lowered:
.L_overlay_start_2:
0x7b: {  	(tag) =	ssettag $0x2  }
0x7c: {  	s0 =	rddreg [dreg:$0x0];
	s2 =	stileid.u32  }
0x7d: {  	s1 =	rddreg [dreg:$0x1];
	p0 =	sne.s32 s2, $0x0  }
0x7e: {  	s3 =	rddreg [dreg:$0x2];
	[bflag:$0x3] =	sbarrier.arrive $0xFFFF;
	s2 =	simm.s32 @!p0 $0x1C04  }
0x7f: {  	[timem:s3], [sflag:s2] =	dma.local @!p0 [hbm:s0], s1  }
0x80: {  	s0 =	simm.s32 @!p0 $0x4  }
0x81: {  	_ =	swait.ge @!p0 [sflag:s0], s1  }
0x82: {  	s1 =	ssub.s32 @!p0 $0x0, s1;
	[sflag:s0] =	ssyncset.done @!p0 $0x0  }
0x83: {  	[sflag:s0] =	ssyncadd.s32 @!p0 s1  }
0x84: {  	[bflag:$0x3] =	sbarrier.arrive $0xFFFF  }
0x85: {  	_ =	shalt  }

// kernel: kernel.28.cloned.1.call-start
scs
__scs_entry_jumppad:
0x0: {  	(pc) =	sbr.rel $0x88, $3  }
0x1: {  	(tag) =	ssettag $0x0;
	lr =	simm.s32 $0x1  }
0x2: {  	[smem:$0x3F91] =	sst lr;
	_ =	strace $0xD0000000  }
0x3: {  	_ = 	snop  }
0x4: {  	_ = 	snop  }
0x5: {  	_ = 	snop  }
0x6: {  	_ = 	snop  }
0x7: {  	_ = 	snop  }
__scs_overlays_trampoline_lowered:
0x8: {  	[smem:$0x3FA0] =	sst s0  }
0x9: {  	[smem:$0x3FA1] =	sst s1  }
0xa: {  	[smem:$0x3FA2] =	sst s2  }
0xb: {  	[smem:$0x3FA3] =	sst s3  }
0xc: {  	[smem:$0x3FA4] =	sst s4  }
0xd: {  	[smem:$0x3FA5] =	sst s5  }
0xe: {  	[smem:$0x3FA6] =	sst s6  }
0xf: {  	[smem:$0x3FA7] =	sst s7  }
0x10: {  	[smem:$0x3FA8] =	sst s8  }
0x11: {  	[smem:$0x3FA9] =	sst s9;
	s0 =	simm.s32 @!p0 $0x0  }
0x12: {  	s1 =	sld [smem:$0x3F8F];
	s0 =	simm.s32 @p0 $0x1  }
0x13: {  	[smem:$0x3FAA] =	sst s0;
	s0 =	simm.s32 @!p1 $0x0  }
0x14: {  	s2 =	sld [smem:$0x3F8E];
	s0 =	simm.s32 @p1 $0x1  }
0x15: {  	[smem:$0x3FAB] =	sst s0;
	s0 =	simm.s32 @!p2 $0x0  }
0x16: {  	s3 =	sld [smem:$0x3FDB];
	s0 =	simm.s32 @p2 $0x1  }
0x17: {  	s4 =	simm.s32 $0x1BF5;
	[smem:$0x3FAD] =	sst s0  }
0x18: {  	s0 =	sld [smem:$0x3F90];
	_ =	swait.ge [sflag:s4], $0x0  }
0x19: {  	s7 =	sld [smem:$0x3F91]  }
0x1a: {  	s8 =	sadd.s32 $0xFFFFE003, lr  }
0x1b: {  	s9 =	sadd.s32 $0xFFFFFEF7, lr;
	s5 =	simm.s32 $0xFFFFFFFF;
	p2 =	slt.u32 s8, $0xFFFFF086  }
0x1c: {  	p1 =	slt.u32 s9, $0xF7A;
	s5 =	simm.s32 @!p2 $0x0  }
0x1d: {  	s5 =	simm.s32 @p1 $0x1;
	p0 =	seq.s32 s7, s2  }
0x1e: {  	s7 =	smul.u32 @!p0 $0xF7A, s2;
	p2 =	seq.s32 @!p0 s5, $0x0  }
0x1f: {  	s9 =	smul.u32 $0xF7A, s1;
	s8 =	simm.s32 @!p0 $0x1BF5;
	p2 =	por !p2, p0  }
0x20: {  	[sflag:s8] =	ssyncset.s32 @!p0 $0xFFFFF086;
	s6 =	sadd.s32 @!p0 s3, s7;
	s7 =	simm.s32 @!p0 $0x108  }
0x21: {  	s3 =	sadd.s32 s3, s9;
	s6 =	sadd.s32 @!p0 $0x88, s6;
	s7 =	simm.s32 @p2 $0x1082  }
0x22: {  	[simem:s7], [sflag:s8] =	dma.local @!p0 [hbm:s6], $0xF7A  }
0x23: {  	s9 =	sor.u32 $0xD0000000, s2;
	s6 =	simm.s32 $0x108;
	_ =	swait.ge @!p0 [sflag:s8], $0x0  }
0x24: {  	s3 =	sadd.s32 $0x88, s3;
	s6 =	simm.s32 @!p1 $0x1082;
	[sflag:s4] =	ssyncset.s32 $0xFFFFF086  }
0x25: {  	[simem:s6], [sflag:s4] =	dma.local [hbm:s3], $0xF7A  }
0x26: {  	[smem:$0x3F91] =	sst s1;
	(tag) =	ssettag s2;
	_ =	strace s9  }
0x27: {  	s1 =	sld [smem:$0x3FA1]  }
0x28: {  	s2 =	sld [smem:$0x3FA2]  }
0x29: {  	s4 =	sld [smem:$0x3FA4]  }
0x2a: {  	p0 =	seq.s32 s5, $0x0;
	s5 =	sld [smem:$0x3FA5]  }
0x2b: {  	s6 =	sld [smem:$0x3FA6]  }
0x2c: {  	s7 =	sld [smem:$0x3FA7]  }
0x2d: {  	s3 =	simm.s32 $0x108;
	s8 =	sld [smem:$0x3FA8]  }
0x2e: {  	s3 =	simm.s32 @!p0 $0x1082;
	s9 =	sld [smem:$0x3FA9]  }
0x2f: {  	lr =	sadd.s32 s0, s3;
	s0 =	sld [smem:$0x3FA0]  }
0x30: {  	s3 =	sld [smem:$0x3FA3]  }
0x31: {  	[smem:$0x3FAC] =	sst s10  }
0x32: {  	s10 =	sld [smem:$0x3FAA];
	_ =	sdelay $0x3  }
0x33: {  	p0 =	seq.s32 s10, $0x1;
	s10 =	sld [smem:$0x3FAC];
	_ =	sdelay $0x3  }
0x34: {  	[smem:$0x3FAC] =	sst s10  }
0x35: {  	s10 =	sld [smem:$0x3FAB];
	_ =	sdelay $0x3  }
0x36: {  	p1 =	seq.s32 s10, $0x1;
	s10 =	sld [smem:$0x3FAC];
	_ =	sdelay $0x3  }
0x37: {  	[smem:$0x3FAC] =	sst s10  }
0x38: {  	s10 =	sld [smem:$0x3FAD]  }
0x39: {  	_ = 	snop;
	(pc) =	sbr.ind lr, $3  }
0x3a: {  	_ = 	snop  }
0x3b: {  	_ = 	snop  }
0x3c: {  	p2 =	seq.s32 s10, $0x1;
	s10 =	sld [smem:$0x3FAC]  }
0x3d: {  	_ =	shalt  }
0x3e: {  	_ =	shalt  }
0x3f: {  	_ =	shalt  }
0x40: {  	_ =	shalt  }
0x41: {  	_ =	shalt  }
0x42: {  	_ =	shalt  }
0x43: {  	_ =	shalt  }
0x44: {  	_ =	shalt  }
0x45: {  	_ =	shalt  }
0x46: {  	_ =	shalt  }
0x47: {  	_ =	shalt  }
0x48: {  	_ =	shalt  }
0x49: {  	_ =	shalt  }
0x4a: {  	_ =	shalt  }
0x4b: {  	_ =	shalt  }
0x4c: {  	_ =	shalt  }
0x4d: {  	_ =	shalt  }
0x4e: {  	_ =	shalt  }
0x4f: {  	_ =	shalt  }
0x50: {  	_ =	shalt  }
0x51: {  	_ =	shalt  }
0x52: {  	_ =	shalt  }
0x53: {  	_ =	shalt  }
0x54: {  	_ =	shalt  }
0x55: {  	_ =	shalt  }
0x56: {  	_ =	shalt  }
0x57: {  	_ =	shalt  }
0x58: {  	_ =	shalt  }
0x59: {  	_ =	shalt  }
0x5a: {  	_ =	shalt  }
0x5b: {  	_ =	shalt  }
0x5c: {  	_ =	shalt  }
0x5d: {  	_ =	shalt  }
0x5e: {  	_ =	shalt  }
0x5f: {  	_ =	shalt  }
0x60: {  	_ =	shalt  }
0x61: {  	_ =	shalt  }
0x62: {  	_ =	shalt  }
0x63: {  	_ =	shalt  }
0x64: {  	_ =	shalt  }
0x65: {  	_ =	shalt  }
0x66: {  	_ =	shalt  }
0x67: {  	_ =	shalt  }
0x68: {  	_ =	shalt  }
0x69: {  	_ =	shalt  }
0x6a: {  	_ =	shalt  }
0x6b: {  	_ =	shalt  }
0x6c: {  	_ =	shalt  }
0x6d: {  	_ =	shalt  }
0x6e: {  	_ =	shalt  }
0x6f: {  	_ =	shalt  }
0x70: {  	_ =	shalt  }
0x71: {  	_ =	shalt  }
0x72: {  	_ =	shalt  }
0x73: {  	_ =	shalt  }
0x74: {  	_ =	shalt  }
0x75: {  	_ =	shalt  }
0x76: {  	_ =	shalt  }
0x77: {  	_ =	shalt  }
0x78: {  	_ =	shalt  }
0x79: {  	_ =	shalt  }
0x7a: {  	_ =	shalt  }
0x7b: {  	_ =	shalt  }
0x7c: {  	_ =	shalt  }
0x7d: {  	_ =	shalt  }
0x7e: {  	_ =	shalt  }
0x7f: {  	_ =	shalt  }
0x80: {  	_ =	shalt  }
0x81: {  	_ =	shalt  }
0x82: {  	_ =	shalt  }
0x83: {  	_ =	shalt  }
0x84: {  	_ =	shalt  }
0x85: {  	_ =	shalt  }
0x86: {  	_ =	shalt  }
0x87: {  	_ =	shalt  }
.Lfunc_end0:
.L_simem_size_0:
called_computation.4_lowered:
.L_overlay_start_0:
0x88: {  	s2 =	sld [smem:$0x3FD9]  }
0x89: {  	s3 =	sld [smem:$0x3FFE];
	_ =	sdelay $0x1  }
0x8a: {  	s1 =	srdreg.scid  }
0x8b: {  	s0 =	sand.u32 $0x1, s1  }
0x8c: {  	s16 =	sshll.u32 s0, $0xA;
	s2 =	sadd.s32 s3, s2  }
0x8d: {  	s2 =	sadd.s32 s2, s16  }
0x8e: {  	[smem:$0x3FB8] =	sst s2  }
0x8f: {  	_ = 	snop  }
0x90: {  	(tm) =	ssettm $0x1  }
0x91: {  	s17 =	sld [smem:$0x3FFB];
	_ =	sdelay $0x3  }
0x92: {  	_ =	strace s17  }
0x93: {  	s2 =	sld [smem:$0x3FFC];
	_ =	sdelay $0x3  }
0x94: {  	_ =	strace s2  }
0x95: {  	s2 =	sld [smem:$0x3FFD];
	_ =	sdelay $0x3  }
0x96: {  	_ =	strace s2  }
0x97: {  	_ =	strace $0x8FFFFFFF  }
0x98: {  	s18 =	sld [smem:$0x3FDB];
	_ =	sdelay $0x1  }
0x99: {  	s19 =	simm.s32 $_scs_section_size  }
0x9a: {  	s4 =	simm.s32 $_size__tile_overlayer_lowered;
	s5 =	simm.s32 $_tile_overlayer_lowered  }
0x9b: {  	s22 =	simm.s32 $0x1BFF;
	s21 =	sshll.u32 s5, $0x1;
	s2 =	sadd.s32 s19, s18  }
0x9c: {  	s6 =	simm.s32 $0x0;
	s20 =	sshll.u32 s4, $0x1;
	s4 =	sadd.s32 s21, s2  }
0x9d: {  	[timem:s6], [sflag:s22] =	dma.local [hbm:s4], s20  }
0x9e: {  	_ =	swait.ge [sflag:s22], s20  }
0x9f: {  	s3 =	ssub.s32 $0x0, s20;
	[sflag:s22] =	ssyncset.done $0x0  }
0xa0: {  	[sflag:s22] =	ssyncadd.s32 s3;
	_ =	sdelay $0x1  }
0xa1: {  	s23 =	simm.s32 $0x1B8B  }
0xa2: {  	_ =	swait.ge [sflag:s23], $0x1  }
0xa3: {  	[sflag:s23] =	ssyncset.done $0x0  }
0xa4: {  	s25 =	simm.s32 $0x1B8E;
	s24 =	sld [smem:$0x3FFE];
	[sflag:s23] =	ssyncadd.s32 $0xFFFFFFFF  }
0xa5: {  	s26 =	simm.s32 $execute0_lowered;
	[smem:$0x3FD2] =	sst s25  }
0xa6: {  	s4 =	sshll.u32 s26, $0x1;
	_ =	strace $0x80000052;
	[dreg:$0x1] =	wrdreg $0xFFFFFFFF  }
0xa7: {  	s28 =	simm.s32 $_size_execute0_lowered;
	s2 =	sadd.s32 s2, s4;
	[dreg:$0x0] =	wrdreg $0x0  }
0xa8: {  	s4 =	sshll.u32 s28, $0x1;
	[dreg:$0x2] =	wrdreg s2  }
0xa9: {  	[dreg:$0x3] =	wrdreg s4  }
0xaa: {  	[dreg:$0x4] =	wrdreg $0xC0  }
0xab: {  	_ =	task [dreg:s6], $0x5FFFF  }
0xac: {  	[dreg:$0x1] =	wrdreg $0xFFFFFFFF  }
0xad: {  	[dreg:$0x0] =	wrdreg $0x60  }
0xae: {  	[dreg:$0x2] =	wrdreg s24  }
0xaf: {  	[dreg:$0x3] =	wrdreg $0xA8000  }
0xb0: {  	[dreg:$0x4] =	wrdreg $0x9  }
0xb1: {  	_ =	task.clear_ibuf [dreg:s6], $0x5FFFF;
	_ =	strace $0x90000052  }
0xb2: {  	s29 =	simm.s32 $0x9;
	_ =	strace $0x80000054  }
0xb3: {  	_ =	swait.ge [sflag:s29], $0x1  }
0xb4: {  	[sflag:s29] =	ssyncadd.s32 $0xFFFFFFFF  }
0xb5: {  	_ =	strace $0x90000054  }
0xb6: {  	_ =	sfence  }
0xb7: {  	s30 =	sld [smem:$0x0];
	_ =	sdelay $0x2  }
0xb8: {  	s31 =	sshll.u32 s1, $0xD;
	s1 =	sshrl.u32 s1, $0x2  }
0xb9: {  	s3 =	sand.u32 $0x4000, s31;
	s1 =	sadd.s32 s1, s30  }
0xba: {  	s0 =	sor.u32 s3, s0;
	s1 =	sshll.u32 s1, $0x11  }
0xbb: {  	s0 =	sor.u32 s1, s0  }
0xbc: {  	s0 =	sadd.s32 $0x8F2B, s0  }
0xbd: {  	[sflag:s0] =	ssyncadd.remote.s32 $0x1  }
0xbe: {  	_ =	sfence.sel $0xFFFF  }
0xbf: {  	[dreg:$0x0] =	wrdreg $0xFFFFFFFF;
	(pc) =	sbr.abs _section_cstart, $3  }
0xc0: {  	[dreg:$0x1] =	wrdreg $0xFFFFFFFF  }
0xc1: {  	_ =	task.clear_ibuf [dreg:s6], $0x2FFFF;
	_ =	strace $0x9FFFFFFF  }
0xc2: {  	(tm) =	ssettm $0x7FFFFFFF  }
0xc3: {  	_ =	shalt  }
tec
execute0_lowered:
.L_overlay_start_1:
0x0: {  	(tag) =	ssettag $0x1  }
0x1: {  	s0 =	srdreg.scid;
	s5 =	rddreg [dreg:$0x0]  }
0x2: {  	s8 =	stileid.u32;
	s2 =	rddreg [dreg:$0x1]  }
0x3: {  	s3 =	simm.s32 $0x0;
	s14 =	simm.s32 $0x2800;
	s15 =	simm.s32 $0x6  }
0x4: {  	s17 =	simm.s32 $0x80;
	s18 =	simm.s32 $0x4800;
	s20 =	simm.s32 $0x6800  }
0x5: {  	s21 =	simm.s32 $0x180;
	s22 =	simm.s32 $0x8800;
	s23 =	simm.s32 $0x1  }
0x6: {  	s24 =	simm.s32 $0x5;
	s25 =	simm.s32 $0x2;
	s28 =	simm.s32 $0x4  }
0x7: {  	s29 =	simm.s32 $0x2600;
	s30 =	simm.s32 $0x2680;
	s31 =	simm.s32 $0x2700  }
0x8: {  	s0 =	sand.u32 $0x1, s0;
	s6 =	smul.u32 $0xA000, s8;
	[smem:$0x7FF] =	sst s3  }
0x9: {  	s4 =	sadd.s32 $0xB1400, s5;
	s1 =	sshll.u32 s0, $0x4;
	s7 =	smul.u32 $0xA0000, s0  }
0xa: {  	s0 =	ssub.s32 $0x2, s0;
	s1 =	sor.u32 s8, s1;
	s8 =	smul.u32 $0x28000, s8  }
0xb: {  	s9 =	sshrl.u32 s0, $0x1;
	s1 =	smul.u32 $0x280, s1;
	s7 =	sadd.s32 s6, s7  }
0xc: {  	_ =	strace $0x80000053;
	s0 =	ssub.s32 s0, s9;
	s7 =	sshrl.u32 s7, $0x3  }
0xd: {  	s8 =	sshrl.u32 s8, $0x2;
	s13 =	smax.u32 s0, $0x1;
	s1 =	sadd.s32 s1, s5  }
0xe: {  	s12 =	sadd.s32 s7, s5;
	s26 =	sadd.s32 s8, s2;
	s5 =	sadd.s32 s6, s2  }
0xf: {  	s6 =	sadd.s32 $0x2000, s26;
	s7 =	sadd.s32 $0x4000, s26;
	s8 =	sadd.s32 $0x6000, s26  }
0x10: {  	s9 =	sadd.s32 $0x8000, s26;
	s10 =	sadd.s32 $0xC400, s1;
	s11 =	sadd.s32 $0x7400, s1  }
0x11: {  	v0 =	vimm.f32 $0.0e+00;
	s12 =	sadd.s32 $0xC5400, s12;
	s26 =	simm.s32 $0x3;
	s1 =	simm.s32 $0x2780  }
.LBB2_1:
0x12: {  	s16 =	simm.s32 $0x100;
	s0 =	simm.s32 $0x0  }
.LBB2_2:
0x13: {  	p0 =	sne.s32 s16, $0x7F00;
	[tilespmem:s0+$0x2830] =	vst v0;
	s19 =	smov.u32 s16;
	s16 =	sadd.s32 $0x100, s16  }
.Ltmp0:
0x14: {  	[tilespmem:s0+$0x2820] =	vst v0;
	(pc) =	sbr.rel @p0 .LBB2_2-.Ltmp0, $3  }
0x15: {  	[tilespmem:s0+$0x2800] =	vst v0  }
0x16: {  	[tilespmem:s0+$0x2810] =	vst v0;
	_ =	sdelay $0x1  }
0x17: {  	s0 =	sshra.s32 s19, $0x2  }
0x18: {  	[tilespmem:s0+$0x2830] =	vst v0  }
0x19: {  	[tilespmem:s0+$0x2820] =	vst v0  }
0x1a: {  	[tilespmem:s0+$0x2800] =	vst v0  }
0x1b: {  	[tilespmem:s0+$0x2810] =	vst v0  }
0x1c: {  	[spmem:s5] =	stream.linear.scatter [tilespmem:s14], [sflag:$0x6], $0x2000, $0x38;
	[tilespmem:$0x14800] =	vst v63  }
0x1d: {  	_ =	swait.ge [sflag:s15], $0x2000  }
0x1e: {  	[sflag:s15] =	ssyncset.done $0x0  }
0x1f: {  	[sflag:s15] =	ssyncadd.s32 $0xFFFFE000  }
0x20: {  	[spmem:s6] =	stream.linear.scatter [tilespmem:s14], [sflag:$0x6], $0x2000, $0x38;
	[tilespmem:$0x14800] =	vst v63  }
0x21: {  	_ =	swait.ge [sflag:s15], $0x2000  }
0x22: {  	[sflag:s15] =	ssyncset.done $0x0  }
0x23: {  	[sflag:s15] =	ssyncadd.s32 $0xFFFFE000  }
0x24: {  	[spmem:s7] =	stream.linear.scatter [tilespmem:s14], [sflag:$0x6], $0x2000, $0x38;
	[tilespmem:$0x14800] =	vst v63  }
0x25: {  	_ =	swait.ge [sflag:s15], $0x2000  }
0x26: {  	[sflag:s15] =	ssyncset.done $0x0  }
0x27: {  	[sflag:s15] =	ssyncadd.s32 $0xFFFFE000  }
0x28: {  	[spmem:s8] =	stream.linear.scatter [tilespmem:s14], [sflag:$0x6], $0x2000, $0x38;
	[tilespmem:$0x14800] =	vst v63  }
0x29: {  	_ =	swait.ge [sflag:s15], $0x2000  }
0x2a: {  	[sflag:s15] =	ssyncset.done $0x0  }
0x2b: {  	[sflag:s15] =	ssyncadd.s32 $0xFFFFE000  }
0x2c: {  	[spmem:s9] =	stream.linear.scatter [tilespmem:s14], [sflag:$0x6], $0x2000, $0x38;
	[tilespmem:$0x14800] =	vst v63  }
0x2d: {  	_ =	swait.ge [sflag:s15], $0x2000  }
0x2e: {  	[sflag:s15] =	ssyncset.done $0x0  }
0x2f: {  	s19 =	simm.s32 $0x0;
	[sflag:s15] =	ssyncadd.s32 $0xFFFFE000  }
0x30: {  	[tilespmem:s19], [sflag:$0x6] =	stream.linear.gather [hbm4b:s10+s19], $0x1400, $0x38;
	[tilespmem:$0x14800] =	vst v63  }
0x31: {  	_ =	swait.ge [sflag:s15], $0x1400  }
0x32: {  	[sflag:s15] =	ssyncset.done $0x0  }
0x33: {  	s16 =	simm.s32 $0x1400;
	[sflag:s15] =	ssyncadd.s32 $0xFFFFEC00  }
0x34: {  	[tilespmem:s16], [sflag:$0x6] =	stream.linear.gather [hbm4b:s11+s19], $0x1400, $0x38;
	[tilespmem:$0x14800] =	vst v63  }
0x35: {  	_ =	swait.ge [sflag:s15], $0x1400  }
0x36: {  	[sflag:s15] =	ssyncset.done $0x0  }
0x37: {  	[sflag:s15] =	ssyncadd.s32 $0xFFFFEC00  }
0x38: {  	[bflag:$0x0] =	sbarrier.arrive $0xFFFF  }
0x39: {  	[tilespmem:s14], [sflag:$0x1] =	stream.indirect.gather [hbm4b:s4+s17], $0x40, s19, s17, $0xb8;
	[tilespmem:$0x14800] =	vst v63  }
0x3a: {  	_ = 	snop  }
0x3b: {  	[tilespmem:s18], [sflag:$0x2] =	stream.indirect.gather [hbm4b:s4+s17], $0x40, s17, s17, $0xb8;
	[tilespmem:$0x14800] =	vst v63  }
0x3c: {  	s16 =	simm.s32 $0x100  }
0x3d: {  	[tilespmem:s20], [sflag:$0x3] =	stream.indirect.gather [hbm4b:s4+s17], $0x40, s16, s17, $0xb8;
	[tilespmem:$0x14800] =	vst v63  }
0x3e: {  	_ = 	snop  }
0x3f: {  	[tilespmem:s22], [sflag:$0x4] =	stream.indirect.gather [hbm4b:s4+s17], $0x40, s21, s17, $0xb8;
	[tilespmem:$0x14800] =	vst v63  }
0x40: {  	_ =	swait.ge [sflag:s23], $0x2000  }
0x41: {  	[sflag:s23] =	ssyncset.done $0x0  }
0x42: {  	s19 =	simm.s32 $0x1400;
	[sflag:s23] =	ssyncadd.s32 $0xFFFFE000  }
0x43: {  	[spmem:s2] =	stream.indirect.scatter.add.f32 [tilespmem:s14], [sflag:$0x5], $0x40, s19, s17, $0xb8;
	[tilespmem:$0x14800] =	vst v63  }
0x44: {  	_ =	swait.ge [sflag:s24], $0x2000  }
0x45: {  	[sflag:s24] =	ssyncset.done $0x0  }
0x46: {  	s16 =	simm.s32 $0x200;
	[sflag:s24] =	ssyncadd.s32 $0xFFFFE000  }
0x47: {  	[tilespmem:s14], [sflag:$0x1] =	stream.indirect.gather [hbm4b:s4+s17], $0x40, s16, s17, $0xb8;
	[tilespmem:$0x14800] =	vst v63  }
0x48: {  	_ =	swait.ge [sflag:s25], $0x2000  }
0x49: {  	[sflag:s25] =	ssyncset.done $0x0  }
0x4a: {  	s19 =	simm.s32 $0x1480;
	[sflag:s25] =	ssyncadd.s32 $0xFFFFE000  }
0x4b: {  	[spmem:s2] =	stream.indirect.scatter.add.f32 [tilespmem:s18], [sflag:$0x5], $0x40, s19, s17, $0xb8;
	[tilespmem:$0x14800] =	vst v63  }
0x4c: {  	_ =	swait.ge [sflag:s24], $0x2000  }
0x4d: {  	[sflag:s24] =	ssyncset.done $0x0  }
0x4e: {  	s16 =	simm.s32 $0x280;
	[sflag:s24] =	ssyncadd.s32 $0xFFFFE000  }
0x4f: {  	[tilespmem:s18], [sflag:$0x2] =	stream.indirect.gather [hbm4b:s4+s17], $0x40, s16, s17, $0xb8;
	[tilespmem:$0x14800] =	vst v63  }
0x50: {  	_ =	swait.ge [sflag:s26], $0x2000  }
0x51: {  	[sflag:s26] =	ssyncset.done $0x0  }
0x52: {  	s19 =	simm.s32 $0x1500;
	[sflag:s26] =	ssyncadd.s32 $0xFFFFE000  }
0x53: {  	[spmem:s2] =	stream.indirect.scatter.add.f32 [tilespmem:s20], [sflag:$0x5], $0x40, s19, s17, $0xb8;
	[tilespmem:$0x14800] =	vst v63  }
0x54: {  	_ =	swait.ge [sflag:s24], $0x2000  }
0x55: {  	[sflag:s24] =	ssyncset.done $0x0  }
0x56: {  	s16 =	simm.s32 $0x300;
	[sflag:s24] =	ssyncadd.s32 $0xFFFFE000  }
0x57: {  	[tilespmem:s20], [sflag:$0x3] =	stream.indirect.gather [hbm4b:s4+s17], $0x40, s16, s17, $0xb8;
	[tilespmem:$0x14800] =	vst v63  }
0x58: {  	_ =	swait.ge [sflag:s28], $0x2000  }
0x59: {  	[sflag:s28] =	ssyncset.done $0x0  }
0x5a: {  	s19 =	simm.s32 $0x1580;
	[sflag:s28] =	ssyncadd.s32 $0xFFFFE000  }
0x5b: {  	[spmem:s2] =	stream.indirect.scatter.add.f32 [tilespmem:s22], [sflag:$0x5], $0x40, s19, s17, $0xb8;
	[tilespmem:$0x14800] =	vst v63  }
0x5c: {  	_ =	swait.ge [sflag:s24], $0x2000  }
0x5d: {  	[sflag:s24] =	ssyncset.done $0x0  }
0x5e: {  	s0 =	simm.s32 $0x800;
	s16 =	simm.s32 $0x380;
	[sflag:s24] =	ssyncadd.s32 $0xFFFFE000  }
.LBB2_4:
0x5f: {  	[tilespmem:s22], [sflag:$0x4] =	stream.indirect.gather [hbm4b:s4+s17], $0x40, s16, s17, $0xb8;
	[tilespmem:$0x14800] =	vst v63  }
0x60: {  	s16 =	smov.u32 s0  }
0x61: {  	p0 =	sne.s32 s0, $0x4000;
	s0 =	sadd.s32 $0x800, s0;
	_ =	swait.ge [sflag:s23], $0x2000  }
0x62: {  	s16 =	sshra.s32 s16, $0x2;
	[sflag:s23] =	ssyncset.done $0x0  }
0x63: {  	s19 =	sadd.s32 $0x1400, s16;
	[sflag:s23] =	ssyncadd.s32 $0xFFFFE000  }
0x64: {  	[spmem:s2] =	stream.indirect.scatter.add.f32 [tilespmem:s14], [sflag:$0x5], $0x40, s19, s17, $0xb8;
	[tilespmem:$0x14800] =	vst v63  }
0x65: {  	_ =	swait.ge [sflag:s24], $0x2000  }
0x66: {  	[sflag:s24] =	ssyncset.done $0x0  }
0x67: {  	s19 =	sadd.s32 $0x200, s16;
	[sflag:s24] =	ssyncadd.s32 $0xFFFFE000  }
0x68: {  	[tilespmem:s14], [sflag:$0x1] =	stream.indirect.gather [hbm4b:s4+s17], $0x40, s19, s17, $0xb8;
	[tilespmem:$0x14800] =	vst v63  }
0x69: {  	_ =	swait.ge [sflag:s25], $0x2000  }
0x6a: {  	[sflag:s25] =	ssyncset.done $0x0  }
0x6b: {  	s19 =	sadd.s32 $0x1480, s16;
	[sflag:s25] =	ssyncadd.s32 $0xFFFFE000  }
0x6c: {  	[spmem:s2] =	stream.indirect.scatter.add.f32 [tilespmem:s18], [sflag:$0x5], $0x40, s19, s17, $0xb8;
	[tilespmem:$0x14800] =	vst v63  }
0x6d: {  	_ =	swait.ge [sflag:s24], $0x2000  }
0x6e: {  	[sflag:s24] =	ssyncset.done $0x0  }
0x6f: {  	s19 =	sadd.s32 $0x280, s16;
	[sflag:s24] =	ssyncadd.s32 $0xFFFFE000  }
0x70: {  	[tilespmem:s18], [sflag:$0x2] =	stream.indirect.gather [hbm4b:s4+s17], $0x40, s19, s17, $0xb8;
	[tilespmem:$0x14800] =	vst v63  }
0x71: {  	_ =	swait.ge [sflag:s26], $0x2000  }
0x72: {  	[sflag:s26] =	ssyncset.done $0x0  }
0x73: {  	s19 =	sadd.s32 $0x1500, s16;
	[sflag:s26] =	ssyncadd.s32 $0xFFFFE000  }
0x74: {  	[spmem:s2] =	stream.indirect.scatter.add.f32 [tilespmem:s20], [sflag:$0x5], $0x40, s19, s17, $0xb8;
	[tilespmem:$0x14800] =	vst v63  }
0x75: {  	_ =	swait.ge [sflag:s24], $0x2000  }
0x76: {  	[sflag:s24] =	ssyncset.done $0x0  }
0x77: {  	s19 =	sadd.s32 $0x300, s16;
	[sflag:s24] =	ssyncadd.s32 $0xFFFFE000  }
0x78: {  	[tilespmem:s20], [sflag:$0x3] =	stream.indirect.gather [hbm4b:s4+s17], $0x40, s19, s17, $0xb8;
	[tilespmem:$0x14800] =	vst v63  }
0x79: {  	_ =	swait.ge [sflag:s28], $0x2000  }
0x7a: {  	[sflag:s28] =	ssyncset.done $0x0  }
.Ltmp1:
0x7b: {  	s19 =	sadd.s32 $0x1580, s16;
	[sflag:s28] =	ssyncadd.s32 $0xFFFFE000;
	(pc) =	sbr.rel @p0 .LBB2_4-.Ltmp1, $4  }
0x7c: {  	[spmem:s2] =	stream.indirect.scatter.add.f32 [tilespmem:s22], [sflag:$0x5], $0x40, s19, s17, $0xb8;
	[tilespmem:$0x14800] =	vst v63  }
0x7d: {  	_ =	swait.ge [sflag:s24], $0x2000  }
0x7e: {  	[sflag:s24] =	ssyncset.done $0x0  }
0x7f: {  	s16 =	sadd.s32 $0x380, s16;
	[sflag:s24] =	ssyncadd.s32 $0xFFFFE000  }
0x80: {  	[tilespmem:s22], [sflag:$0x4] =	stream.indirect.gather [hbm4b:s4+s17], $0x40, s16, s17, $0xb8;
	[tilespmem:$0x14800] =	vst v63  }
0x81: {  	_ =	swait.ge [sflag:s23], $0x2000  }
0x82: {  	[sflag:s23] =	ssyncset.done $0x0  }
0x83: {  	[sflag:s23] =	ssyncadd.s32 $0xFFFFE000  }
0x84: {  	[spmem:s2] =	stream.indirect.scatter.add.f32 [tilespmem:s14], [sflag:$0x5], $0x40, s29, s17, $0xb8;
	[tilespmem:$0x14800] =	vst v63  }
0x85: {  	_ =	swait.ge [sflag:s24], $0x2000  }
0x86: {  	[sflag:s24] =	ssyncset.done $0x0  }
0x87: {  	[sflag:s24] =	ssyncadd.s32 $0xFFFFE000  }
0x88: {  	_ =	swait.ge [sflag:s25], $0x2000  }
0x89: {  	[sflag:s25] =	ssyncset.done $0x0  }
0x8a: {  	[sflag:s25] =	ssyncadd.s32 $0xFFFFE000  }
0x8b: {  	[spmem:s2] =	stream.indirect.scatter.add.f32 [tilespmem:s18], [sflag:$0x5], $0x40, s30, s17, $0xb8;
	[tilespmem:$0x14800] =	vst v63  }
0x8c: {  	_ =	swait.ge [sflag:s24], $0x2000  }
0x8d: {  	[sflag:s24] =	ssyncset.done $0x0  }
0x8e: {  	[sflag:s24] =	ssyncadd.s32 $0xFFFFE000  }
0x8f: {  	_ =	swait.ge [sflag:s26], $0x2000  }
0x90: {  	[sflag:s26] =	ssyncset.done $0x0  }
0x91: {  	[sflag:s26] =	ssyncadd.s32 $0xFFFFE000  }
0x92: {  	[spmem:s2] =	stream.indirect.scatter.add.f32 [tilespmem:s20], [sflag:$0x5], $0x40, s31, s17, $0xb8;
	[tilespmem:$0x14800] =	vst v63  }
0x93: {  	_ =	swait.ge [sflag:s24], $0x2000  }
0x94: {  	[sflag:s24] =	ssyncset.done $0x0  }
0x95: {  	[sflag:s24] =	ssyncadd.s32 $0xFFFFE000  }
0x96: {  	_ =	swait.ge [sflag:s28], $0x2000  }
0x97: {  	[sflag:s28] =	ssyncset.done $0x0  }
0x98: {  	[sflag:s28] =	ssyncadd.s32 $0xFFFFE000  }
0x99: {  	[spmem:s2] =	stream.indirect.scatter.add.f32 [tilespmem:s22], [sflag:$0x5], $0x40, s1, s17, $0xb8;
	[tilespmem:$0x14800] =	vst v63  }
0x9a: {  	s0 =	stileid.u32;
	_ =	swait.ge [sflag:s24], $0x2000  }
0x9b: {  	s19 =	sshrl.u32 s5, $0x3;
	s3 =	sadd.s32 $0x1, s3;
	[sflag:s24] =	ssyncset.done $0x0  }
0x9c: {  	s0 =	sshll.u32 s0, $0x6;
	p0 =	sne.s32 s3, s13;
	[sflag:s24] =	ssyncadd.s32 $0xFFFFE000  }
.Ltmp2:
0x9d: {  	s0 =	sor.u32 $0x1C06, s0;
	[bflag:$0x0] =	sbarrier.arrive $0xFFFF;
	(pc) =	sbr.rel @p0 .LBB2_1-.Ltmp2, $4  }
0x9e: {  	[hbm:s12], [sflag:s0] =	dma.local [spmem:s19], $0x1400  }
0x9f: {  	_ =	swait.ge [sflag:s15], $0x1400  }
0xa0: {  	[sflag:s15] =	ssyncset.done $0x0  }
0xa1: {  	[sflag:s15] =	ssyncadd.s32 $0xFFFFEC00  }
0xa2: {  	_ =	sfence.sel $0x180000  }
0xa3: {  	[bflag:$0x0] =	sbarrier.arrive $0xFFFF  }
0xa4: {  	_ =	strace $0x90000053  }
0xa5: {  	s0 =	stileid.u32;
	[bflag:$0x2] =	sbarrier.arrive $0xFFFF  }
0xa6: {  	p0 =	sne.s32 s0, $0x0;
	s0 =	rddreg [dreg:$0x2]  }
0xa7: {  	s0 =	sadd.s32 @!p0 $0x100000, s0  }
0xa8: {  	[sflag:s0] =	ssyncadd.tile.s32 @!p0 $0x1;
	_ =	shalt  }
.Lfunc_end2:
_tile_overlayer_lowered:
.L_overlay_start_2:
0xa9: {  	(tag) =	ssettag $0x2  }
0xaa: {  	s0 =	rddreg [dreg:$0x0];
	s2 =	stileid.u32  }
0xab: {  	s1 =	rddreg [dreg:$0x1];
	p0 =	sne.s32 s2, $0x0  }
0xac: {  	s3 =	rddreg [dreg:$0x2];
	[bflag:$0x3] =	sbarrier.arrive $0xFFFF;
	s2 =	simm.s32 @!p0 $0x1C06  }
0xad: {  	[timem:s3], [sflag:s2] =	dma.local @!p0 [hbm:s0], s1  }
0xae: {  	s0 =	simm.s32 @!p0 $0x6  }
0xaf: {  	_ =	swait.ge @!p0 [sflag:s0], s1  }
0xb0: {  	s1 =	ssub.s32 @!p0 $0x0, s1;
	[sflag:s0] =	ssyncset.done @!p0 $0x0  }
0xb1: {  	[sflag:s0] =	ssyncadd.s32 @!p0 s1  }
0xb2: {  	[bflag:$0x3] =	sbarrier.arrive $0xFFFF  }
0xb3: {  	_ =	shalt  }

// kernel: kernel.31.cloned.1.call-start
scs
__scs_entry_jumppad:
0x0: {  	(pc) =	sbr.rel $0x88, $3  }
0x1: {  	(tag) =	ssettag $0x0;
	lr =	simm.s32 $0x1  }
0x2: {  	[smem:$0x3F91] =	sst lr;
	_ =	strace $0xD0000000  }
0x3: {  	_ = 	snop  }
0x4: {  	_ = 	snop  }
0x5: {  	_ = 	snop  }
0x6: {  	_ = 	snop  }
0x7: {  	_ = 	snop  }
__scs_overlays_trampoline_lowered:
0x8: {  	[smem:$0x3FA0] =	sst s0  }
0x9: {  	[smem:$0x3FA1] =	sst s1  }
0xa: {  	[smem:$0x3FA2] =	sst s2  }
0xb: {  	[smem:$0x3FA3] =	sst s3  }
0xc: {  	[smem:$0x3FA4] =	sst s4  }
0xd: {  	[smem:$0x3FA5] =	sst s5  }
0xe: {  	[smem:$0x3FA6] =	sst s6  }
0xf: {  	[smem:$0x3FA7] =	sst s7  }
0x10: {  	[smem:$0x3FA8] =	sst s8  }
0x11: {  	[smem:$0x3FA9] =	sst s9;
	s0 =	simm.s32 @!p0 $0x0  }
0x12: {  	s1 =	sld [smem:$0x3F8F];
	s0 =	simm.s32 @p0 $0x1  }
0x13: {  	[smem:$0x3FAA] =	sst s0;
	s0 =	simm.s32 @!p1 $0x0  }
0x14: {  	s2 =	sld [smem:$0x3F8E];
	s0 =	simm.s32 @p1 $0x1  }
0x15: {  	[smem:$0x3FAB] =	sst s0;
	s0 =	simm.s32 @!p2 $0x0  }
0x16: {  	s3 =	sld [smem:$0x3FDB];
	s0 =	simm.s32 @p2 $0x1  }
0x17: {  	s4 =	simm.s32 $0x1BF5;
	[smem:$0x3FAD] =	sst s0  }
0x18: {  	s0 =	sld [smem:$0x3F90];
	_ =	swait.ge [sflag:s4], $0x0  }
0x19: {  	s7 =	sld [smem:$0x3F91]  }
0x1a: {  	s8 =	sadd.s32 $0xFFFFE003, lr  }
0x1b: {  	s9 =	sadd.s32 $0xFFFFFEF7, lr;
	s5 =	simm.s32 $0xFFFFFFFF;
	p2 =	slt.u32 s8, $0xFFFFF086  }
0x1c: {  	p1 =	slt.u32 s9, $0xF7A;
	s5 =	simm.s32 @!p2 $0x0  }
0x1d: {  	s5 =	simm.s32 @p1 $0x1;
	p0 =	seq.s32 s7, s2  }
0x1e: {  	s7 =	smul.u32 @!p0 $0xF7A, s2;
	p2 =	seq.s32 @!p0 s5, $0x0  }
0x1f: {  	s9 =	smul.u32 $0xF7A, s1;
	s8 =	simm.s32 @!p0 $0x1BF5;
	p2 =	por !p2, p0  }
0x20: {  	[sflag:s8] =	ssyncset.s32 @!p0 $0xFFFFF086;
	s6 =	sadd.s32 @!p0 s3, s7;
	s7 =	simm.s32 @!p0 $0x108  }
0x21: {  	s3 =	sadd.s32 s3, s9;
	s6 =	sadd.s32 @!p0 $0x88, s6;
	s7 =	simm.s32 @p2 $0x1082  }
0x22: {  	[simem:s7], [sflag:s8] =	dma.local @!p0 [hbm:s6], $0xF7A  }
0x23: {  	s9 =	sor.u32 $0xD0000000, s2;
	s6 =	simm.s32 $0x108;
	_ =	swait.ge @!p0 [sflag:s8], $0x0  }
0x24: {  	s3 =	sadd.s32 $0x88, s3;
	s6 =	simm.s32 @!p1 $0x1082;
	[sflag:s4] =	ssyncset.s32 $0xFFFFF086  }
0x25: {  	[simem:s6], [sflag:s4] =	dma.local [hbm:s3], $0xF7A  }
0x26: {  	[smem:$0x3F91] =	sst s1;
	(tag) =	ssettag s2;
	_ =	strace s9  }
0x27: {  	s1 =	sld [smem:$0x3FA1]  }
0x28: {  	s2 =	sld [smem:$0x3FA2]  }
0x29: {  	s4 =	sld [smem:$0x3FA4]  }
0x2a: {  	p0 =	seq.s32 s5, $0x0;
	s5 =	sld [smem:$0x3FA5]  }
0x2b: {  	s6 =	sld [smem:$0x3FA6]  }
0x2c: {  	s7 =	sld [smem:$0x3FA7]  }
0x2d: {  	s3 =	simm.s32 $0x108;
	s8 =	sld [smem:$0x3FA8]  }
0x2e: {  	s3 =	simm.s32 @!p0 $0x1082;
	s9 =	sld [smem:$0x3FA9]  }
0x2f: {  	lr =	sadd.s32 s0, s3;
	s0 =	sld [smem:$0x3FA0]  }
0x30: {  	s3 =	sld [smem:$0x3FA3]  }
0x31: {  	[smem:$0x3FAC] =	sst s10  }
0x32: {  	s10 =	sld [smem:$0x3FAA];
	_ =	sdelay $0x3  }
0x33: {  	p0 =	seq.s32 s10, $0x1;
	s10 =	sld [smem:$0x3FAC];
	_ =	sdelay $0x3  }
0x34: {  	[smem:$0x3FAC] =	sst s10  }
0x35: {  	s10 =	sld [smem:$0x3FAB];
	_ =	sdelay $0x3  }
0x36: {  	p1 =	seq.s32 s10, $0x1;
	s10 =	sld [smem:$0x3FAC];
	_ =	sdelay $0x3  }
0x37: {  	[smem:$0x3FAC] =	sst s10  }
0x38: {  	s10 =	sld [smem:$0x3FAD]  }
0x39: {  	_ = 	snop;
	(pc) =	sbr.ind lr, $3  }
0x3a: {  	_ = 	snop  }
0x3b: {  	_ = 	snop  }
0x3c: {  	p2 =	seq.s32 s10, $0x1;
	s10 =	sld [smem:$0x3FAC]  }
0x3d: {  	_ =	shalt  }
0x3e: {  	_ =	shalt  }
0x3f: {  	_ =	shalt  }
0x40: {  	_ =	shalt  }
0x41: {  	_ =	shalt  }
0x42: {  	_ =	shalt  }
0x43: {  	_ =	shalt  }
0x44: {  	_ =	shalt  }
0x45: {  	_ =	shalt  }
0x46: {  	_ =	shalt  }
0x47: {  	_ =	shalt  }
0x48: {  	_ =	shalt  }
0x49: {  	_ =	shalt  }
0x4a: {  	_ =	shalt  }
0x4b: {  	_ =	shalt  }
0x4c: {  	_ =	shalt  }
0x4d: {  	_ =	shalt  }
0x4e: {  	_ =	shalt  }
0x4f: {  	_ =	shalt  }
0x50: {  	_ =	shalt  }
0x51: {  	_ =	shalt  }
0x52: {  	_ =	shalt  }
0x53: {  	_ =	shalt  }
0x54: {  	_ =	shalt  }
0x55: {  	_ =	shalt  }
0x56: {  	_ =	shalt  }
0x57: {  	_ =	shalt  }
0x58: {  	_ =	shalt  }
0x59: {  	_ =	shalt  }
0x5a: {  	_ =	shalt  }
0x5b: {  	_ =	shalt  }
0x5c: {  	_ =	shalt  }
0x5d: {  	_ =	shalt  }
0x5e: {  	_ =	shalt  }
0x5f: {  	_ =	shalt  }
0x60: {  	_ =	shalt  }
0x61: {  	_ =	shalt  }
0x62: {  	_ =	shalt  }
0x63: {  	_ =	shalt  }
0x64: {  	_ =	shalt  }
0x65: {  	_ =	shalt  }
0x66: {  	_ =	shalt  }
0x67: {  	_ =	shalt  }
0x68: {  	_ =	shalt  }
0x69: {  	_ =	shalt  }
0x6a: {  	_ =	shalt  }
0x6b: {  	_ =	shalt  }
0x6c: {  	_ =	shalt  }
0x6d: {  	_ =	shalt  }
0x6e: {  	_ =	shalt  }
0x6f: {  	_ =	shalt  }
0x70: {  	_ =	shalt  }
0x71: {  	_ =	shalt  }
0x72: {  	_ =	shalt  }
0x73: {  	_ =	shalt  }
0x74: {  	_ =	shalt  }
0x75: {  	_ =	shalt  }
0x76: {  	_ =	shalt  }
0x77: {  	_ =	shalt  }
0x78: {  	_ =	shalt  }
0x79: {  	_ =	shalt  }
0x7a: {  	_ =	shalt  }
0x7b: {  	_ =	shalt  }
0x7c: {  	_ =	shalt  }
0x7d: {  	_ =	shalt  }
0x7e: {  	_ =	shalt  }
0x7f: {  	_ =	shalt  }
0x80: {  	_ =	shalt  }
0x81: {  	_ =	shalt  }
0x82: {  	_ =	shalt  }
0x83: {  	_ =	shalt  }
0x84: {  	_ =	shalt  }
0x85: {  	_ =	shalt  }
0x86: {  	_ =	shalt  }
0x87: {  	_ =	shalt  }
.Lfunc_end0:
.L_simem_size_0:
called_computation.5_lowered:
.L_overlay_start_0:
0x88: {  	s2 =	sld [smem:$0x3FD9]  }
0x89: {  	s3 =	sld [smem:$0x3FFE];
	_ =	sdelay $0x1  }
0x8a: {  	s1 =	srdreg.scid  }
0x8b: {  	s0 =	sand.u32 $0x1, s1  }
0x8c: {  	s16 =	sshll.u32 s0, $0xA;
	s2 =	sadd.s32 s3, s2  }
0x8d: {  	s2 =	sadd.s32 s2, s16  }
0x8e: {  	[smem:$0x3FB8] =	sst s2  }
0x8f: {  	_ = 	snop  }
0x90: {  	(tm) =	ssettm $0x1  }
0x91: {  	s17 =	sld [smem:$0x3FFB];
	_ =	sdelay $0x3  }
0x92: {  	_ =	strace s17  }
0x93: {  	s2 =	sld [smem:$0x3FFC];
	_ =	sdelay $0x3  }
0x94: {  	_ =	strace s2  }
0x95: {  	s2 =	sld [smem:$0x3FFD];
	_ =	sdelay $0x3  }
0x96: {  	_ =	strace s2  }
0x97: {  	_ =	strace $0x8FFFFFFF  }
0x98: {  	s18 =	sld [smem:$0x3FDB];
	_ =	sdelay $0x1  }
0x99: {  	s19 =	simm.s32 $_scs_section_size  }
0x9a: {  	s4 =	simm.s32 $_size__tile_overlayer_lowered;
	s5 =	simm.s32 $_tile_overlayer_lowered  }
0x9b: {  	s22 =	simm.s32 $0x1BFF;
	s21 =	sshll.u32 s5, $0x1;
	s2 =	sadd.s32 s19, s18  }
0x9c: {  	s6 =	simm.s32 $0x0;
	s20 =	sshll.u32 s4, $0x1;
	s4 =	sadd.s32 s21, s2  }
0x9d: {  	[timem:s6], [sflag:s22] =	dma.local [hbm:s4], s20  }
0x9e: {  	_ =	swait.ge [sflag:s22], s20  }
0x9f: {  	s3 =	ssub.s32 $0x0, s20;
	[sflag:s22] =	ssyncset.done $0x0  }
0xa0: {  	[sflag:s22] =	ssyncadd.s32 s3;
	_ =	sdelay $0x1  }
0xa1: {  	s23 =	simm.s32 $0x1B8B  }
0xa2: {  	_ =	swait.ge [sflag:s23], $0x1  }
0xa3: {  	[sflag:s23] =	ssyncset.done $0x0  }
0xa4: {  	s25 =	simm.s32 $0x1B8E;
	s24 =	sld [smem:$0x3FFE];
	[sflag:s23] =	ssyncadd.s32 $0xFFFFFFFF  }
0xa5: {  	s26 =	simm.s32 $execute0_lowered;
	[smem:$0x3FD2] =	sst s25  }
0xa6: {  	s4 =	sshll.u32 s26, $0x1;
	_ =	strace $0x80000055;
	[dreg:$0x1] =	wrdreg $0xFFFFFFFF  }
0xa7: {  	s28 =	simm.s32 $_size_execute0_lowered;
	s2 =	sadd.s32 s2, s4;
	[dreg:$0x0] =	wrdreg $0x0  }
0xa8: {  	s4 =	sshll.u32 s28, $0x1;
	[dreg:$0x2] =	wrdreg s2  }
0xa9: {  	[dreg:$0x3] =	wrdreg s4  }
0xaa: {  	[dreg:$0x4] =	wrdreg $0xC0  }
0xab: {  	_ =	task [dreg:s6], $0x5FFFF  }
0xac: {  	[dreg:$0x1] =	wrdreg $0xFFFFFFFF  }
0xad: {  	[dreg:$0x0] =	wrdreg $0x60  }
0xae: {  	[dreg:$0x2] =	wrdreg s24  }
0xaf: {  	[dreg:$0x3] =	wrdreg $0xA8000  }
0xb0: {  	[dreg:$0x4] =	wrdreg $0x9  }
0xb1: {  	_ =	task.clear_ibuf [dreg:s6], $0x5FFFF;
	_ =	strace $0x90000055  }
0xb2: {  	s29 =	simm.s32 $0x9;
	_ =	strace $0x80000057  }
0xb3: {  	_ =	swait.ge [sflag:s29], $0x1  }
0xb4: {  	[sflag:s29] =	ssyncadd.s32 $0xFFFFFFFF  }
0xb5: {  	_ =	strace $0x90000057  }
0xb6: {  	_ =	sfence  }
0xb7: {  	s30 =	sld [smem:$0x0];
	_ =	sdelay $0x2  }
0xb8: {  	s31 =	sshll.u32 s1, $0xD;
	s1 =	sshrl.u32 s1, $0x2  }
0xb9: {  	s3 =	sand.u32 $0x4000, s31;
	s1 =	sadd.s32 s1, s30  }
0xba: {  	s0 =	sor.u32 s3, s0;
	s1 =	sshll.u32 s1, $0x11  }
0xbb: {  	s0 =	sor.u32 s1, s0  }
0xbc: {  	s0 =	sadd.s32 $0x8F2B, s0  }
0xbd: {  	[sflag:s0] =	ssyncadd.remote.s32 $0x1  }
0xbe: {  	_ =	sfence.sel $0xFFFF  }
0xbf: {  	[dreg:$0x0] =	wrdreg $0xFFFFFFFF;
	(pc) =	sbr.abs _section_cstart, $3  }
0xc0: {  	[dreg:$0x1] =	wrdreg $0xFFFFFFFF  }
0xc1: {  	_ =	task.clear_ibuf [dreg:s6], $0x2FFFF;
	_ =	strace $0x9FFFFFFF  }
0xc2: {  	(tm) =	ssettm $0x7FFFFFFF  }
0xc3: {  	_ =	shalt  }
tec
execute0_lowered:
.L_overlay_start_1:
0x0: {  	(tag) =	ssettag $0x1  }
0x1: {  	s5 =	rddreg [dreg:$0x0]  }
0x2: {  	s2 =	rddreg [dreg:$0x1];
	s3 =	srdreg.scid  }
0x3: {  	s0 =	rddreg [dreg:$0x2];
	s1 =	stileid.u32  }
0x4: {  	s14 =	simm.s32 $0x2800;
	s15 =	simm.s32 $0x4;
	s16 =	simm.s32 $0x1400  }
0x5: {  	s17 =	simm.s32 $0x80;
	s18 =	simm.s32 $0x6800;
	s19 =	simm.s32 $0x1  }
0x6: {  	s20 =	simm.s32 $0x3;
	s21 =	simm.s32 $0x2;
	s22 =	simm.s32 $0x2700  }
0x7: {  	s23 =	simm.s32 $0x2780;
	s6 =	sand.u32 $0x1, s3;
	s7 =	smul.u32 $0x14000, s1  }
0x8: {  	s3 =	simm.s32 $0x0;
	s10 =	smul.u32 $0x50000, s1;
	s4 =	sshll.u32 s6, $0x4  }
0x9: {  	[smem:$0x7FF] =	sst s3;
	s8 =	smul.u32 $0x140000, s6;
	s6 =	ssub.s32 $0x2, s6  }
0xa: {  	s4 =	sor.u32 s1, s4;
	_ =	strace $0x80000056;
	s29 =	sshrl.u32 s6, $0x1  }
0xb: {  	s30 =	sshrl.u32 s10, $0x2;
	s9 =	smul.u32 $0x280, s4;
	s4 =	sadd.s32 $0x11400, s5  }
0xc: {  	s8 =	sadd.s32 s7, s8;
	s13 =	ssub.s32 s6, s29;
	s31 =	sadd.s32 s30, s2  }
0xd: {  	s8 =	sshrl.u32 s8, $0x3;
	s6 =	sadd.s32 $0x4000, s31;
	s13 =	smax.u32 s13, $0x1  }
0xe: {  	s11 =	sadd.s32 s9, s5;
	s12 =	sadd.s32 s8, s5;
	s5 =	sadd.s32 s7, s2  }
0xf: {  	s7 =	sadd.s32 $0x8000, s31;
	s8 =	sadd.s32 $0xC000, s31;
	s9 =	sadd.s32 $0x10000, s31  }
0x10: {  	v0 =	vimm.f32 $0.0e+00;
	s10 =	sadd.s32 $0xC400, s11;
	s11 =	sadd.s32 $0x7400, s11;
	s12 =	sadd.s32 $0x89400, s12  }
.LBB2_1:
0x11: {  	s24 =	simm.s32 $0x0;
	s25 =	simm.s32 $0x200  }
.LBB2_2:
0x12: {  	p0 =	sne.s32 s25, $0xFE00;
	[tilespmem:s24+$0x2870] =	vst v0  }
0x13: {  	[tilespmem:s24+$0x2800] =	vst v0  }
0x14: {  	[tilespmem:s24+$0x2810] =	vst v0  }
.Ltmp0:
0x15: {  	[tilespmem:s24+$0x2820] =	vst v0;
	(pc) =	sbr.rel @p0 .LBB2_2-.Ltmp0, $4  }
0x16: {  	[tilespmem:s24+$0x2830] =	vst v0  }
0x17: {  	[tilespmem:s24+$0x2840] =	vst v0  }
0x18: {  	[tilespmem:s24+$0x2850] =	vst v0  }
0x19: {  	[tilespmem:s24+$0x2860] =	vst v0;
	s24 =	sshra.s32 s25, $0x2;
	s25 =	sadd.s32 $0x200, s25  }
0x1a: {  	[tilespmem:s24+$0x2870] =	vst v0  }
0x1b: {  	[tilespmem:s24+$0x2800] =	vst v0  }
0x1c: {  	[tilespmem:s24+$0x2810] =	vst v0  }
0x1d: {  	[tilespmem:s24+$0x2820] =	vst v0  }
0x1e: {  	[tilespmem:s24+$0x2830] =	vst v0  }
0x1f: {  	[tilespmem:s24+$0x2840] =	vst v0  }
0x20: {  	[tilespmem:s24+$0x2850] =	vst v0  }
0x21: {  	[tilespmem:s24+$0x2860] =	vst v0  }
0x22: {  	[spmem:s5] =	stream.linear.scatter [tilespmem:s14], [sflag:$0x4], $0x4000, $0x38;
	[tilespmem:$0x1E800] =	vst v63  }
0x23: {  	_ =	swait.ge [sflag:s15], $0x4000  }
0x24: {  	[sflag:s15] =	ssyncset.done $0x0  }
0x25: {  	[sflag:s15] =	ssyncadd.s32 $0xFFFFC000  }
0x26: {  	[spmem:s6] =	stream.linear.scatter [tilespmem:s14], [sflag:$0x4], $0x4000, $0x38;
	[tilespmem:$0x1E800] =	vst v63  }
0x27: {  	_ =	swait.ge [sflag:s15], $0x4000  }
0x28: {  	[sflag:s15] =	ssyncset.done $0x0  }
0x29: {  	[sflag:s15] =	ssyncadd.s32 $0xFFFFC000  }
0x2a: {  	[spmem:s7] =	stream.linear.scatter [tilespmem:s14], [sflag:$0x4], $0x4000, $0x38;
	[tilespmem:$0x1E800] =	vst v63  }
0x2b: {  	_ =	swait.ge [sflag:s15], $0x4000  }
0x2c: {  	[sflag:s15] =	ssyncset.done $0x0  }
0x2d: {  	[sflag:s15] =	ssyncadd.s32 $0xFFFFC000  }
0x2e: {  	[spmem:s8] =	stream.linear.scatter [tilespmem:s14], [sflag:$0x4], $0x4000, $0x38;
	[tilespmem:$0x1E800] =	vst v63  }
0x2f: {  	_ =	swait.ge [sflag:s15], $0x4000  }
0x30: {  	[sflag:s15] =	ssyncset.done $0x0  }
0x31: {  	[sflag:s15] =	ssyncadd.s32 $0xFFFFC000  }
0x32: {  	[spmem:s9] =	stream.linear.scatter [tilespmem:s14], [sflag:$0x4], $0x4000, $0x38;
	[tilespmem:$0x1E800] =	vst v63  }
0x33: {  	_ =	swait.ge [sflag:s15], $0x4000  }
0x34: {  	[sflag:s15] =	ssyncset.done $0x0  }
0x35: {  	s28 =	simm.s32 $0x0;
	[sflag:s15] =	ssyncadd.s32 $0xFFFFC000  }
0x36: {  	[tilespmem:s28], [sflag:$0x4] =	stream.linear.gather [hbm4b:s10+s28], $0x1400, $0x38;
	[tilespmem:$0x1E800] =	vst v63  }
0x37: {  	_ =	swait.ge [sflag:s15], $0x1400  }
0x38: {  	[sflag:s15] =	ssyncset.done $0x0  }
0x39: {  	[sflag:s15] =	ssyncadd.s32 $0xFFFFEC00  }
0x3a: {  	[tilespmem:s16], [sflag:$0x4] =	stream.linear.gather [hbm4b:s11+s28], $0x1400, $0x38;
	[tilespmem:$0x1E800] =	vst v63  }
0x3b: {  	_ =	swait.ge [sflag:s15], $0x1400  }
0x3c: {  	[sflag:s15] =	ssyncset.done $0x0  }
0x3d: {  	[sflag:s15] =	ssyncadd.s32 $0xFFFFEC00  }
0x3e: {  	[bflag:$0x0] =	sbarrier.arrive $0xFFFF  }
0x3f: {  	[tilespmem:s14], [sflag:$0x1] =	stream.indirect.gather [hbm4b:s4+s17], $0x80, s28, s17, $0xb8;
	[tilespmem:$0x1E800] =	vst v63  }
0x40: {  	_ = 	snop  }
0x41: {  	[tilespmem:s18], [sflag:$0x2] =	stream.indirect.gather [hbm4b:s4+s17], $0x80, s17, s17, $0xb8;
	[tilespmem:$0x1E800] =	vst v63  }
0x42: {  	_ =	swait.ge [sflag:s19], $0x4000  }
0x43: {  	[sflag:s19] =	ssyncset.done $0x0  }
0x44: {  	s29 =	simm.s32 $0x1400;
	[sflag:s19] =	ssyncadd.s32 $0xFFFFC000  }
0x45: {  	[spmem:s2] =	stream.indirect.scatter.add.f32 [tilespmem:s14], [sflag:$0x3], $0x80, s29, s17, $0xb8;
	[tilespmem:$0x1E800] =	vst v63  }
0x46: {  	_ =	swait.ge [sflag:s20], $0x4000  }
0x47: {  	[sflag:s20] =	ssyncset.done $0x0  }
0x48: {  	s30 =	simm.s32 $0x100;
	[sflag:s20] =	ssyncadd.s32 $0xFFFFC000  }
0x49: {  	[tilespmem:s14], [sflag:$0x1] =	stream.indirect.gather [hbm4b:s4+s17], $0x80, s30, s17, $0xb8;
	[tilespmem:$0x1E800] =	vst v63  }
0x4a: {  	_ =	swait.ge [sflag:s21], $0x4000  }
0x4b: {  	[sflag:s21] =	ssyncset.done $0x0  }
0x4c: {  	s31 =	simm.s32 $0x1480;
	[sflag:s21] =	ssyncadd.s32 $0xFFFFC000  }
0x4d: {  	[spmem:s2] =	stream.indirect.scatter.add.f32 [tilespmem:s18], [sflag:$0x3], $0x80, s31, s17, $0xb8;
	[tilespmem:$0x1E800] =	vst v63  }
0x4e: {  	_ =	swait.ge [sflag:s20], $0x4000  }
0x4f: {  	[sflag:s20] =	ssyncset.done $0x0  }
0x50: {  	s24 =	simm.s32 $0x400;
	s25 =	simm.s32 $0x180;
	[sflag:s20] =	ssyncadd.s32 $0xFFFFC000  }
.LBB2_4:
0x51: {  	[tilespmem:s18], [sflag:$0x2] =	stream.indirect.gather [hbm4b:s4+s17], $0x80, s25, s17, $0xb8;
	[tilespmem:$0x1E800] =	vst v63  }
0x52: {  	s25 =	smov.u32 s24  }
0x53: {  	p0 =	sne.s32 s24, $0x4800;
	s24 =	sadd.s32 $0x400, s24;
	_ =	swait.ge [sflag:s19], $0x4000  }
0x54: {  	s25 =	sshra.s32 s25, $0x2;
	[sflag:s19] =	ssyncset.done $0x0  }
0x55: {  	s26 =	sadd.s32 $0x1400, s25;
	[sflag:s19] =	ssyncadd.s32 $0xFFFFC000  }
0x56: {  	[spmem:s2] =	stream.indirect.scatter.add.f32 [tilespmem:s14], [sflag:$0x3], $0x80, s26, s17, $0xb8;
	[tilespmem:$0x1E800] =	vst v63  }
0x57: {  	_ =	swait.ge [sflag:s20], $0x4000  }
0x58: {  	[sflag:s20] =	ssyncset.done $0x0  }
0x59: {  	s26 =	sadd.s32 $0x100, s25;
	[sflag:s20] =	ssyncadd.s32 $0xFFFFC000  }
0x5a: {  	[tilespmem:s14], [sflag:$0x1] =	stream.indirect.gather [hbm4b:s4+s17], $0x80, s26, s17, $0xb8;
	[tilespmem:$0x1E800] =	vst v63  }
0x5b: {  	_ =	swait.ge [sflag:s21], $0x4000  }
0x5c: {  	[sflag:s21] =	ssyncset.done $0x0  }
.Ltmp1:
0x5d: {  	s26 =	sadd.s32 $0x1480, s25;
	[sflag:s21] =	ssyncadd.s32 $0xFFFFC000;
	(pc) =	sbr.rel @p0 .LBB2_4-.Ltmp1, $4  }
0x5e: {  	[spmem:s2] =	stream.indirect.scatter.add.f32 [tilespmem:s18], [sflag:$0x3], $0x80, s26, s17, $0xb8;
	[tilespmem:$0x1E800] =	vst v63  }
0x5f: {  	_ =	swait.ge [sflag:s20], $0x4000  }
0x60: {  	[sflag:s20] =	ssyncset.done $0x0  }
0x61: {  	s25 =	sadd.s32 $0x180, s25;
	[sflag:s20] =	ssyncadd.s32 $0xFFFFC000  }
0x62: {  	[tilespmem:s18], [sflag:$0x2] =	stream.indirect.gather [hbm4b:s4+s17], $0x80, s25, s17, $0xb8;
	[tilespmem:$0x1E800] =	vst v63  }
0x63: {  	_ =	swait.ge [sflag:s19], $0x4000  }
0x64: {  	[sflag:s19] =	ssyncset.done $0x0  }
0x65: {  	[sflag:s19] =	ssyncadd.s32 $0xFFFFC000  }
0x66: {  	[spmem:s2] =	stream.indirect.scatter.add.f32 [tilespmem:s14], [sflag:$0x3], $0x80, s22, s17, $0xb8;
	[tilespmem:$0x1E800] =	vst v63  }
0x67: {  	_ =	swait.ge [sflag:s20], $0x4000  }
0x68: {  	[sflag:s20] =	ssyncset.done $0x0  }
0x69: {  	[sflag:s20] =	ssyncadd.s32 $0xFFFFC000  }
0x6a: {  	_ =	swait.ge [sflag:s21], $0x4000  }
0x6b: {  	[sflag:s21] =	ssyncset.done $0x0  }
0x6c: {  	[sflag:s21] =	ssyncadd.s32 $0xFFFFC000  }
0x6d: {  	[spmem:s2] =	stream.indirect.scatter.add.f32 [tilespmem:s18], [sflag:$0x3], $0x80, s23, s17, $0xb8;
	[tilespmem:$0x1E800] =	vst v63  }
0x6e: {  	_ =	swait.ge [sflag:s20], $0x4000  }
0x6f: {  	s24 =	sshll.u32 s1, $0x6;
	s3 =	sadd.s32 $0x1, s3;
	[sflag:s20] =	ssyncset.done $0x0  }
0x70: {  	s31 =	sshrl.u32 s5, $0x3;
	p0 =	sne.s32 s3, s13;
	[sflag:s20] =	ssyncadd.s32 $0xFFFFC000  }
.Ltmp2:
0x71: {  	s24 =	sor.u32 $0x1C04, s24;
	[bflag:$0x0] =	sbarrier.arrive $0xFFFF;
	(pc) =	sbr.rel @p0 .LBB2_1-.Ltmp2, $4  }
0x72: {  	[hbm:s12], [sflag:s24] =	dma.local [spmem:s31], $0x2800  }
0x73: {  	_ =	swait.ge [sflag:s15], $0x2800  }
0x74: {  	[sflag:s15] =	ssyncset.done $0x0  }
0x75: {  	[sflag:s15] =	ssyncadd.s32 $0xFFFFD800  }
0x76: {  	_ =	sfence.sel $0x180000  }
0x77: {  	[bflag:$0x0] =	sbarrier.arrive $0xFFFF  }
0x78: {  	p0 =	sne.s32 s1, $0x0;
	_ =	strace $0x90000056  }
0x79: {  	s0 =	sadd.s32 @!p0 $0x100000, s0;
	[bflag:$0x2] =	sbarrier.arrive $0xFFFF  }
0x7a: {  	[sflag:s0] =	ssyncadd.tile.s32 @!p0 $0x1;
	_ =	shalt  }
.Lfunc_end2:
_tile_overlayer_lowered:
.L_overlay_start_2:
0x7b: {  	(tag) =	ssettag $0x2  }
0x7c: {  	s0 =	rddreg [dreg:$0x0];
	s2 =	stileid.u32  }
0x7d: {  	s1 =	rddreg [dreg:$0x1];
	p0 =	sne.s32 s2, $0x0  }
0x7e: {  	s3 =	rddreg [dreg:$0x2];
	[bflag:$0x3] =	sbarrier.arrive $0xFFFF;
	s2 =	simm.s32 @!p0 $0x1C04  }
0x7f: {  	[timem:s3], [sflag:s2] =	dma.local @!p0 [hbm:s0], s1  }
0x80: {  	s0 =	simm.s32 @!p0 $0x4  }
0x81: {  	_ =	swait.ge @!p0 [sflag:s0], s1  }
0x82: {  	s1 =	ssub.s32 @!p0 $0x0, s1;
	[sflag:s0] =	ssyncset.done @!p0 $0x0  }
0x83: {  	[sflag:s0] =	ssyncadd.s32 @!p0 s1  }
0x84: {  	[bflag:$0x3] =	sbarrier.arrive $0xFFFF  }
0x85: {  	_ =	shalt  }

// kernel: kernel.34.cloned.1.call-start
scs
__scs_entry_jumppad:
0x0: {  	(pc) =	sbr.rel $0x88, $3  }
0x1: {  	(tag) =	ssettag $0x0;
	lr =	simm.s32 $0x1  }
0x2: {  	[smem:$0x3F91] =	sst lr;
	_ =	strace $0xD0000000  }
0x3: {  	_ = 	snop  }
0x4: {  	_ = 	snop  }
0x5: {  	_ = 	snop  }
0x6: {  	_ = 	snop  }
0x7: {  	_ = 	snop  }
__scs_overlays_trampoline_lowered:
0x8: {  	[smem:$0x3FA0] =	sst s0  }
0x9: {  	[smem:$0x3FA1] =	sst s1  }
0xa: {  	[smem:$0x3FA2] =	sst s2  }
0xb: {  	[smem:$0x3FA3] =	sst s3  }
0xc: {  	[smem:$0x3FA4] =	sst s4  }
0xd: {  	[smem:$0x3FA5] =	sst s5  }
0xe: {  	[smem:$0x3FA6] =	sst s6  }
0xf: {  	[smem:$0x3FA7] =	sst s7  }
0x10: {  	[smem:$0x3FA8] =	sst s8  }
0x11: {  	[smem:$0x3FA9] =	sst s9;
	s0 =	simm.s32 @!p0 $0x0  }
0x12: {  	s1 =	sld [smem:$0x3F8F];
	s0 =	simm.s32 @p0 $0x1  }
0x13: {  	[smem:$0x3FAA] =	sst s0;
	s0 =	simm.s32 @!p1 $0x0  }
0x14: {  	s2 =	sld [smem:$0x3F8E];
	s0 =	simm.s32 @p1 $0x1  }
0x15: {  	[smem:$0x3FAB] =	sst s0;
	s0 =	simm.s32 @!p2 $0x0  }
0x16: {  	s3 =	sld [smem:$0x3FDB];
	s0 =	simm.s32 @p2 $0x1  }
0x17: {  	s4 =	simm.s32 $0x1BF5;
	[smem:$0x3FAD] =	sst s0  }
0x18: {  	s0 =	sld [smem:$0x3F90];
	_ =	swait.ge [sflag:s4], $0x0  }
0x19: {  	s7 =	sld [smem:$0x3F91]  }
0x1a: {  	s8 =	sadd.s32 $0xFFFFE003, lr  }
0x1b: {  	s9 =	sadd.s32 $0xFFFFFEF7, lr;
	s5 =	simm.s32 $0xFFFFFFFF;
	p2 =	slt.u32 s8, $0xFFFFF086  }
0x1c: {  	p1 =	slt.u32 s9, $0xF7A;
	s5 =	simm.s32 @!p2 $0x0  }
0x1d: {  	s5 =	simm.s32 @p1 $0x1;
	p0 =	seq.s32 s7, s2  }
0x1e: {  	s7 =	smul.u32 @!p0 $0xF7A, s2;
	p2 =	seq.s32 @!p0 s5, $0x0  }
0x1f: {  	s9 =	smul.u32 $0xF7A, s1;
	s8 =	simm.s32 @!p0 $0x1BF5;
	p2 =	por !p2, p0  }
0x20: {  	[sflag:s8] =	ssyncset.s32 @!p0 $0xFFFFF086;
	s6 =	sadd.s32 @!p0 s3, s7;
	s7 =	simm.s32 @!p0 $0x108  }
0x21: {  	s3 =	sadd.s32 s3, s9;
	s6 =	sadd.s32 @!p0 $0x88, s6;
	s7 =	simm.s32 @p2 $0x1082  }
0x22: {  	[simem:s7], [sflag:s8] =	dma.local @!p0 [hbm:s6], $0xF7A  }
0x23: {  	s9 =	sor.u32 $0xD0000000, s2;
	s6 =	simm.s32 $0x108;
	_ =	swait.ge @!p0 [sflag:s8], $0x0  }
0x24: {  	s3 =	sadd.s32 $0x88, s3;
	s6 =	simm.s32 @!p1 $0x1082;
	[sflag:s4] =	ssyncset.s32 $0xFFFFF086  }
0x25: {  	[simem:s6], [sflag:s4] =	dma.local [hbm:s3], $0xF7A  }
0x26: {  	[smem:$0x3F91] =	sst s1;
	(tag) =	ssettag s2;
	_ =	strace s9  }
0x27: {  	s1 =	sld [smem:$0x3FA1]  }
0x28: {  	s2 =	sld [smem:$0x3FA2]  }
0x29: {  	s4 =	sld [smem:$0x3FA4]  }
0x2a: {  	p0 =	seq.s32 s5, $0x0;
	s5 =	sld [smem:$0x3FA5]  }
0x2b: {  	s6 =	sld [smem:$0x3FA6]  }
0x2c: {  	s7 =	sld [smem:$0x3FA7]  }
0x2d: {  	s3 =	simm.s32 $0x108;
	s8 =	sld [smem:$0x3FA8]  }
0x2e: {  	s3 =	simm.s32 @!p0 $0x1082;
	s9 =	sld [smem:$0x3FA9]  }
0x2f: {  	lr =	sadd.s32 s0, s3;
	s0 =	sld [smem:$0x3FA0]  }
0x30: {  	s3 =	sld [smem:$0x3FA3]  }
0x31: {  	[smem:$0x3FAC] =	sst s10  }
0x32: {  	s10 =	sld [smem:$0x3FAA];
	_ =	sdelay $0x3  }
0x33: {  	p0 =	seq.s32 s10, $0x1;
	s10 =	sld [smem:$0x3FAC];
	_ =	sdelay $0x3  }
0x34: {  	[smem:$0x3FAC] =	sst s10  }
0x35: {  	s10 =	sld [smem:$0x3FAB];
	_ =	sdelay $0x3  }
0x36: {  	p1 =	seq.s32 s10, $0x1;
	s10 =	sld [smem:$0x3FAC];
	_ =	sdelay $0x3  }
0x37: {  	[smem:$0x3FAC] =	sst s10  }
0x38: {  	s10 =	sld [smem:$0x3FAD]  }
0x39: {  	_ = 	snop;
	(pc) =	sbr.ind lr, $3  }
0x3a: {  	_ = 	snop  }
0x3b: {  	_ = 	snop  }
0x3c: {  	p2 =	seq.s32 s10, $0x1;
	s10 =	sld [smem:$0x3FAC]  }
0x3d: {  	_ =	shalt  }
0x3e: {  	_ =	shalt  }
0x3f: {  	_ =	shalt  }
0x40: {  	_ =	shalt  }
0x41: {  	_ =	shalt  }
0x42: {  	_ =	shalt  }
0x43: {  	_ =	shalt  }
0x44: {  	_ =	shalt  }
0x45: {  	_ =	shalt  }
0x46: {  	_ =	shalt  }
0x47: {  	_ =	shalt  }
0x48: {  	_ =	shalt  }
0x49: {  	_ =	shalt  }
0x4a: {  	_ =	shalt  }
0x4b: {  	_ =	shalt  }
0x4c: {  	_ =	shalt  }
0x4d: {  	_ =	shalt  }
0x4e: {  	_ =	shalt  }
0x4f: {  	_ =	shalt  }
0x50: {  	_ =	shalt  }
0x51: {  	_ =	shalt  }
0x52: {  	_ =	shalt  }
0x53: {  	_ =	shalt  }
0x54: {  	_ =	shalt  }
0x55: {  	_ =	shalt  }
0x56: {  	_ =	shalt  }
0x57: {  	_ =	shalt  }
0x58: {  	_ =	shalt  }
0x59: {  	_ =	shalt  }
0x5a: {  	_ =	shalt  }
0x5b: {  	_ =	shalt  }
0x5c: {  	_ =	shalt  }
0x5d: {  	_ =	shalt  }
0x5e: {  	_ =	shalt  }
0x5f: {  	_ =	shalt  }
0x60: {  	_ =	shalt  }
0x61: {  	_ =	shalt  }
0x62: {  	_ =	shalt  }
0x63: {  	_ =	shalt  }
0x64: {  	_ =	shalt  }
0x65: {  	_ =	shalt  }
0x66: {  	_ =	shalt  }
0x67: {  	_ =	shalt  }
0x68: {  	_ =	shalt  }
0x69: {  	_ =	shalt  }
0x6a: {  	_ =	shalt  }
0x6b: {  	_ =	shalt  }
0x6c: {  	_ =	shalt  }
0x6d: {  	_ =	shalt  }
0x6e: {  	_ =	shalt  }
0x6f: {  	_ =	shalt  }
0x70: {  	_ =	shalt  }
0x71: {  	_ =	shalt  }
0x72: {  	_ =	shalt  }
0x73: {  	_ =	shalt  }
0x74: {  	_ =	shalt  }
0x75: {  	_ =	shalt  }
0x76: {  	_ =	shalt  }
0x77: {  	_ =	shalt  }
0x78: {  	_ =	shalt  }
0x79: {  	_ =	shalt  }
0x7a: {  	_ =	shalt  }
0x7b: {  	_ =	shalt  }
0x7c: {  	_ =	shalt  }
0x7d: {  	_ =	shalt  }
0x7e: {  	_ =	shalt  }
0x7f: {  	_ =	shalt  }
0x80: {  	_ =	shalt  }
0x81: {  	_ =	shalt  }
0x82: {  	_ =	shalt  }
0x83: {  	_ =	shalt  }
0x84: {  	_ =	shalt  }
0x85: {  	_ =	shalt  }
0x86: {  	_ =	shalt  }
0x87: {  	_ =	shalt  }
.Lfunc_end0:
.L_simem_size_0:
called_computation.6_lowered:
.L_overlay_start_0:
0x88: {  	s2 =	sld [smem:$0x3FD9]  }
0x89: {  	s3 =	sld [smem:$0x3FFE];
	_ =	sdelay $0x1  }
0x8a: {  	s1 =	srdreg.scid  }
0x8b: {  	s0 =	sand.u32 $0x1, s1  }
0x8c: {  	s16 =	sshll.u32 s0, $0xA;
	s2 =	sadd.s32 s3, s2  }
0x8d: {  	s2 =	sadd.s32 s2, s16  }
0x8e: {  	[smem:$0x3FB8] =	sst s2  }
0x8f: {  	_ = 	snop  }
0x90: {  	(tm) =	ssettm $0x1  }
0x91: {  	s17 =	sld [smem:$0x3FFB];
	_ =	sdelay $0x3  }
0x92: {  	_ =	strace s17  }
0x93: {  	s2 =	sld [smem:$0x3FFC];
	_ =	sdelay $0x3  }
0x94: {  	_ =	strace s2  }
0x95: {  	s2 =	sld [smem:$0x3FFD];
	_ =	sdelay $0x3  }
0x96: {  	_ =	strace s2  }
0x97: {  	_ =	strace $0x8FFFFFFF  }
0x98: {  	s18 =	sld [smem:$0x3FDB];
	_ =	sdelay $0x1  }
0x99: {  	s19 =	simm.s32 $_scs_section_size  }
0x9a: {  	s4 =	simm.s32 $_size__tile_overlayer_lowered;
	s5 =	simm.s32 $_tile_overlayer_lowered  }
0x9b: {  	s22 =	simm.s32 $0x1BFF;
	s21 =	sshll.u32 s5, $0x1;
	s2 =	sadd.s32 s19, s18  }
0x9c: {  	s6 =	simm.s32 $0x0;
	s20 =	sshll.u32 s4, $0x1;
	s4 =	sadd.s32 s21, s2  }
0x9d: {  	[timem:s6], [sflag:s22] =	dma.local [hbm:s4], s20  }
0x9e: {  	_ =	swait.ge [sflag:s22], s20  }
0x9f: {  	s3 =	ssub.s32 $0x0, s20;
	[sflag:s22] =	ssyncset.done $0x0  }
0xa0: {  	[sflag:s22] =	ssyncadd.s32 s3;
	_ =	sdelay $0x1  }
0xa1: {  	s23 =	simm.s32 $0x1B8B  }
0xa2: {  	_ =	swait.ge [sflag:s23], $0x1  }
0xa3: {  	[sflag:s23] =	ssyncset.done $0x0  }
0xa4: {  	s25 =	simm.s32 $0x1B8E;
	s24 =	sld [smem:$0x3FFE];
	[sflag:s23] =	ssyncadd.s32 $0xFFFFFFFF  }
0xa5: {  	s26 =	simm.s32 $execute0_lowered;
	[smem:$0x3FD2] =	sst s25  }
0xa6: {  	s4 =	sshll.u32 s26, $0x1;
	_ =	strace $0x80000058;
	[dreg:$0x1] =	wrdreg $0xFFFFFFFF  }
0xa7: {  	s28 =	simm.s32 $_size_execute0_lowered;
	s2 =	sadd.s32 s2, s4;
	[dreg:$0x0] =	wrdreg $0x0  }
0xa8: {  	s4 =	sshll.u32 s28, $0x1;
	[dreg:$0x2] =	wrdreg s2  }
0xa9: {  	[dreg:$0x3] =	wrdreg s4  }
0xaa: {  	[dreg:$0x4] =	wrdreg $0xC0  }
0xab: {  	_ =	task [dreg:s6], $0x5FFFF  }
0xac: {  	[dreg:$0x1] =	wrdreg $0xFFFFFFFF  }
0xad: {  	[dreg:$0x0] =	wrdreg $0x60  }
0xae: {  	[dreg:$0x2] =	wrdreg s24  }
0xaf: {  	[dreg:$0x3] =	wrdreg $0xA8000  }
0xb0: {  	[dreg:$0x4] =	wrdreg $0x9  }
0xb1: {  	_ =	task.clear_ibuf [dreg:s6], $0x5FFFF;
	_ =	strace $0x90000058  }
0xb2: {  	s29 =	simm.s32 $0x9;
	_ =	strace $0x8000005A  }
0xb3: {  	_ =	swait.ge [sflag:s29], $0x1  }
0xb4: {  	[sflag:s29] =	ssyncadd.s32 $0xFFFFFFFF  }
0xb5: {  	_ =	strace $0x9000005A  }
0xb6: {  	_ =	sfence  }
0xb7: {  	s30 =	sld [smem:$0x0];
	_ =	sdelay $0x2  }
0xb8: {  	s31 =	sshll.u32 s1, $0xD;
	s1 =	sshrl.u32 s1, $0x2  }
0xb9: {  	s3 =	sand.u32 $0x4000, s31;
	s1 =	sadd.s32 s1, s30  }
0xba: {  	s0 =	sor.u32 s3, s0;
	s1 =	sshll.u32 s1, $0x11  }
0xbb: {  	s0 =	sor.u32 s1, s0  }
0xbc: {  	s0 =	sadd.s32 $0x8F2B, s0  }
0xbd: {  	[sflag:s0] =	ssyncadd.remote.s32 $0x1  }
0xbe: {  	_ =	sfence.sel $0xFFFF  }
0xbf: {  	[dreg:$0x0] =	wrdreg $0xFFFFFFFF;
	(pc) =	sbr.abs _section_cstart, $3  }
0xc0: {  	[dreg:$0x1] =	wrdreg $0xFFFFFFFF  }
0xc1: {  	_ =	task.clear_ibuf [dreg:s6], $0x2FFFF;
	_ =	strace $0x9FFFFFFF  }
0xc2: {  	(tm) =	ssettm $0x7FFFFFFF  }
0xc3: {  	_ =	shalt  }
tec
execute0_lowered:
.L_overlay_start_1:
0x0: {  	(tag) =	ssettag $0x1  }
0x1: {  	s0 =	srdreg.scid;
	s5 =	rddreg [dreg:$0x0]  }
0x2: {  	s8 =	stileid.u32;
	s2 =	rddreg [dreg:$0x1]  }
0x3: {  	s3 =	simm.s32 $0x0;
	s14 =	simm.s32 $0x2800;
	s15 =	simm.s32 $0x6  }
0x4: {  	s17 =	simm.s32 $0x80;
	s18 =	simm.s32 $0x4800;
	s20 =	simm.s32 $0x6800  }
0x5: {  	s21 =	simm.s32 $0x180;
	s22 =	simm.s32 $0x8800;
	s23 =	simm.s32 $0x1  }
0x6: {  	s24 =	simm.s32 $0x5;
	s25 =	simm.s32 $0x2;
	s28 =	simm.s32 $0x4  }
0x7: {  	s29 =	simm.s32 $0x2600;
	s30 =	simm.s32 $0x2680;
	s31 =	simm.s32 $0x2700  }
0x8: {  	s0 =	sand.u32 $0x1, s0;
	s6 =	smul.u32 $0xA000, s8;
	[smem:$0x7FF] =	sst s3  }
0x9: {  	s4 =	sadd.s32 $0x89400, s5;
	s1 =	sshll.u32 s0, $0x4;
	s7 =	smul.u32 $0xA0000, s0  }
0xa: {  	s0 =	ssub.s32 $0x2, s0;
	s1 =	sor.u32 s8, s1;
	s8 =	smul.u32 $0x28000, s8  }
0xb: {  	s9 =	sshrl.u32 s0, $0x1;
	s1 =	smul.u32 $0x280, s1;
	s7 =	sadd.s32 s6, s7  }
0xc: {  	_ =	strace $0x80000059;
	s0 =	ssub.s32 s0, s9;
	s7 =	sshrl.u32 s7, $0x3  }
0xd: {  	s8 =	sshrl.u32 s8, $0x2;
	s13 =	smax.u32 s0, $0x1;
	s1 =	sadd.s32 s1, s5  }
0xe: {  	s12 =	sadd.s32 s7, s5;
	s26 =	sadd.s32 s8, s2;
	s5 =	sadd.s32 s6, s2  }
0xf: {  	s6 =	sadd.s32 $0x2000, s26;
	s7 =	sadd.s32 $0x4000, s26;
	s8 =	sadd.s32 $0x6000, s26  }
0x10: {  	s9 =	sadd.s32 $0x8000, s26;
	s10 =	sadd.s32 $0xC400, s1;
	s11 =	sadd.s32 $0x7400, s1  }
0x11: {  	v0 =	vimm.f32 $0.0e+00;
	s12 =	sadd.s32 $0x9D400, s12;
	s26 =	simm.s32 $0x3;
	s1 =	simm.s32 $0x2780  }
.LBB2_1:
0x12: {  	s16 =	simm.s32 $0x100;
	s0 =	simm.s32 $0x0  }
.LBB2_2:
0x13: {  	p0 =	sne.s32 s16, $0x7F00;
	[tilespmem:s0+$0x2830] =	vst v0;
	s19 =	smov.u32 s16;
	s16 =	sadd.s32 $0x100, s16  }
.Ltmp0:
0x14: {  	[tilespmem:s0+$0x2820] =	vst v0;
	(pc) =	sbr.rel @p0 .LBB2_2-.Ltmp0, $3  }
0x15: {  	[tilespmem:s0+$0x2800] =	vst v0  }
0x16: {  	[tilespmem:s0+$0x2810] =	vst v0;
	_ =	sdelay $0x1  }
0x17: {  	s0 =	sshra.s32 s19, $0x2  }
0x18: {  	[tilespmem:s0+$0x2830] =	vst v0  }
0x19: {  	[tilespmem:s0+$0x2820] =	vst v0  }
0x1a: {  	[tilespmem:s0+$0x2800] =	vst v0  }
0x1b: {  	[tilespmem:s0+$0x2810] =	vst v0  }
0x1c: {  	[spmem:s5] =	stream.linear.scatter [tilespmem:s14], [sflag:$0x6], $0x2000, $0x38;
	[tilespmem:$0x14800] =	vst v63  }
0x1d: {  	_ =	swait.ge [sflag:s15], $0x2000  }
0x1e: {  	[sflag:s15] =	ssyncset.done $0x0  }
0x1f: {  	[sflag:s15] =	ssyncadd.s32 $0xFFFFE000  }
0x20: {  	[spmem:s6] =	stream.linear.scatter [tilespmem:s14], [sflag:$0x6], $0x2000, $0x38;
	[tilespmem:$0x14800] =	vst v63  }
0x21: {  	_ =	swait.ge [sflag:s15], $0x2000  }
0x22: {  	[sflag:s15] =	ssyncset.done $0x0  }
0x23: {  	[sflag:s15] =	ssyncadd.s32 $0xFFFFE000  }
0x24: {  	[spmem:s7] =	stream.linear.scatter [tilespmem:s14], [sflag:$0x6], $0x2000, $0x38;
	[tilespmem:$0x14800] =	vst v63  }
0x25: {  	_ =	swait.ge [sflag:s15], $0x2000  }
0x26: {  	[sflag:s15] =	ssyncset.done $0x0  }
0x27: {  	[sflag:s15] =	ssyncadd.s32 $0xFFFFE000  }
0x28: {  	[spmem:s8] =	stream.linear.scatter [tilespmem:s14], [sflag:$0x6], $0x2000, $0x38;
	[tilespmem:$0x14800] =	vst v63  }
0x29: {  	_ =	swait.ge [sflag:s15], $0x2000  }
0x2a: {  	[sflag:s15] =	ssyncset.done $0x0  }
0x2b: {  	[sflag:s15] =	ssyncadd.s32 $0xFFFFE000  }
0x2c: {  	[spmem:s9] =	stream.linear.scatter [tilespmem:s14], [sflag:$0x6], $0x2000, $0x38;
	[tilespmem:$0x14800] =	vst v63  }
0x2d: {  	_ =	swait.ge [sflag:s15], $0x2000  }
0x2e: {  	[sflag:s15] =	ssyncset.done $0x0  }
0x2f: {  	s19 =	simm.s32 $0x0;
	[sflag:s15] =	ssyncadd.s32 $0xFFFFE000  }
0x30: {  	[tilespmem:s19], [sflag:$0x6] =	stream.linear.gather [hbm4b:s10+s19], $0x1400, $0x38;
	[tilespmem:$0x14800] =	vst v63  }
0x31: {  	_ =	swait.ge [sflag:s15], $0x1400  }
0x32: {  	[sflag:s15] =	ssyncset.done $0x0  }
0x33: {  	s16 =	simm.s32 $0x1400;
	[sflag:s15] =	ssyncadd.s32 $0xFFFFEC00  }
0x34: {  	[tilespmem:s16], [sflag:$0x6] =	stream.linear.gather [hbm4b:s11+s19], $0x1400, $0x38;
	[tilespmem:$0x14800] =	vst v63  }
0x35: {  	_ =	swait.ge [sflag:s15], $0x1400  }
0x36: {  	[sflag:s15] =	ssyncset.done $0x0  }
0x37: {  	[sflag:s15] =	ssyncadd.s32 $0xFFFFEC00  }
0x38: {  	[bflag:$0x0] =	sbarrier.arrive $0xFFFF  }
0x39: {  	[tilespmem:s14], [sflag:$0x1] =	stream.indirect.gather [hbm4b:s4+s17], $0x40, s19, s17, $0xb8;
	[tilespmem:$0x14800] =	vst v63  }
0x3a: {  	_ = 	snop  }
0x3b: {  	[tilespmem:s18], [sflag:$0x2] =	stream.indirect.gather [hbm4b:s4+s17], $0x40, s17, s17, $0xb8;
	[tilespmem:$0x14800] =	vst v63  }
0x3c: {  	s16 =	simm.s32 $0x100  }
0x3d: {  	[tilespmem:s20], [sflag:$0x3] =	stream.indirect.gather [hbm4b:s4+s17], $0x40, s16, s17, $0xb8;
	[tilespmem:$0x14800] =	vst v63  }
0x3e: {  	_ = 	snop  }
0x3f: {  	[tilespmem:s22], [sflag:$0x4] =	stream.indirect.gather [hbm4b:s4+s17], $0x40, s21, s17, $0xb8;
	[tilespmem:$0x14800] =	vst v63  }
0x40: {  	_ =	swait.ge [sflag:s23], $0x2000  }
0x41: {  	[sflag:s23] =	ssyncset.done $0x0  }
0x42: {  	s19 =	simm.s32 $0x1400;
	[sflag:s23] =	ssyncadd.s32 $0xFFFFE000  }
0x43: {  	[spmem:s2] =	stream.indirect.scatter.add.f32 [tilespmem:s14], [sflag:$0x5], $0x40, s19, s17, $0xb8;
	[tilespmem:$0x14800] =	vst v63  }
0x44: {  	_ =	swait.ge [sflag:s24], $0x2000  }
0x45: {  	[sflag:s24] =	ssyncset.done $0x0  }
0x46: {  	s16 =	simm.s32 $0x200;
	[sflag:s24] =	ssyncadd.s32 $0xFFFFE000  }
0x47: {  	[tilespmem:s14], [sflag:$0x1] =	stream.indirect.gather [hbm4b:s4+s17], $0x40, s16, s17, $0xb8;
	[tilespmem:$0x14800] =	vst v63  }
0x48: {  	_ =	swait.ge [sflag:s25], $0x2000  }
0x49: {  	[sflag:s25] =	ssyncset.done $0x0  }
0x4a: {  	s19 =	simm.s32 $0x1480;
	[sflag:s25] =	ssyncadd.s32 $0xFFFFE000  }
0x4b: {  	[spmem:s2] =	stream.indirect.scatter.add.f32 [tilespmem:s18], [sflag:$0x5], $0x40, s19, s17, $0xb8;
	[tilespmem:$0x14800] =	vst v63  }
0x4c: {  	_ =	swait.ge [sflag:s24], $0x2000  }
0x4d: {  	[sflag:s24] =	ssyncset.done $0x0  }
0x4e: {  	s16 =	simm.s32 $0x280;
	[sflag:s24] =	ssyncadd.s32 $0xFFFFE000  }
0x4f: {  	[tilespmem:s18], [sflag:$0x2] =	stream.indirect.gather [hbm4b:s4+s17], $0x40, s16, s17, $0xb8;
	[tilespmem:$0x14800] =	vst v63  }
0x50: {  	_ =	swait.ge [sflag:s26], $0x2000  }
0x51: {  	[sflag:s26] =	ssyncset.done $0x0  }
0x52: {  	s19 =	simm.s32 $0x1500;
	[sflag:s26] =	ssyncadd.s32 $0xFFFFE000  }
0x53: {  	[spmem:s2] =	stream.indirect.scatter.add.f32 [tilespmem:s20], [sflag:$0x5], $0x40, s19, s17, $0xb8;
	[tilespmem:$0x14800] =	vst v63  }
0x54: {  	_ =	swait.ge [sflag:s24], $0x2000  }
0x55: {  	[sflag:s24] =	ssyncset.done $0x0  }
0x56: {  	s16 =	simm.s32 $0x300;
	[sflag:s24] =	ssyncadd.s32 $0xFFFFE000  }
0x57: {  	[tilespmem:s20], [sflag:$0x3] =	stream.indirect.gather [hbm4b:s4+s17], $0x40, s16, s17, $0xb8;
	[tilespmem:$0x14800] =	vst v63  }
0x58: {  	_ =	swait.ge [sflag:s28], $0x2000  }
0x59: {  	[sflag:s28] =	ssyncset.done $0x0  }
0x5a: {  	s19 =	simm.s32 $0x1580;
	[sflag:s28] =	ssyncadd.s32 $0xFFFFE000  }
0x5b: {  	[spmem:s2] =	stream.indirect.scatter.add.f32 [tilespmem:s22], [sflag:$0x5], $0x40, s19, s17, $0xb8;
	[tilespmem:$0x14800] =	vst v63  }
0x5c: {  	_ =	swait.ge [sflag:s24], $0x2000  }
0x5d: {  	[sflag:s24] =	ssyncset.done $0x0  }
0x5e: {  	s0 =	simm.s32 $0x800;
	s16 =	simm.s32 $0x380;
	[sflag:s24] =	ssyncadd.s32 $0xFFFFE000  }
.LBB2_4:
0x5f: {  	[tilespmem:s22], [sflag:$0x4] =	stream.indirect.gather [hbm4b:s4+s17], $0x40, s16, s17, $0xb8;
	[tilespmem:$0x14800] =	vst v63  }
0x60: {  	s16 =	smov.u32 s0  }
0x61: {  	p0 =	sne.s32 s0, $0x4000;
	s0 =	sadd.s32 $0x800, s0;
	_ =	swait.ge [sflag:s23], $0x2000  }
0x62: {  	s16 =	sshra.s32 s16, $0x2;
	[sflag:s23] =	ssyncset.done $0x0  }
0x63: {  	s19 =	sadd.s32 $0x1400, s16;
	[sflag:s23] =	ssyncadd.s32 $0xFFFFE000  }
0x64: {  	[spmem:s2] =	stream.indirect.scatter.add.f32 [tilespmem:s14], [sflag:$0x5], $0x40, s19, s17, $0xb8;
	[tilespmem:$0x14800] =	vst v63  }
0x65: {  	_ =	swait.ge [sflag:s24], $0x2000  }
0x66: {  	[sflag:s24] =	ssyncset.done $0x0  }
0x67: {  	s19 =	sadd.s32 $0x200, s16;
	[sflag:s24] =	ssyncadd.s32 $0xFFFFE000  }
0x68: {  	[tilespmem:s14], [sflag:$0x1] =	stream.indirect.gather [hbm4b:s4+s17], $0x40, s19, s17, $0xb8;
	[tilespmem:$0x14800] =	vst v63  }
0x69: {  	_ =	swait.ge [sflag:s25], $0x2000  }
0x6a: {  	[sflag:s25] =	ssyncset.done $0x0  }
0x6b: {  	s19 =	sadd.s32 $0x1480, s16;
	[sflag:s25] =	ssyncadd.s32 $0xFFFFE000  }
0x6c: {  	[spmem:s2] =	stream.indirect.scatter.add.f32 [tilespmem:s18], [sflag:$0x5], $0x40, s19, s17, $0xb8;
	[tilespmem:$0x14800] =	vst v63  }
0x6d: {  	_ =	swait.ge [sflag:s24], $0x2000  }
0x6e: {  	[sflag:s24] =	ssyncset.done $0x0  }
0x6f: {  	s19 =	sadd.s32 $0x280, s16;
	[sflag:s24] =	ssyncadd.s32 $0xFFFFE000  }
0x70: {  	[tilespmem:s18], [sflag:$0x2] =	stream.indirect.gather [hbm4b:s4+s17], $0x40, s19, s17, $0xb8;
	[tilespmem:$0x14800] =	vst v63  }
0x71: {  	_ =	swait.ge [sflag:s26], $0x2000  }
0x72: {  	[sflag:s26] =	ssyncset.done $0x0  }
0x73: {  	s19 =	sadd.s32 $0x1500, s16;
	[sflag:s26] =	ssyncadd.s32 $0xFFFFE000  }
0x74: {  	[spmem:s2] =	stream.indirect.scatter.add.f32 [tilespmem:s20], [sflag:$0x5], $0x40, s19, s17, $0xb8;
	[tilespmem:$0x14800] =	vst v63  }
0x75: {  	_ =	swait.ge [sflag:s24], $0x2000  }
0x76: {  	[sflag:s24] =	ssyncset.done $0x0  }
0x77: {  	s19 =	sadd.s32 $0x300, s16;
	[sflag:s24] =	ssyncadd.s32 $0xFFFFE000  }
0x78: {  	[tilespmem:s20], [sflag:$0x3] =	stream.indirect.gather [hbm4b:s4+s17], $0x40, s19, s17, $0xb8;
	[tilespmem:$0x14800] =	vst v63  }
0x79: {  	_ =	swait.ge [sflag:s28], $0x2000  }
0x7a: {  	[sflag:s28] =	ssyncset.done $0x0  }
.Ltmp1:
0x7b: {  	s19 =	sadd.s32 $0x1580, s16;
	[sflag:s28] =	ssyncadd.s32 $0xFFFFE000;
	(pc) =	sbr.rel @p0 .LBB2_4-.Ltmp1, $4  }
0x7c: {  	[spmem:s2] =	stream.indirect.scatter.add.f32 [tilespmem:s22], [sflag:$0x5], $0x40, s19, s17, $0xb8;
	[tilespmem:$0x14800] =	vst v63  }
0x7d: {  	_ =	swait.ge [sflag:s24], $0x2000  }
0x7e: {  	[sflag:s24] =	ssyncset.done $0x0  }
0x7f: {  	s16 =	sadd.s32 $0x380, s16;
	[sflag:s24] =	ssyncadd.s32 $0xFFFFE000  }
0x80: {  	[tilespmem:s22], [sflag:$0x4] =	stream.indirect.gather [hbm4b:s4+s17], $0x40, s16, s17, $0xb8;
	[tilespmem:$0x14800] =	vst v63  }
0x81: {  	_ =	swait.ge [sflag:s23], $0x2000  }
0x82: {  	[sflag:s23] =	ssyncset.done $0x0  }
0x83: {  	[sflag:s23] =	ssyncadd.s32 $0xFFFFE000  }
0x84: {  	[spmem:s2] =	stream.indirect.scatter.add.f32 [tilespmem:s14], [sflag:$0x5], $0x40, s29, s17, $0xb8;
	[tilespmem:$0x14800] =	vst v63  }
0x85: {  	_ =	swait.ge [sflag:s24], $0x2000  }
0x86: {  	[sflag:s24] =	ssyncset.done $0x0  }
0x87: {  	[sflag:s24] =	ssyncadd.s32 $0xFFFFE000  }
0x88: {  	_ =	swait.ge [sflag:s25], $0x2000  }
0x89: {  	[sflag:s25] =	ssyncset.done $0x0  }
0x8a: {  	[sflag:s25] =	ssyncadd.s32 $0xFFFFE000  }
0x8b: {  	[spmem:s2] =	stream.indirect.scatter.add.f32 [tilespmem:s18], [sflag:$0x5], $0x40, s30, s17, $0xb8;
	[tilespmem:$0x14800] =	vst v63  }
0x8c: {  	_ =	swait.ge [sflag:s24], $0x2000  }
0x8d: {  	[sflag:s24] =	ssyncset.done $0x0  }
0x8e: {  	[sflag:s24] =	ssyncadd.s32 $0xFFFFE000  }
0x8f: {  	_ =	swait.ge [sflag:s26], $0x2000  }
0x90: {  	[sflag:s26] =	ssyncset.done $0x0  }
0x91: {  	[sflag:s26] =	ssyncadd.s32 $0xFFFFE000  }
0x92: {  	[spmem:s2] =	stream.indirect.scatter.add.f32 [tilespmem:s20], [sflag:$0x5], $0x40, s31, s17, $0xb8;
	[tilespmem:$0x14800] =	vst v63  }
0x93: {  	_ =	swait.ge [sflag:s24], $0x2000  }
0x94: {  	[sflag:s24] =	ssyncset.done $0x0  }
0x95: {  	[sflag:s24] =	ssyncadd.s32 $0xFFFFE000  }
0x96: {  	_ =	swait.ge [sflag:s28], $0x2000  }
0x97: {  	[sflag:s28] =	ssyncset.done $0x0  }
0x98: {  	[sflag:s28] =	ssyncadd.s32 $0xFFFFE000  }
0x99: {  	[spmem:s2] =	stream.indirect.scatter.add.f32 [tilespmem:s22], [sflag:$0x5], $0x40, s1, s17, $0xb8;
	[tilespmem:$0x14800] =	vst v63  }
0x9a: {  	s0 =	stileid.u32;
	_ =	swait.ge [sflag:s24], $0x2000  }
0x9b: {  	s19 =	sshrl.u32 s5, $0x3;
	s3 =	sadd.s32 $0x1, s3;
	[sflag:s24] =	ssyncset.done $0x0  }
0x9c: {  	s0 =	sshll.u32 s0, $0x6;
	p0 =	sne.s32 s3, s13;
	[sflag:s24] =	ssyncadd.s32 $0xFFFFE000  }
.Ltmp2:
0x9d: {  	s0 =	sor.u32 $0x1C06, s0;
	[bflag:$0x0] =	sbarrier.arrive $0xFFFF;
	(pc) =	sbr.rel @p0 .LBB2_1-.Ltmp2, $4  }
0x9e: {  	[hbm:s12], [sflag:s0] =	dma.local [spmem:s19], $0x1400  }
0x9f: {  	_ =	swait.ge [sflag:s15], $0x1400  }
0xa0: {  	[sflag:s15] =	ssyncset.done $0x0  }
0xa1: {  	[sflag:s15] =	ssyncadd.s32 $0xFFFFEC00  }
0xa2: {  	_ =	sfence.sel $0x180000  }
0xa3: {  	[bflag:$0x0] =	sbarrier.arrive $0xFFFF  }
0xa4: {  	_ =	strace $0x90000059  }
0xa5: {  	s0 =	stileid.u32;
	[bflag:$0x2] =	sbarrier.arrive $0xFFFF  }
0xa6: {  	p0 =	sne.s32 s0, $0x0;
	s0 =	rddreg [dreg:$0x2]  }
0xa7: {  	s0 =	sadd.s32 @!p0 $0x100000, s0  }
0xa8: {  	[sflag:s0] =	ssyncadd.tile.s32 @!p0 $0x1;
	_ =	shalt  }
.Lfunc_end2:
_tile_overlayer_lowered:
.L_overlay_start_2:
0xa9: {  	(tag) =	ssettag $0x2  }
0xaa: {  	s0 =	rddreg [dreg:$0x0];
	s2 =	stileid.u32  }
0xab: {  	s1 =	rddreg [dreg:$0x1];
	p0 =	sne.s32 s2, $0x0  }
0xac: {  	s3 =	rddreg [dreg:$0x2];
	[bflag:$0x3] =	sbarrier.arrive $0xFFFF;
	s2 =	simm.s32 @!p0 $0x1C06  }
0xad: {  	[timem:s3], [sflag:s2] =	dma.local @!p0 [hbm:s0], s1  }
0xae: {  	s0 =	simm.s32 @!p0 $0x6  }
0xaf: {  	_ =	swait.ge @!p0 [sflag:s0], s1  }
0xb0: {  	s1 =	ssub.s32 @!p0 $0x0, s1;
	[sflag:s0] =	ssyncset.done @!p0 $0x0  }
0xb1: {  	[sflag:s0] =	ssyncadd.s32 @!p0 s1  }
0xb2: {  	[bflag:$0x3] =	sbarrier.arrive $0xFFFF  }
0xb3: {  	_ =	shalt  }

</sc_bundles>
